<compile_context>
chip_gen: v7x
topology: tpu7x:2x2x1
jax: 0.10.2.dev20260603
libtpu: 0.0.44.dev20260713+nightly
codegen_flags: <defaults>
</compile_context>

<pallas_src>
import functools

import jax
import jax.numpy as jnp
from jax import lax
from jax.experimental import pallas as pl
from jax.experimental.pallas import tpu as pltpu
from jax.experimental.pallas import tpu_sc as plsc

_N = 10000
_E = 320000
_H = 128
_C = 40

_CH = 80
_NW = 32
_SB = 25
_NSB = 5
_NP = 10240



def _sc_agg_body(with_cnt, h, srcm, dstm, zbig, zsmall,
                 *refs):
    if with_cnt:
        (agg_out, cnt_out,
         idx_s, idx_d, rows0, rows1, rows2, ones, agg_sh, cnt_sh,
         g0, g1, g2, s0, s1, s2) = refs
    else:
        (agg_out, idx_s, idx_d, rows0, rows1, rows2, agg_sh,
         g0, g1, g2, s0, s1, s2) = refs
    cid = lax.axis_index("c")
    sid = lax.axis_index("s")
    wid = cid * 16 + sid

    pltpu.sync_copy(zbig.at[pl.ds(sid * 640, 640)],
                    agg_sh.at[pl.ds(sid * 640, 640)])

    if with_cnt:
        pltpu.sync_copy(zsmall.at[pl.ds(sid * 640, 640)],
                        cnt_sh.at[pl.ds(sid * 640, 640)])
        for i in range(_CH // 16):
            ones[pl.ds(i * 16, 16)] = jnp.ones((16,), jnp.float32)

    plsc.subcore_barrier()

    def gather(c, rows, sem):
        pltpu.async_copy(h.at[idx_s.at[c]], rows, sem)

    def gwait(rows, sem):
        pltpu.make_async_copy(h.at[idx_s.at[0]], rows, sem).wait()

    def sc_issue(c, rows, sem):
        pltpu.async_copy(rows, agg_sh.at[idx_d.at[c]], sem, add=True)
        if with_cnt:
            pltpu.async_copy(ones, cnt_sh.at[idx_d.at[c]], sem, add=True)

    def swait(rows, sem):
        pltpu.make_async_copy(rows, agg_sh.at[idx_d.at[0]], sem).wait()
        if with_cnt:
            pltpu.make_async_copy(ones, cnt_sh.at[idx_d.at[0]], sem).wait()

    def superblock(sb, _):
        pltpu.sync_copy(srcm.at[wid].at[sb], idx_s)
        pltpu.sync_copy(dstm.at[wid].at[sb], idx_d)

        gather(0, rows0, g0)
        gather(1, rows1, g1)
        gwait(rows0, g0); sc_issue(0, rows0, s0); gather(2, rows2, g2)
        gwait(rows1, g1); sc_issue(1, rows1, s1)
        swait(rows0, s0); gather(3, rows0, g0)
        gwait(rows2, g2); sc_issue(2, rows2, s2)
        swait(rows1, s1); gather(4, rows1, g1)

        def triple(i, __):
            c = 3 * i
            gwait(rows0, g0); sc_issue(c, rows0, s0)
            swait(rows2, s2); gather(c + 2, rows2, g2)
            gwait(rows1, g1); sc_issue(c + 1, rows1, s1)
            swait(rows0, s0); gather(c + 3, rows0, g0)
            gwait(rows2, g2); sc_issue(c + 2, rows2, s2)
            swait(rows1, s1); gather(c + 4, rows1, g1)
            return ()

        lax.fori_loop(1, 7, triple, ())

        gwait(rows0, g0); sc_issue(21, rows0, s0)
        swait(rows2, s2); gather(23, rows2, g2)
        gwait(rows1, g1); sc_issue(22, rows1, s1)
        swait(rows0, s0); gather(24, rows0, g0)
        gwait(rows2, g2); sc_issue(23, rows2, s2)
        swait(rows1, s1)
        gwait(rows0, g0); sc_issue(24, rows0, s0)
        swait(rows2, s2)
        swait(rows0, s0)
        return ()

    lax.fori_loop(0, _NSB, superblock, ())

    plsc.subcore_barrier()

    pltpu.sync_copy(agg_sh.at[pl.ds(sid * 640, 640)],
                    agg_out.at[cid].at[pl.ds(sid * 640, 640)])

    if with_cnt:
        pltpu.sync_copy(cnt_sh.at[pl.ds(sid * 640, 640)],
                        cnt_out.at[cid].at[pl.ds(sid * 640, 640)])


def _make_sc_aggregate(with_cnt):
    out_type = [jax.ShapeDtypeStruct((2, _NP, _H), jnp.float32)]
    scratch = [
        pltpu.VMEM((_SB, _CH), jnp.int32),
        pltpu.VMEM((_SB, _CH), jnp.int32),
        pltpu.VMEM((_CH, _H), jnp.float32),
        pltpu.VMEM((_CH, _H), jnp.float32),
        pltpu.VMEM((_CH, _H), jnp.float32),
    ]
    if with_cnt:
        out_type.append(jax.ShapeDtypeStruct((2, _NP), jnp.float32))
        scratch.append(pltpu.VMEM((_CH,), jnp.float32))
    scratch.append(pltpu.VMEM_SHARED((_NP, _H), jnp.float32))
    if with_cnt:
        scratch.append(pltpu.VMEM_SHARED((_NP,), jnp.float32))
    scratch += [pltpu.SemaphoreType.DMA] * 6
    return pl.kernel(
        functools.partial(_sc_agg_body, with_cnt),
        out_type=out_type,
        mesh=plsc.VectorSubcoreMesh(core_axis_name="c", subcore_axis_name="s"),
        scratch_types=scratch,
    )


_sc_aggregate_cnt = _make_sc_aggregate(True)
_sc_aggregate = _make_sc_aggregate(False)



_BN = 1000


def _embed_body(x_ref, w_ref, b_ref, o_ref):
    o_ref[...] = (jnp.dot(x_ref[...], w_ref[...],
                          preferred_element_type=jnp.float32) + b_ref[...])


def _embed(x, w, b):
    return pl.pallas_call(
        _embed_body,
        grid=(_N // _BN,),
        in_specs=[
            pl.BlockSpec((_BN, _H), lambda i: (i, 0)),
            pl.BlockSpec((_H, _H), lambda i: (0, 0)),
            pl.BlockSpec((1, _H), lambda i: (0, 0)),
        ],
        out_specs=pl.BlockSpec((_BN, _H), lambda i: (i, 0)),
        out_shape=jax.ShapeDtypeStruct((_N, _H), jnp.float32),
    )(x, w, b)


def _layer_body(p_ref, c_ref, h_ref, w_ref, b_ref, o_ref):
    deg = jnp.maximum(c_ref[0] + c_ref[1], 1.0)
    a = (p_ref[0] + p_ref[1]) / deg
    y = jnp.dot(a, w_ref[...], preferred_element_type=jnp.float32) + b_ref[...]
    o_ref[...] = jnp.maximum(y, 0.0) + h_ref[...]


def _layer(p, c, h, w, b):
    return pl.pallas_call(
        _layer_body,
        grid=(_N // _BN,),
        in_specs=[
            pl.BlockSpec((2, _BN, _H), lambda i: (0, i, 0)),
            pl.BlockSpec((2, _BN, 1), lambda i: (0, i, 0)),
            pl.BlockSpec((_BN, _H), lambda i: (i, 0)),
            pl.BlockSpec((_H, _H), lambda i: (0, 0)),
            pl.BlockSpec((1, _H), lambda i: (0, 0)),
        ],
        out_specs=pl.BlockSpec((_BN, _H), lambda i: (i, 0)),
        out_shape=jax.ShapeDtypeStruct((_N, _H), jnp.float32),
    )(p, c, h, w, b)


def _last_body(p_ref, c_ref, h_ref, w_ref, b_ref,
               wo_ref, bo_ref, o_ref):
    deg = jnp.maximum(c_ref[0] + c_ref[1], 1.0)
    a = (p_ref[0] + p_ref[1]) / deg
    t = jnp.dot(a, w_ref[...], preferred_element_type=jnp.float32) + b_ref[...]
    hh = jnp.maximum(t, 0.0) + h_ref[...]
    y = (jnp.dot(hh, wo_ref[...], preferred_element_type=jnp.float32)
         + bo_ref[...])
    m = jnp.max(y, axis=-1, keepdims=True)
    lse = jnp.log(jnp.sum(jnp.exp(y - m), axis=-1, keepdims=True)) + m
    o_ref[...] = y - lse


def _last(p, c, h, w, b, wo, bo):
    return pl.pallas_call(
        _last_body,
        grid=(_N // _BN,),
        in_specs=[
            pl.BlockSpec((2, _BN, _H), lambda i: (0, i, 0)),
            pl.BlockSpec((2, _BN, 1), lambda i: (0, i, 0)),
            pl.BlockSpec((_BN, _H), lambda i: (i, 0)),
            pl.BlockSpec((_H, _H), lambda i: (0, 0)),
            pl.BlockSpec((1, _H), lambda i: (0, 0)),
            pl.BlockSpec((_H, _C), lambda i: (0, 0)),
            pl.BlockSpec((1, _C), lambda i: (0, 0)),
        ],
        out_specs=pl.BlockSpec((_BN, _C), lambda i: (i, 0)),
        out_shape=jax.ShapeDtypeStruct((_N, _C), jnp.float32),
    )(p, c, h, w, b, wo, bo)



@jax.jit
def kernel(x, edge_index, W_embed, b_embed, conv_W, conv_b,
           bn_gamma, bn_beta, bn_mean, bn_var, W_out, b_out):
    srcm = edge_index[0].reshape(_NW, _NSB, _SB, _CH)
    dstm = edge_index[1].reshape(_NW, _NSB, _SB, _CH)
    zbig = jnp.zeros((_NP, _H), jnp.float32)
    zsmall = jnp.zeros((_NP,), jnp.float32)

    s = bn_gamma / jnp.sqrt(bn_var + 1e-5)
    w_fold = conv_W * s[:, None, :]
    b_fold = conv_b * s + bn_beta - bn_mean * s

    h = _embed(x, W_embed, b_embed.reshape(1, _H))

    cnt3 = None
    for i in range(3):
        if i == 0:
            agg, cnt = _sc_aggregate_cnt(h, srcm, dstm, zbig, zsmall)
            cnt3 = cnt.reshape(2, _NP, 1)
        else:
            (agg,) = _sc_aggregate(h, srcm, dstm, zbig, zsmall)
        if i < 2:
            h = _layer(agg, cnt3, h, w_fold[i], b_fold[i].reshape(1, _H))
        else:
            return _last(agg, cnt3, h, w_fold[i], b_fold[i].reshape(1, _H),
                         W_out, b_out.reshape(1, _C))

# --- scband reference (transcript-rebuilt; emitter-appended) ---
"""Pipeline reference for scband-arxiv-net-4398046511499 (READ-ONLY COPY).

The authoritative reference and input builder live on the scoring server;
editing this copy changes nothing except your own understanding.
"""

import jax, jax.numpy as jnp
import numpy as np

N = 10000
E = 320000
F = 128
H = 128
C = 40
L = 3

def setup_inputs(seed: int = 0) -> dict:
    key = jax.random.key(seed)
    ks = jax.random.split(key, 12)
    x = jax.random.normal(ks[0], (N, F), dtype=jnp.float32)
    edge_index = jax.random.randint(ks[1], (2, E), 0, N, dtype=jnp.int32)
    W_embed = jax.random.normal(ks[2], (F, H), dtype=jnp.float32) * 0.05
    b_embed = jnp.zeros((H,), dtype=jnp.float32)
    conv_W = jax.random.normal(ks[3], (L, H, H), dtype=jnp.float32) * 0.05
    conv_b = jnp.zeros((L, H), dtype=jnp.float32)
    bn_gamma = jnp.ones((L, H), dtype=jnp.float32)
    bn_beta = jnp.zeros((L, H), dtype=jnp.float32)
    bn_mean = jnp.zeros((L, H), dtype=jnp.float32)
    bn_var = jnp.ones((L, H), dtype=jnp.float32)
    W_out = jax.random.normal(ks[4], (H, C), dtype=jnp.float32) * 0.05
    b_out = jnp.zeros((C,), dtype=jnp.float32)
    return {"x": x, "edge_index": edge_index, "W_embed": W_embed, "b_embed": b_embed,
            "conv_W": conv_W, "conv_b": conv_b, "bn_gamma": bn_gamma, "bn_beta": bn_beta,
            "bn_mean": bn_mean, "bn_var": bn_var, "W_out": W_out, "b_out": b_out}

def reference(x, edge_index, W_embed, b_embed, conv_W, conv_b, bn_gamma, bn_beta, bn_mean, bn_var, W_out, b_out):
    # embed mlp (single linear layer per mlp([NUM_FEATURES, hidden_dim]))
    h = x @ W_embed + b_embed
    src = edge_index[0]
    dst = edge_index[1]
    deg = jax.ops.segment_sum(jnp.ones((E,), dtype=jnp.float32), dst, num_segments=N)
    deg = jnp.clip(deg, 1.0)
    for i in range(L):
        identity = h
        msgs = jnp.take(h, src, axis=0)                       # gather over edges
        agg = jax.ops.segment_sum(msgs, dst, num_segments=N)  # scatter-add to dst nodes
        agg = agg / deg[:, None]                              # mean aggregation (GCN-style conv)
        h2 = agg @ conv_W[i] + conv_b[i]
        # BatchNorm1d in eval mode with running stats
        h2 = (h2 - bn_mean[i]) / jnp.sqrt(bn_var[i] + 1e-5) * bn_gamma[i] + bn_beta[i]
        h2 = jnp.maximum(h2, 0.0)
        # dropout is identity in eval mode
        h = h2 + identity  # residual=True
    logits = h @ W_out + b_out
    return jax.nn.log_softmax(logits, axis=-1)

if __name__ == "__main__":
    import jax
    _d = setup_inputs()
    print(jax.jit(kernel)(*tuple(_d.values())))

</pallas_src>

<mosaic_0001>
#map = affine_map<(d0, d1) -> (0, 0)>
#map1 = affine_map<(d0, d1) -> (0, 0, 0, 0)>
#map2 = affine_map<(d0, d1) -> (0)>
#map3 = affine_map<(d0, d1) -> (0, 0, 0)>
module attributes {stable_mosaic.version = 14 : i64} {
  func.func @_sc_agg_body(%arg0: i32, %arg1: i32, %arg2: memref<10000x128xf32, #tpu.memory_space<hbm>>, %arg3: memref<32x5x25x80xi32, #tpu.memory_space<hbm>>, %arg4: memref<32x5x25x80xi32, #tpu.memory_space<hbm>>, %arg5: memref<10240x128xf32, #tpu.memory_space<hbm>>, %arg6: memref<10240xf32, #tpu.memory_space<hbm>>, %arg7: memref<2x10240x128xf32, #tpu.memory_space<hbm>>, %arg8: memref<2x10240xf32, #tpu.memory_space<hbm>>, %arg9: memref<25x80xi32, #tpu.memory_space<vmem>>, %arg10: memref<25x80xi32, #tpu.memory_space<vmem>>, %arg11: memref<80x128xf32, #tpu.memory_space<vmem>>, %arg12: memref<80x128xf32, #tpu.memory_space<vmem>>, %arg13: memref<80x128xf32, #tpu.memory_space<vmem>>, %arg14: memref<80xf32, #tpu.memory_space<vmem>>, %arg15: memref<10240x128xf32, #tpu.memory_space<vmem_shared>>, %arg16: memref<10240xf32, #tpu.memory_space<vmem_shared>>, %arg17: memref<!tpu.dma_semaphore, #tpu.memory_space<semaphore_mem>>, %arg18: memref<!tpu.dma_semaphore, #tpu.memory_space<semaphore_mem>>, %arg19: memref<!tpu.dma_semaphore, #tpu.memory_space<semaphore_mem>>, %arg20: memref<!tpu.dma_semaphore, #tpu.memory_space<semaphore_mem>>, %arg21: memref<!tpu.dma_semaphore, #tpu.memory_space<semaphore_mem>>, %arg22: memref<!tpu.dma_semaphore, #tpu.memory_space<semaphore_mem>>) attributes {dimension_semantics = [#tpu.dimension_semantics<core_parallel>, #tpu.dimension_semantics<subcore_parallel>], iteration_bounds = array<i64: 2, 16>, scalar_prefetch = 0 : i64, scratch_operands = 14 : i64, tpu.core_type = #tpu.core_type<sc_vector_subcore>, window_params = [{transform_indices = #map}, {transform_indices = #map1}, {transform_indices = #map1}, {transform_indices = #map}, {transform_indices = #map2}, {transform_indices = #map3}, {transform_indices = #map}]} {
    %mul3A = arith.constant 16 : i32
    %mul3A_0 = arith.muli %arg0, %mul3A : i32
    %add3A = arith.addi %mul3A_0, %arg1 : i32
    %mul3A_1 = arith.constant 640 : i32
    %mul3A_2 = arith.muli %arg1, %mul3A_1 : i32
    %mul3A_3 = arith.constant 640 : i32
    %mul3A_4 = arith.muli %arg1, %mul3A_3 : i32
    "tpu.region"() ({
      %run_scoped3A = tpu.sem_alloc : memref<!tpu.dma_semaphore, #tpu.memory_space<semaphore_mem>>
      %dma_start3A = arith.constant 0 : i32
      %dma_start3A_50 = tpu.memref_slice %arg15[%mul3A_4, %dma_start3A] : memref<10240x128xf32, #tpu.memory_space<vmem_shared>> -> memref<640x128xf32, #tpu.memory_space<vmem_shared>>
      %dma_start3A_51 = arith.constant 0 : i32
      %dma_start3A_52 = tpu.memref_slice %arg5[%mul3A_2, %dma_start3A_51] : memref<10240x128xf32, #tpu.memory_space<hbm>> -> memref<640x128xf32, #tpu.memory_space<hbm>>
      tpu.enqueue_dma source(%dma_start3A_52 : memref<640x128xf32, #tpu.memory_space<hbm>>) target(%dma_start3A_50 : memref<640x128xf32, #tpu.memory_space<vmem_shared>>) target_semaphore(%run_scoped3A : memref<!tpu.dma_semaphore, #tpu.memory_space<semaphore_mem>>)
      %dma_wait3A = arith.constant 0 : i32
      %dma_wait3A_53 = tpu.memref_slice %arg15[%mul3A_4, %dma_wait3A] : memref<10240x128xf32, #tpu.memory_space<vmem_shared>> -> memref<640x128xf32, #tpu.memory_space<vmem_shared>>
      %dma_wait3A_54 = arith.constant 0 : i32
      %dma_wait3A_55 = tpu.memref_slice %arg5[%mul3A_2, %dma_wait3A_54] : memref<10240x128xf32, #tpu.memory_space<hbm>> -> memref<640x128xf32, #tpu.memory_space<hbm>>
      tpu.wait_dma2 semaphore(%run_scoped3A : memref<!tpu.dma_semaphore, #tpu.memory_space<semaphore_mem>>) src(%dma_wait3A_55 : memref<640x128xf32, #tpu.memory_space<hbm>>) dst(%dma_wait3A_53 : memref<640x128xf32, #tpu.memory_space<vmem_shared>>)
      tpu.yield
    }) : () -> ()
    %mul3A_5 = arith.constant 640 : i32
    %mul3A_6 = arith.muli %arg1, %mul3A_5 : i32
    %mul3A_7 = arith.constant 640 : i32
    %mul3A_8 = arith.muli %arg1, %mul3A_7 : i32
    "tpu.region"() ({
      %run_scoped3A = tpu.sem_alloc : memref<!tpu.dma_semaphore, #tpu.memory_space<semaphore_mem>>
      %dma_start3A = tpu.memref_slice %arg16[%mul3A_8] : memref<10240xf32, #tpu.memory_space<vmem_shared>> -> memref<640xf32, #tpu.memory_space<vmem_shared>>
      %dma_start3A_50 = tpu.memref_slice %arg6[%mul3A_6] : memref<10240xf32, #tpu.memory_space<hbm>> -> memref<640xf32, #tpu.memory_space<hbm>>
      tpu.enqueue_dma source(%dma_start3A_50 : memref<640xf32, #tpu.memory_space<hbm>>) target(%dma_start3A : memref<640xf32, #tpu.memory_space<vmem_shared>>) target_semaphore(%run_scoped3A : memref<!tpu.dma_semaphore, #tpu.memory_space<semaphore_mem>>)
      %dma_wait3A = tpu.memref_slice %arg16[%mul3A_8] : memref<10240xf32, #tpu.memory_space<vmem_shared>> -> memref<640xf32, #tpu.memory_space<vmem_shared>>
      %dma_wait3A_51 = tpu.memref_slice %arg6[%mul3A_6] : memref<10240xf32, #tpu.memory_space<hbm>> -> memref<640xf32, #tpu.memory_space<hbm>>
      tpu.wait_dma2 semaphore(%run_scoped3A : memref<!tpu.dma_semaphore, #tpu.memory_space<semaphore_mem>>) src(%dma_wait3A_51 : memref<640xf32, #tpu.memory_space<hbm>>) dst(%dma_wait3A : memref<640xf32, #tpu.memory_space<vmem_shared>>)
      tpu.yield
    }) : () -> ()
    %broadcast_in_dim3A = arith.constant 1.000000e+00 : f32
    %broadcast_in_dim3A_9 = vector.broadcast %broadcast_in_dim3A : f32 to vector<16xf32>
    %swap3A = arith.constant 0 : index
    %swap3A_10 = tpu.vector_load %arg14[%swap3A] {strides = array<i32>} : memref<80xf32, #tpu.memory_space<vmem>>, vector<16xf32>,
    %swap3A_11 = vector.shape_cast %swap3A_10 : vector<16xf32> to vector<16xf32>
    %swap3A_12 = vector.shape_cast %broadcast_in_dim3A_9 : vector<16xf32> to vector<16xf32>
    tpu.vector_store %arg14[%swap3A], %swap3A_12 {strides = array<i32>} : memref<80xf32, #tpu.memory_space<vmem>>, vector<16xf32>,
    %broadcast_in_dim3A_13 = arith.constant 1.000000e+00 : f32
    %broadcast_in_dim3A_14 = vector.broadcast %broadcast_in_dim3A_13 : f32 to vector<16xf32>
    %swap3A_15 = arith.constant 16 : index
    %swap3A_16 = tpu.vector_load %arg14[%swap3A_15] {strides = array<i32>} : memref<80xf32, #tpu.memory_space<vmem>>, vector<16xf32>,
    %swap3A_17 = vector.shape_cast %swap3A_16 : vector<16xf32> to vector<16xf32>
    %swap3A_18 = vector.shape_cast %broadcast_in_dim3A_14 : vector<16xf32> to vector<16xf32>
    tpu.vector_store %arg14[%swap3A_15], %swap3A_18 {strides = array<i32>} : memref<80xf32, #tpu.memory_space<vmem>>, vector<16xf32>,
    %broadcast_in_dim3A_19 = arith.constant 1.000000e+00 : f32
    %broadcast_in_dim3A_20 = vector.broadcast %broadcast_in_dim3A_19 : f32 to vector<16xf32>
    %swap3A_21 = arith.constant 32 : index
    %swap3A_22 = tpu.vector_load %arg14[%swap3A_21] {strides = array<i32>} : memref<80xf32, #tpu.memory_space<vmem>>, vector<16xf32>,
    %swap3A_23 = vector.shape_cast %swap3A_22 : vector<16xf32> to vector<16xf32>
    %swap3A_24 = vector.shape_cast %broadcast_in_dim3A_20 : vector<16xf32> to vector<16xf32>
    tpu.vector_store %arg14[%swap3A_21], %swap3A_24 {strides = array<i32>} : memref<80xf32, #tpu.memory_space<vmem>>, vector<16xf32>,
    %broadcast_in_dim3A_25 = arith.constant 1.000000e+00 : f32
    %broadcast_in_dim3A_26 = vector.broadcast %broadcast_in_dim3A_25 : f32 to vector<16xf32>
    %swap3A_27 = arith.constant 48 : index
    %swap3A_28 = tpu.vector_load %arg14[%swap3A_27] {strides = array<i32>} : memref<80xf32, #tpu.memory_space<vmem>>, vector<16xf32>,
    %swap3A_29 = vector.shape_cast %swap3A_28 : vector<16xf32> to vector<16xf32>
    %swap3A_30 = vector.shape_cast %broadcast_in_dim3A_26 : vector<16xf32> to vector<16xf32>
    tpu.vector_store %arg14[%swap3A_27], %swap3A_30 {strides = array<i32>} : memref<80xf32, #tpu.memory_space<vmem>>, vector<16xf32>,
    %broadcast_in_dim3A_31 = arith.constant 1.000000e+00 : f32
    %broadcast_in_dim3A_32 = vector.broadcast %broadcast_in_dim3A_31 : f32 to vector<16xf32>
    %swap3A_33 = arith.constant 64 : index
    %swap3A_34 = tpu.vector_load %arg14[%swap3A_33] {strides = array<i32>} : memref<80xf32, #tpu.memory_space<vmem>>, vector<16xf32>,
    %swap3A_35 = vector.shape_cast %swap3A_34 : vector<16xf32> to vector<16xf32>
    %swap3A_36 = vector.shape_cast %broadcast_in_dim3A_32 : vector<16xf32> to vector<16xf32>
    tpu.vector_store %arg14[%swap3A_33], %swap3A_36 {strides = array<i32>} : memref<80xf32, #tpu.memory_space<vmem>>, vector<16xf32>,
    %barrier3A = arith.constant 0 : index
    tpu.barrier barrier_id(%barrier3A)
    %scan3A = arith.constant 0 : i32
    %scan3A_37 = arith.constant 5 : i32
    %scan3A_38 = arith.addi %scan3A, %scan3A_37 : i32
    %scan3A_39 = arith.constant 1 : i32
    scf.for %scan3A_50 = %scan3A to %scan3A_38 step %scan3A_39  : i32 {
      "tpu.region"() ({
        %run_scoped3A = tpu.sem_alloc : memref<!tpu.dma_semaphore, #tpu.memory_space<semaphore_mem>>
        %dma_start3A_334 = arith.constant 0 : i32
        %dma_start3A_335 = arith.constant 0 : i32
        %dma_start3A_336 = arith.constant 0 : i32
        %dma_start3A_337 = tpu.memref_slice %arg3[%add3A, %dma_start3A_334, %dma_start3A_335, %dma_start3A_336] : memref<32x5x25x80xi32, #tpu.memory_space<hbm>> -> memref<1x5x25x80xi32, #tpu.memory_space<hbm>>
        %dma_start3A_338 = tpu.memref_squeeze %dma_start3A_337 : memref<1x5x25x80xi32, #tpu.memory_space<hbm>> -> memref<5x25x80xi32, #tpu.memory_space<hbm>>
        %dma_start3A_339 = arith.constant 0 : i32
        %dma_start3A_340 = arith.constant 0 : i32
        %dma_start3A_341 = tpu.memref_slice %dma_start3A_338[%scan3A_50, %dma_start3A_339, %dma_start3A_340] : memref<5x25x80xi32, #tpu.memory_space<hbm>> -> memref<1x25x80xi32, #tpu.memory_space<hbm>>
        %dma_start3A_342 = tpu.memref_squeeze %dma_start3A_341 : memref<1x25x80xi32, #tpu.memory_space<hbm>> -> memref<25x80xi32, #tpu.memory_space<hbm>>
        %dma_start3A_343 = arith.constant 0 : i32
        %dma_start3A_344 = arith.constant 0 : i32
        %dma_start3A_345 = arith.constant 0 : i32
        %dma_start3A_346 = tpu.memref_slice %arg3[%add3A, %dma_start3A_343, %dma_start3A_344, %dma_start3A_345] : memref<32x5x25x80xi32, #tpu.memory_space<hbm>> -> memref<1x5x25x80xi32, #tpu.memory_space<hbm>>
        %dma_start3A_347 = tpu.memref_squeeze %dma_start3A_346 : memref<1x5x25x80xi32, #tpu.memory_space<hbm>> -> memref<5x25x80xi32, #tpu.memory_space<hbm>>
        %dma_start3A_348 = arith.constant 0 : i32
        %dma_start3A_349 = arith.constant 0 : i32
        %dma_start3A_350 = tpu.memref_slice %dma_start3A_347[%scan3A_50, %dma_start3A_348, %dma_start3A_349] : memref<5x25x80xi32, #tpu.memory_space<hbm>> -> memref<1x25x80xi32, #tpu.memory_space<hbm>>
        %dma_start3A_351 = tpu.memref_squeeze %dma_start3A_350 : memref<1x25x80xi32, #tpu.memory_space<hbm>> -> memref<25x80xi32, #tpu.memory_space<hbm>>
        tpu.enqueue_dma source(%dma_start3A_351 : memref<25x80xi32, #tpu.memory_space<hbm>>) target(%arg9 : memref<25x80xi32, #tpu.memory_space<vmem>>) target_semaphore(%run_scoped3A : memref<!tpu.dma_semaphore, #tpu.memory_space<semaphore_mem>>)
        %dma_wait3A_352 = arith.constant 0 : i32
        %dma_wait3A_353 = arith.constant 0 : i32
        %dma_wait3A_354 = arith.constant 0 : i32
        %dma_wait3A_355 = tpu.memref_slice %arg3[%add3A, %dma_wait3A_352, %dma_wait3A_353, %dma_wait3A_354] : memref<32x5x25x80xi32, #tpu.memory_space<hbm>> -> memref<1x5x25x80xi32, #tpu.memory_space<hbm>>
        %dma_wait3A_356 = tpu.memref_squeeze %dma_wait3A_355 : memref<1x5x25x80xi32, #tpu.memory_space<hbm>> -> memref<5x25x80xi32, #tpu.memory_space<hbm>>
        %dma_wait3A_357 = arith.constant 0 : i32
        %dma_wait3A_358 = arith.constant 0 : i32
        %dma_wait3A_359 = tpu.memref_slice %dma_wait3A_356[%scan3A_50, %dma_wait3A_357, %dma_wait3A_358] : memref<5x25x80xi32, #tpu.memory_space<hbm>> -> memref<1x25x80xi32, #tpu.memory_space<hbm>>
        %dma_wait3A_360 = tpu.memref_squeeze %dma_wait3A_359 : memref<1x25x80xi32, #tpu.memory_space<hbm>> -> memref<25x80xi32, #tpu.memory_space<hbm>>
        %dma_wait3A_361 = arith.constant 0 : i32
        %dma_wait3A_362 = arith.constant 0 : i32
        %dma_wait3A_363 = arith.constant 0 : i32
        %dma_wait3A_364 = tpu.memref_slice %arg3[%add3A, %dma_wait3A_361, %dma_wait3A_362, %dma_wait3A_363] : memref<32x5x25x80xi32, #tpu.memory_space<hbm>> -> memref<1x5x25x80xi32, #tpu.memory_space<hbm>>
        %dma_wait3A_365 = tpu.memref_squeeze %dma_wait3A_364 : memref<1x5x25x80xi32, #tpu.memory_space<hbm>> -> memref<5x25x80xi32, #tpu.memory_space<hbm>>
        %dma_wait3A_366 = arith.constant 0 : i32
        %dma_wait3A_367 = arith.constant 0 : i32
        %dma_wait3A_368 = tpu.memref_slice %dma_wait3A_365[%scan3A_50, %dma_wait3A_366, %dma_wait3A_367] : memref<5x25x80xi32, #tpu.memory_space<hbm>> -> memref<1x25x80xi32, #tpu.memory_space<hbm>>
        %dma_wait3A_369 = tpu.memref_squeeze %dma_wait3A_368 : memref<1x25x80xi32, #tpu.memory_space<hbm>> -> memref<25x80xi32, #tpu.memory_space<hbm>>
        tpu.wait_dma2 semaphore(%run_scoped3A : memref<!tpu.dma_semaphore, #tpu.memory_space<semaphore_mem>>) src(%dma_wait3A_369 : memref<25x80xi32, #tpu.memory_space<hbm>>) dst(%arg9 : memref<25x80xi32, #tpu.memory_space<vmem>>)
        tpu.yield
      }) : () -> ()
      "tpu.region"() ({
        %run_scoped3A = tpu.sem_alloc : memref<!tpu.dma_semaphore, #tpu.memory_space<semaphore_mem>>
        %dma_start3A_334 = arith.constant 0 : i32
        %dma_start3A_335 = arith.constant 0 : i32
        %dma_start3A_336 = arith.constant 0 : i32
        %dma_start3A_337 = tpu.memref_slice %arg4[%add3A, %dma_start3A_334, %dma_start3A_335, %dma_start3A_336] : memref<32x5x25x80xi32, #tpu.memory_space<hbm>> -> memref<1x5x25x80xi32, #tpu.memory_space<hbm>>
        %dma_start3A_338 = tpu.memref_squeeze %dma_start3A_337 : memref<1x5x25x80xi32, #tpu.memory_space<hbm>> -> memref<5x25x80xi32, #tpu.memory_space<hbm>>
        %dma_start3A_339 = arith.constant 0 : i32
        %dma_start3A_340 = arith.constant 0 : i32
        %dma_start3A_341 = tpu.memref_slice %dma_start3A_338[%scan3A_50, %dma_start3A_339, %dma_start3A_340] : memref<5x25x80xi32, #tpu.memory_space<hbm>> -> memref<1x25x80xi32, #tpu.memory_space<hbm>>
        %dma_start3A_342 = tpu.memref_squeeze %dma_start3A_341 : memref<1x25x80xi32, #tpu.memory_space<hbm>> -> memref<25x80xi32, #tpu.memory_space<hbm>>
        %dma_start3A_343 = arith.constant 0 : i32
        %dma_start3A_344 = arith.constant 0 : i32
        %dma_start3A_345 = arith.constant 0 : i32
        %dma_start3A_346 = tpu.memref_slice %arg4[%add3A, %dma_start3A_343, %dma_start3A_344, %dma_start3A_345] : memref<32x5x25x80xi32, #tpu.memory_space<hbm>> -> memref<1x5x25x80xi32, #tpu.memory_space<hbm>>
        %dma_start3A_347 = tpu.memref_squeeze %dma_start3A_346 : memref<1x5x25x80xi32, #tpu.memory_space<hbm>> -> memref<5x25x80xi32, #tpu.memory_space<hbm>>
        %dma_start3A_348 = arith.constant 0 : i32
        %dma_start3A_349 = arith.constant 0 : i32
        %dma_start3A_350 = tpu.memref_slice %dma_start3A_347[%scan3A_50, %dma_start3A_348, %dma_start3A_349] : memref<5x25x80xi32, #tpu.memory_space<hbm>> -> memref<1x25x80xi32, #tpu.memory_space<hbm>>
        %dma_start3A_351 = tpu.memref_squeeze %dma_start3A_350 : memref<1x25x80xi32, #tpu.memory_space<hbm>> -> memref<25x80xi32, #tpu.memory_space<hbm>>
        tpu.enqueue_dma source(%dma_start3A_351 : memref<25x80xi32, #tpu.memory_space<hbm>>) target(%arg10 : memref<25x80xi32, #tpu.memory_space<vmem>>) target_semaphore(%run_scoped3A : memref<!tpu.dma_semaphore, #tpu.memory_space<semaphore_mem>>)
        %dma_wait3A_352 = arith.constant 0 : i32
        %dma_wait3A_353 = arith.constant 0 : i32
        %dma_wait3A_354 = arith.constant 0 : i32
        %dma_wait3A_355 = tpu.memref_slice %arg4[%add3A, %dma_wait3A_352, %dma_wait3A_353, %dma_wait3A_354] : memref<32x5x25x80xi32, #tpu.memory_space<hbm>> -> memref<1x5x25x80xi32, #tpu.memory_space<hbm>>
        %dma_wait3A_356 = tpu.memref_squeeze %dma_wait3A_355 : memref<1x5x25x80xi32, #tpu.memory_space<hbm>> -> memref<5x25x80xi32, #tpu.memory_space<hbm>>
        %dma_wait3A_357 = arith.constant 0 : i32
        %dma_wait3A_358 = arith.constant 0 : i32
        %dma_wait3A_359 = tpu.memref_slice %dma_wait3A_356[%scan3A_50, %dma_wait3A_357, %dma_wait3A_358] : memref<5x25x80xi32, #tpu.memory_space<hbm>> -> memref<1x25x80xi32, #tpu.memory_space<hbm>>
        %dma_wait3A_360 = tpu.memref_squeeze %dma_wait3A_359 : memref<1x25x80xi32, #tpu.memory_space<hbm>> -> memref<25x80xi32, #tpu.memory_space<hbm>>
        %dma_wait3A_361 = arith.constant 0 : i32
        %dma_wait3A_362 = arith.constant 0 : i32
        %dma_wait3A_363 = arith.constant 0 : i32
        %dma_wait3A_364 = tpu.memref_slice %arg4[%add3A, %dma_wait3A_361, %dma_wait3A_362, %dma_wait3A_363] : memref<32x5x25x80xi32, #tpu.memory_space<hbm>> -> memref<1x5x25x80xi32, #tpu.memory_space<hbm>>
        %dma_wait3A_365 = tpu.memref_squeeze %dma_wait3A_364 : memref<1x5x25x80xi32, #tpu.memory_space<hbm>> -> memref<5x25x80xi32, #tpu.memory_space<hbm>>
        %dma_wait3A_366 = arith.constant 0 : i32
        %dma_wait3A_367 = arith.constant 0 : i32
        %dma_wait3A_368 = tpu.memref_slice %dma_wait3A_365[%scan3A_50, %dma_wait3A_366, %dma_wait3A_367] : memref<5x25x80xi32, #tpu.memory_space<hbm>> -> memref<1x25x80xi32, #tpu.memory_space<hbm>>
        %dma_wait3A_369 = tpu.memref_squeeze %dma_wait3A_368 : memref<1x25x80xi32, #tpu.memory_space<hbm>> -> memref<25x80xi32, #tpu.memory_space<hbm>>
        tpu.wait_dma2 semaphore(%run_scoped3A : memref<!tpu.dma_semaphore, #tpu.memory_space<semaphore_mem>>) src(%dma_wait3A_369 : memref<25x80xi32, #tpu.memory_space<hbm>>) dst(%arg10 : memref<25x80xi32, #tpu.memory_space<vmem>>)
        tpu.yield
      }) : () -> ()
      %dma_start3A = arith.constant 0 : i32
      %dma_start3A_51 = arith.constant 0 : i32
      %dma_start3A_52 = tpu.memref_slice %arg9[%dma_start3A, %dma_start3A_51] : memref<25x80xi32, #tpu.memory_space<vmem>> -> memref<1x80xi32, #tpu.memory_space<vmem>>
      %dma_start3A_53 = tpu.memref_squeeze %dma_start3A_52 : memref<1x80xi32, #tpu.memory_space<vmem>> -> memref<80xi32, #tpu.memory_space<vmem>>
      %dma_start3A_54 = arith.constant 0 : i32
      %dma_start3A_55 = arith.constant 0 : i32
      %dma_start3A_56 = tpu.memref_slice %arg2[%dma_start3A_54, %dma_start3A_55] : memref<10000x128xf32, #tpu.memory_space<hbm>> -> memref<10000x128xf32, #tpu.memory_space<hbm>>
      tpu.enqueue_indirect_dma source(%dma_start3A_56 : memref<10000x128xf32, #tpu.memory_space<hbm>>) target(%arg11 : memref<80x128xf32, #tpu.memory_space<vmem>>) offsets(%dma_start3A_53 : memref<80xi32, #tpu.memory_space<vmem>>) semaphore(%arg17 : memref<!tpu.dma_semaphore, #tpu.memory_space<semaphore_mem>>)
      %dma_start3A_57 = arith.constant 1 : i32
      %dma_start3A_58 = arith.constant 0 : i32
      %dma_start3A_59 = tpu.memref_slice %arg9[%dma_start3A_57, %dma_start3A_58] : memref<25x80xi32, #tpu.memory_space<vmem>> -> memref<1x80xi32, #tpu.memory_space<vmem>>
      %dma_start3A_60 = tpu.memref_squeeze %dma_start3A_59 : memref<1x80xi32, #tpu.memory_space<vmem>> -> memref<80xi32, #tpu.memory_space<vmem>>
      %dma_start3A_61 = arith.constant 0 : i32
      %dma_start3A_62 = arith.constant 0 : i32
      %dma_start3A_63 = tpu.memref_slice %arg2[%dma_start3A_61, %dma_start3A_62] : memref<10000x128xf32, #tpu.memory_space<hbm>> -> memref<10000x128xf32, #tpu.memory_space<hbm>>
      tpu.enqueue_indirect_dma source(%dma_start3A_63 : memref<10000x128xf32, #tpu.memory_space<hbm>>) target(%arg12 : memref<80x128xf32, #tpu.memory_space<vmem>>) offsets(%dma_start3A_60 : memref<80xi32, #tpu.memory_space<vmem>>) semaphore(%arg18 : memref<!tpu.dma_semaphore, #tpu.memory_space<semaphore_mem>>)
      %dma_wait3A = arith.constant 0 : i32
      %dma_wait3A_64 = arith.constant 0 : i32
      %dma_wait3A_65 = tpu.memref_slice %arg9[%dma_wait3A, %dma_wait3A_64] : memref<25x80xi32, #tpu.memory_space<vmem>> -> memref<1x80xi32, #tpu.memory_space<vmem>>
      %dma_wait3A_66 = tpu.memref_squeeze %dma_wait3A_65 : memref<1x80xi32, #tpu.memory_space<vmem>> -> memref<80xi32, #tpu.memory_space<vmem>>
      %dma_wait3A_67 = arith.constant 0 : i32
      %dma_wait3A_68 = arith.constant 0 : i32
      %dma_wait3A_69 = tpu.memref_slice %arg2[%dma_wait3A_67, %dma_wait3A_68] : memref<10000x128xf32, #tpu.memory_space<hbm>> -> memref<10000x128xf32, #tpu.memory_space<hbm>>
      tpu.wait_indirect_dma semaphore(%arg17 : memref<!tpu.dma_semaphore, #tpu.memory_space<semaphore_mem>>) src(%dma_wait3A_69 : memref<10000x128xf32, #tpu.memory_space<hbm>>) dst(%arg11 : memref<80x128xf32, #tpu.memory_space<vmem>>)
      %dma_start3A_70 = arith.constant 0 : i32
      %dma_start3A_71 = arith.constant 0 : i32
      %dma_start3A_72 = tpu.memref_slice %arg10[%dma_start3A_70, %dma_start3A_71] : memref<25x80xi32, #tpu.memory_space<vmem>> -> memref<1x80xi32, #tpu.memory_space<vmem>>
      %dma_start3A_73 = tpu.memref_squeeze %dma_start3A_72 : memref<1x80xi32, #tpu.memory_space<vmem>> -> memref<80xi32, #tpu.memory_space<vmem>>
      %dma_start3A_74 = arith.constant 0 : i32
      %dma_start3A_75 = arith.constant 0 : i32
      %dma_start3A_76 = tpu.memref_slice %arg15[%dma_start3A_74, %dma_start3A_75] : memref<10240x128xf32, #tpu.memory_space<vmem_shared>> -> memref<10240x128xf32, #tpu.memory_space<vmem_shared>>
      tpu.enqueue_indirect_dma source(%arg11 : memref<80x128xf32, #tpu.memory_space<vmem>>) target(%dma_start3A_76 : memref<10240x128xf32, #tpu.memory_space<vmem_shared>>) offsets(%dma_start3A_73 : memref<80xi32, #tpu.memory_space<vmem>>) semaphore(%arg20 : memref<!tpu.dma_semaphore, #tpu.memory_space<semaphore_mem>>) {add = true}
      %dma_start3A_77 = arith.constant 0 : i32
      %dma_start3A_78 = arith.constant 0 : i32
      %dma_start3A_79 = tpu.memref_slice %arg10[%dma_start3A_77, %dma_start3A_78] : memref<25x80xi32, #tpu.memory_space<vmem>> -> memref<1x80xi32, #tpu.memory_space<vmem>>
      %dma_start3A_80 = tpu.memref_squeeze %dma_start3A_79 : memref<1x80xi32, #tpu.memory_space<vmem>> -> memref<80xi32, #tpu.memory_space<vmem>>
      %dma_start3A_81 = arith.constant 0 : i32
      %dma_start3A_82 = tpu.memref_slice %arg16[%dma_start3A_81] : memref<10240xf32, #tpu.memory_space<vmem_shared>> -> memref<10240xf32, #tpu.memory_space<vmem_shared>>
      tpu.enqueue_indirect_dma source(%arg14 : memref<80xf32, #tpu.memory_space<vmem>>) target(%dma_start3A_82 : memref<10240xf32, #tpu.memory_space<vmem_shared>>) offsets(%dma_start3A_80 : memref<80xi32, #tpu.memory_space<vmem>>) semaphore(%arg20 : memref<!tpu.dma_semaphore, #tpu.memory_space<semaphore_mem>>) {add = true}
      %dma_start3A_83 = arith.constant 2 : i32
      %dma_start3A_84 = arith.constant 0 : i32
      %dma_start3A_85 = tpu.memref_slice %arg9[%dma_start3A_83, %dma_start3A_84] : memref<25x80xi32, #tpu.memory_space<vmem>> -> memref<1x80xi32, #tpu.memory_space<vmem>>
      %dma_start3A_86 = tpu.memref_squeeze %dma_start3A_85 : memref<1x80xi32, #tpu.memory_space<vmem>> -> memref<80xi32, #tpu.memory_space<vmem>>
      %dma_start3A_87 = arith.constant 0 : i32
      %dma_start3A_88 = arith.constant 0 : i32
      %dma_start3A_89 = tpu.memref_slice %arg2[%dma_start3A_87, %dma_start3A_88] : memref<10000x128xf32, #tpu.memory_space<hbm>> -> memref<10000x128xf32, #tpu.memory_space<hbm>>
      tpu.enqueue_indirect_dma source(%dma_start3A_89 : memref<10000x128xf32, #tpu.memory_space<hbm>>) target(%arg13 : memref<80x128xf32, #tpu.memory_space<vmem>>) offsets(%dma_start3A_86 : memref<80xi32, #tpu.memory_space<vmem>>) semaphore(%arg19 : memref<!tpu.dma_semaphore, #tpu.memory_space<semaphore_mem>>)
      %dma_wait3A_90 = arith.constant 0 : i32
      %dma_wait3A_91 = arith.constant 0 : i32
      %dma_wait3A_92 = tpu.memref_slice %arg9[%dma_wait3A_90, %dma_wait3A_91] : memref<25x80xi32, #tpu.memory_space<vmem>> -> memref<1x80xi32, #tpu.memory_space<vmem>>
      %dma_wait3A_93 = tpu.memref_squeeze %dma_wait3A_92 : memref<1x80xi32, #tpu.memory_space<vmem>> -> memref<80xi32, #tpu.memory_space<vmem>>
      %dma_wait3A_94 = arith.constant 0 : i32
      %dma_wait3A_95 = arith.constant 0 : i32
      %dma_wait3A_96 = tpu.memref_slice %arg2[%dma_wait3A_94, %dma_wait3A_95] : memref<10000x128xf32, #tpu.memory_space<hbm>> -> memref<10000x128xf32, #tpu.memory_space<hbm>>
      tpu.wait_indirect_dma semaphore(%arg18 : memref<!tpu.dma_semaphore, #tpu.memory_space<semaphore_mem>>) src(%dma_wait3A_96 : memref<10000x128xf32, #tpu.memory_space<hbm>>) dst(%arg12 : memref<80x128xf32, #tpu.memory_space<vmem>>)
      %dma_start3A_97 = arith.constant 1 : i32
      %dma_start3A_98 = arith.constant 0 : i32
      %dma_start3A_99 = tpu.memref_slice %arg10[%dma_start3A_97, %dma_start3A_98] : memref<25x80xi32, #tpu.memory_space<vmem>> -> memref<1x80xi32, #tpu.memory_space<vmem>>
      %dma_start3A_100 = tpu.memref_squeeze %dma_start3A_99 : memref<1x80xi32, #tpu.memory_space<vmem>> -> memref<80xi32, #tpu.memory_space<vmem>>
      %dma_start3A_101 = arith.constant 0 : i32
      %dma_start3A_102 = arith.constant 0 : i32
      %dma_start3A_103 = tpu.memref_slice %arg15[%dma_start3A_101, %dma_start3A_102] : memref<10240x128xf32, #tpu.memory_space<vmem_shared>> -> memref<10240x128xf32, #tpu.memory_space<vmem_shared>>
      tpu.enqueue_indirect_dma source(%arg12 : memref<80x128xf32, #tpu.memory_space<vmem>>) target(%dma_start3A_103 : memref<10240x128xf32, #tpu.memory_space<vmem_shared>>) offsets(%dma_start3A_100 : memref<80xi32, #tpu.memory_space<vmem>>) semaphore(%arg21 : memref<!tpu.dma_semaphore, #tpu.memory_space<semaphore_mem>>) {add = true}
      %dma_start3A_104 = arith.constant 1 : i32
      %dma_start3A_105 = arith.constant 0 : i32
      %dma_start3A_106 = tpu.memref_slice %arg10[%dma_start3A_104, %dma_start3A_105] : memref<25x80xi32, #tpu.memory_space<vmem>> -> memref<1x80xi32, #tpu.memory_space<vmem>>
      %dma_start3A_107 = tpu.memref_squeeze %dma_start3A_106 : memref<1x80xi32, #tpu.memory_space<vmem>> -> memref<80xi32, #tpu.memory_space<vmem>>
      %dma_start3A_108 = arith.constant 0 : i32
      %dma_start3A_109 = tpu.memref_slice %arg16[%dma_start3A_108] : memref<10240xf32, #tpu.memory_space<vmem_shared>> -> memref<10240xf32, #tpu.memory_space<vmem_shared>>
      tpu.enqueue_indirect_dma source(%arg14 : memref<80xf32, #tpu.memory_space<vmem>>) target(%dma_start3A_109 : memref<10240xf32, #tpu.memory_space<vmem_shared>>) offsets(%dma_start3A_107 : memref<80xi32, #tpu.memory_space<vmem>>) semaphore(%arg21 : memref<!tpu.dma_semaphore, #tpu.memory_space<semaphore_mem>>) {add = true}
      %dma_wait3A_110 = arith.constant 0 : i32
      %dma_wait3A_111 = arith.constant 0 : i32
      %dma_wait3A_112 = tpu.memref_slice %arg10[%dma_wait3A_110, %dma_wait3A_111] : memref<25x80xi32, #tpu.memory_space<vmem>> -> memref<1x80xi32, #tpu.memory_space<vmem>>
      %dma_wait3A_113 = tpu.memref_squeeze %dma_wait3A_112 : memref<1x80xi32, #tpu.memory_space<vmem>> -> memref<80xi32, #tpu.memory_space<vmem>>
      %dma_wait3A_114 = arith.constant 0 : i32
      %dma_wait3A_115 = arith.constant 0 : i32
      %dma_wait3A_116 = tpu.memref_slice %arg15[%dma_wait3A_114, %dma_wait3A_115] : memref<10240x128xf32, #tpu.memory_space<vmem_shared>> -> memref<10240x128xf32, #tpu.memory_space<vmem_shared>>
      tpu.wait_indirect_dma semaphore(%arg20 : memref<!tpu.dma_semaphore, #tpu.memory_space<semaphore_mem>>) src(%arg11 : memref<80x128xf32, #tpu.memory_space<vmem>>) dst(%dma_wait3A_116 : memref<10240x128xf32, #tpu.memory_space<vmem_shared>>)
      %dma_wait3A_117 = arith.constant 0 : i32
      %dma_wait3A_118 = arith.constant 0 : i32
      %dma_wait3A_119 = tpu.memref_slice %arg10[%dma_wait3A_117, %dma_wait3A_118] : memref<25x80xi32, #tpu.memory_space<vmem>> -> memref<1x80xi32, #tpu.memory_space<vmem>>
      %dma_wait3A_120 = tpu.memref_squeeze %dma_wait3A_119 : memref<1x80xi32, #tpu.memory_space<vmem>> -> memref<80xi32, #tpu.memory_space<vmem>>
      %dma_wait3A_121 = arith.constant 0 : i32
      %dma_wait3A_122 = tpu.memref_slice %arg16[%dma_wait3A_121] : memref<10240xf32, #tpu.memory_space<vmem_shared>> -> memref<10240xf32, #tpu.memory_space<vmem_shared>>
      tpu.wait_indirect_dma semaphore(%arg20 : memref<!tpu.dma_semaphore, #tpu.memory_space<semaphore_mem>>) src(%arg14 : memref<80xf32, #tpu.memory_space<vmem>>) dst(%dma_wait3A_122 : memref<10240xf32, #tpu.memory_space<vmem_shared>>)
      %dma_start3A_123 = arith.constant 3 : i32
      %dma_start3A_124 = arith.constant 0 : i32
      %dma_start3A_125 = tpu.memref_slice %arg9[%dma_start3A_123, %dma_start3A_124] : memref<25x80xi32, #tpu.memory_space<vmem>> -> memref<1x80xi32, #tpu.memory_space<vmem>>
      %dma_start3A_126 = tpu.memref_squeeze %dma_start3A_125 : memref<1x80xi32, #tpu.memory_space<vmem>> -> memref<80xi32, #tpu.memory_space<vmem>>
      %dma_start3A_127 = arith.constant 0 : i32
      %dma_start3A_128 = arith.constant 0 : i32
      %dma_start3A_129 = tpu.memref_slice %arg2[%dma_start3A_127, %dma_start3A_128] : memref<10000x128xf32, #tpu.memory_space<hbm>> -> memref<10000x128xf32, #tpu.memory_space<hbm>>
      tpu.enqueue_indirect_dma source(%dma_start3A_129 : memref<10000x128xf32, #tpu.memory_space<hbm>>) target(%arg11 : memref<80x128xf32, #tpu.memory_space<vmem>>) offsets(%dma_start3A_126 : memref<80xi32, #tpu.memory_space<vmem>>) semaphore(%arg17 : memref<!tpu.dma_semaphore, #tpu.memory_space<semaphore_mem>>)
      %dma_wait3A_130 = arith.constant 0 : i32
      %dma_wait3A_131 = arith.constant 0 : i32
      %dma_wait3A_132 = tpu.memref_slice %arg9[%dma_wait3A_130, %dma_wait3A_131] : memref<25x80xi32, #tpu.memory_space<vmem>> -> memref<1x80xi32, #tpu.memory_space<vmem>>
      %dma_wait3A_133 = tpu.memref_squeeze %dma_wait3A_132 : memref<1x80xi32, #tpu.memory_space<vmem>> -> memref<80xi32, #tpu.memory_space<vmem>>
      %dma_wait3A_134 = arith.constant 0 : i32
      %dma_wait3A_135 = arith.constant 0 : i32
      %dma_wait3A_136 = tpu.memref_slice %arg2[%dma_wait3A_134, %dma_wait3A_135] : memref<10000x128xf32, #tpu.memory_space<hbm>> -> memref<10000x128xf32, #tpu.memory_space<hbm>>
      tpu.wait_indirect_dma semaphore(%arg19 : memref<!tpu.dma_semaphore, #tpu.memory_space<semaphore_mem>>) src(%dma_wait3A_136 : memref<10000x128xf32, #tpu.memory_space<hbm>>) dst(%arg13 : memref<80x128xf32, #tpu.memory_space<vmem>>)
      %dma_start3A_137 = arith.constant 2 : i32
      %dma_start3A_138 = arith.constant 0 : i32
      %dma_start3A_139 = tpu.memref_slice %arg10[%dma_start3A_137, %dma_start3A_138] : memref<25x80xi32, #tpu.memory_space<vmem>> -> memref<1x80xi32, #tpu.memory_space<vmem>>
      %dma_start3A_140 = tpu.memref_squeeze %dma_start3A_139 : memref<1x80xi32, #tpu.memory_space<vmem>> -> memref<80xi32, #tpu.memory_space<vmem>>
      %dma_start3A_141 = arith.constant 0 : i32
      %dma_start3A_142 = arith.constant 0 : i32
      %dma_start3A_143 = tpu.memref_slice %arg15[%dma_start3A_141, %dma_start3A_142] : memref<10240x128xf32, #tpu.memory_space<vmem_shared>> -> memref<10240x128xf32, #tpu.memory_space<vmem_shared>>
      tpu.enqueue_indirect_dma source(%arg13 : memref<80x128xf32, #tpu.memory_space<vmem>>) target(%dma_start3A_143 : memref<10240x128xf32, #tpu.memory_space<vmem_shared>>) offsets(%dma_start3A_140 : memref<80xi32, #tpu.memory_space<vmem>>) semaphore(%arg22 : memref<!tpu.dma_semaphore, #tpu.memory_space<semaphore_mem>>) {add = true}
      %dma_start3A_144 = arith.constant 2 : i32
      %dma_start3A_145 = arith.constant 0 : i32
      %dma_start3A_146 = tpu.memref_slice %arg10[%dma_start3A_144, %dma_start3A_145] : memref<25x80xi32, #tpu.memory_space<vmem>> -> memref<1x80xi32, #tpu.memory_space<vmem>>
      %dma_start3A_147 = tpu.memref_squeeze %dma_start3A_146 : memref<1x80xi32, #tpu.memory_space<vmem>> -> memref<80xi32, #tpu.memory_space<vmem>>
      %dma_start3A_148 = arith.constant 0 : i32
      %dma_start3A_149 = tpu.memref_slice %arg16[%dma_start3A_148] : memref<10240xf32, #tpu.memory_space<vmem_shared>> -> memref<10240xf32, #tpu.memory_space<vmem_shared>>
      tpu.enqueue_indirect_dma source(%arg14 : memref<80xf32, #tpu.memory_space<vmem>>) target(%dma_start3A_149 : memref<10240xf32, #tpu.memory_space<vmem_shared>>) offsets(%dma_start3A_147 : memref<80xi32, #tpu.memory_space<vmem>>) semaphore(%arg22 : memref<!tpu.dma_semaphore, #tpu.memory_space<semaphore_mem>>) {add = true}
      %dma_wait3A_150 = arith.constant 0 : i32
      %dma_wait3A_151 = arith.constant 0 : i32
      %dma_wait3A_152 = tpu.memref_slice %arg10[%dma_wait3A_150, %dma_wait3A_151] : memref<25x80xi32, #tpu.memory_space<vmem>> -> memref<1x80xi32, #tpu.memory_space<vmem>>
      %dma_wait3A_153 = tpu.memref_squeeze %dma_wait3A_152 : memref<1x80xi32, #tpu.memory_space<vmem>> -> memref<80xi32, #tpu.memory_space<vmem>>
      %dma_wait3A_154 = arith.constant 0 : i32
      %dma_wait3A_155 = arith.constant 0 : i32
      %dma_wait3A_156 = tpu.memref_slice %arg15[%dma_wait3A_154, %dma_wait3A_155] : memref<10240x128xf32, #tpu.memory_space<vmem_shared>> -> memref<10240x128xf32, #tpu.memory_space<vmem_shared>>
      tpu.wait_indirect_dma semaphore(%arg21 : memref<!tpu.dma_semaphore, #tpu.memory_space<semaphore_mem>>) src(%arg12 : memref<80x128xf32, #tpu.memory_space<vmem>>) dst(%dma_wait3A_156 : memref<10240x128xf32, #tpu.memory_space<vmem_shared>>)
      %dma_wait3A_157 = arith.constant 0 : i32
      %dma_wait3A_158 = arith.constant 0 : i32
      %dma_wait3A_159 = tpu.memref_slice %arg10[%dma_wait3A_157, %dma_wait3A_158] : memref<25x80xi32, #tpu.memory_space<vmem>> -> memref<1x80xi32, #tpu.memory_space<vmem>>
      %dma_wait3A_160 = tpu.memref_squeeze %dma_wait3A_159 : memref<1x80xi32, #tpu.memory_space<vmem>> -> memref<80xi32, #tpu.memory_space<vmem>>
      %dma_wait3A_161 = arith.constant 0 : i32
      %dma_wait3A_162 = tpu.memref_slice %arg16[%dma_wait3A_161] : memref<10240xf32, #tpu.memory_space<vmem_shared>> -> memref<10240xf32, #tpu.memory_space<vmem_shared>>
      tpu.wait_indirect_dma semaphore(%arg21 : memref<!tpu.dma_semaphore, #tpu.memory_space<semaphore_mem>>) src(%arg14 : memref<80xf32, #tpu.memory_space<vmem>>) dst(%dma_wait3A_162 : memref<10240xf32, #tpu.memory_space<vmem_shared>>)
      %dma_start3A_163 = arith.constant 4 : i32
      %dma_start3A_164 = arith.constant 0 : i32
      %dma_start3A_165 = tpu.memref_slice %arg9[%dma_start3A_163, %dma_start3A_164] : memref<25x80xi32, #tpu.memory_space<vmem>> -> memref<1x80xi32, #tpu.memory_space<vmem>>
      %dma_start3A_166 = tpu.memref_squeeze %dma_start3A_165 : memref<1x80xi32, #tpu.memory_space<vmem>> -> memref<80xi32, #tpu.memory_space<vmem>>
      %dma_start3A_167 = arith.constant 0 : i32
      %dma_start3A_168 = arith.constant 0 : i32
      %dma_start3A_169 = tpu.memref_slice %arg2[%dma_start3A_167, %dma_start3A_168] : memref<10000x128xf32, #tpu.memory_space<hbm>> -> memref<10000x128xf32, #tpu.memory_space<hbm>>
      tpu.enqueue_indirect_dma source(%dma_start3A_169 : memref<10000x128xf32, #tpu.memory_space<hbm>>) target(%arg12 : memref<80x128xf32, #tpu.memory_space<vmem>>) offsets(%dma_start3A_166 : memref<80xi32, #tpu.memory_space<vmem>>) semaphore(%arg18 : memref<!tpu.dma_semaphore, #tpu.memory_space<semaphore_mem>>)
      %scan3A_170 = arith.constant 1 : i32
      %scan3A_171 = arith.constant 6 : i32
      %scan3A_172 = arith.addi %scan3A_170, %scan3A_171 : i32
      %scan3A_173 = arith.constant 1 : i32
      scf.for %scan3A_334 = %scan3A_170 to %scan3A_172 step %scan3A_173  : i32 {
        %mul3A_335 = arith.constant 3 : i32
        %mul3A_336 = arith.muli %mul3A_335, %scan3A_334 : i32
        %dma_wait3A_337 = arith.constant 0 : i32
        %dma_wait3A_338 = arith.constant 0 : i32
        %dma_wait3A_339 = tpu.memref_slice %arg9[%dma_wait3A_337, %dma_wait3A_338] : memref<25x80xi32, #tpu.memory_space<vmem>> -> memref<1x80xi32, #tpu.memory_space<vmem>>
        %dma_wait3A_340 = tpu.memref_squeeze %dma_wait3A_339 : memref<1x80xi32, #tpu.memory_space<vmem>> -> memref<80xi32, #tpu.memory_space<vmem>>
        %dma_wait3A_341 = arith.constant 0 : i32
        %dma_wait3A_342 = arith.constant 0 : i32
        %dma_wait3A_343 = tpu.memref_slice %arg2[%dma_wait3A_341, %dma_wait3A_342] : memref<10000x128xf32, #tpu.memory_space<hbm>> -> memref<10000x128xf32, #tpu.memory_space<hbm>>
        tpu.wait_indirect_dma semaphore(%arg17 : memref<!tpu.dma_semaphore, #tpu.memory_space<semaphore_mem>>) src(%dma_wait3A_343 : memref<10000x128xf32, #tpu.memory_space<hbm>>) dst(%arg11 : memref<80x128xf32, #tpu.memory_space<vmem>>)
        %dma_start3A_344 = arith.constant 0 : i32
        %dma_start3A_345 = tpu.memref_slice %arg10[%mul3A_336, %dma_start3A_344] : memref<25x80xi32, #tpu.memory_space<vmem>> -> memref<1x80xi32, #tpu.memory_space<vmem>>
        %dma_start3A_346 = tpu.memref_squeeze %dma_start3A_345 : memref<1x80xi32, #tpu.memory_space<vmem>> -> memref<80xi32, #tpu.memory_space<vmem>>
        %dma_start3A_347 = arith.constant 0 : i32
        %dma_start3A_348 = arith.constant 0 : i32
        %dma_start3A_349 = tpu.memref_slice %arg15[%dma_start3A_347, %dma_start3A_348] : memref<10240x128xf32, #tpu.memory_space<vmem_shared>> -> memref<10240x128xf32, #tpu.memory_space<vmem_shared>>
        tpu.enqueue_indirect_dma source(%arg11 : memref<80x128xf32, #tpu.memory_space<vmem>>) target(%dma_start3A_349 : memref<10240x128xf32, #tpu.memory_space<vmem_shared>>) offsets(%dma_start3A_346 : memref<80xi32, #tpu.memory_space<vmem>>) semaphore(%arg20 : memref<!tpu.dma_semaphore, #tpu.memory_space<semaphore_mem>>) {add = true}
        %dma_start3A_350 = arith.constant 0 : i32
        %dma_start3A_351 = tpu.memref_slice %arg10[%mul3A_336, %dma_start3A_350] : memref<25x80xi32, #tpu.memory_space<vmem>> -> memref<1x80xi32, #tpu.memory_space<vmem>>
        %dma_start3A_352 = tpu.memref_squeeze %dma_start3A_351 : memref<1x80xi32, #tpu.memory_space<vmem>> -> memref<80xi32, #tpu.memory_space<vmem>>
        %dma_start3A_353 = arith.constant 0 : i32
        %dma_start3A_354 = tpu.memref_slice %arg16[%dma_start3A_353] : memref<10240xf32, #tpu.memory_space<vmem_shared>> -> memref<10240xf32, #tpu.memory_space<vmem_shared>>
        tpu.enqueue_indirect_dma source(%arg14 : memref<80xf32, #tpu.memory_space<vmem>>) target(%dma_start3A_354 : memref<10240xf32, #tpu.memory_space<vmem_shared>>) offsets(%dma_start3A_352 : memref<80xi32, #tpu.memory_space<vmem>>) semaphore(%arg20 : memref<!tpu.dma_semaphore, #tpu.memory_space<semaphore_mem>>) {add = true}
        %dma_wait3A_355 = arith.constant 0 : i32
        %dma_wait3A_356 = arith.constant 0 : i32
        %dma_wait3A_357 = tpu.memref_slice %arg10[%dma_wait3A_355, %dma_wait3A_356] : memref<25x80xi32, #tpu.memory_space<vmem>> -> memref<1x80xi32, #tpu.memory_space<vmem>>
        %dma_wait3A_358 = tpu.memref_squeeze %dma_wait3A_357 : memref<1x80xi32, #tpu.memory_space<vmem>> -> memref<80xi32, #tpu.memory_space<vmem>>
        %dma_wait3A_359 = arith.constant 0 : i32
        %dma_wait3A_360 = arith.constant 0 : i32
        %dma_wait3A_361 = tpu.memref_slice %arg15[%dma_wait3A_359, %dma_wait3A_360] : memref<10240x128xf32, #tpu.memory_space<vmem_shared>> -> memref<10240x128xf32, #tpu.memory_space<vmem_shared>>
        tpu.wait_indirect_dma semaphore(%arg22 : memref<!tpu.dma_semaphore, #tpu.memory_space<semaphore_mem>>) src(%arg13 : memref<80x128xf32, #tpu.memory_space<vmem>>) dst(%dma_wait3A_361 : memref<10240x128xf32, #tpu.memory_space<vmem_shared>>)
        %dma_wait3A_362 = arith.constant 0 : i32
        %dma_wait3A_363 = arith.constant 0 : i32
        %dma_wait3A_364 = tpu.memref_slice %arg10[%dma_wait3A_362, %dma_wait3A_363] : memref<25x80xi32, #tpu.memory_space<vmem>> -> memref<1x80xi32, #tpu.memory_space<vmem>>
        %dma_wait3A_365 = tpu.memref_squeeze %dma_wait3A_364 : memref<1x80xi32, #tpu.memory_space<vmem>> -> memref<80xi32, #tpu.memory_space<vmem>>
        %dma_wait3A_366 = arith.constant 0 : i32
        %dma_wait3A_367 = tpu.memref_slice %arg16[%dma_wait3A_366] : memref<10240xf32, #tpu.memory_space<vmem_shared>> -> memref<10240xf32, #tpu.memory_space<vmem_shared>>
        tpu.wait_indirect_dma semaphore(%arg22 : memref<!tpu.dma_semaphore, #tpu.memory_space<semaphore_mem>>) src(%arg14 : memref<80xf32, #tpu.memory_space<vmem>>) dst(%dma_wait3A_367 : memref<10240xf32, #tpu.memory_space<vmem_shared>>)
        %add3A_368 = arith.constant 2 : i32
        %add3A_369 = arith.addi %mul3A_336, %add3A_368 : i32
        %dma_start3A_370 = arith.constant 0 : i32
        %dma_start3A_371 = tpu.memref_slice %arg9[%add3A_369, %dma_start3A_370] : memref<25x80xi32, #tpu.memory_space<vmem>> -> memref<1x80xi32, #tpu.memory_space<vmem>>
        %dma_start3A_372 = tpu.memref_squeeze %dma_start3A_371 : memref<1x80xi32, #tpu.memory_space<vmem>> -> memref<80xi32, #tpu.memory_space<vmem>>
        %dma_start3A_373 = arith.constant 0 : i32
        %dma_start3A_374 = arith.constant 0 : i32
        %dma_start3A_375 = tpu.memref_slice %arg2[%dma_start3A_373, %dma_start3A_374] : memref<10000x128xf32, #tpu.memory_space<hbm>> -> memref<10000x128xf32, #tpu.memory_space<hbm>>
        tpu.enqueue_indirect_dma source(%dma_start3A_375 : memref<10000x128xf32, #tpu.memory_space<hbm>>) target(%arg13 : memref<80x128xf32, #tpu.memory_space<vmem>>) offsets(%dma_start3A_372 : memref<80xi32, #tpu.memory_space<vmem>>) semaphore(%arg19 : memref<!tpu.dma_semaphore, #tpu.memory_space<semaphore_mem>>)
        %dma_wait3A_376 = arith.constant 0 : i32
        %dma_wait3A_377 = arith.constant 0 : i32
        %dma_wait3A_378 = tpu.memref_slice %arg9[%dma_wait3A_376, %dma_wait3A_377] : memref<25x80xi32, #tpu.memory_space<vmem>> -> memref<1x80xi32, #tpu.memory_space<vmem>>
        %dma_wait3A_379 = tpu.memref_squeeze %dma_wait3A_378 : memref<1x80xi32, #tpu.memory_space<vmem>> -> memref<80xi32, #tpu.memory_space<vmem>>
        %dma_wait3A_380 = arith.constant 0 : i32
        %dma_wait3A_381 = arith.constant 0 : i32
        %dma_wait3A_382 = tpu.memref_slice %arg2[%dma_wait3A_380, %dma_wait3A_381] : memref<10000x128xf32, #tpu.memory_space<hbm>> -> memref<10000x128xf32, #tpu.memory_space<hbm>>
        tpu.wait_indirect_dma semaphore(%arg18 : memref<!tpu.dma_semaphore, #tpu.memory_space<semaphore_mem>>) src(%dma_wait3A_382 : memref<10000x128xf32, #tpu.memory_space<hbm>>) dst(%arg12 : memref<80x128xf32, #tpu.memory_space<vmem>>)
        %add3A_383 = arith.constant 1 : i32
        %add3A_384 = arith.addi %mul3A_336, %add3A_383 : i32
        %dma_start3A_385 = arith.constant 0 : i32
        %dma_start3A_386 = tpu.memref_slice %arg10[%add3A_384, %dma_start3A_385] : memref<25x80xi32, #tpu.memory_space<vmem>> -> memref<1x80xi32, #tpu.memory_space<vmem>>
        %dma_start3A_387 = tpu.memref_squeeze %dma_start3A_386 : memref<1x80xi32, #tpu.memory_space<vmem>> -> memref<80xi32, #tpu.memory_space<vmem>>
        %dma_start3A_388 = arith.constant 0 : i32
        %dma_start3A_389 = arith.constant 0 : i32
        %dma_start3A_390 = tpu.memref_slice %arg15[%dma_start3A_388, %dma_start3A_389] : memref<10240x128xf32, #tpu.memory_space<vmem_shared>> -> memref<10240x128xf32, #tpu.memory_space<vmem_shared>>
        tpu.enqueue_indirect_dma source(%arg12 : memref<80x128xf32, #tpu.memory_space<vmem>>) target(%dma_start3A_390 : memref<10240x128xf32, #tpu.memory_space<vmem_shared>>) offsets(%dma_start3A_387 : memref<80xi32, #tpu.memory_space<vmem>>) semaphore(%arg21 : memref<!tpu.dma_semaphore, #tpu.memory_space<semaphore_mem>>) {add = true}
        %dma_start3A_391 = arith.constant 0 : i32
        %dma_start3A_392 = tpu.memref_slice %arg10[%add3A_384, %dma_start3A_391] : memref<25x80xi32, #tpu.memory_space<vmem>> -> memref<1x80xi32, #tpu.memory_space<vmem>>
        %dma_start3A_393 = tpu.memref_squeeze %dma_start3A_392 : memref<1x80xi32, #tpu.memory_space<vmem>> -> memref<80xi32, #tpu.memory_space<vmem>>
        %dma_start3A_394 = arith.constant 0 : i32
        %dma_start3A_395 = tpu.memref_slice %arg16[%dma_start3A_394] : memref<10240xf32, #tpu.memory_space<vmem_shared>> -> memref<10240xf32, #tpu.memory_space<vmem_shared>>
        tpu.enqueue_indirect_dma source(%arg14 : memref<80xf32, #tpu.memory_space<vmem>>) target(%dma_start3A_395 : memref<10240xf32, #tpu.memory_space<vmem_shared>>) offsets(%dma_start3A_393 : memref<80xi32, #tpu.memory_space<vmem>>) semaphore(%arg21 : memref<!tpu.dma_semaphore, #tpu.memory_space<semaphore_mem>>) {add = true}
        %dma_wait3A_396 = arith.constant 0 : i32
        %dma_wait3A_397 = arith.constant 0 : i32
        %dma_wait3A_398 = tpu.memref_slice %arg10[%dma_wait3A_396, %dma_wait3A_397] : memref<25x80xi32, #tpu.memory_space<vmem>> -> memref<1x80xi32, #tpu.memory_space<vmem>>
        %dma_wait3A_399 = tpu.memref_squeeze %dma_wait3A_398 : memref<1x80xi32, #tpu.memory_space<vmem>> -> memref<80xi32, #tpu.memory_space<vmem>>
        %dma_wait3A_400 = arith.constant 0 : i32
        %dma_wait3A_401 = arith.constant 0 : i32
        %dma_wait3A_402 = tpu.memref_slice %arg15[%dma_wait3A_400, %dma_wait3A_401] : memref<10240x128xf32, #tpu.memory_space<vmem_shared>> -> memref<10240x128xf32, #tpu.memory_space<vmem_shared>>
        tpu.wait_indirect_dma semaphore(%arg20 : memref<!tpu.dma_semaphore, #tpu.memory_space<semaphore_mem>>) src(%arg11 : memref<80x128xf32, #tpu.memory_space<vmem>>) dst(%dma_wait3A_402 : memref<10240x128xf32, #tpu.memory_space<vmem_shared>>)
        %dma_wait3A_403 = arith.constant 0 : i32
        %dma_wait3A_404 = arith.constant 0 : i32
        %dma_wait3A_405 = tpu.memref_slice %arg10[%dma_wait3A_403, %dma_wait3A_404] : memref<25x80xi32, #tpu.memory_space<vmem>> -> memref<1x80xi32, #tpu.memory_space<vmem>>
        %dma_wait3A_406 = tpu.memref_squeeze %dma_wait3A_405 : memref<1x80xi32, #tpu.memory_space<vmem>> -> memref<80xi32, #tpu.memory_space<vmem>>
        %dma_wait3A_407 = arith.constant 0 : i32
        %dma_wait3A_408 = tpu.memref_slice %arg16[%dma_wait3A_407] : memref<10240xf32, #tpu.memory_space<vmem_shared>> -> memref<10240xf32, #tpu.memory_space<vmem_shared>>
        tpu.wait_indirect_dma semaphore(%arg20 : memref<!tpu.dma_semaphore, #tpu.memory_space<semaphore_mem>>) src(%arg14 : memref<80xf32, #tpu.memory_space<vmem>>) dst(%dma_wait3A_408 : memref<10240xf32, #tpu.memory_space<vmem_shared>>)
        %add3A_409 = arith.constant 3 : i32
        %add3A_410 = arith.addi %mul3A_336, %add3A_409 : i32
        %dma_start3A_411 = arith.constant 0 : i32
        %dma_start3A_412 = tpu.memref_slice %arg9[%add3A_410, %dma_start3A_411] : memref<25x80xi32, #tpu.memory_space<vmem>> -> memref<1x80xi32, #tpu.memory_space<vmem>>
        %dma_start3A_413 = tpu.memref_squeeze %dma_start3A_412 : memref<1x80xi32, #tpu.memory_space<vmem>> -> memref<80xi32, #tpu.memory_space<vmem>>
        %dma_start3A_414 = arith.constant 0 : i32
        %dma_start3A_415 = arith.constant 0 : i32
        %dma_start3A_416 = tpu.memref_slice %arg2[%dma_start3A_414, %dma_start3A_415] : memref<10000x128xf32, #tpu.memory_space<hbm>> -> memref<10000x128xf32, #tpu.memory_space<hbm>>
        tpu.enqueue_indirect_dma source(%dma_start3A_416 : memref<10000x128xf32, #tpu.memory_space<hbm>>) target(%arg11 : memref<80x128xf32, #tpu.memory_space<vmem>>) offsets(%dma_start3A_413 : memref<80xi32, #tpu.memory_space<vmem>>) semaphore(%arg17 : memref<!tpu.dma_semaphore, #tpu.memory_space<semaphore_mem>>)
        %dma_wait3A_417 = arith.constant 0 : i32
        %dma_wait3A_418 = arith.constant 0 : i32
        %dma_wait3A_419 = tpu.memref_slice %arg9[%dma_wait3A_417, %dma_wait3A_418] : memref<25x80xi32, #tpu.memory_space<vmem>> -> memref<1x80xi32, #tpu.memory_space<vmem>>
        %dma_wait3A_420 = tpu.memref_squeeze %dma_wait3A_419 : memref<1x80xi32, #tpu.memory_space<vmem>> -> memref<80xi32, #tpu.memory_space<vmem>>
        %dma_wait3A_421 = arith.constant 0 : i32
        %dma_wait3A_422 = arith.constant 0 : i32
        %dma_wait3A_423 = tpu.memref_slice %arg2[%dma_wait3A_421, %dma_wait3A_422] : memref<10000x128xf32, #tpu.memory_space<hbm>> -> memref<10000x128xf32, #tpu.memory_space<hbm>>
        tpu.wait_indirect_dma semaphore(%arg19 : memref<!tpu.dma_semaphore, #tpu.memory_space<semaphore_mem>>) src(%dma_wait3A_423 : memref<10000x128xf32, #tpu.memory_space<hbm>>) dst(%arg13 : memref<80x128xf32, #tpu.memory_space<vmem>>)
        %add3A_424 = arith.constant 2 : i32
        %add3A_425 = arith.addi %mul3A_336, %add3A_424 : i32
        %dma_start3A_426 = arith.constant 0 : i32
        %dma_start3A_427 = tpu.memref_slice %arg10[%add3A_425, %dma_start3A_426] : memref<25x80xi32, #tpu.memory_space<vmem>> -> memref<1x80xi32, #tpu.memory_space<vmem>>
        %dma_start3A_428 = tpu.memref_squeeze %dma_start3A_427 : memref<1x80xi32, #tpu.memory_space<vmem>> -> memref<80xi32, #tpu.memory_space<vmem>>
        %dma_start3A_429 = arith.constant 0 : i32
        %dma_start3A_430 = arith.constant 0 : i32
        %dma_start3A_431 = tpu.memref_slice %arg15[%dma_start3A_429, %dma_start3A_430] : memref<10240x128xf32, #tpu.memory_space<vmem_shared>> -> memref<10240x128xf32, #tpu.memory_space<vmem_shared>>
        tpu.enqueue_indirect_dma source(%arg13 : memref<80x128xf32, #tpu.memory_space<vmem>>) target(%dma_start3A_431 : memref<10240x128xf32, #tpu.memory_space<vmem_shared>>) offsets(%dma_start3A_428 : memref<80xi32, #tpu.memory_space<vmem>>) semaphore(%arg22 : memref<!tpu.dma_semaphore, #tpu.memory_space<semaphore_mem>>) {add = true}
        %dma_start3A_432 = arith.constant 0 : i32
        %dma_start3A_433 = tpu.memref_slice %arg10[%add3A_425, %dma_start3A_432] : memref<25x80xi32, #tpu.memory_space<vmem>> -> memref<1x80xi32, #tpu.memory_space<vmem>>
        %dma_start3A_434 = tpu.memref_squeeze %dma_start3A_433 : memref<1x80xi32, #tpu.memory_space<vmem>> -> memref<80xi32, #tpu.memory_space<vmem>>
        %dma_start3A_435 = arith.constant 0 : i32
        %dma_start3A_436 = tpu.memref_slice %arg16[%dma_start3A_435] : memref<10240xf32, #tpu.memory_space<vmem_shared>> -> memref<10240xf32, #tpu.memory_space<vmem_shared>>
        tpu.enqueue_indirect_dma source(%arg14 : memref<80xf32, #tpu.memory_space<vmem>>) target(%dma_start3A_436 : memref<10240xf32, #tpu.memory_space<vmem_shared>>) offsets(%dma_start3A_434 : memref<80xi32, #tpu.memory_space<vmem>>) semaphore(%arg22 : memref<!tpu.dma_semaphore, #tpu.memory_space<semaphore_mem>>) {add = true}
        %dma_wait3A_437 = arith.constant 0 : i32
        %dma_wait3A_438 = arith.constant 0 : i32
        %dma_wait3A_439 = tpu.memref_slice %arg10[%dma_wait3A_437, %dma_wait3A_438] : memref<25x80xi32, #tpu.memory_space<vmem>> -> memref<1x80xi32, #tpu.memory_space<vmem>>
        %dma_wait3A_440 = tpu.memref_squeeze %dma_wait3A_439 : memref<1x80xi32, #tpu.memory_space<vmem>> -> memref<80xi32, #tpu.memory_space<vmem>>
        %dma_wait3A_441 = arith.constant 0 : i32
        %dma_wait3A_442 = arith.constant 0 : i32
        %dma_wait3A_443 = tpu.memref_slice %arg15[%dma_wait3A_441, %dma_wait3A_442] : memref<10240x128xf32, #tpu.memory_space<vmem_shared>> -> memref<10240x128xf32, #tpu.memory_space<vmem_shared>>
        tpu.wait_indirect_dma semaphore(%arg21 : memref<!tpu.dma_semaphore, #tpu.memory_space<semaphore_mem>>) src(%arg12 : memref<80x128xf32, #tpu.memory_space<vmem>>) dst(%dma_wait3A_443 : memref<10240x128xf32, #tpu.memory_space<vmem_shared>>)
        %dma_wait3A_444 = arith.constant 0 : i32
        %dma_wait3A_445 = arith.constant 0 : i32
        %dma_wait3A_446 = tpu.memref_slice %arg10[%dma_wait3A_444, %dma_wait3A_445] : memref<25x80xi32, #tpu.memory_space<vmem>> -> memref<1x80xi32, #tpu.memory_space<vmem>>
        %dma_wait3A_447 = tpu.memref_squeeze %dma_wait3A_446 : memref<1x80xi32, #tpu.memory_space<vmem>> -> memref<80xi32, #tpu.memory_space<vmem>>
        %dma_wait3A_448 = arith.constant 0 : i32
        %dma_wait3A_449 = tpu.memref_slice %arg16[%dma_wait3A_448] : memref<10240xf32, #tpu.memory_space<vmem_shared>> -> memref<10240xf32, #tpu.memory_space<vmem_shared>>
        tpu.wait_indirect_dma semaphore(%arg21 : memref<!tpu.dma_semaphore, #tpu.memory_space<semaphore_mem>>) src(%arg14 : memref<80xf32, #tpu.memory_space<vmem>>) dst(%dma_wait3A_449 : memref<10240xf32, #tpu.memory_space<vmem_shared>>)
        %add3A_450 = arith.constant 4 : i32
        %add3A_451 = arith.addi %mul3A_336, %add3A_450 : i32
        %dma_start3A_452 = arith.constant 0 : i32
        %dma_start3A_453 = tpu.memref_slice %arg9[%add3A_451, %dma_start3A_452] : memref<25x80xi32, #tpu.memory_space<vmem>> -> memref<1x80xi32, #tpu.memory_space<vmem>>
        %dma_start3A_454 = tpu.memref_squeeze %dma_start3A_453 : memref<1x80xi32, #tpu.memory_space<vmem>> -> memref<80xi32, #tpu.memory_space<vmem>>
        %dma_start3A_455 = arith.constant 0 : i32
        %dma_start3A_456 = arith.constant 0 : i32
        %dma_start3A_457 = tpu.memref_slice %arg2[%dma_start3A_455, %dma_start3A_456] : memref<10000x128xf32, #tpu.memory_space<hbm>> -> memref<10000x128xf32, #tpu.memory_space<hbm>>
        tpu.enqueue_indirect_dma source(%dma_start3A_457 : memref<10000x128xf32, #tpu.memory_space<hbm>>) target(%arg12 : memref<80x128xf32, #tpu.memory_space<vmem>>) offsets(%dma_start3A_454 : memref<80xi32, #tpu.memory_space<vmem>>) semaphore(%arg18 : memref<!tpu.dma_semaphore, #tpu.memory_space<semaphore_mem>>)
      }
      %scan3A_174 = arith.constant 6 : i32
      %dma_wait3A_175 = arith.constant 0 : i32
      %dma_wait3A_176 = arith.constant 0 : i32
      %dma_wait3A_177 = tpu.memref_slice %arg9[%dma_wait3A_175, %dma_wait3A_176] : memref<25x80xi32, #tpu.memory_space<vmem>> -> memref<1x80xi32, #tpu.memory_space<vmem>>
      %dma_wait3A_178 = tpu.memref_squeeze %dma_wait3A_177 : memref<1x80xi32, #tpu.memory_space<vmem>> -> memref<80xi32, #tpu.memory_space<vmem>>
      %dma_wait3A_179 = arith.constant 0 : i32
      %dma_wait3A_180 = arith.constant 0 : i32
      %dma_wait3A_181 = tpu.memref_slice %arg2[%dma_wait3A_179, %dma_wait3A_180] : memref<10000x128xf32, #tpu.memory_space<hbm>> -> memref<10000x128xf32, #tpu.memory_space<hbm>>
      tpu.wait_indirect_dma semaphore(%arg17 : memref<!tpu.dma_semaphore, #tpu.memory_space<semaphore_mem>>) src(%dma_wait3A_181 : memref<10000x128xf32, #tpu.memory_space<hbm>>) dst(%arg11 : memref<80x128xf32, #tpu.memory_space<vmem>>)
      %dma_start3A_182 = arith.constant 21 : i32
      %dma_start3A_183 = arith.constant 0 : i32
      %dma_start3A_184 = tpu.memref_slice %arg10[%dma_start3A_182, %dma_start3A_183] : memref<25x80xi32, #tpu.memory_space<vmem>> -> memref<1x80xi32, #tpu.memory_space<vmem>>
      %dma_start3A_185 = tpu.memref_squeeze %dma_start3A_184 : memref<1x80xi32, #tpu.memory_space<vmem>> -> memref<80xi32, #tpu.memory_space<vmem>>
      %dma_start3A_186 = arith.constant 0 : i32
      %dma_start3A_187 = arith.constant 0 : i32
      %dma_start3A_188 = tpu.memref_slice %arg15[%dma_start3A_186, %dma_start3A_187] : memref<10240x128xf32, #tpu.memory_space<vmem_shared>> -> memref<10240x128xf32, #tpu.memory_space<vmem_shared>>
      tpu.enqueue_indirect_dma source(%arg11 : memref<80x128xf32, #tpu.memory_space<vmem>>) target(%dma_start3A_188 : memref<10240x128xf32, #tpu.memory_space<vmem_shared>>) offsets(%dma_start3A_185 : memref<80xi32, #tpu.memory_space<vmem>>) semaphore(%arg20 : memref<!tpu.dma_semaphore, #tpu.memory_space<semaphore_mem>>) {add = true}
      %dma_start3A_189 = arith.constant 21 : i32
      %dma_start3A_190 = arith.constant 0 : i32
      %dma_start3A_191 = tpu.memref_slice %arg10[%dma_start3A_189, %dma_start3A_190] : memref<25x80xi32, #tpu.memory_space<vmem>> -> memref<1x80xi32, #tpu.memory_space<vmem>>
      %dma_start3A_192 = tpu.memref_squeeze %dma_start3A_191 : memref<1x80xi32, #tpu.memory_space<vmem>> -> memref<80xi32, #tpu.memory_space<vmem>>
      %dma_start3A_193 = arith.constant 0 : i32
      %dma_start3A_194 = tpu.memref_slice %arg16[%dma_start3A_193] : memref<10240xf32, #tpu.memory_space<vmem_shared>> -> memref<10240xf32, #tpu.memory_space<vmem_shared>>
      tpu.enqueue_indirect_dma source(%arg14 : memref<80xf32, #tpu.memory_space<vmem>>) target(%dma_start3A_194 : memref<10240xf32, #tpu.memory_space<vmem_shared>>) offsets(%dma_start3A_192 : memref<80xi32, #tpu.memory_space<vmem>>) semaphore(%arg20 : memref<!tpu.dma_semaphore, #tpu.memory_space<semaphore_mem>>) {add = true}
      %dma_wait3A_195 = arith.constant 0 : i32
      %dma_wait3A_196 = arith.constant 0 : i32
      %dma_wait3A_197 = tpu.memref_slice %arg10[%dma_wait3A_195, %dma_wait3A_196] : memref<25x80xi32, #tpu.memory_space<vmem>> -> memref<1x80xi32, #tpu.memory_space<vmem>>
      %dma_wait3A_198 = tpu.memref_squeeze %dma_wait3A_197 : memref<1x80xi32, #tpu.memory_space<vmem>> -> memref<80xi32, #tpu.memory_space<vmem>>
      %dma_wait3A_199 = arith.constant 0 : i32
      %dma_wait3A_200 = arith.constant 0 : i32
      %dma_wait3A_201 = tpu.memref_slice %arg15[%dma_wait3A_199, %dma_wait3A_200] : memref<10240x128xf32, #tpu.memory_space<vmem_shared>> -> memref<10240x128xf32, #tpu.memory_space<vmem_shared>>
      tpu.wait_indirect_dma semaphore(%arg22 : memref<!tpu.dma_semaphore, #tpu.memory_space<semaphore_mem>>) src(%arg13 : memref<80x128xf32, #tpu.memory_space<vmem>>) dst(%dma_wait3A_201 : memref<10240x128xf32, #tpu.memory_space<vmem_shared>>)
      %dma_wait3A_202 = arith.constant 0 : i32
      %dma_wait3A_203 = arith.constant 0 : i32
      %dma_wait3A_204 = tpu.memref_slice %arg10[%dma_wait3A_202, %dma_wait3A_203] : memref<25x80xi32, #tpu.memory_space<vmem>> -> memref<1x80xi32, #tpu.memory_space<vmem>>
      %dma_wait3A_205 = tpu.memref_squeeze %dma_wait3A_204 : memref<1x80xi32, #tpu.memory_space<vmem>> -> memref<80xi32, #tpu.memory_space<vmem>>
      %dma_wait3A_206 = arith.constant 0 : i32
      %dma_wait3A_207 = tpu.memref_slice %arg16[%dma_wait3A_206] : memref<10240xf32, #tpu.memory_space<vmem_shared>> -> memref<10240xf32, #tpu.memory_space<vmem_shared>>
      tpu.wait_indirect_dma semaphore(%arg22 : memref<!tpu.dma_semaphore, #tpu.memory_space<semaphore_mem>>) src(%arg14 : memref<80xf32, #tpu.memory_space<vmem>>) dst(%dma_wait3A_207 : memref<10240xf32, #tpu.memory_space<vmem_shared>>)
      %dma_start3A_208 = arith.constant 23 : i32
      %dma_start3A_209 = arith.constant 0 : i32
      %dma_start3A_210 = tpu.memref_slice %arg9[%dma_start3A_208, %dma_start3A_209] : memref<25x80xi32, #tpu.memory_space<vmem>> -> memref<1x80xi32, #tpu.memory_space<vmem>>
      %dma_start3A_211 = tpu.memref_squeeze %dma_start3A_210 : memref<1x80xi32, #tpu.memory_space<vmem>> -> memref<80xi32, #tpu.memory_space<vmem>>
      %dma_start3A_212 = arith.constant 0 : i32
      %dma_start3A_213 = arith.constant 0 : i32
      %dma_start3A_214 = tpu.memref_slice %arg2[%dma_start3A_212, %dma_start3A_213] : memref<10000x128xf32, #tpu.memory_space<hbm>> -> memref<10000x128xf32, #tpu.memory_space<hbm>>
      tpu.enqueue_indirect_dma source(%dma_start3A_214 : memref<10000x128xf32, #tpu.memory_space<hbm>>) target(%arg13 : memref<80x128xf32, #tpu.memory_space<vmem>>) offsets(%dma_start3A_211 : memref<80xi32, #tpu.memory_space<vmem>>) semaphore(%arg19 : memref<!tpu.dma_semaphore, #tpu.memory_space<semaphore_mem>>)
      %dma_wait3A_215 = arith.constant 0 : i32
      %dma_wait3A_216 = arith.constant 0 : i32
      %dma_wait3A_217 = tpu.memref_slice %arg9[%dma_wait3A_215, %dma_wait3A_216] : memref<25x80xi32, #tpu.memory_space<vmem>> -> memref<1x80xi32, #tpu.memory_space<vmem>>
      %dma_wait3A_218 = tpu.memref_squeeze %dma_wait3A_217 : memref<1x80xi32, #tpu.memory_space<vmem>> -> memref<80xi32, #tpu.memory_space<vmem>>
      %dma_wait3A_219 = arith.constant 0 : i32
      %dma_wait3A_220 = arith.constant 0 : i32
      %dma_wait3A_221 = tpu.memref_slice %arg2[%dma_wait3A_219, %dma_wait3A_220] : memref<10000x128xf32, #tpu.memory_space<hbm>> -> memref<10000x128xf32, #tpu.memory_space<hbm>>
      tpu.wait_indirect_dma semaphore(%arg18 : memref<!tpu.dma_semaphore, #tpu.memory_space<semaphore_mem>>) src(%dma_wait3A_221 : memref<10000x128xf32, #tpu.memory_space<hbm>>) dst(%arg12 : memref<80x128xf32, #tpu.memory_space<vmem>>)
      %dma_start3A_222 = arith.constant 22 : i32
      %dma_start3A_223 = arith.constant 0 : i32
      %dma_start3A_224 = tpu.memref_slice %arg10[%dma_start3A_222, %dma_start3A_223] : memref<25x80xi32, #tpu.memory_space<vmem>> -> memref<1x80xi32, #tpu.memory_space<vmem>>
      %dma_start3A_225 = tpu.memref_squeeze %dma_start3A_224 : memref<1x80xi32, #tpu.memory_space<vmem>> -> memref<80xi32, #tpu.memory_space<vmem>>
      %dma_start3A_226 = arith.constant 0 : i32
      %dma_start3A_227 = arith.constant 0 : i32
      %dma_start3A_228 = tpu.memref_slice %arg15[%dma_start3A_226, %dma_start3A_227] : memref<10240x128xf32, #tpu.memory_space<vmem_shared>> -> memref<10240x128xf32, #tpu.memory_space<vmem_shared>>
      tpu.enqueue_indirect_dma source(%arg12 : memref<80x128xf32, #tpu.memory_space<vmem>>) target(%dma_start3A_228 : memref<10240x128xf32, #tpu.memory_space<vmem_shared>>) offsets(%dma_start3A_225 : memref<80xi32, #tpu.memory_space<vmem>>) semaphore(%arg21 : memref<!tpu.dma_semaphore, #tpu.memory_space<semaphore_mem>>) {add = true}
      %dma_start3A_229 = arith.constant 22 : i32
      %dma_start3A_230 = arith.constant 0 : i32
      %dma_start3A_231 = tpu.memref_slice %arg10[%dma_start3A_229, %dma_start3A_230] : memref<25x80xi32, #tpu.memory_space<vmem>> -> memref<1x80xi32, #tpu.memory_space<vmem>>
      %dma_start3A_232 = tpu.memref_squeeze %dma_start3A_231 : memref<1x80xi32, #tpu.memory_space<vmem>> -> memref<80xi32, #tpu.memory_space<vmem>>
      %dma_start3A_233 = arith.constant 0 : i32
      %dma_start3A_234 = tpu.memref_slice %arg16[%dma_start3A_233] : memref<10240xf32, #tpu.memory_space<vmem_shared>> -> memref<10240xf32, #tpu.memory_space<vmem_shared>>
      tpu.enqueue_indirect_dma source(%arg14 : memref<80xf32, #tpu.memory_space<vmem>>) target(%dma_start3A_234 : memref<10240xf32, #tpu.memory_space<vmem_shared>>) offsets(%dma_start3A_232 : memref<80xi32, #tpu.memory_space<vmem>>) semaphore(%arg21 : memref<!tpu.dma_semaphore, #tpu.memory_space<semaphore_mem>>) {add = true}
      %dma_wait3A_235 = arith.constant 0 : i32
      %dma_wait3A_236 = arith.constant 0 : i32
      %dma_wait3A_237 = tpu.memref_slice %arg10[%dma_wait3A_235, %dma_wait3A_236] : memref<25x80xi32, #tpu.memory_space<vmem>> -> memref<1x80xi32, #tpu.memory_space<vmem>>
      %dma_wait3A_238 = tpu.memref_squeeze %dma_wait3A_237 : memref<1x80xi32, #tpu.memory_space<vmem>> -> memref<80xi32, #tpu.memory_space<vmem>>
      %dma_wait3A_239 = arith.constant 0 : i32
      %dma_wait3A_240 = arith.constant 0 : i32
      %dma_wait3A_241 = tpu.memref_slice %arg15[%dma_wait3A_239, %dma_wait3A_240] : memref<10240x128xf32, #tpu.memory_space<vmem_shared>> -> memref<10240x128xf32, #tpu.memory_space<vmem_shared>>
      tpu.wait_indirect_dma semaphore(%arg20 : memref<!tpu.dma_semaphore, #tpu.memory_space<semaphore_mem>>) src(%arg11 : memref<80x128xf32, #tpu.memory_space<vmem>>) dst(%dma_wait3A_241 : memref<10240x128xf32, #tpu.memory_space<vmem_shared>>)
      %dma_wait3A_242 = arith.constant 0 : i32
      %dma_wait3A_243 = arith.constant 0 : i32
      %dma_wait3A_244 = tpu.memref_slice %arg10[%dma_wait3A_242, %dma_wait3A_243] : memref<25x80xi32, #tpu.memory_space<vmem>> -> memref<1x80xi32, #tpu.memory_space<vmem>>
      %dma_wait3A_245 = tpu.memref_squeeze %dma_wait3A_244 : memref<1x80xi32, #tpu.memory_space<vmem>> -> memref<80xi32, #tpu.memory_space<vmem>>
      %dma_wait3A_246 = arith.constant 0 : i32
      %dma_wait3A_247 = tpu.memref_slice %arg16[%dma_wait3A_246] : memref<10240xf32, #tpu.memory_space<vmem_shared>> -> memref<10240xf32, #tpu.memory_space<vmem_shared>>
      tpu.wait_indirect_dma semaphore(%arg20 : memref<!tpu.dma_semaphore, #tpu.memory_space<semaphore_mem>>) src(%arg14 : memref<80xf32, #tpu.memory_space<vmem>>) dst(%dma_wait3A_247 : memref<10240xf32, #tpu.memory_space<vmem_shared>>)
      %dma_start3A_248 = arith.constant 24 : i32
      %dma_start3A_249 = arith.constant 0 : i32
      %dma_start3A_250 = tpu.memref_slice %arg9[%dma_start3A_248, %dma_start3A_249] : memref<25x80xi32, #tpu.memory_space<vmem>> -> memref<1x80xi32, #tpu.memory_space<vmem>>
      %dma_start3A_251 = tpu.memref_squeeze %dma_start3A_250 : memref<1x80xi32, #tpu.memory_space<vmem>> -> memref<80xi32, #tpu.memory_space<vmem>>
      %dma_start3A_252 = arith.constant 0 : i32
      %dma_start3A_253 = arith.constant 0 : i32
      %dma_start3A_254 = tpu.memref_slice %arg2[%dma_start3A_252, %dma_start3A_253] : memref<10000x128xf32, #tpu.memory_space<hbm>> -> memref<10000x128xf32, #tpu.memory_space<hbm>>
      tpu.enqueue_indirect_dma source(%dma_start3A_254 : memref<10000x128xf32, #tpu.memory_space<hbm>>) target(%arg11 : memref<80x128xf32, #tpu.memory_space<vmem>>) offsets(%dma_start3A_251 : memref<80xi32, #tpu.memory_space<vmem>>) semaphore(%arg17 : memref<!tpu.dma_semaphore, #tpu.memory_space<semaphore_mem>>)
      %dma_wait3A_255 = arith.constant 0 : i32
      %dma_wait3A_256 = arith.constant 0 : i32
      %dma_wait3A_257 = tpu.memref_slice %arg9[%dma_wait3A_255, %dma_wait3A_256] : memref<25x80xi32, #tpu.memory_space<vmem>> -> memref<1x80xi32, #tpu.memory_space<vmem>>
      %dma_wait3A_258 = tpu.memref_squeeze %dma_wait3A_257 : memref<1x80xi32, #tpu.memory_space<vmem>> -> memref<80xi32, #tpu.memory_space<vmem>>
      %dma_wait3A_259 = arith.constant 0 : i32
      %dma_wait3A_260 = arith.constant 0 : i32
      %dma_wait3A_261 = tpu.memref_slice %arg2[%dma_wait3A_259, %dma_wait3A_260] : memref<10000x128xf32, #tpu.memory_space<hbm>> -> memref<10000x128xf32, #tpu.memory_space<hbm>>
      tpu.wait_indirect_dma semaphore(%arg19 : memref<!tpu.dma_semaphore, #tpu.memory_space<semaphore_mem>>) src(%dma_wait3A_261 : memref<10000x128xf32, #tpu.memory_space<hbm>>) dst(%arg13 : memref<80x128xf32, #tpu.memory_space<vmem>>)
      %dma_start3A_262 = arith.constant 23 : i32
      %dma_start3A_263 = arith.constant 0 : i32
      %dma_start3A_264 = tpu.memref_slice %arg10[%dma_start3A_262, %dma_start3A_263] : memref<25x80xi32, #tpu.memory_space<vmem>> -> memref<1x80xi32, #tpu.memory_space<vmem>>
      %dma_start3A_265 = tpu.memref_squeeze %dma_start3A_264 : memref<1x80xi32, #tpu.memory_space<vmem>> -> memref<80xi32, #tpu.memory_space<vmem>>
      %dma_start3A_266 = arith.constant 0 : i32
      %dma_start3A_267 = arith.constant 0 : i32
      %dma_start3A_268 = tpu.memref_slice %arg15[%dma_start3A_266, %dma_start3A_267] : memref<10240x128xf32, #tpu.memory_space<vmem_shared>> -> memref<10240x128xf32, #tpu.memory_space<vmem_shared>>
      tpu.enqueue_indirect_dma source(%arg13 : memref<80x128xf32, #tpu.memory_space<vmem>>) target(%dma_start3A_268 : memref<10240x128xf32, #tpu.memory_space<vmem_shared>>) offsets(%dma_start3A_265 : memref<80xi32, #tpu.memory_space<vmem>>) semaphore(%arg22 : memref<!tpu.dma_semaphore, #tpu.memory_space<semaphore_mem>>) {add = true}
      %dma_start3A_269 = arith.constant 23 : i32
      %dma_start3A_270 = arith.constant 0 : i32
      %dma_start3A_271 = tpu.memref_slice %arg10[%dma_start3A_269, %dma_start3A_270] : memref<25x80xi32, #tpu.memory_space<vmem>> -> memref<1x80xi32, #tpu.memory_space<vmem>>
      %dma_start3A_272 = tpu.memref_squeeze %dma_start3A_271 : memref<1x80xi32, #tpu.memory_space<vmem>> -> memref<80xi32, #tpu.memory_space<vmem>>
      %dma_start3A_273 = arith.constant 0 : i32
      %dma_start3A_274 = tpu.memref_slice %arg16[%dma_start3A_273] : memref<10240xf32, #tpu.memory_space<vmem_shared>> -> memref<10240xf32, #tpu.memory_space<vmem_shared>>
      tpu.enqueue_indirect_dma source(%arg14 : memref<80xf32, #tpu.memory_space<vmem>>) target(%dma_start3A_274 : memref<10240xf32, #tpu.memory_space<vmem_shared>>) offsets(%dma_start3A_272 : memref<80xi32, #tpu.memory_space<vmem>>) semaphore(%arg22 : memref<!tpu.dma_semaphore, #tpu.memory_space<semaphore_mem>>) {add = true}
      %dma_wait3A_275 = arith.constant 0 : i32
      %dma_wait3A_276 = arith.constant 0 : i32
      %dma_wait3A_277 = tpu.memref_slice %arg10[%dma_wait3A_275, %dma_wait3A_276] : memref<25x80xi32, #tpu.memory_space<vmem>> -> memref<1x80xi32, #tpu.memory_space<vmem>>
      %dma_wait3A_278 = tpu.memref_squeeze %dma_wait3A_277 : memref<1x80xi32, #tpu.memory_space<vmem>> -> memref<80xi32, #tpu.memory_space<vmem>>
      %dma_wait3A_279 = arith.constant 0 : i32
      %dma_wait3A_280 = arith.constant 0 : i32
      %dma_wait3A_281 = tpu.memref_slice %arg15[%dma_wait3A_279, %dma_wait3A_280] : memref<10240x128xf32, #tpu.memory_space<vmem_shared>> -> memref<10240x128xf32, #tpu.memory_space<vmem_shared>>
      tpu.wait_indirect_dma semaphore(%arg21 : memref<!tpu.dma_semaphore, #tpu.memory_space<semaphore_mem>>) src(%arg12 : memref<80x128xf32, #tpu.memory_space<vmem>>) dst(%dma_wait3A_281 : memref<10240x128xf32, #tpu.memory_space<vmem_shared>>)
      %dma_wait3A_282 = arith.constant 0 : i32
      %dma_wait3A_283 = arith.constant 0 : i32
      %dma_wait3A_284 = tpu.memref_slice %arg10[%dma_wait3A_282, %dma_wait3A_283] : memref<25x80xi32, #tpu.memory_space<vmem>> -> memref<1x80xi32, #tpu.memory_space<vmem>>
      %dma_wait3A_285 = tpu.memref_squeeze %dma_wait3A_284 : memref<1x80xi32, #tpu.memory_space<vmem>> -> memref<80xi32, #tpu.memory_space<vmem>>
      %dma_wait3A_286 = arith.constant 0 : i32
      %dma_wait3A_287 = tpu.memref_slice %arg16[%dma_wait3A_286] : memref<10240xf32, #tpu.memory_space<vmem_shared>> -> memref<10240xf32, #tpu.memory_space<vmem_shared>>
      tpu.wait_indirect_dma semaphore(%arg21 : memref<!tpu.dma_semaphore, #tpu.memory_space<semaphore_mem>>) src(%arg14 : memref<80xf32, #tpu.memory_space<vmem>>) dst(%dma_wait3A_287 : memref<10240xf32, #tpu.memory_space<vmem_shared>>)
      %dma_wait3A_288 = arith.constant 0 : i32
      %dma_wait3A_289 = arith.constant 0 : i32
      %dma_wait3A_290 = tpu.memref_slice %arg9[%dma_wait3A_288, %dma_wait3A_289] : memref<25x80xi32, #tpu.memory_space<vmem>> -> memref<1x80xi32, #tpu.memory_space<vmem>>
      %dma_wait3A_291 = tpu.memref_squeeze %dma_wait3A_290 : memref<1x80xi32, #tpu.memory_space<vmem>> -> memref<80xi32, #tpu.memory_space<vmem>>
      %dma_wait3A_292 = arith.constant 0 : i32
      %dma_wait3A_293 = arith.constant 0 : i32
      %dma_wait3A_294 = tpu.memref_slice %arg2[%dma_wait3A_292, %dma_wait3A_293] : memref<10000x128xf32, #tpu.memory_space<hbm>> -> memref<10000x128xf32, #tpu.memory_space<hbm>>
      tpu.wait_indirect_dma semaphore(%arg17 : memref<!tpu.dma_semaphore, #tpu.memory_space<semaphore_mem>>) src(%dma_wait3A_294 : memref<10000x128xf32, #tpu.memory_space<hbm>>) dst(%arg11 : memref<80x128xf32, #tpu.memory_space<vmem>>)
      %dma_start3A_295 = arith.constant 24 : i32
      %dma_start3A_296 = arith.constant 0 : i32
      %dma_start3A_297 = tpu.memref_slice %arg10[%dma_start3A_295, %dma_start3A_296] : memref<25x80xi32, #tpu.memory_space<vmem>> -> memref<1x80xi32, #tpu.memory_space<vmem>>
      %dma_start3A_298 = tpu.memref_squeeze %dma_start3A_297 : memref<1x80xi32, #tpu.memory_space<vmem>> -> memref<80xi32, #tpu.memory_space<vmem>>
      %dma_start3A_299 = arith.constant 0 : i32
      %dma_start3A_300 = arith.constant 0 : i32
      %dma_start3A_301 = tpu.memref_slice %arg15[%dma_start3A_299, %dma_start3A_300] : memref<10240x128xf32, #tpu.memory_space<vmem_shared>> -> memref<10240x128xf32, #tpu.memory_space<vmem_shared>>
      tpu.enqueue_indirect_dma source(%arg11 : memref<80x128xf32, #tpu.memory_space<vmem>>) target(%dma_start3A_301 : memref<10240x128xf32, #tpu.memory_space<vmem_shared>>) offsets(%dma_start3A_298 : memref<80xi32, #tpu.memory_space<vmem>>) semaphore(%arg20 : memref<!tpu.dma_semaphore, #tpu.memory_space<semaphore_mem>>) {add = true}
      %dma_start3A_302 = arith.constant 24 : i32
      %dma_start3A_303 = arith.constant 0 : i32
      %dma_start3A_304 = tpu.memref_slice %arg10[%dma_start3A_302, %dma_start3A_303] : memref<25x80xi32, #tpu.memory_space<vmem>> -> memref<1x80xi32, #tpu.memory_space<vmem>>
      %dma_start3A_305 = tpu.memref_squeeze %dma_start3A_304 : memref<1x80xi32, #tpu.memory_space<vmem>> -> memref<80xi32, #tpu.memory_space<vmem>>
      %dma_start3A_306 = arith.constant 0 : i32
      %dma_start3A_307 = tpu.memref_slice %arg16[%dma_start3A_306] : memref<10240xf32, #tpu.memory_space<vmem_shared>> -> memref<10240xf32, #tpu.memory_space<vmem_shared>>
      tpu.enqueue_indirect_dma source(%arg14 : memref<80xf32, #tpu.memory_space<vmem>>) target(%dma_start3A_307 : memref<10240xf32, #tpu.memory_space<vmem_shared>>) offsets(%dma_start3A_305 : memref<80xi32, #tpu.memory_space<vmem>>) semaphore(%arg20 : memref<!tpu.dma_semaphore, #tpu.memory_space<semaphore_mem>>) {add = true}
      %dma_wait3A_308 = arith.constant 0 : i32
      %dma_wait3A_309 = arith.constant 0 : i32
      %dma_wait3A_310 = tpu.memref_slice %arg10[%dma_wait3A_308, %dma_wait3A_309] : memref<25x80xi32, #tpu.memory_space<vmem>> -> memref<1x80xi32, #tpu.memory_space<vmem>>
      %dma_wait3A_311 = tpu.memref_squeeze %dma_wait3A_310 : memref<1x80xi32, #tpu.memory_space<vmem>> -> memref<80xi32, #tpu.memory_space<vmem>>
      %dma_wait3A_312 = arith.constant 0 : i32
      %dma_wait3A_313 = arith.constant 0 : i32
      %dma_wait3A_314 = tpu.memref_slice %arg15[%dma_wait3A_312, %dma_wait3A_313] : memref<10240x128xf32, #tpu.memory_space<vmem_shared>> -> memref<10240x128xf32, #tpu.memory_space<vmem_shared>>
      tpu.wait_indirect_dma semaphore(%arg22 : memref<!tpu.dma_semaphore, #tpu.memory_space<semaphore_mem>>) src(%arg13 : memref<80x128xf32, #tpu.memory_space<vmem>>) dst(%dma_wait3A_314 : memref<10240x128xf32, #tpu.memory_space<vmem_shared>>)
      %dma_wait3A_315 = arith.constant 0 : i32
      %dma_wait3A_316 = arith.constant 0 : i32
      %dma_wait3A_317 = tpu.memref_slice %arg10[%dma_wait3A_315, %dma_wait3A_316] : memref<25x80xi32, #tpu.memory_space<vmem>> -> memref<1x80xi32, #tpu.memory_space<vmem>>
      %dma_wait3A_318 = tpu.memref_squeeze %dma_wait3A_317 : memref<1x80xi32, #tpu.memory_space<vmem>> -> memref<80xi32, #tpu.memory_space<vmem>>
      %dma_wait3A_319 = arith.constant 0 : i32
      %dma_wait3A_320 = tpu.memref_slice %arg16[%dma_wait3A_319] : memref<10240xf32, #tpu.memory_space<vmem_shared>> -> memref<10240xf32, #tpu.memory_space<vmem_shared>>
      tpu.wait_indirect_dma semaphore(%arg22 : memref<!tpu.dma_semaphore, #tpu.memory_space<semaphore_mem>>) src(%arg14 : memref<80xf32, #tpu.memory_space<vmem>>) dst(%dma_wait3A_320 : memref<10240xf32, #tpu.memory_space<vmem_shared>>)
      %dma_wait3A_321 = arith.constant 0 : i32
      %dma_wait3A_322 = arith.constant 0 : i32
      %dma_wait3A_323 = tpu.memref_slice %arg10[%dma_wait3A_321, %dma_wait3A_322] : memref<25x80xi32, #tpu.memory_space<vmem>> -> memref<1x80xi32, #tpu.memory_space<vmem>>
      %dma_wait3A_324 = tpu.memref_squeeze %dma_wait3A_323 : memref<1x80xi32, #tpu.memory_space<vmem>> -> memref<80xi32, #tpu.memory_space<vmem>>
      %dma_wait3A_325 = arith.constant 0 : i32
      %dma_wait3A_326 = arith.constant 0 : i32
      %dma_wait3A_327 = tpu.memref_slice %arg15[%dma_wait3A_325, %dma_wait3A_326] : memref<10240x128xf32, #tpu.memory_space<vmem_shared>> -> memref<10240x128xf32, #tpu.memory_space<vmem_shared>>
      tpu.wait_indirect_dma semaphore(%arg20 : memref<!tpu.dma_semaphore, #tpu.memory_space<semaphore_mem>>) src(%arg11 : memref<80x128xf32, #tpu.memory_space<vmem>>) dst(%dma_wait3A_327 : memref<10240x128xf32, #tpu.memory_space<vmem_shared>>)
      %dma_wait3A_328 = arith.constant 0 : i32
      %dma_wait3A_329 = arith.constant 0 : i32
      %dma_wait3A_330 = tpu.memref_slice %arg10[%dma_wait3A_328, %dma_wait3A_329] : memref<25x80xi32, #tpu.memory_space<vmem>> -> memref<1x80xi32, #tpu.memory_space<vmem>>
      %dma_wait3A_331 = tpu.memref_squeeze %dma_wait3A_330 : memref<1x80xi32, #tpu.memory_space<vmem>> -> memref<80xi32, #tpu.memory_space<vmem>>
      %dma_wait3A_332 = arith.constant 0 : i32
      %dma_wait3A_333 = tpu.memref_slice %arg16[%dma_wait3A_332] : memref<10240xf32, #tpu.memory_space<vmem_shared>> -> memref<10240xf32, #tpu.memory_space<vmem_shared>>
      tpu.wait_indirect_dma semaphore(%arg20 : memref<!tpu.dma_semaphore, #tpu.memory_space<semaphore_mem>>) src(%arg14 : memref<80xf32, #tpu.memory_space<vmem>>) dst(%dma_wait3A_333 : memref<10240xf32, #tpu.memory_space<vmem_shared>>)
    }
    %scan3A_40 = arith.constant 5 : i32
    %barrier3A_41 = arith.constant 0 : index
    tpu.barrier barrier_id(%barrier3A_41)
    %mul3A_42 = arith.constant 640 : i32
    %mul3A_43 = arith.muli %arg1, %mul3A_42 : i32
    %mul3A_44 = arith.constant 640 : i32
    %mul3A_45 = arith.muli %arg1, %mul3A_44 : i32
    "tpu.region"() ({
      %run_scoped3A = tpu.sem_alloc : memref<!tpu.dma_semaphore, #tpu.memory_space<semaphore_mem>>
      %dma_start3A = arith.constant 0 : i32
      %dma_start3A_50 = arith.constant 0 : i32
      %dma_start3A_51 = tpu.memref_slice %arg7[%arg0, %dma_start3A, %dma_start3A_50] : memref<2x10240x128xf32, #tpu.memory_space<hbm>> -> memref<1x10240x128xf32, #tpu.memory_space<hbm>>
      %dma_start3A_52 = tpu.memref_squeeze %dma_start3A_51 : memref<1x10240x128xf32, #tpu.memory_space<hbm>> -> memref<10240x128xf32, #tpu.memory_space<hbm>>
      %dma_start3A_53 = arith.constant 0 : i32
      %dma_start3A_54 = tpu.memref_slice %dma_start3A_52[%mul3A_45, %dma_start3A_53] : memref<10240x128xf32, #tpu.memory_space<hbm>> -> memref<640x128xf32, #tpu.memory_space<hbm>>
      %dma_start3A_55 = arith.constant 0 : i32
      %dma_start3A_56 = tpu.memref_slice %arg15[%mul3A_43, %dma_start3A_55] : memref<10240x128xf32, #tpu.memory_space<vmem_shared>> -> memref<640x128xf32, #tpu.memory_space<vmem_shared>>
      tpu.enqueue_dma source(%dma_start3A_56 : memref<640x128xf32, #tpu.memory_space<vmem_shared>>) target(%dma_start3A_54 : memref<640x128xf32, #tpu.memory_space<hbm>>) target_semaphore(%run_scoped3A : memref<!tpu.dma_semaphore, #tpu.memory_space<semaphore_mem>>)
      %dma_wait3A = arith.constant 0 : i32
      %dma_wait3A_57 = arith.constant 0 : i32
      %dma_wait3A_58 = tpu.memref_slice %arg7[%arg0, %dma_wait3A, %dma_wait3A_57] : memref<2x10240x128xf32, #tpu.memory_space<hbm>> -> memref<1x10240x128xf32, #tpu.memory_space<hbm>>
      %dma_wait3A_59 = tpu.memref_squeeze %dma_wait3A_58 : memref<1x10240x128xf32, #tpu.memory_space<hbm>> -> memref<10240x128xf32, #tpu.memory_space<hbm>>
      %dma_wait3A_60 = arith.constant 0 : i32
      %dma_wait3A_61 = tpu.memref_slice %dma_wait3A_59[%mul3A_45, %dma_wait3A_60] : memref<10240x128xf32, #tpu.memory_space<hbm>> -> memref<640x128xf32, #tpu.memory_space<hbm>>
      %dma_wait3A_62 = arith.constant 0 : i32
      %dma_wait3A_63 = tpu.memref_slice %arg15[%mul3A_43, %dma_wait3A_62] : memref<10240x128xf32, #tpu.memory_space<vmem_shared>> -> memref<640x128xf32, #tpu.memory_space<vmem_shared>>
      tpu.wait_dma2 semaphore(%run_scoped3A : memref<!tpu.dma_semaphore, #tpu.memory_space<semaphore_mem>>) src(%dma_wait3A_63 : memref<640x128xf32, #tpu.memory_space<vmem_shared>>) dst(%dma_wait3A_61 : memref<640x128xf32, #tpu.memory_space<hbm>>)
      tpu.yield
    }) : () -> ()
    %mul3A_46 = arith.constant 640 : i32
    %mul3A_47 = arith.muli %arg1, %mul3A_46 : i32
    %mul3A_48 = arith.constant 640 : i32
    %mul3A_49 = arith.muli %arg1, %mul3A_48 : i32
    "tpu.region"() ({
      %run_scoped3A = tpu.sem_alloc : memref<!tpu.dma_semaphore, #tpu.memory_space<semaphore_mem>>
      %dma_start3A = arith.constant 0 : i32
      %dma_start3A_50 = tpu.memref_slice %arg8[%arg0, %dma_start3A] : memref<2x10240xf32, #tpu.memory_space<hbm>> -> memref<1x10240xf32, #tpu.memory_space<hbm>>
      %dma_start3A_51 = tpu.memref_squeeze %dma_start3A_50 : memref<1x10240xf32, #tpu.memory_space<hbm>> -> memref<10240xf32, #tpu.memory_space<hbm>>
      %dma_start3A_52 = tpu.memref_slice %dma_start3A_51[%mul3A_49] : memref<10240xf32, #tpu.memory_space<hbm>> -> memref<640xf32, #tpu.memory_space<hbm>>
      %dma_start3A_53 = tpu.memref_slice %arg16[%mul3A_47] : memref<10240xf32, #tpu.memory_space<vmem_shared>> -> memref<640xf32, #tpu.memory_space<vmem_shared>>
      tpu.enqueue_dma source(%dma_start3A_53 : memref<640xf32, #tpu.memory_space<vmem_shared>>) target(%dma_start3A_52 : memref<640xf32, #tpu.memory_space<hbm>>) target_semaphore(%run_scoped3A : memref<!tpu.dma_semaphore, #tpu.memory_space<semaphore_mem>>)
      %dma_wait3A = arith.constant 0 : i32
      %dma_wait3A_54 = tpu.memref_slice %arg8[%arg0, %dma_wait3A] : memref<2x10240xf32, #tpu.memory_space<hbm>> -> memref<1x10240xf32, #tpu.memory_space<hbm>>
      %dma_wait3A_55 = tpu.memref_squeeze %dma_wait3A_54 : memref<1x10240xf32, #tpu.memory_space<hbm>> -> memref<10240xf32, #tpu.memory_space<hbm>>
      %dma_wait3A_56 = tpu.memref_slice %dma_wait3A_55[%mul3A_49] : memref<10240xf32, #tpu.memory_space<hbm>> -> memref<640xf32, #tpu.memory_space<hbm>>
      %dma_wait3A_57 = tpu.memref_slice %arg16[%mul3A_47] : memref<10240xf32, #tpu.memory_space<vmem_shared>> -> memref<640xf32, #tpu.memory_space<vmem_shared>>
      tpu.wait_dma2 semaphore(%run_scoped3A : memref<!tpu.dma_semaphore, #tpu.memory_space<semaphore_mem>>) src(%dma_wait3A_57 : memref<640xf32, #tpu.memory_space<vmem_shared>>) dst(%dma_wait3A_56 : memref<640xf32, #tpu.memory_space<hbm>>)
      tpu.yield
    }) : () -> ()
    return
  }
}

#map = affine_map<(d0, d1) -> (0, 0)>
#map1 = affine_map<(d0, d1) -> (0, 0, 0, 0)>
#map2 = affine_map<(d0, d1) -> (0)>
#map3 = affine_map<(d0, d1) -> (0, 0, 0)>
module attributes {stable_mosaic.version = 14 : i64} {
  func.func @_sc_agg_body(%arg0: i32, %arg1: i32, %arg2: memref<10000x128xf32, #tpu.memory_space<hbm>>, %arg3: memref<32x5x25x80xi32, #tpu.memory_space<hbm>>, %arg4: memref<32x5x25x80xi32, #tpu.memory_space<hbm>>, %arg5: memref<10240x128xf32, #tpu.memory_space<hbm>>, %arg6: memref<10240xf32, #tpu.memory_space<hbm>>, %arg7: memref<2x10240x128xf32, #tpu.memory_space<hbm>>, %arg8: memref<25x80xi32, #tpu.memory_space<vmem>>, %arg9: memref<25x80xi32, #tpu.memory_space<vmem>>, %arg10: memref<80x128xf32, #tpu.memory_space<vmem>>, %arg11: memref<80x128xf32, #tpu.memory_space<vmem>>, %arg12: memref<80x128xf32, #tpu.memory_space<vmem>>, %arg13: memref<10240x128xf32, #tpu.memory_space<vmem_shared>>, %arg14: memref<!tpu.dma_semaphore, #tpu.memory_space<semaphore_mem>>, %arg15: memref<!tpu.dma_semaphore, #tpu.memory_space<semaphore_mem>>, %arg16: memref<!tpu.dma_semaphore, #tpu.memory_space<semaphore_mem>>, %arg17: memref<!tpu.dma_semaphore, #tpu.memory_space<semaphore_mem>>, %arg18: memref<!tpu.dma_semaphore, #tpu.memory_space<semaphore_mem>>, %arg19: memref<!tpu.dma_semaphore, #tpu.memory_space<semaphore_mem>>) attributes {dimension_semantics = [#tpu.dimension_semantics<core_parallel>, #tpu.dimension_semantics<subcore_parallel>], iteration_bounds = array<i64: 2, 16>, scalar_prefetch = 0 : i64, scratch_operands = 12 : i64, tpu.core_type = #tpu.core_type<sc_vector_subcore>, window_params = [{transform_indices = #map}, {transform_indices = #map1}, {transform_indices = #map1}, {transform_indices = #map}, {transform_indices = #map2}, {transform_indices = #map3}]} {
    %mul3A = arith.constant 16 : i32
    %mul3A_0 = arith.muli %arg0, %mul3A : i32
    %add3A = arith.addi %mul3A_0, %arg1 : i32
    %mul3A_1 = arith.constant 640 : i32
    %mul3A_2 = arith.muli %arg1, %mul3A_1 : i32
    %mul3A_3 = arith.constant 640 : i32
    %mul3A_4 = arith.muli %arg1, %mul3A_3 : i32
    "tpu.region"() ({
      %run_scoped3A = tpu.sem_alloc : memref<!tpu.dma_semaphore, #tpu.memory_space<semaphore_mem>>
      %dma_start3A = arith.constant 0 : i32
      %dma_start3A_14 = tpu.memref_slice %arg13[%mul3A_4, %dma_start3A] : memref<10240x128xf32, #tpu.memory_space<vmem_shared>> -> memref<640x128xf32, #tpu.memory_space<vmem_shared>>
      %dma_start3A_15 = arith.constant 0 : i32
      %dma_start3A_16 = tpu.memref_slice %arg5[%mul3A_2, %dma_start3A_15] : memref<10240x128xf32, #tpu.memory_space<hbm>> -> memref<640x128xf32, #tpu.memory_space<hbm>>
      tpu.enqueue_dma source(%dma_start3A_16 : memref<640x128xf32, #tpu.memory_space<hbm>>) target(%dma_start3A_14 : memref<640x128xf32, #tpu.memory_space<vmem_shared>>) target_semaphore(%run_scoped3A : memref<!tpu.dma_semaphore, #tpu.memory_space<semaphore_mem>>)
      %dma_wait3A = arith.constant 0 : i32
      %dma_wait3A_17 = tpu.memref_slice %arg13[%mul3A_4, %dma_wait3A] : memref<10240x128xf32, #tpu.memory_space<vmem_shared>> -> memref<640x128xf32, #tpu.memory_space<vmem_shared>>
      %dma_wait3A_18 = arith.constant 0 : i32
      %dma_wait3A_19 = tpu.memref_slice %arg5[%mul3A_2, %dma_wait3A_18] : memref<10240x128xf32, #tpu.memory_space<hbm>> -> memref<640x128xf32, #tpu.memory_space<hbm>>
      tpu.wait_dma2 semaphore(%run_scoped3A : memref<!tpu.dma_semaphore, #tpu.memory_space<semaphore_mem>>) src(%dma_wait3A_19 : memref<640x128xf32, #tpu.memory_space<hbm>>) dst(%dma_wait3A_17 : memref<640x128xf32, #tpu.memory_space<vmem_shared>>)
      tpu.yield
    }) : () -> ()
    %barrier3A = arith.constant 0 : index
    tpu.barrier barrier_id(%barrier3A)
    %scan3A = arith.constant 0 : i32
    %scan3A_5 = arith.constant 5 : i32
    %scan3A_6 = arith.addi %scan3A, %scan3A_5 : i32
    %scan3A_7 = arith.constant 1 : i32
    scf.for %scan3A_14 = %scan3A to %scan3A_6 step %scan3A_7  : i32 {
      "tpu.region"() ({
        %run_scoped3A = tpu.sem_alloc : memref<!tpu.dma_semaphore, #tpu.memory_space<semaphore_mem>>
        %dma_start3A_214 = arith.constant 0 : i32
        %dma_start3A_215 = arith.constant 0 : i32
        %dma_start3A_216 = arith.constant 0 : i32
        %dma_start3A_217 = tpu.memref_slice %arg3[%add3A, %dma_start3A_214, %dma_start3A_215, %dma_start3A_216] : memref<32x5x25x80xi32, #tpu.memory_space<hbm>> -> memref<1x5x25x80xi32, #tpu.memory_space<hbm>>
        %dma_start3A_218 = tpu.memref_squeeze %dma_start3A_217 : memref<1x5x25x80xi32, #tpu.memory_space<hbm>> -> memref<5x25x80xi32, #tpu.memory_space<hbm>>
        %dma_start3A_219 = arith.constant 0 : i32
        %dma_start3A_220 = arith.constant 0 : i32
        %dma_start3A_221 = tpu.memref_slice %dma_start3A_218[%scan3A_14, %dma_start3A_219, %dma_start3A_220] : memref<5x25x80xi32, #tpu.memory_space<hbm>> -> memref<1x25x80xi32, #tpu.memory_space<hbm>>
        %dma_start3A_222 = tpu.memref_squeeze %dma_start3A_221 : memref<1x25x80xi32, #tpu.memory_space<hbm>> -> memref<25x80xi32, #tpu.memory_space<hbm>>
        %dma_start3A_223 = arith.constant 0 : i32
        %dma_start3A_224 = arith.constant 0 : i32
        %dma_start3A_225 = arith.constant 0 : i32
        %dma_start3A_226 = tpu.memref_slice %arg3[%add3A, %dma_start3A_223, %dma_start3A_224, %dma_start3A_225] : memref<32x5x25x80xi32, #tpu.memory_space<hbm>> -> memref<1x5x25x80xi32, #tpu.memory_space<hbm>>
        %dma_start3A_227 = tpu.memref_squeeze %dma_start3A_226 : memref<1x5x25x80xi32, #tpu.memory_space<hbm>> -> memref<5x25x80xi32, #tpu.memory_space<hbm>>
        %dma_start3A_228 = arith.constant 0 : i32
        %dma_start3A_229 = arith.constant 0 : i32
        %dma_start3A_230 = tpu.memref_slice %dma_start3A_227[%scan3A_14, %dma_start3A_228, %dma_start3A_229] : memref<5x25x80xi32, #tpu.memory_space<hbm>> -> memref<1x25x80xi32, #tpu.memory_space<hbm>>
        %dma_start3A_231 = tpu.memref_squeeze %dma_start3A_230 : memref<1x25x80xi32, #tpu.memory_space<hbm>> -> memref<25x80xi32, #tpu.memory_space<hbm>>
        tpu.enqueue_dma source(%dma_start3A_231 : memref<25x80xi32, #tpu.memory_space<hbm>>) target(%arg8 : memref<25x80xi32, #tpu.memory_space<vmem>>) target_semaphore(%run_scoped3A : memref<!tpu.dma_semaphore, #tpu.memory_space<semaphore_mem>>)
        %dma_wait3A_232 = arith.constant 0 : i32
        %dma_wait3A_233 = arith.constant 0 : i32
        %dma_wait3A_234 = arith.constant 0 : i32
        %dma_wait3A_235 = tpu.memref_slice %arg3[%add3A, %dma_wait3A_232, %dma_wait3A_233, %dma_wait3A_234] : memref<32x5x25x80xi32, #tpu.memory_space<hbm>> -> memref<1x5x25x80xi32, #tpu.memory_space<hbm>>
        %dma_wait3A_236 = tpu.memref_squeeze %dma_wait3A_235 : memref<1x5x25x80xi32, #tpu.memory_space<hbm>> -> memref<5x25x80xi32, #tpu.memory_space<hbm>>
        %dma_wait3A_237 = arith.constant 0 : i32
        %dma_wait3A_238 = arith.constant 0 : i32
        %dma_wait3A_239 = tpu.memref_slice %dma_wait3A_236[%scan3A_14, %dma_wait3A_237, %dma_wait3A_238] : memref<5x25x80xi32, #tpu.memory_space<hbm>> -> memref<1x25x80xi32, #tpu.memory_space<hbm>>
        %dma_wait3A_240 = tpu.memref_squeeze %dma_wait3A_239 : memref<1x25x80xi32, #tpu.memory_space<hbm>> -> memref<25x80xi32, #tpu.memory_space<hbm>>
        %dma_wait3A_241 = arith.constant 0 : i32
        %dma_wait3A_242 = arith.constant 0 : i32
        %dma_wait3A_243 = arith.constant 0 : i32
        %dma_wait3A_244 = tpu.memref_slice %arg3[%add3A, %dma_wait3A_241, %dma_wait3A_242, %dma_wait3A_243] : memref<32x5x25x80xi32, #tpu.memory_space<hbm>> -> memref<1x5x25x80xi32, #tpu.memory_space<hbm>>
        %dma_wait3A_245 = tpu.memref_squeeze %dma_wait3A_244 : memref<1x5x25x80xi32, #tpu.memory_space<hbm>> -> memref<5x25x80xi32, #tpu.memory_space<hbm>>
        %dma_wait3A_246 = arith.constant 0 : i32
        %dma_wait3A_247 = arith.constant 0 : i32
        %dma_wait3A_248 = tpu.memref_slice %dma_wait3A_245[%scan3A_14, %dma_wait3A_246, %dma_wait3A_247] : memref<5x25x80xi32, #tpu.memory_space<hbm>> -> memref<1x25x80xi32, #tpu.memory_space<hbm>>
        %dma_wait3A_249 = tpu.memref_squeeze %dma_wait3A_248 : memref<1x25x80xi32, #tpu.memory_space<hbm>> -> memref<25x80xi32, #tpu.memory_space<hbm>>
        tpu.wait_dma2 semaphore(%run_scoped3A : memref<!tpu.dma_semaphore, #tpu.memory_space<semaphore_mem>>) src(%dma_wait3A_249 : memref<25x80xi32, #tpu.memory_space<hbm>>) dst(%arg8 : memref<25x80xi32, #tpu.memory_space<vmem>>)
        tpu.yield
      }) : () -> ()
      "tpu.region"() ({
        %run_scoped3A = tpu.sem_alloc : memref<!tpu.dma_semaphore, #tpu.memory_space<semaphore_mem>>
        %dma_start3A_214 = arith.constant 0 : i32
        %dma_start3A_215 = arith.constant 0 : i32
        %dma_start3A_216 = arith.constant 0 : i32
        %dma_start3A_217 = tpu.memref_slice %arg4[%add3A, %dma_start3A_214, %dma_start3A_215, %dma_start3A_216] : memref<32x5x25x80xi32, #tpu.memory_space<hbm>> -> memref<1x5x25x80xi32, #tpu.memory_space<hbm>>
        %dma_start3A_218 = tpu.memref_squeeze %dma_start3A_217 : memref<1x5x25x80xi32, #tpu.memory_space<hbm>> -> memref<5x25x80xi32, #tpu.memory_space<hbm>>
        %dma_start3A_219 = arith.constant 0 : i32
        %dma_start3A_220 = arith.constant 0 : i32
        %dma_start3A_221 = tpu.memref_slice %dma_start3A_218[%scan3A_14, %dma_start3A_219, %dma_start3A_220] : memref<5x25x80xi32, #tpu.memory_space<hbm>> -> memref<1x25x80xi32, #tpu.memory_space<hbm>>
        %dma_start3A_222 = tpu.memref_squeeze %dma_start3A_221 : memref<1x25x80xi32, #tpu.memory_space<hbm>> -> memref<25x80xi32, #tpu.memory_space<hbm>>
        %dma_start3A_223 = arith.constant 0 : i32
        %dma_start3A_224 = arith.constant 0 : i32
        %dma_start3A_225 = arith.constant 0 : i32
        %dma_start3A_226 = tpu.memref_slice %arg4[%add3A, %dma_start3A_223, %dma_start3A_224, %dma_start3A_225] : memref<32x5x25x80xi32, #tpu.memory_space<hbm>> -> memref<1x5x25x80xi32, #tpu.memory_space<hbm>>
        %dma_start3A_227 = tpu.memref_squeeze %dma_start3A_226 : memref<1x5x25x80xi32, #tpu.memory_space<hbm>> -> memref<5x25x80xi32, #tpu.memory_space<hbm>>
        %dma_start3A_228 = arith.constant 0 : i32
        %dma_start3A_229 = arith.constant 0 : i32
        %dma_start3A_230 = tpu.memref_slice %dma_start3A_227[%scan3A_14, %dma_start3A_228, %dma_start3A_229] : memref<5x25x80xi32, #tpu.memory_space<hbm>> -> memref<1x25x80xi32, #tpu.memory_space<hbm>>
        %dma_start3A_231 = tpu.memref_squeeze %dma_start3A_230 : memref<1x25x80xi32, #tpu.memory_space<hbm>> -> memref<25x80xi32, #tpu.memory_space<hbm>>
        tpu.enqueue_dma source(%dma_start3A_231 : memref<25x80xi32, #tpu.memory_space<hbm>>) target(%arg9 : memref<25x80xi32, #tpu.memory_space<vmem>>) target_semaphore(%run_scoped3A : memref<!tpu.dma_semaphore, #tpu.memory_space<semaphore_mem>>)
        %dma_wait3A_232 = arith.constant 0 : i32
        %dma_wait3A_233 = arith.constant 0 : i32
        %dma_wait3A_234 = arith.constant 0 : i32
        %dma_wait3A_235 = tpu.memref_slice %arg4[%add3A, %dma_wait3A_232, %dma_wait3A_233, %dma_wait3A_234] : memref<32x5x25x80xi32, #tpu.memory_space<hbm>> -> memref<1x5x25x80xi32, #tpu.memory_space<hbm>>
        %dma_wait3A_236 = tpu.memref_squeeze %dma_wait3A_235 : memref<1x5x25x80xi32, #tpu.memory_space<hbm>> -> memref<5x25x80xi32, #tpu.memory_space<hbm>>
        %dma_wait3A_237 = arith.constant 0 : i32
        %dma_wait3A_238 = arith.constant 0 : i32
        %dma_wait3A_239 = tpu.memref_slice %dma_wait3A_236[%scan3A_14, %dma_wait3A_237, %dma_wait3A_238] : memref<5x25x80xi32, #tpu.memory_space<hbm>> -> memref<1x25x80xi32, #tpu.memory_space<hbm>>
        %dma_wait3A_240 = tpu.memref_squeeze %dma_wait3A_239 : memref<1x25x80xi32, #tpu.memory_space<hbm>> -> memref<25x80xi32, #tpu.memory_space<hbm>>
        %dma_wait3A_241 = arith.constant 0 : i32
        %dma_wait3A_242 = arith.constant 0 : i32
        %dma_wait3A_243 = arith.constant 0 : i32
        %dma_wait3A_244 = tpu.memref_slice %arg4[%add3A, %dma_wait3A_241, %dma_wait3A_242, %dma_wait3A_243] : memref<32x5x25x80xi32, #tpu.memory_space<hbm>> -> memref<1x5x25x80xi32, #tpu.memory_space<hbm>>
        %dma_wait3A_245 = tpu.memref_squeeze %dma_wait3A_244 : memref<1x5x25x80xi32, #tpu.memory_space<hbm>> -> memref<5x25x80xi32, #tpu.memory_space<hbm>>
        %dma_wait3A_246 = arith.constant 0 : i32
        %dma_wait3A_247 = arith.constant 0 : i32
        %dma_wait3A_248 = tpu.memref_slice %dma_wait3A_245[%scan3A_14, %dma_wait3A_246, %dma_wait3A_247] : memref<5x25x80xi32, #tpu.memory_space<hbm>> -> memref<1x25x80xi32, #tpu.memory_space<hbm>>
        %dma_wait3A_249 = tpu.memref_squeeze %dma_wait3A_248 : memref<1x25x80xi32, #tpu.memory_space<hbm>> -> memref<25x80xi32, #tpu.memory_space<hbm>>
        tpu.wait_dma2 semaphore(%run_scoped3A : memref<!tpu.dma_semaphore, #tpu.memory_space<semaphore_mem>>) src(%dma_wait3A_249 : memref<25x80xi32, #tpu.memory_space<hbm>>) dst(%arg9 : memref<25x80xi32, #tpu.memory_space<vmem>>)
        tpu.yield
      }) : () -> ()
      %dma_start3A = arith.constant 0 : i32
      %dma_start3A_15 = arith.constant 0 : i32
      %dma_start3A_16 = tpu.memref_slice %arg8[%dma_start3A, %dma_start3A_15] : memref<25x80xi32, #tpu.memory_space<vmem>> -> memref<1x80xi32, #tpu.memory_space<vmem>>
      %dma_start3A_17 = tpu.memref_squeeze %dma_start3A_16 : memref<1x80xi32, #tpu.memory_space<vmem>> -> memref<80xi32, #tpu.memory_space<vmem>>
      %dma_start3A_18 = arith.constant 0 : i32
      %dma_start3A_19 = arith.constant 0 : i32
      %dma_start3A_20 = tpu.memref_slice %arg2[%dma_start3A_18, %dma_start3A_19] : memref<10000x128xf32, #tpu.memory_space<hbm>> -> memref<10000x128xf32, #tpu.memory_space<hbm>>
      tpu.enqueue_indirect_dma source(%dma_start3A_20 : memref<10000x128xf32, #tpu.memory_space<hbm>>) target(%arg10 : memref<80x128xf32, #tpu.memory_space<vmem>>) offsets(%dma_start3A_17 : memref<80xi32, #tpu.memory_space<vmem>>) semaphore(%arg14 : memref<!tpu.dma_semaphore, #tpu.memory_space<semaphore_mem>>)
      %dma_start3A_21 = arith.constant 1 : i32
      %dma_start3A_22 = arith.constant 0 : i32
      %dma_start3A_23 = tpu.memref_slice %arg8[%dma_start3A_21, %dma_start3A_22] : memref<25x80xi32, #tpu.memory_space<vmem>> -> memref<1x80xi32, #tpu.memory_space<vmem>>
      %dma_start3A_24 = tpu.memref_squeeze %dma_start3A_23 : memref<1x80xi32, #tpu.memory_space<vmem>> -> memref<80xi32, #tpu.memory_space<vmem>>
      %dma_start3A_25 = arith.constant 0 : i32
      %dma_start3A_26 = arith.constant 0 : i32
      %dma_start3A_27 = tpu.memref_slice %arg2[%dma_start3A_25, %dma_start3A_26] : memref<10000x128xf32, #tpu.memory_space<hbm>> -> memref<10000x128xf32, #tpu.memory_space<hbm>>
      tpu.enqueue_indirect_dma source(%dma_start3A_27 : memref<10000x128xf32, #tpu.memory_space<hbm>>) target(%arg11 : memref<80x128xf32, #tpu.memory_space<vmem>>) offsets(%dma_start3A_24 : memref<80xi32, #tpu.memory_space<vmem>>) semaphore(%arg15 : memref<!tpu.dma_semaphore, #tpu.memory_space<semaphore_mem>>)
      %dma_wait3A = arith.constant 0 : i32
      %dma_wait3A_28 = arith.constant 0 : i32
      %dma_wait3A_29 = tpu.memref_slice %arg8[%dma_wait3A, %dma_wait3A_28] : memref<25x80xi32, #tpu.memory_space<vmem>> -> memref<1x80xi32, #tpu.memory_space<vmem>>
      %dma_wait3A_30 = tpu.memref_squeeze %dma_wait3A_29 : memref<1x80xi32, #tpu.memory_space<vmem>> -> memref<80xi32, #tpu.memory_space<vmem>>
      %dma_wait3A_31 = arith.constant 0 : i32
      %dma_wait3A_32 = arith.constant 0 : i32
      %dma_wait3A_33 = tpu.memref_slice %arg2[%dma_wait3A_31, %dma_wait3A_32] : memref<10000x128xf32, #tpu.memory_space<hbm>> -> memref<10000x128xf32, #tpu.memory_space<hbm>>
      tpu.wait_indirect_dma semaphore(%arg14 : memref<!tpu.dma_semaphore, #tpu.memory_space<semaphore_mem>>) src(%dma_wait3A_33 : memref<10000x128xf32, #tpu.memory_space<hbm>>) dst(%arg10 : memref<80x128xf32, #tpu.memory_space<vmem>>)
      %dma_start3A_34 = arith.constant 0 : i32
      %dma_start3A_35 = arith.constant 0 : i32
      %dma_start3A_36 = tpu.memref_slice %arg9[%dma_start3A_34, %dma_start3A_35] : memref<25x80xi32, #tpu.memory_space<vmem>> -> memref<1x80xi32, #tpu.memory_space<vmem>>
      %dma_start3A_37 = tpu.memref_squeeze %dma_start3A_36 : memref<1x80xi32, #tpu.memory_space<vmem>> -> memref<80xi32, #tpu.memory_space<vmem>>
      %dma_start3A_38 = arith.constant 0 : i32
      %dma_start3A_39 = arith.constant 0 : i32
      %dma_start3A_40 = tpu.memref_slice %arg13[%dma_start3A_38, %dma_start3A_39] : memref<10240x128xf32, #tpu.memory_space<vmem_shared>> -> memref<10240x128xf32, #tpu.memory_space<vmem_shared>>
      tpu.enqueue_indirect_dma source(%arg10 : memref<80x128xf32, #tpu.memory_space<vmem>>) target(%dma_start3A_40 : memref<10240x128xf32, #tpu.memory_space<vmem_shared>>) offsets(%dma_start3A_37 : memref<80xi32, #tpu.memory_space<vmem>>) semaphore(%arg17 : memref<!tpu.dma_semaphore, #tpu.memory_space<semaphore_mem>>) {add = true}
      %dma_start3A_41 = arith.constant 2 : i32
      %dma_start3A_42 = arith.constant 0 : i32
      %dma_start3A_43 = tpu.memref_slice %arg8[%dma_start3A_41, %dma_start3A_42] : memref<25x80xi32, #tpu.memory_space<vmem>> -> memref<1x80xi32, #tpu.memory_space<vmem>>
      %dma_start3A_44 = tpu.memref_squeeze %dma_start3A_43 : memref<1x80xi32, #tpu.memory_space<vmem>> -> memref<80xi32, #tpu.memory_space<vmem>>
      %dma_start3A_45 = arith.constant 0 : i32
      %dma_start3A_46 = arith.constant 0 : i32
      %dma_start3A_47 = tpu.memref_slice %arg2[%dma_start3A_45, %dma_start3A_46] : memref<10000x128xf32, #tpu.memory_space<hbm>> -> memref<10000x128xf32, #tpu.memory_space<hbm>>
      tpu.enqueue_indirect_dma source(%dma_start3A_47 : memref<10000x128xf32, #tpu.memory_space<hbm>>) target(%arg12 : memref<80x128xf32, #tpu.memory_space<vmem>>) offsets(%dma_start3A_44 : memref<80xi32, #tpu.memory_space<vmem>>) semaphore(%arg16 : memref<!tpu.dma_semaphore, #tpu.memory_space<semaphore_mem>>)
      %dma_wait3A_48 = arith.constant 0 : i32
      %dma_wait3A_49 = arith.constant 0 : i32
      %dma_wait3A_50 = tpu.memref_slice %arg8[%dma_wait3A_48, %dma_wait3A_49] : memref<25x80xi32, #tpu.memory_space<vmem>> -> memref<1x80xi32, #tpu.memory_space<vmem>>
      %dma_wait3A_51 = tpu.memref_squeeze %dma_wait3A_50 : memref<1x80xi32, #tpu.memory_space<vmem>> -> memref<80xi32, #tpu.memory_space<vmem>>
      %dma_wait3A_52 = arith.constant 0 : i32
      %dma_wait3A_53 = arith.constant 0 : i32
      %dma_wait3A_54 = tpu.memref_slice %arg2[%dma_wait3A_52, %dma_wait3A_53] : memref<10000x128xf32, #tpu.memory_space<hbm>> -> memref<10000x128xf32, #tpu.memory_space<hbm>>
      tpu.wait_indirect_dma semaphore(%arg15 : memref<!tpu.dma_semaphore, #tpu.memory_space<semaphore_mem>>) src(%dma_wait3A_54 : memref<10000x128xf32, #tpu.memory_space<hbm>>) dst(%arg11 : memref<80x128xf32, #tpu.memory_space<vmem>>)
      %dma_start3A_55 = arith.constant 1 : i32
      %dma_start3A_56 = arith.constant 0 : i32
      %dma_start3A_57 = tpu.memref_slice %arg9[%dma_start3A_55, %dma_start3A_56] : memref<25x80xi32, #tpu.memory_space<vmem>> -> memref<1x80xi32, #tpu.memory_space<vmem>>
      %dma_start3A_58 = tpu.memref_squeeze %dma_start3A_57 : memref<1x80xi32, #tpu.memory_space<vmem>> -> memref<80xi32, #tpu.memory_space<vmem>>
      %dma_start3A_59 = arith.constant 0 : i32
      %dma_start3A_60 = arith.constant 0 : i32
      %dma_start3A_61 = tpu.memref_slice %arg13[%dma_start3A_59, %dma_start3A_60] : memref<10240x128xf32, #tpu.memory_space<vmem_shared>> -> memref<10240x128xf32, #tpu.memory_space<vmem_shared>>
      tpu.enqueue_indirect_dma source(%arg11 : memref<80x128xf32, #tpu.memory_space<vmem>>) target(%dma_start3A_61 : memref<10240x128xf32, #tpu.memory_space<vmem_shared>>) offsets(%dma_start3A_58 : memref<80xi32, #tpu.memory_space<vmem>>) semaphore(%arg18 : memref<!tpu.dma_semaphore, #tpu.memory_space<semaphore_mem>>) {add = true}
      %dma_wait3A_62 = arith.constant 0 : i32
      %dma_wait3A_63 = arith.constant 0 : i32
      %dma_wait3A_64 = tpu.memref_slice %arg9[%dma_wait3A_62, %dma_wait3A_63] : memref<25x80xi32, #tpu.memory_space<vmem>> -> memref<1x80xi32, #tpu.memory_space<vmem>>
      %dma_wait3A_65 = tpu.memref_squeeze %dma_wait3A_64 : memref<1x80xi32, #tpu.memory_space<vmem>> -> memref<80xi32, #tpu.memory_space<vmem>>
      %dma_wait3A_66 = arith.constant 0 : i32
      %dma_wait3A_67 = arith.constant 0 : i32
      %dma_wait3A_68 = tpu.memref_slice %arg13[%dma_wait3A_66, %dma_wait3A_67] : memref<10240x128xf32, #tpu.memory_space<vmem_shared>> -> memref<10240x128xf32, #tpu.memory_space<vmem_shared>>
      tpu.wait_indirect_dma semaphore(%arg17 : memref<!tpu.dma_semaphore, #tpu.memory_space<semaphore_mem>>) src(%arg10 : memref<80x128xf32, #tpu.memory_space<vmem>>) dst(%dma_wait3A_68 : memref<10240x128xf32, #tpu.memory_space<vmem_shared>>)
      %dma_start3A_69 = arith.constant 3 : i32
      %dma_start3A_70 = arith.constant 0 : i32
      %dma_start3A_71 = tpu.memref_slice %arg8[%dma_start3A_69, %dma_start3A_70] : memref<25x80xi32, #tpu.memory_space<vmem>> -> memref<1x80xi32, #tpu.memory_space<vmem>>
      %dma_start3A_72 = tpu.memref_squeeze %dma_start3A_71 : memref<1x80xi32, #tpu.memory_space<vmem>> -> memref<80xi32, #tpu.memory_space<vmem>>
      %dma_start3A_73 = arith.constant 0 : i32
      %dma_start3A_74 = arith.constant 0 : i32
      %dma_start3A_75 = tpu.memref_slice %arg2[%dma_start3A_73, %dma_start3A_74] : memref<10000x128xf32, #tpu.memory_space<hbm>> -> memref<10000x128xf32, #tpu.memory_space<hbm>>
      tpu.enqueue_indirect_dma source(%dma_start3A_75 : memref<10000x128xf32, #tpu.memory_space<hbm>>) target(%arg10 : memref<80x128xf32, #tpu.memory_space<vmem>>) offsets(%dma_start3A_72 : memref<80xi32, #tpu.memory_space<vmem>>) semaphore(%arg14 : memref<!tpu.dma_semaphore, #tpu.memory_space<semaphore_mem>>)
      %dma_wait3A_76 = arith.constant 0 : i32
      %dma_wait3A_77 = arith.constant 0 : i32
      %dma_wait3A_78 = tpu.memref_slice %arg8[%dma_wait3A_76, %dma_wait3A_77] : memref<25x80xi32, #tpu.memory_space<vmem>> -> memref<1x80xi32, #tpu.memory_space<vmem>>
      %dma_wait3A_79 = tpu.memref_squeeze %dma_wait3A_78 : memref<1x80xi32, #tpu.memory_space<vmem>> -> memref<80xi32, #tpu.memory_space<vmem>>
      %dma_wait3A_80 = arith.constant 0 : i32
      %dma_wait3A_81 = arith.constant 0 : i32
      %dma_wait3A_82 = tpu.memref_slice %arg2[%dma_wait3A_80, %dma_wait3A_81] : memref<10000x128xf32, #tpu.memory_space<hbm>> -> memref<10000x128xf32, #tpu.memory_space<hbm>>
      tpu.wait_indirect_dma semaphore(%arg16 : memref<!tpu.dma_semaphore, #tpu.memory_space<semaphore_mem>>) src(%dma_wait3A_82 : memref<10000x128xf32, #tpu.memory_space<hbm>>) dst(%arg12 : memref<80x128xf32, #tpu.memory_space<vmem>>)
      %dma_start3A_83 = arith.constant 2 : i32
      %dma_start3A_84 = arith.constant 0 : i32
      %dma_start3A_85 = tpu.memref_slice %arg9[%dma_start3A_83, %dma_start3A_84] : memref<25x80xi32, #tpu.memory_space<vmem>> -> memref<1x80xi32, #tpu.memory_space<vmem>>
      %dma_start3A_86 = tpu.memref_squeeze %dma_start3A_85 : memref<1x80xi32, #tpu.memory_space<vmem>> -> memref<80xi32, #tpu.memory_space<vmem>>
      %dma_start3A_87 = arith.constant 0 : i32
      %dma_start3A_88 = arith.constant 0 : i32
      %dma_start3A_89 = tpu.memref_slice %arg13[%dma_start3A_87, %dma_start3A_88] : memref<10240x128xf32, #tpu.memory_space<vmem_shared>> -> memref<10240x128xf32, #tpu.memory_space<vmem_shared>>
      tpu.enqueue_indirect_dma source(%arg12 : memref<80x128xf32, #tpu.memory_space<vmem>>) target(%dma_start3A_89 : memref<10240x128xf32, #tpu.memory_space<vmem_shared>>) offsets(%dma_start3A_86 : memref<80xi32, #tpu.memory_space<vmem>>) semaphore(%arg19 : memref<!tpu.dma_semaphore, #tpu.memory_space<semaphore_mem>>) {add = true}
      %dma_wait3A_90 = arith.constant 0 : i32
      %dma_wait3A_91 = arith.constant 0 : i32
      %dma_wait3A_92 = tpu.memref_slice %arg9[%dma_wait3A_90, %dma_wait3A_91] : memref<25x80xi32, #tpu.memory_space<vmem>> -> memref<1x80xi32, #tpu.memory_space<vmem>>
      %dma_wait3A_93 = tpu.memref_squeeze %dma_wait3A_92 : memref<1x80xi32, #tpu.memory_space<vmem>> -> memref<80xi32, #tpu.memory_space<vmem>>
      %dma_wait3A_94 = arith.constant 0 : i32
      %dma_wait3A_95 = arith.constant 0 : i32
      %dma_wait3A_96 = tpu.memref_slice %arg13[%dma_wait3A_94, %dma_wait3A_95] : memref<10240x128xf32, #tpu.memory_space<vmem_shared>> -> memref<10240x128xf32, #tpu.memory_space<vmem_shared>>
      tpu.wait_indirect_dma semaphore(%arg18 : memref<!tpu.dma_semaphore, #tpu.memory_space<semaphore_mem>>) src(%arg11 : memref<80x128xf32, #tpu.memory_space<vmem>>) dst(%dma_wait3A_96 : memref<10240x128xf32, #tpu.memory_space<vmem_shared>>)
      %dma_start3A_97 = arith.constant 4 : i32
      %dma_start3A_98 = arith.constant 0 : i32
      %dma_start3A_99 = tpu.memref_slice %arg8[%dma_start3A_97, %dma_start3A_98] : memref<25x80xi32, #tpu.memory_space<vmem>> -> memref<1x80xi32, #tpu.memory_space<vmem>>
      %dma_start3A_100 = tpu.memref_squeeze %dma_start3A_99 : memref<1x80xi32, #tpu.memory_space<vmem>> -> memref<80xi32, #tpu.memory_space<vmem>>
      %dma_start3A_101 = arith.constant 0 : i32
      %dma_start3A_102 = arith.constant 0 : i32
      %dma_start3A_103 = tpu.memref_slice %arg2[%dma_start3A_101, %dma_start3A_102] : memref<10000x128xf32, #tpu.memory_space<hbm>> -> memref<10000x128xf32, #tpu.memory_space<hbm>>
      tpu.enqueue_indirect_dma source(%dma_start3A_103 : memref<10000x128xf32, #tpu.memory_space<hbm>>) target(%arg11 : memref<80x128xf32, #tpu.memory_space<vmem>>) offsets(%dma_start3A_100 : memref<80xi32, #tpu.memory_space<vmem>>) semaphore(%arg15 : memref<!tpu.dma_semaphore, #tpu.memory_space<semaphore_mem>>)
      %scan3A_104 = arith.constant 1 : i32
      %scan3A_105 = arith.constant 6 : i32
      %scan3A_106 = arith.addi %scan3A_104, %scan3A_105 : i32
      %scan3A_107 = arith.constant 1 : i32
      scf.for %scan3A_214 = %scan3A_104 to %scan3A_106 step %scan3A_107  : i32 {
        %mul3A_215 = arith.constant 3 : i32
        %mul3A_216 = arith.muli %mul3A_215, %scan3A_214 : i32
        %dma_wait3A_217 = arith.constant 0 : i32
        %dma_wait3A_218 = arith.constant 0 : i32
        %dma_wait3A_219 = tpu.memref_slice %arg8[%dma_wait3A_217, %dma_wait3A_218] : memref<25x80xi32, #tpu.memory_space<vmem>> -> memref<1x80xi32, #tpu.memory_space<vmem>>
        %dma_wait3A_220 = tpu.memref_squeeze %dma_wait3A_219 : memref<1x80xi32, #tpu.memory_space<vmem>> -> memref<80xi32, #tpu.memory_space<vmem>>
        %dma_wait3A_221 = arith.constant 0 : i32
        %dma_wait3A_222 = arith.constant 0 : i32
        %dma_wait3A_223 = tpu.memref_slice %arg2[%dma_wait3A_221, %dma_wait3A_222] : memref<10000x128xf32, #tpu.memory_space<hbm>> -> memref<10000x128xf32, #tpu.memory_space<hbm>>
        tpu.wait_indirect_dma semaphore(%arg14 : memref<!tpu.dma_semaphore, #tpu.memory_space<semaphore_mem>>) src(%dma_wait3A_223 : memref<10000x128xf32, #tpu.memory_space<hbm>>) dst(%arg10 : memref<80x128xf32, #tpu.memory_space<vmem>>)
        %dma_start3A_224 = arith.constant 0 : i32
        %dma_start3A_225 = tpu.memref_slice %arg9[%mul3A_216, %dma_start3A_224] : memref<25x80xi32, #tpu.memory_space<vmem>> -> memref<1x80xi32, #tpu.memory_space<vmem>>
        %dma_start3A_226 = tpu.memref_squeeze %dma_start3A_225 : memref<1x80xi32, #tpu.memory_space<vmem>> -> memref<80xi32, #tpu.memory_space<vmem>>
        %dma_start3A_227 = arith.constant 0 : i32
        %dma_start3A_228 = arith.constant 0 : i32
        %dma_start3A_229 = tpu.memref_slice %arg13[%dma_start3A_227, %dma_start3A_228] : memref<10240x128xf32, #tpu.memory_space<vmem_shared>> -> memref<10240x128xf32, #tpu.memory_space<vmem_shared>>
        tpu.enqueue_indirect_dma source(%arg10 : memref<80x128xf32, #tpu.memory_space<vmem>>) target(%dma_start3A_229 : memref<10240x128xf32, #tpu.memory_space<vmem_shared>>) offsets(%dma_start3A_226 : memref<80xi32, #tpu.memory_space<vmem>>) semaphore(%arg17 : memref<!tpu.dma_semaphore, #tpu.memory_space<semaphore_mem>>) {add = true}
        %dma_wait3A_230 = arith.constant 0 : i32
        %dma_wait3A_231 = arith.constant 0 : i32
        %dma_wait3A_232 = tpu.memref_slice %arg9[%dma_wait3A_230, %dma_wait3A_231] : memref<25x80xi32, #tpu.memory_space<vmem>> -> memref<1x80xi32, #tpu.memory_space<vmem>>
        %dma_wait3A_233 = tpu.memref_squeeze %dma_wait3A_232 : memref<1x80xi32, #tpu.memory_space<vmem>> -> memref<80xi32, #tpu.memory_space<vmem>>
        %dma_wait3A_234 = arith.constant 0 : i32
        %dma_wait3A_235 = arith.constant 0 : i32
        %dma_wait3A_236 = tpu.memref_slice %arg13[%dma_wait3A_234, %dma_wait3A_235] : memref<10240x128xf32, #tpu.memory_space<vmem_shared>> -> memref<10240x128xf32, #tpu.memory_space<vmem_shared>>
        tpu.wait_indirect_dma semaphore(%arg19 : memref<!tpu.dma_semaphore, #tpu.memory_space<semaphore_mem>>) src(%arg12 : memref<80x128xf32, #tpu.memory_space<vmem>>) dst(%dma_wait3A_236 : memref<10240x128xf32, #tpu.memory_space<vmem_shared>>)
        %add3A_237 = arith.constant 2 : i32
        %add3A_238 = arith.addi %mul3A_216, %add3A_237 : i32
        %dma_start3A_239 = arith.constant 0 : i32
        %dma_start3A_240 = tpu.memref_slice %arg8[%add3A_238, %dma_start3A_239] : memref<25x80xi32, #tpu.memory_space<vmem>> -> memref<1x80xi32, #tpu.memory_space<vmem>>
        %dma_start3A_241 = tpu.memref_squeeze %dma_start3A_240 : memref<1x80xi32, #tpu.memory_space<vmem>> -> memref<80xi32, #tpu.memory_space<vmem>>
        %dma_start3A_242 = arith.constant 0 : i32
        %dma_start3A_243 = arith.constant 0 : i32
        %dma_start3A_244 = tpu.memref_slice %arg2[%dma_start3A_242, %dma_start3A_243] : memref<10000x128xf32, #tpu.memory_space<hbm>> -> memref<10000x128xf32, #tpu.memory_space<hbm>>
        tpu.enqueue_indirect_dma source(%dma_start3A_244 : memref<10000x128xf32, #tpu.memory_space<hbm>>) target(%arg12 : memref<80x128xf32, #tpu.memory_space<vmem>>) offsets(%dma_start3A_241 : memref<80xi32, #tpu.memory_space<vmem>>) semaphore(%arg16 : memref<!tpu.dma_semaphore, #tpu.memory_space<semaphore_mem>>)
        %dma_wait3A_245 = arith.constant 0 : i32
        %dma_wait3A_246 = arith.constant 0 : i32
        %dma_wait3A_247 = tpu.memref_slice %arg8[%dma_wait3A_245, %dma_wait3A_246] : memref<25x80xi32, #tpu.memory_space<vmem>> -> memref<1x80xi32, #tpu.memory_space<vmem>>
        %dma_wait3A_248 = tpu.memref_squeeze %dma_wait3A_247 : memref<1x80xi32, #tpu.memory_space<vmem>> -> memref<80xi32, #tpu.memory_space<vmem>>
        %dma_wait3A_249 = arith.constant 0 : i32
        %dma_wait3A_250 = arith.constant 0 : i32
        %dma_wait3A_251 = tpu.memref_slice %arg2[%dma_wait3A_249, %dma_wait3A_250] : memref<10000x128xf32, #tpu.memory_space<hbm>> -> memref<10000x128xf32, #tpu.memory_space<hbm>>
        tpu.wait_indirect_dma semaphore(%arg15 : memref<!tpu.dma_semaphore, #tpu.memory_space<semaphore_mem>>) src(%dma_wait3A_251 : memref<10000x128xf32, #tpu.memory_space<hbm>>) dst(%arg11 : memref<80x128xf32, #tpu.memory_space<vmem>>)
        %add3A_252 = arith.constant 1 : i32
        %add3A_253 = arith.addi %mul3A_216, %add3A_252 : i32
        %dma_start3A_254 = arith.constant 0 : i32
        %dma_start3A_255 = tpu.memref_slice %arg9[%add3A_253, %dma_start3A_254] : memref<25x80xi32, #tpu.memory_space<vmem>> -> memref<1x80xi32, #tpu.memory_space<vmem>>
        %dma_start3A_256 = tpu.memref_squeeze %dma_start3A_255 : memref<1x80xi32, #tpu.memory_space<vmem>> -> memref<80xi32, #tpu.memory_space<vmem>>
        %dma_start3A_257 = arith.constant 0 : i32
        %dma_start3A_258 = arith.constant 0 : i32
        %dma_start3A_259 = tpu.memref_slice %arg13[%dma_start3A_257, %dma_start3A_258] : memref<10240x128xf32, #tpu.memory_space<vmem_shared>> -> memref<10240x128xf32, #tpu.memory_space<vmem_shared>>
        tpu.enqueue_indirect_dma source(%arg11 : memref<80x128xf32, #tpu.memory_space<vmem>>) target(%dma_start3A_259 : memref<10240x128xf32, #tpu.memory_space<vmem_shared>>) offsets(%dma_start3A_256 : memref<80xi32, #tpu.memory_space<vmem>>) semaphore(%arg18 : memref<!tpu.dma_semaphore, #tpu.memory_space<semaphore_mem>>) {add = true}
        %dma_wait3A_260 = arith.constant 0 : i32
        %dma_wait3A_261 = arith.constant 0 : i32
        %dma_wait3A_262 = tpu.memref_slice %arg9[%dma_wait3A_260, %dma_wait3A_261] : memref<25x80xi32, #tpu.memory_space<vmem>> -> memref<1x80xi32, #tpu.memory_space<vmem>>
        %dma_wait3A_263 = tpu.memref_squeeze %dma_wait3A_262 : memref<1x80xi32, #tpu.memory_space<vmem>> -> memref<80xi32, #tpu.memory_space<vmem>>
        %dma_wait3A_264 = arith.constant 0 : i32
        %dma_wait3A_265 = arith.constant 0 : i32
        %dma_wait3A_266 = tpu.memref_slice %arg13[%dma_wait3A_264, %dma_wait3A_265] : memref<10240x128xf32, #tpu.memory_space<vmem_shared>> -> memref<10240x128xf32, #tpu.memory_space<vmem_shared>>
        tpu.wait_indirect_dma semaphore(%arg17 : memref<!tpu.dma_semaphore, #tpu.memory_space<semaphore_mem>>) src(%arg10 : memref<80x128xf32, #tpu.memory_space<vmem>>) dst(%dma_wait3A_266 : memref<10240x128xf32, #tpu.memory_space<vmem_shared>>)
        %add3A_267 = arith.constant 3 : i32
        %add3A_268 = arith.addi %mul3A_216, %add3A_267 : i32
        %dma_start3A_269 = arith.constant 0 : i32
        %dma_start3A_270 = tpu.memref_slice %arg8[%add3A_268, %dma_start3A_269] : memref<25x80xi32, #tpu.memory_space<vmem>> -> memref<1x80xi32, #tpu.memory_space<vmem>>
        %dma_start3A_271 = tpu.memref_squeeze %dma_start3A_270 : memref<1x80xi32, #tpu.memory_space<vmem>> -> memref<80xi32, #tpu.memory_space<vmem>>
        %dma_start3A_272 = arith.constant 0 : i32
        %dma_start3A_273 = arith.constant 0 : i32
        %dma_start3A_274 = tpu.memref_slice %arg2[%dma_start3A_272, %dma_start3A_273] : memref<10000x128xf32, #tpu.memory_space<hbm>> -> memref<10000x128xf32, #tpu.memory_space<hbm>>
        tpu.enqueue_indirect_dma source(%dma_start3A_274 : memref<10000x128xf32, #tpu.memory_space<hbm>>) target(%arg10 : memref<80x128xf32, #tpu.memory_space<vmem>>) offsets(%dma_start3A_271 : memref<80xi32, #tpu.memory_space<vmem>>) semaphore(%arg14 : memref<!tpu.dma_semaphore, #tpu.memory_space<semaphore_mem>>)
        %dma_wait3A_275 = arith.constant 0 : i32
        %dma_wait3A_276 = arith.constant 0 : i32
        %dma_wait3A_277 = tpu.memref_slice %arg8[%dma_wait3A_275, %dma_wait3A_276] : memref<25x80xi32, #tpu.memory_space<vmem>> -> memref<1x80xi32, #tpu.memory_space<vmem>>
        %dma_wait3A_278 = tpu.memref_squeeze %dma_wait3A_277 : memref<1x80xi32, #tpu.memory_space<vmem>> -> memref<80xi32, #tpu.memory_space<vmem>>
        %dma_wait3A_279 = arith.constant 0 : i32
        %dma_wait3A_280 = arith.constant 0 : i32
        %dma_wait3A_281 = tpu.memref_slice %arg2[%dma_wait3A_279, %dma_wait3A_280] : memref<10000x128xf32, #tpu.memory_space<hbm>> -> memref<10000x128xf32, #tpu.memory_space<hbm>>
        tpu.wait_indirect_dma semaphore(%arg16 : memref<!tpu.dma_semaphore, #tpu.memory_space<semaphore_mem>>) src(%dma_wait3A_281 : memref<10000x128xf32, #tpu.memory_space<hbm>>) dst(%arg12 : memref<80x128xf32, #tpu.memory_space<vmem>>)
        %add3A_282 = arith.constant 2 : i32
        %add3A_283 = arith.addi %mul3A_216, %add3A_282 : i32
        %dma_start3A_284 = arith.constant 0 : i32
        %dma_start3A_285 = tpu.memref_slice %arg9[%add3A_283, %dma_start3A_284] : memref<25x80xi32, #tpu.memory_space<vmem>> -> memref<1x80xi32, #tpu.memory_space<vmem>>
        %dma_start3A_286 = tpu.memref_squeeze %dma_start3A_285 : memref<1x80xi32, #tpu.memory_space<vmem>> -> memref<80xi32, #tpu.memory_space<vmem>>
        %dma_start3A_287 = arith.constant 0 : i32
        %dma_start3A_288 = arith.constant 0 : i32
        %dma_start3A_289 = tpu.memref_slice %arg13[%dma_start3A_287, %dma_start3A_288] : memref<10240x128xf32, #tpu.memory_space<vmem_shared>> -> memref<10240x128xf32, #tpu.memory_space<vmem_shared>>
        tpu.enqueue_indirect_dma source(%arg12 : memref<80x128xf32, #tpu.memory_space<vmem>>) target(%dma_start3A_289 : memref<10240x128xf32, #tpu.memory_space<vmem_shared>>) offsets(%dma_start3A_286 : memref<80xi32, #tpu.memory_space<vmem>>) semaphore(%arg19 : memref<!tpu.dma_semaphore, #tpu.memory_space<semaphore_mem>>) {add = true}
        %dma_wait3A_290 = arith.constant 0 : i32
        %dma_wait3A_291 = arith.constant 0 : i32
        %dma_wait3A_292 = tpu.memref_slice %arg9[%dma_wait3A_290, %dma_wait3A_291] : memref<25x80xi32, #tpu.memory_space<vmem>> -> memref<1x80xi32, #tpu.memory_space<vmem>>
        %dma_wait3A_293 = tpu.memref_squeeze %dma_wait3A_292 : memref<1x80xi32, #tpu.memory_space<vmem>> -> memref<80xi32, #tpu.memory_space<vmem>>
        %dma_wait3A_294 = arith.constant 0 : i32
        %dma_wait3A_295 = arith.constant 0 : i32
        %dma_wait3A_296 = tpu.memref_slice %arg13[%dma_wait3A_294, %dma_wait3A_295] : memref<10240x128xf32, #tpu.memory_space<vmem_shared>> -> memref<10240x128xf32, #tpu.memory_space<vmem_shared>>
        tpu.wait_indirect_dma semaphore(%arg18 : memref<!tpu.dma_semaphore, #tpu.memory_space<semaphore_mem>>) src(%arg11 : memref<80x128xf32, #tpu.memory_space<vmem>>) dst(%dma_wait3A_296 : memref<10240x128xf32, #tpu.memory_space<vmem_shared>>)
        %add3A_297 = arith.constant 4 : i32
        %add3A_298 = arith.addi %mul3A_216, %add3A_297 : i32
        %dma_start3A_299 = arith.constant 0 : i32
        %dma_start3A_300 = tpu.memref_slice %arg8[%add3A_298, %dma_start3A_299] : memref<25x80xi32, #tpu.memory_space<vmem>> -> memref<1x80xi32, #tpu.memory_space<vmem>>
        %dma_start3A_301 = tpu.memref_squeeze %dma_start3A_300 : memref<1x80xi32, #tpu.memory_space<vmem>> -> memref<80xi32, #tpu.memory_space<vmem>>
        %dma_start3A_302 = arith.constant 0 : i32
        %dma_start3A_303 = arith.constant 0 : i32
        %dma_start3A_304 = tpu.memref_slice %arg2[%dma_start3A_302, %dma_start3A_303] : memref<10000x128xf32, #tpu.memory_space<hbm>> -> memref<10000x128xf32, #tpu.memory_space<hbm>>
        tpu.enqueue_indirect_dma source(%dma_start3A_304 : memref<10000x128xf32, #tpu.memory_space<hbm>>) target(%arg11 : memref<80x128xf32, #tpu.memory_space<vmem>>) offsets(%dma_start3A_301 : memref<80xi32, #tpu.memory_space<vmem>>) semaphore(%arg15 : memref<!tpu.dma_semaphore, #tpu.memory_space<semaphore_mem>>)
      }
      %scan3A_108 = arith.constant 6 : i32
      %dma_wait3A_109 = arith.constant 0 : i32
      %dma_wait3A_110 = arith.constant 0 : i32
      %dma_wait3A_111 = tpu.memref_slice %arg8[%dma_wait3A_109, %dma_wait3A_110] : memref<25x80xi32, #tpu.memory_space<vmem>> -> memref<1x80xi32, #tpu.memory_space<vmem>>
      %dma_wait3A_112 = tpu.memref_squeeze %dma_wait3A_111 : memref<1x80xi32, #tpu.memory_space<vmem>> -> memref<80xi32, #tpu.memory_space<vmem>>
      %dma_wait3A_113 = arith.constant 0 : i32
      %dma_wait3A_114 = arith.constant 0 : i32
      %dma_wait3A_115 = tpu.memref_slice %arg2[%dma_wait3A_113, %dma_wait3A_114] : memref<10000x128xf32, #tpu.memory_space<hbm>> -> memref<10000x128xf32, #tpu.memory_space<hbm>>
      tpu.wait_indirect_dma semaphore(%arg14 : memref<!tpu.dma_semaphore, #tpu.memory_space<semaphore_mem>>) src(%dma_wait3A_115 : memref<10000x128xf32, #tpu.memory_space<hbm>>) dst(%arg10 : memref<80x128xf32, #tpu.memory_space<vmem>>)
      %dma_start3A_116 = arith.constant 21 : i32
      %dma_start3A_117 = arith.constant 0 : i32
      %dma_start3A_118 = tpu.memref_slice %arg9[%dma_start3A_116, %dma_start3A_117] : memref<25x80xi32, #tpu.memory_space<vmem>> -> memref<1x80xi32, #tpu.memory_space<vmem>>
      %dma_start3A_119 = tpu.memref_squeeze %dma_start3A_118 : memref<1x80xi32, #tpu.memory_space<vmem>> -> memref<80xi32, #tpu.memory_space<vmem>>
      %dma_start3A_120 = arith.constant 0 : i32
      %dma_start3A_121 = arith.constant 0 : i32
      %dma_start3A_122 = tpu.memref_slice %arg13[%dma_start3A_120, %dma_start3A_121] : memref<10240x128xf32, #tpu.memory_space<vmem_shared>> -> memref<10240x128xf32, #tpu.memory_space<vmem_shared>>
      tpu.enqueue_indirect_dma source(%arg10 : memref<80x128xf32, #tpu.memory_space<vmem>>) target(%dma_start3A_122 : memref<10240x128xf32, #tpu.memory_space<vmem_shared>>) offsets(%dma_start3A_119 : memref<80xi32, #tpu.memory_space<vmem>>) semaphore(%arg17 : memref<!tpu.dma_semaphore, #tpu.memory_space<semaphore_mem>>) {add = true}
      %dma_wait3A_123 = arith.constant 0 : i32
      %dma_wait3A_124 = arith.constant 0 : i32
      %dma_wait3A_125 = tpu.memref_slice %arg9[%dma_wait3A_123, %dma_wait3A_124] : memref<25x80xi32, #tpu.memory_space<vmem>> -> memref<1x80xi32, #tpu.memory_space<vmem>>
      %dma_wait3A_126 = tpu.memref_squeeze %dma_wait3A_125 : memref<1x80xi32, #tpu.memory_space<vmem>> -> memref<80xi32, #tpu.memory_space<vmem>>
      %dma_wait3A_127 = arith.constant 0 : i32
      %dma_wait3A_128 = arith.constant 0 : i32
      %dma_wait3A_129 = tpu.memref_slice %arg13[%dma_wait3A_127, %dma_wait3A_128] : memref<10240x128xf32, #tpu.memory_space<vmem_shared>> -> memref<10240x128xf32, #tpu.memory_space<vmem_shared>>
      tpu.wait_indirect_dma semaphore(%arg19 : memref<!tpu.dma_semaphore, #tpu.memory_space<semaphore_mem>>) src(%arg12 : memref<80x128xf32, #tpu.memory_space<vmem>>) dst(%dma_wait3A_129 : memref<10240x128xf32, #tpu.memory_space<vmem_shared>>)
      %dma_start3A_130 = arith.constant 23 : i32
      %dma_start3A_131 = arith.constant 0 : i32
      %dma_start3A_132 = tpu.memref_slice %arg8[%dma_start3A_130, %dma_start3A_131] : memref<25x80xi32, #tpu.memory_space<vmem>> -> memref<1x80xi32, #tpu.memory_space<vmem>>
      %dma_start3A_133 = tpu.memref_squeeze %dma_start3A_132 : memref<1x80xi32, #tpu.memory_space<vmem>> -> memref<80xi32, #tpu.memory_space<vmem>>
      %dma_start3A_134 = arith.constant 0 : i32
      %dma_start3A_135 = arith.constant 0 : i32
      %dma_start3A_136 = tpu.memref_slice %arg2[%dma_start3A_134, %dma_start3A_135] : memref<10000x128xf32, #tpu.memory_space<hbm>> -> memref<10000x128xf32, #tpu.memory_space<hbm>>
      tpu.enqueue_indirect_dma source(%dma_start3A_136 : memref<10000x128xf32, #tpu.memory_space<hbm>>) target(%arg12 : memref<80x128xf32, #tpu.memory_space<vmem>>) offsets(%dma_start3A_133 : memref<80xi32, #tpu.memory_space<vmem>>) semaphore(%arg16 : memref<!tpu.dma_semaphore, #tpu.memory_space<semaphore_mem>>)
      %dma_wait3A_137 = arith.constant 0 : i32
      %dma_wait3A_138 = arith.constant 0 : i32
      %dma_wait3A_139 = tpu.memref_slice %arg8[%dma_wait3A_137, %dma_wait3A_138] : memref<25x80xi32, #tpu.memory_space<vmem>> -> memref<1x80xi32, #tpu.memory_space<vmem>>
      %dma_wait3A_140 = tpu.memref_squeeze %dma_wait3A_139 : memref<1x80xi32, #tpu.memory_space<vmem>> -> memref<80xi32, #tpu.memory_space<vmem>>
      %dma_wait3A_141 = arith.constant 0 : i32
      %dma_wait3A_142 = arith.constant 0 : i32
      %dma_wait3A_143 = tpu.memref_slice %arg2[%dma_wait3A_141, %dma_wait3A_142] : memref<10000x128xf32, #tpu.memory_space<hbm>> -> memref<10000x128xf32, #tpu.memory_space<hbm>>
      tpu.wait_indirect_dma semaphore(%arg15 : memref<!tpu.dma_semaphore, #tpu.memory_space<semaphore_mem>>) src(%dma_wait3A_143 : memref<10000x128xf32, #tpu.memory_space<hbm>>) dst(%arg11 : memref<80x128xf32, #tpu.memory_space<vmem>>)
      %dma_start3A_144 = arith.constant 22 : i32
      %dma_start3A_145 = arith.constant 0 : i32
      %dma_start3A_146 = tpu.memref_slice %arg9[%dma_start3A_144, %dma_start3A_145] : memref<25x80xi32, #tpu.memory_space<vmem>> -> memref<1x80xi32, #tpu.memory_space<vmem>>
      %dma_start3A_147 = tpu.memref_squeeze %dma_start3A_146 : memref<1x80xi32, #tpu.memory_space<vmem>> -> memref<80xi32, #tpu.memory_space<vmem>>
      %dma_start3A_148 = arith.constant 0 : i32
      %dma_start3A_149 = arith.constant 0 : i32
      %dma_start3A_150 = tpu.memref_slice %arg13[%dma_start3A_148, %dma_start3A_149] : memref<10240x128xf32, #tpu.memory_space<vmem_shared>> -> memref<10240x128xf32, #tpu.memory_space<vmem_shared>>
      tpu.enqueue_indirect_dma source(%arg11 : memref<80x128xf32, #tpu.memory_space<vmem>>) target(%dma_start3A_150 : memref<10240x128xf32, #tpu.memory_space<vmem_shared>>) offsets(%dma_start3A_147 : memref<80xi32, #tpu.memory_space<vmem>>) semaphore(%arg18 : memref<!tpu.dma_semaphore, #tpu.memory_space<semaphore_mem>>) {add = true}
      %dma_wait3A_151 = arith.constant 0 : i32
      %dma_wait3A_152 = arith.constant 0 : i32
      %dma_wait3A_153 = tpu.memref_slice %arg9[%dma_wait3A_151, %dma_wait3A_152] : memref<25x80xi32, #tpu.memory_space<vmem>> -> memref<1x80xi32, #tpu.memory_space<vmem>>
      %dma_wait3A_154 = tpu.memref_squeeze %dma_wait3A_153 : memref<1x80xi32, #tpu.memory_space<vmem>> -> memref<80xi32, #tpu.memory_space<vmem>>
      %dma_wait3A_155 = arith.constant 0 : i32
      %dma_wait3A_156 = arith.constant 0 : i32
      %dma_wait3A_157 = tpu.memref_slice %arg13[%dma_wait3A_155, %dma_wait3A_156] : memref<10240x128xf32, #tpu.memory_space<vmem_shared>> -> memref<10240x128xf32, #tpu.memory_space<vmem_shared>>
      tpu.wait_indirect_dma semaphore(%arg17 : memref<!tpu.dma_semaphore, #tpu.memory_space<semaphore_mem>>) src(%arg10 : memref<80x128xf32, #tpu.memory_space<vmem>>) dst(%dma_wait3A_157 : memref<10240x128xf32, #tpu.memory_space<vmem_shared>>)
      %dma_start3A_158 = arith.constant 24 : i32
      %dma_start3A_159 = arith.constant 0 : i32
      %dma_start3A_160 = tpu.memref_slice %arg8[%dma_start3A_158, %dma_start3A_159] : memref<25x80xi32, #tpu.memory_space<vmem>> -> memref<1x80xi32, #tpu.memory_space<vmem>>
      %dma_start3A_161 = tpu.memref_squeeze %dma_start3A_160 : memref<1x80xi32, #tpu.memory_space<vmem>> -> memref<80xi32, #tpu.memory_space<vmem>>
      %dma_start3A_162 = arith.constant 0 : i32
      %dma_start3A_163 = arith.constant 0 : i32
      %dma_start3A_164 = tpu.memref_slice %arg2[%dma_start3A_162, %dma_start3A_163] : memref<10000x128xf32, #tpu.memory_space<hbm>> -> memref<10000x128xf32, #tpu.memory_space<hbm>>
      tpu.enqueue_indirect_dma source(%dma_start3A_164 : memref<10000x128xf32, #tpu.memory_space<hbm>>) target(%arg10 : memref<80x128xf32, #tpu.memory_space<vmem>>) offsets(%dma_start3A_161 : memref<80xi32, #tpu.memory_space<vmem>>) semaphore(%arg14 : memref<!tpu.dma_semaphore, #tpu.memory_space<semaphore_mem>>)
      %dma_wait3A_165 = arith.constant 0 : i32
      %dma_wait3A_166 = arith.constant 0 : i32
      %dma_wait3A_167 = tpu.memref_slice %arg8[%dma_wait3A_165, %dma_wait3A_166] : memref<25x80xi32, #tpu.memory_space<vmem>> -> memref<1x80xi32, #tpu.memory_space<vmem>>
      %dma_wait3A_168 = tpu.memref_squeeze %dma_wait3A_167 : memref<1x80xi32, #tpu.memory_space<vmem>> -> memref<80xi32, #tpu.memory_space<vmem>>
      %dma_wait3A_169 = arith.constant 0 : i32
      %dma_wait3A_170 = arith.constant 0 : i32
      %dma_wait3A_171 = tpu.memref_slice %arg2[%dma_wait3A_169, %dma_wait3A_170] : memref<10000x128xf32, #tpu.memory_space<hbm>> -> memref<10000x128xf32, #tpu.memory_space<hbm>>
      tpu.wait_indirect_dma semaphore(%arg16 : memref<!tpu.dma_semaphore, #tpu.memory_space<semaphore_mem>>) src(%dma_wait3A_171 : memref<10000x128xf32, #tpu.memory_space<hbm>>) dst(%arg12 : memref<80x128xf32, #tpu.memory_space<vmem>>)
      %dma_start3A_172 = arith.constant 23 : i32
      %dma_start3A_173 = arith.constant 0 : i32
      %dma_start3A_174 = tpu.memref_slice %arg9[%dma_start3A_172, %dma_start3A_173] : memref<25x80xi32, #tpu.memory_space<vmem>> -> memref<1x80xi32, #tpu.memory_space<vmem>>
      %dma_start3A_175 = tpu.memref_squeeze %dma_start3A_174 : memref<1x80xi32, #tpu.memory_space<vmem>> -> memref<80xi32, #tpu.memory_space<vmem>>
      %dma_start3A_176 = arith.constant 0 : i32
      %dma_start3A_177 = arith.constant 0 : i32
      %dma_start3A_178 = tpu.memref_slice %arg13[%dma_start3A_176, %dma_start3A_177] : memref<10240x128xf32, #tpu.memory_space<vmem_shared>> -> memref<10240x128xf32, #tpu.memory_space<vmem_shared>>
      tpu.enqueue_indirect_dma source(%arg12 : memref<80x128xf32, #tpu.memory_space<vmem>>) target(%dma_start3A_178 : memref<10240x128xf32, #tpu.memory_space<vmem_shared>>) offsets(%dma_start3A_175 : memref<80xi32, #tpu.memory_space<vmem>>) semaphore(%arg19 : memref<!tpu.dma_semaphore, #tpu.memory_space<semaphore_mem>>) {add = true}
      %dma_wait3A_179 = arith.constant 0 : i32
      %dma_wait3A_180 = arith.constant 0 : i32
      %dma_wait3A_181 = tpu.memref_slice %arg9[%dma_wait3A_179, %dma_wait3A_180] : memref<25x80xi32, #tpu.memory_space<vmem>> -> memref<1x80xi32, #tpu.memory_space<vmem>>
      %dma_wait3A_182 = tpu.memref_squeeze %dma_wait3A_181 : memref<1x80xi32, #tpu.memory_space<vmem>> -> memref<80xi32, #tpu.memory_space<vmem>>
      %dma_wait3A_183 = arith.constant 0 : i32
      %dma_wait3A_184 = arith.constant 0 : i32
      %dma_wait3A_185 = tpu.memref_slice %arg13[%dma_wait3A_183, %dma_wait3A_184] : memref<10240x128xf32, #tpu.memory_space<vmem_shared>> -> memref<10240x128xf32, #tpu.memory_space<vmem_shared>>
      tpu.wait_indirect_dma semaphore(%arg18 : memref<!tpu.dma_semaphore, #tpu.memory_space<semaphore_mem>>) src(%arg11 : memref<80x128xf32, #tpu.memory_space<vmem>>) dst(%dma_wait3A_185 : memref<10240x128xf32, #tpu.memory_space<vmem_shared>>)
      %dma_wait3A_186 = arith.constant 0 : i32
      %dma_wait3A_187 = arith.constant 0 : i32
      %dma_wait3A_188 = tpu.memref_slice %arg8[%dma_wait3A_186, %dma_wait3A_187] : memref<25x80xi32, #tpu.memory_space<vmem>> -> memref<1x80xi32, #tpu.memory_space<vmem>>
      %dma_wait3A_189 = tpu.memref_squeeze %dma_wait3A_188 : memref<1x80xi32, #tpu.memory_space<vmem>> -> memref<80xi32, #tpu.memory_space<vmem>>
      %dma_wait3A_190 = arith.constant 0 : i32
      %dma_wait3A_191 = arith.constant 0 : i32
      %dma_wait3A_192 = tpu.memref_slice %arg2[%dma_wait3A_190, %dma_wait3A_191] : memref<10000x128xf32, #tpu.memory_space<hbm>> -> memref<10000x128xf32, #tpu.memory_space<hbm>>
      tpu.wait_indirect_dma semaphore(%arg14 : memref<!tpu.dma_semaphore, #tpu.memory_space<semaphore_mem>>) src(%dma_wait3A_192 : memref<10000x128xf32, #tpu.memory_space<hbm>>) dst(%arg10 : memref<80x128xf32, #tpu.memory_space<vmem>>)
      %dma_start3A_193 = arith.constant 24 : i32
      %dma_start3A_194 = arith.constant 0 : i32
      %dma_start3A_195 = tpu.memref_slice %arg9[%dma_start3A_193, %dma_start3A_194] : memref<25x80xi32, #tpu.memory_space<vmem>> -> memref<1x80xi32, #tpu.memory_space<vmem>>
      %dma_start3A_196 = tpu.memref_squeeze %dma_start3A_195 : memref<1x80xi32, #tpu.memory_space<vmem>> -> memref<80xi32, #tpu.memory_space<vmem>>
      %dma_start3A_197 = arith.constant 0 : i32
      %dma_start3A_198 = arith.constant 0 : i32
      %dma_start3A_199 = tpu.memref_slice %arg13[%dma_start3A_197, %dma_start3A_198] : memref<10240x128xf32, #tpu.memory_space<vmem_shared>> -> memref<10240x128xf32, #tpu.memory_space<vmem_shared>>
      tpu.enqueue_indirect_dma source(%arg10 : memref<80x128xf32, #tpu.memory_space<vmem>>) target(%dma_start3A_199 : memref<10240x128xf32, #tpu.memory_space<vmem_shared>>) offsets(%dma_start3A_196 : memref<80xi32, #tpu.memory_space<vmem>>) semaphore(%arg17 : memref<!tpu.dma_semaphore, #tpu.memory_space<semaphore_mem>>) {add = true}
      %dma_wait3A_200 = arith.constant 0 : i32
      %dma_wait3A_201 = arith.constant 0 : i32
      %dma_wait3A_202 = tpu.memref_slice %arg9[%dma_wait3A_200, %dma_wait3A_201] : memref<25x80xi32, #tpu.memory_space<vmem>> -> memref<1x80xi32, #tpu.memory_space<vmem>>
      %dma_wait3A_203 = tpu.memref_squeeze %dma_wait3A_202 : memref<1x80xi32, #tpu.memory_space<vmem>> -> memref<80xi32, #tpu.memory_space<vmem>>
      %dma_wait3A_204 = arith.constant 0 : i32
      %dma_wait3A_205 = arith.constant 0 : i32
      %dma_wait3A_206 = tpu.memref_slice %arg13[%dma_wait3A_204, %dma_wait3A_205] : memref<10240x128xf32, #tpu.memory_space<vmem_shared>> -> memref<10240x128xf32, #tpu.memory_space<vmem_shared>>
      tpu.wait_indirect_dma semaphore(%arg19 : memref<!tpu.dma_semaphore, #tpu.memory_space<semaphore_mem>>) src(%arg12 : memref<80x128xf32, #tpu.memory_space<vmem>>) dst(%dma_wait3A_206 : memref<10240x128xf32, #tpu.memory_space<vmem_shared>>)
      %dma_wait3A_207 = arith.constant 0 : i32
      %dma_wait3A_208 = arith.constant 0 : i32
      %dma_wait3A_209 = tpu.memref_slice %arg9[%dma_wait3A_207, %dma_wait3A_208] : memref<25x80xi32, #tpu.memory_space<vmem>> -> memref<1x80xi32, #tpu.memory_space<vmem>>
      %dma_wait3A_210 = tpu.memref_squeeze %dma_wait3A_209 : memref<1x80xi32, #tpu.memory_space<vmem>> -> memref<80xi32, #tpu.memory_space<vmem>>
      %dma_wait3A_211 = arith.constant 0 : i32
      %dma_wait3A_212 = arith.constant 0 : i32
      %dma_wait3A_213 = tpu.memref_slice %arg13[%dma_wait3A_211, %dma_wait3A_212] : memref<10240x128xf32, #tpu.memory_space<vmem_shared>> -> memref<10240x128xf32, #tpu.memory_space<vmem_shared>>
      tpu.wait_indirect_dma semaphore(%arg17 : memref<!tpu.dma_semaphore, #tpu.memory_space<semaphore_mem>>) src(%arg10 : memref<80x128xf32, #tpu.memory_space<vmem>>) dst(%dma_wait3A_213 : memref<10240x128xf32, #tpu.memory_space<vmem_shared>>)
    }
    %scan3A_8 = arith.constant 5 : i32
    %barrier3A_9 = arith.constant 0 : index
    tpu.barrier barrier_id(%barrier3A_9)
    %mul3A_10 = arith.constant 640 : i32
    %mul3A_11 = arith.muli %arg1, %mul3A_10 : i32
    %mul3A_12 = arith.constant 640 : i32
    %mul3A_13 = arith.muli %arg1, %mul3A_12 : i32
    "tpu.region"() ({
      %run_scoped3A = tpu.sem_alloc : memref<!tpu.dma_semaphore, #tpu.memory_space<semaphore_mem>>
      %dma_start3A = arith.constant 0 : i32
      %dma_start3A_14 = arith.constant 0 : i32
      %dma_start3A_15 = tpu.memref_slice %arg7[%arg0, %dma_start3A, %dma_start3A_14] : memref<2x10240x128xf32, #tpu.memory_space<hbm>> -> memref<1x10240x128xf32, #tpu.memory_space<hbm>>
      %dma_start3A_16 = tpu.memref_squeeze %dma_start3A_15 : memref<1x10240x128xf32, #tpu.memory_space<hbm>> -> memref<10240x128xf32, #tpu.memory_space<hbm>>
      %dma_start3A_17 = arith.constant 0 : i32
      %dma_start3A_18 = tpu.memref_slice %dma_start3A_16[%mul3A_13, %dma_start3A_17] : memref<10240x128xf32, #tpu.memory_space<hbm>> -> memref<640x128xf32, #tpu.memory_space<hbm>>
      %dma_start3A_19 = arith.constant 0 : i32
      %dma_start3A_20 = tpu.memref_slice %arg13[%mul3A_11, %dma_start3A_19] : memref<10240x128xf32, #tpu.memory_space<vmem_shared>> -> memref<640x128xf32, #tpu.memory_space<vmem_shared>>
      tpu.enqueue_dma source(%dma_start3A_20 : memref<640x128xf32, #tpu.memory_space<vmem_shared>>) target(%dma_start3A_18 : memref<640x128xf32, #tpu.memory_space<hbm>>) target_semaphore(%run_scoped3A : memref<!tpu.dma_semaphore, #tpu.memory_space<semaphore_mem>>)
      %dma_wait3A = arith.constant 0 : i32
      %dma_wait3A_21 = arith.constant 0 : i32
      %dma_wait3A_22 = tpu.memref_slice %arg7[%arg0, %dma_wait3A, %dma_wait3A_21] : memref<2x10240x128xf32, #tpu.memory_space<hbm>> -> memref<1x10240x128xf32, #tpu.memory_space<hbm>>
      %dma_wait3A_23 = tpu.memref_squeeze %dma_wait3A_22 : memref<1x10240x128xf32, #tpu.memory_space<hbm>> -> memref<10240x128xf32, #tpu.memory_space<hbm>>
      %dma_wait3A_24 = arith.constant 0 : i32
      %dma_wait3A_25 = tpu.memref_slice %dma_wait3A_23[%mul3A_13, %dma_wait3A_24] : memref<10240x128xf32, #tpu.memory_space<hbm>> -> memref<640x128xf32, #tpu.memory_space<hbm>>
      %dma_wait3A_26 = arith.constant 0 : i32
      %dma_wait3A_27 = tpu.memref_slice %arg13[%mul3A_11, %dma_wait3A_26] : memref<10240x128xf32, #tpu.memory_space<vmem_shared>> -> memref<640x128xf32, #tpu.memory_space<vmem_shared>>
      tpu.wait_dma2 semaphore(%run_scoped3A : memref<!tpu.dma_semaphore, #tpu.memory_space<semaphore_mem>>) src(%dma_wait3A_27 : memref<640x128xf32, #tpu.memory_space<vmem_shared>>) dst(%dma_wait3A_25 : memref<640x128xf32, #tpu.memory_space<hbm>>)
      tpu.yield
    }) : () -> ()
    return
  }
}

#map = affine_map<(d0, d1) -> (0, 0)>
#map1 = affine_map<(d0, d1) -> (0, 0, 0, 0)>
#map2 = affine_map<(d0, d1) -> (0)>
#map3 = affine_map<(d0, d1) -> (0, 0, 0)>
module attributes {stable_mosaic.version = 14 : i64} {
  func.func @_sc_agg_body(%arg0: i32, %arg1: i32, %arg2: memref<10000x128xf32, #tpu.memory_space<hbm>>, %arg3: memref<32x5x25x80xi32, #tpu.memory_space<hbm>>, %arg4: memref<32x5x25x80xi32, #tpu.memory_space<hbm>>, %arg5: memref<10240x128xf32, #tpu.memory_space<hbm>>, %arg6: memref<10240xf32, #tpu.memory_space<hbm>>, %arg7: memref<2x10240x128xf32, #tpu.memory_space<hbm>>, %arg8: memref<25x80xi32, #tpu.memory_space<vmem>>, %arg9: memref<25x80xi32, #tpu.memory_space<vmem>>, %arg10: memref<80x128xf32, #tpu.memory_space<vmem>>, %arg11: memref<80x128xf32, #tpu.memory_space<vmem>>, %arg12: memref<80x128xf32, #tpu.memory_space<vmem>>, %arg13: memref<10240x128xf32, #tpu.memory_space<vmem_shared>>, %arg14: memref<!tpu.dma_semaphore, #tpu.memory_space<semaphore_mem>>, %arg15: memref<!tpu.dma_semaphore, #tpu.memory_space<semaphore_mem>>, %arg16: memref<!tpu.dma_semaphore, #tpu.memory_space<semaphore_mem>>, %arg17: memref<!tpu.dma_semaphore, #tpu.memory_space<semaphore_mem>>, %arg18: memref<!tpu.dma_semaphore, #tpu.memory_space<semaphore_mem>>, %arg19: memref<!tpu.dma_semaphore, #tpu.memory_space<semaphore_mem>>) attributes {dimension_semantics = [#tpu.dimension_semantics<core_parallel>, #tpu.dimension_semantics<subcore_parallel>], iteration_bounds = array<i64: 2, 16>, scalar_prefetch = 0 : i64, scratch_operands = 12 : i64, tpu.core_type = #tpu.core_type<sc_vector_subcore>, window_params = [{transform_indices = #map}, {transform_indices = #map1}, {transform_indices = #map1}, {transform_indices = #map}, {transform_indices = #map2}, {transform_indices = #map3}]} {
    %mul3A = arith.constant 16 : i32
    %mul3A_0 = arith.muli %arg0, %mul3A : i32
    %add3A = arith.addi %mul3A_0, %arg1 : i32
    %mul3A_1 = arith.constant 640 : i32
    %mul3A_2 = arith.muli %arg1, %mul3A_1 : i32
    %mul3A_3 = arith.constant 640 : i32
    %mul3A_4 = arith.muli %arg1, %mul3A_3 : i32
    "tpu.region"() ({
      %run_scoped3A = tpu.sem_alloc : memref<!tpu.dma_semaphore, #tpu.memory_space<semaphore_mem>>
      %dma_start3A = arith.constant 0 : i32
      %dma_start3A_14 = tpu.memref_slice %arg13[%mul3A_4, %dma_start3A] : memref<10240x128xf32, #tpu.memory_space<vmem_shared>> -> memref<640x128xf32, #tpu.memory_space<vmem_shared>>
      %dma_start3A_15 = arith.constant 0 : i32
      %dma_start3A_16 = tpu.memref_slice %arg5[%mul3A_2, %dma_start3A_15] : memref<10240x128xf32, #tpu.memory_space<hbm>> -> memref<640x128xf32, #tpu.memory_space<hbm>>
      tpu.enqueue_dma source(%dma_start3A_16 : memref<640x128xf32, #tpu.memory_space<hbm>>) target(%dma_start3A_14 : memref<640x128xf32, #tpu.memory_space<vmem_shared>>) target_semaphore(%run_scoped3A : memref<!tpu.dma_semaphore, #tpu.memory_space<semaphore_mem>>)
      %dma_wait3A = arith.constant 0 : i32
      %dma_wait3A_17 = tpu.memref_slice %arg13[%mul3A_4, %dma_wait3A] : memref<10240x128xf32, #tpu.memory_space<vmem_shared>> -> memref<640x128xf32, #tpu.memory_space<vmem_shared>>
      %dma_wait3A_18 = arith.constant 0 : i32
      %dma_wait3A_19 = tpu.memref_slice %arg5[%mul3A_2, %dma_wait3A_18] : memref<10240x128xf32, #tpu.memory_space<hbm>> -> memref<640x128xf32, #tpu.memory_space<hbm>>
      tpu.wait_dma2 semaphore(%run_scoped3A : memref<!tpu.dma_semaphore, #tpu.memory_space<semaphore_mem>>) src(%dma_wait3A_19 : memref<640x128xf32, #tpu.memory_space<hbm>>) dst(%dma_wait3A_17 : memref<640x128xf32, #tpu.memory_space<vmem_shared>>)
      tpu.yield
    }) : () -> ()
    %barrier3A = arith.constant 0 : index
    tpu.barrier barrier_id(%barrier3A)
    %scan3A = arith.constant 0 : i32
    %scan3A_5 = arith.constant 5 : i32
    %scan3A_6 = arith.addi %scan3A, %scan3A_5 : i32
    %scan3A_7 = arith.constant 1 : i32
    scf.for %scan3A_14 = %scan3A to %scan3A_6 step %scan3A_7  : i32 {
      "tpu.region"() ({
        %run_scoped3A = tpu.sem_alloc : memref<!tpu.dma_semaphore, #tpu.memory_space<semaphore_mem>>
        %dma_start3A_214 = arith.constant 0 : i32
        %dma_start3A_215 = arith.constant 0 : i32
        %dma_start3A_216 = arith.constant 0 : i32
        %dma_start3A_217 = tpu.memref_slice %arg3[%add3A, %dma_start3A_214, %dma_start3A_215, %dma_start3A_216] : memref<32x5x25x80xi32, #tpu.memory_space<hbm>> -> memref<1x5x25x80xi32, #tpu.memory_space<hbm>>
        %dma_start3A_218 = tpu.memref_squeeze %dma_start3A_217 : memref<1x5x25x80xi32, #tpu.memory_space<hbm>> -> memref<5x25x80xi32, #tpu.memory_space<hbm>>
        %dma_start3A_219 = arith.constant 0 : i32
        %dma_start3A_220 = arith.constant 0 : i32
        %dma_start3A_221 = tpu.memref_slice %dma_start3A_218[%scan3A_14, %dma_start3A_219, %dma_start3A_220] : memref<5x25x80xi32, #tpu.memory_space<hbm>> -> memref<1x25x80xi32, #tpu.memory_space<hbm>>
        %dma_start3A_222 = tpu.memref_squeeze %dma_start3A_221 : memref<1x25x80xi32, #tpu.memory_space<hbm>> -> memref<25x80xi32, #tpu.memory_space<hbm>>
        %dma_start3A_223 = arith.constant 0 : i32
        %dma_start3A_224 = arith.constant 0 : i32
        %dma_start3A_225 = arith.constant 0 : i32
        %dma_start3A_226 = tpu.memref_slice %arg3[%add3A, %dma_start3A_223, %dma_start3A_224, %dma_start3A_225] : memref<32x5x25x80xi32, #tpu.memory_space<hbm>> -> memref<1x5x25x80xi32, #tpu.memory_space<hbm>>
        %dma_start3A_227 = tpu.memref_squeeze %dma_start3A_226 : memref<1x5x25x80xi32, #tpu.memory_space<hbm>> -> memref<5x25x80xi32, #tpu.memory_space<hbm>>
        %dma_start3A_228 = arith.constant 0 : i32
        %dma_start3A_229 = arith.constant 0 : i32
        %dma_start3A_230 = tpu.memref_slice %dma_start3A_227[%scan3A_14, %dma_start3A_228, %dma_start3A_229] : memref<5x25x80xi32, #tpu.memory_space<hbm>> -> memref<1x25x80xi32, #tpu.memory_space<hbm>>
        %dma_start3A_231 = tpu.memref_squeeze %dma_start3A_230 : memref<1x25x80xi32, #tpu.memory_space<hbm>> -> memref<25x80xi32, #tpu.memory_space<hbm>>
        tpu.enqueue_dma source(%dma_start3A_231 : memref<25x80xi32, #tpu.memory_space<hbm>>) target(%arg8 : memref<25x80xi32, #tpu.memory_space<vmem>>) target_semaphore(%run_scoped3A : memref<!tpu.dma_semaphore, #tpu.memory_space<semaphore_mem>>)
        %dma_wait3A_232 = arith.constant 0 : i32
        %dma_wait3A_233 = arith.constant 0 : i32
        %dma_wait3A_234 = arith.constant 0 : i32
        %dma_wait3A_235 = tpu.memref_slice %arg3[%add3A, %dma_wait3A_232, %dma_wait3A_233, %dma_wait3A_234] : memref<32x5x25x80xi32, #tpu.memory_space<hbm>> -> memref<1x5x25x80xi32, #tpu.memory_space<hbm>>
        %dma_wait3A_236 = tpu.memref_squeeze %dma_wait3A_235 : memref<1x5x25x80xi32, #tpu.memory_space<hbm>> -> memref<5x25x80xi32, #tpu.memory_space<hbm>>
        %dma_wait3A_237 = arith.constant 0 : i32
        %dma_wait3A_238 = arith.constant 0 : i32
        %dma_wait3A_239 = tpu.memref_slice %dma_wait3A_236[%scan3A_14, %dma_wait3A_237, %dma_wait3A_238] : memref<5x25x80xi32, #tpu.memory_space<hbm>> -> memref<1x25x80xi32, #tpu.memory_space<hbm>>
        %dma_wait3A_240 = tpu.memref_squeeze %dma_wait3A_239 : memref<1x25x80xi32, #tpu.memory_space<hbm>> -> memref<25x80xi32, #tpu.memory_space<hbm>>
        %dma_wait3A_241 = arith.constant 0 : i32
        %dma_wait3A_242 = arith.constant 0 : i32
        %dma_wait3A_243 = arith.constant 0 : i32
        %dma_wait3A_244 = tpu.memref_slice %arg3[%add3A, %dma_wait3A_241, %dma_wait3A_242, %dma_wait3A_243] : memref<32x5x25x80xi32, #tpu.memory_space<hbm>> -> memref<1x5x25x80xi32, #tpu.memory_space<hbm>>
        %dma_wait3A_245 = tpu.memref_squeeze %dma_wait3A_244 : memref<1x5x25x80xi32, #tpu.memory_space<hbm>> -> memref<5x25x80xi32, #tpu.memory_space<hbm>>
        %dma_wait3A_246 = arith.constant 0 : i32
        %dma_wait3A_247 = arith.constant 0 : i32
        %dma_wait3A_248 = tpu.memref_slice %dma_wait3A_245[%scan3A_14, %dma_wait3A_246, %dma_wait3A_247] : memref<5x25x80xi32, #tpu.memory_space<hbm>> -> memref<1x25x80xi32, #tpu.memory_space<hbm>>
        %dma_wait3A_249 = tpu.memref_squeeze %dma_wait3A_248 : memref<1x25x80xi32, #tpu.memory_space<hbm>> -> memref<25x80xi32, #tpu.memory_space<hbm>>
        tpu.wait_dma2 semaphore(%run_scoped3A : memref<!tpu.dma_semaphore, #tpu.memory_space<semaphore_mem>>) src(%dma_wait3A_249 : memref<25x80xi32, #tpu.memory_space<hbm>>) dst(%arg8 : memref<25x80xi32, #tpu.memory_space<vmem>>)
        tpu.yield
      }) : () -> ()
      "tpu.region"() ({
        %run_scoped3A = tpu.sem_alloc : memref<!tpu.dma_semaphore, #tpu.memory_space<semaphore_mem>>
        %dma_start3A_214 = arith.constant 0 : i32
        %dma_start3A_215 = arith.constant 0 : i32
        %dma_start3A_216 = arith.constant 0 : i32
        %dma_start3A_217 = tpu.memref_slice %arg4[%add3A, %dma_start3A_214, %dma_start3A_215, %dma_start3A_216] : memref<32x5x25x80xi32, #tpu.memory_space<hbm>> -> memref<1x5x25x80xi32, #tpu.memory_space<hbm>>
        %dma_start3A_218 = tpu.memref_squeeze %dma_start3A_217 : memref<1x5x25x80xi32, #tpu.memory_space<hbm>> -> memref<5x25x80xi32, #tpu.memory_space<hbm>>
        %dma_start3A_219 = arith.constant 0 : i32
        %dma_start3A_220 = arith.constant 0 : i32
        %dma_start3A_221 = tpu.memref_slice %dma_start3A_218[%scan3A_14, %dma_start3A_219, %dma_start3A_220] : memref<5x25x80xi32, #tpu.memory_space<hbm>> -> memref<1x25x80xi32, #tpu.memory_space<hbm>>
        %dma_start3A_222 = tpu.memref_squeeze %dma_start3A_221 : memref<1x25x80xi32, #tpu.memory_space<hbm>> -> memref<25x80xi32, #tpu.memory_space<hbm>>
        %dma_start3A_223 = arith.constant 0 : i32
        %dma_start3A_224 = arith.constant 0 : i32
        %dma_start3A_225 = arith.constant 0 : i32
        %dma_start3A_226 = tpu.memref_slice %arg4[%add3A, %dma_start3A_223, %dma_start3A_224, %dma_start3A_225] : memref<32x5x25x80xi32, #tpu.memory_space<hbm>> -> memref<1x5x25x80xi32, #tpu.memory_space<hbm>>
        %dma_start3A_227 = tpu.memref_squeeze %dma_start3A_226 : memref<1x5x25x80xi32, #tpu.memory_space<hbm>> -> memref<5x25x80xi32, #tpu.memory_space<hbm>>
        %dma_start3A_228 = arith.constant 0 : i32
        %dma_start3A_229 = arith.constant 0 : i32
        %dma_start3A_230 = tpu.memref_slice %dma_start3A_227[%scan3A_14, %dma_start3A_228, %dma_start3A_229] : memref<5x25x80xi32, #tpu.memory_space<hbm>> -> memref<1x25x80xi32, #tpu.memory_space<hbm>>
        %dma_start3A_231 = tpu.memref_squeeze %dma_start3A_230 : memref<1x25x80xi32, #tpu.memory_space<hbm>> -> memref<25x80xi32, #tpu.memory_space<hbm>>
        tpu.enqueue_dma source(%dma_start3A_231 : memref<25x80xi32, #tpu.memory_space<hbm>>) target(%arg9 : memref<25x80xi32, #tpu.memory_space<vmem>>) target_semaphore(%run_scoped3A : memref<!tpu.dma_semaphore, #tpu.memory_space<semaphore_mem>>)
        %dma_wait3A_232 = arith.constant 0 : i32
        %dma_wait3A_233 = arith.constant 0 : i32
        %dma_wait3A_234 = arith.constant 0 : i32
        %dma_wait3A_235 = tpu.memref_slice %arg4[%add3A, %dma_wait3A_232, %dma_wait3A_233, %dma_wait3A_234] : memref<32x5x25x80xi32, #tpu.memory_space<hbm>> -> memref<1x5x25x80xi32, #tpu.memory_space<hbm>>
        %dma_wait3A_236 = tpu.memref_squeeze %dma_wait3A_235 : memref<1x5x25x80xi32, #tpu.memory_space<hbm>> -> memref<5x25x80xi32, #tpu.memory_space<hbm>>
        %dma_wait3A_237 = arith.constant 0 : i32
        %dma_wait3A_238 = arith.constant 0 : i32
        %dma_wait3A_239 = tpu.memref_slice %dma_wait3A_236[%scan3A_14, %dma_wait3A_237, %dma_wait3A_238] : memref<5x25x80xi32, #tpu.memory_space<hbm>> -> memref<1x25x80xi32, #tpu.memory_space<hbm>>
        %dma_wait3A_240 = tpu.memref_squeeze %dma_wait3A_239 : memref<1x25x80xi32, #tpu.memory_space<hbm>> -> memref<25x80xi32, #tpu.memory_space<hbm>>
        %dma_wait3A_241 = arith.constant 0 : i32
        %dma_wait3A_242 = arith.constant 0 : i32
        %dma_wait3A_243 = arith.constant 0 : i32
        %dma_wait3A_244 = tpu.memref_slice %arg4[%add3A, %dma_wait3A_241, %dma_wait3A_242, %dma_wait3A_243] : memref<32x5x25x80xi32, #tpu.memory_space<hbm>> -> memref<1x5x25x80xi32, #tpu.memory_space<hbm>>
        %dma_wait3A_245 = tpu.memref_squeeze %dma_wait3A_244 : memref<1x5x25x80xi32, #tpu.memory_space<hbm>> -> memref<5x25x80xi32, #tpu.memory_space<hbm>>
        %dma_wait3A_246 = arith.constant 0 : i32
        %dma_wait3A_247 = arith.constant 0 : i32
        %dma_wait3A_248 = tpu.memref_slice %dma_wait3A_245[%scan3A_14, %dma_wait3A_246, %dma_wait3A_247] : memref<5x25x80xi32, #tpu.memory_space<hbm>> -> memref<1x25x80xi32, #tpu.memory_space<hbm>>
        %dma_wait3A_249 = tpu.memref_squeeze %dma_wait3A_248 : memref<1x25x80xi32, #tpu.memory_space<hbm>> -> memref<25x80xi32, #tpu.memory_space<hbm>>
        tpu.wait_dma2 semaphore(%run_scoped3A : memref<!tpu.dma_semaphore, #tpu.memory_space<semaphore_mem>>) src(%dma_wait3A_249 : memref<25x80xi32, #tpu.memory_space<hbm>>) dst(%arg9 : memref<25x80xi32, #tpu.memory_space<vmem>>)
        tpu.yield
      }) : () -> ()
      %dma_start3A = arith.constant 0 : i32
      %dma_start3A_15 = arith.constant 0 : i32
      %dma_start3A_16 = tpu.memref_slice %arg8[%dma_start3A, %dma_start3A_15] : memref<25x80xi32, #tpu.memory_space<vmem>> -> memref<1x80xi32, #tpu.memory_space<vmem>>
      %dma_start3A_17 = tpu.memref_squeeze %dma_start3A_16 : memref<1x80xi32, #tpu.memory_space<vmem>> -> memref<80xi32, #tpu.memory_space<vmem>>
      %dma_start3A_18 = arith.constant 0 : i32
      %dma_start3A_19 = arith.constant 0 : i32
      %dma_start3A_20 = tpu.memref_slice %arg2[%dma_start3A_18, %dma_start3A_19] : memref<10000x128xf32, #tpu.memory_space<hbm>> -> memref<10000x128xf32, #tpu.memory_space<hbm>>
      tpu.enqueue_indirect_dma source(%dma_start3A_20 : memref<10000x128xf32, #tpu.memory_space<hbm>>) target(%arg10 : memref<80x128xf32, #tpu.memory_space<vmem>>) offsets(%dma_start3A_17 : memref<80xi32, #tpu.memory_space<vmem>>) semaphore(%arg14 : memref<!tpu.dma_semaphore, #tpu.memory_space<semaphore_mem>>)
      %dma_start3A_21 = arith.constant 1 : i32
      %dma_start3A_22 = arith.constant 0 : i32
      %dma_start3A_23 = tpu.memref_slice %arg8[%dma_start3A_21, %dma_start3A_22] : memref<25x80xi32, #tpu.memory_space<vmem>> -> memref<1x80xi32, #tpu.memory_space<vmem>>
      %dma_start3A_24 = tpu.memref_squeeze %dma_start3A_23 : memref<1x80xi32, #tpu.memory_space<vmem>> -> memref<80xi32, #tpu.memory_space<vmem>>
      %dma_start3A_25 = arith.constant 0 : i32
      %dma_start3A_26 = arith.constant 0 : i32
      %dma_start3A_27 = tpu.memref_slice %arg2[%dma_start3A_25, %dma_start3A_26] : memref<10000x128xf32, #tpu.memory_space<hbm>> -> memref<10000x128xf32, #tpu.memory_space<hbm>>
      tpu.enqueue_indirect_dma source(%dma_start3A_27 : memref<10000x128xf32, #tpu.memory_space<hbm>>) target(%arg11 : memref<80x128xf32, #tpu.memory_space<vmem>>) offsets(%dma_start3A_24 : memref<80xi32, #tpu.memory_space<vmem>>) semaphore(%arg15 : memref<!tpu.dma_semaphore, #tpu.memory_space<semaphore_mem>>)
      %dma_wait3A = arith.constant 0 : i32
      %dma_wait3A_28 = arith.constant 0 : i32
      %dma_wait3A_29 = tpu.memref_slice %arg8[%dma_wait3A, %dma_wait3A_28] : memref<25x80xi32, #tpu.memory_space<vmem>> -> memref<1x80xi32, #tpu.memory_space<vmem>>
      %dma_wait3A_30 = tpu.memref_squeeze %dma_wait3A_29 : memref<1x80xi32, #tpu.memory_space<vmem>> -> memref<80xi32, #tpu.memory_space<vmem>>
      %dma_wait3A_31 = arith.constant 0 : i32
      %dma_wait3A_32 = arith.constant 0 : i32
      %dma_wait3A_33 = tpu.memref_slice %arg2[%dma_wait3A_31, %dma_wait3A_32] : memref<10000x128xf32, #tpu.memory_space<hbm>> -> memref<10000x128xf32, #tpu.memory_space<hbm>>
      tpu.wait_indirect_dma semaphore(%arg14 : memref<!tpu.dma_semaphore, #tpu.memory_space<semaphore_mem>>) src(%dma_wait3A_33 : memref<10000x128xf32, #tpu.memory_space<hbm>>) dst(%arg10 : memref<80x128xf32, #tpu.memory_space<vmem>>)
      %dma_start3A_34 = arith.constant 0 : i32
      %dma_start3A_35 = arith.constant 0 : i32
      %dma_start3A_36 = tpu.memref_slice %arg9[%dma_start3A_34, %dma_start3A_35] : memref<25x80xi32, #tpu.memory_space<vmem>> -> memref<1x80xi32, #tpu.memory_space<vmem>>
      %dma_start3A_37 = tpu.memref_squeeze %dma_start3A_36 : memref<1x80xi32, #tpu.memory_space<vmem>> -> memref<80xi32, #tpu.memory_space<vmem>>
      %dma_start3A_38 = arith.constant 0 : i32
      %dma_start3A_39 = arith.constant 0 : i32
      %dma_start3A_40 = tpu.memref_slice %arg13[%dma_start3A_38, %dma_start3A_39] : memref<10240x128xf32, #tpu.memory_space<vmem_shared>> -> memref<10240x128xf32, #tpu.memory_space<vmem_shared>>
      tpu.enqueue_indirect_dma source(%arg10 : memref<80x128xf32, #tpu.memory_space<vmem>>) target(%dma_start3A_40 : memref<10240x128xf32, #tpu.memory_space<vmem_shared>>) offsets(%dma_start3A_37 : memref<80xi32, #tpu.memory_space<vmem>>) semaphore(%arg17 : memref<!tpu.dma_semaphore, #tpu.memory_space<semaphore_mem>>) {add = true}
      %dma_start3A_41 = arith.constant 2 : i32
      %dma_start3A_42 = arith.constant 0 : i32
      %dma_start3A_43 = tpu.memref_slice %arg8[%dma_start3A_41, %dma_start3A_42] : memref<25x80xi32, #tpu.memory_space<vmem>> -> memref<1x80xi32, #tpu.memory_space<vmem>>
      %dma_start3A_44 = tpu.memref_squeeze %dma_start3A_43 : memref<1x80xi32, #tpu.memory_space<vmem>> -> memref<80xi32, #tpu.memory_space<vmem>>
      %dma_start3A_45 = arith.constant 0 : i32
      %dma_start3A_46 = arith.constant 0 : i32
      %dma_start3A_47 = tpu.memref_slice %arg2[%dma_start3A_45, %dma_start3A_46] : memref<10000x128xf32, #tpu.memory_space<hbm>> -> memref<10000x128xf32, #tpu.memory_space<hbm>>
      tpu.enqueue_indirect_dma source(%dma_start3A_47 : memref<10000x128xf32, #tpu.memory_space<hbm>>) target(%arg12 : memref<80x128xf32, #tpu.memory_space<vmem>>) offsets(%dma_start3A_44 : memref<80xi32, #tpu.memory_space<vmem>>) semaphore(%arg16 : memref<!tpu.dma_semaphore, #tpu.memory_space<semaphore_mem>>)
      %dma_wait3A_48 = arith.constant 0 : i32
      %dma_wait3A_49 = arith.constant 0 : i32
      %dma_wait3A_50 = tpu.memref_slice %arg8[%dma_wait3A_48, %dma_wait3A_49] : memref<25x80xi32, #tpu.memory_space<vmem>> -> memref<1x80xi32, #tpu.memory_space<vmem>>
      %dma_wait3A_51 = tpu.memref_squeeze %dma_wait3A_50 : memref<1x80xi32, #tpu.memory_space<vmem>> -> memref<80xi32, #tpu.memory_space<vmem>>
      %dma_wait3A_52 = arith.constant 0 : i32
      %dma_wait3A_53 = arith.constant 0 : i32
      %dma_wait3A_54 = tpu.memref_slice %arg2[%dma_wait3A_52, %dma_wait3A_53] : memref<10000x128xf32, #tpu.memory_space<hbm>> -> memref<10000x128xf32, #tpu.memory_space<hbm>>
      tpu.wait_indirect_dma semaphore(%arg15 : memref<!tpu.dma_semaphore, #tpu.memory_space<semaphore_mem>>) src(%dma_wait3A_54 : memref<10000x128xf32, #tpu.memory_space<hbm>>) dst(%arg11 : memref<80x128xf32, #tpu.memory_space<vmem>>)
      %dma_start3A_55 = arith.constant 1 : i32
      %dma_start3A_56 = arith.constant 0 : i32
      %dma_start3A_57 = tpu.memref_slice %arg9[%dma_start3A_55, %dma_start3A_56] : memref<25x80xi32, #tpu.memory_space<vmem>> -> memref<1x80xi32, #tpu.memory_space<vmem>>
      %dma_start3A_58 = tpu.memref_squeeze %dma_start3A_57 : memref<1x80xi32, #tpu.memory_space<vmem>> -> memref<80xi32, #tpu.memory_space<vmem>>
      %dma_start3A_59 = arith.constant 0 : i32
      %dma_start3A_60 = arith.constant 0 : i32
      %dma_start3A_61 = tpu.memref_slice %arg13[%dma_start3A_59, %dma_start3A_60] : memref<10240x128xf32, #tpu.memory_space<vmem_shared>> -> memref<10240x128xf32, #tpu.memory_space<vmem_shared>>
      tpu.enqueue_indirect_dma source(%arg11 : memref<80x128xf32, #tpu.memory_space<vmem>>) target(%dma_start3A_61 : memref<10240x128xf32, #tpu.memory_space<vmem_shared>>) offsets(%dma_start3A_58 : memref<80xi32, #tpu.memory_space<vmem>>) semaphore(%arg18 : memref<!tpu.dma_semaphore, #tpu.memory_space<semaphore_mem>>) {add = true}
      %dma_wait3A_62 = arith.constant 0 : i32
      %dma_wait3A_63 = arith.constant 0 : i32
      %dma_wait3A_64 = tpu.memref_slice %arg9[%dma_wait3A_62, %dma_wait3A_63] : memref<25x80xi32, #tpu.memory_space<vmem>> -> memref<1x80xi32, #tpu.memory_space<vmem>>
      %dma_wait3A_65 = tpu.memref_squeeze %dma_wait3A_64 : memref<1x80xi32, #tpu.memory_space<vmem>> -> memref<80xi32, #tpu.memory_space<vmem>>
      %dma_wait3A_66 = arith.constant 0 : i32
      %dma_wait3A_67 = arith.constant 0 : i32
      %dma_wait3A_68 = tpu.memref_slice %arg13[%dma_wait3A_66, %dma_wait3A_67] : memref<10240x128xf32, #tpu.memory_space<vmem_shared>> -> memref<10240x128xf32, #tpu.memory_space<vmem_shared>>
      tpu.wait_indirect_dma semaphore(%arg17 : memref<!tpu.dma_semaphore, #tpu.memory_space<semaphore_mem>>) src(%arg10 : memref<80x128xf32, #tpu.memory_space<vmem>>) dst(%dma_wait3A_68 : memref<10240x128xf32, #tpu.memory_space<vmem_shared>>)
      %dma_start3A_69 = arith.constant 3 : i32
      %dma_start3A_70 = arith.constant 0 : i32
      %dma_start3A_71 = tpu.memref_slice %arg8[%dma_start3A_69, %dma_start3A_70] : memref<25x80xi32, #tpu.memory_space<vmem>> -> memref<1x80xi32, #tpu.memory_space<vmem>>
      %dma_start3A_72 = tpu.memref_squeeze %dma_start3A_71 : memref<1x80xi32, #tpu.memory_space<vmem>> -> memref<80xi32, #tpu.memory_space<vmem>>
      %dma_start3A_73 = arith.constant 0 : i32
      %dma_start3A_74 = arith.constant 0 : i32
      %dma_start3A_75 = tpu.memref_slice %arg2[%dma_start3A_73, %dma_start3A_74] : memref<10000x128xf32, #tpu.memory_space<hbm>> -> memref<10000x128xf32, #tpu.memory_space<hbm>>
      tpu.enqueue_indirect_dma source(%dma_start3A_75 : memref<10000x128xf32, #tpu.memory_space<hbm>>) target(%arg10 : memref<80x128xf32, #tpu.memory_space<vmem>>) offsets(%dma_start3A_72 : memref<80xi32, #tpu.memory_space<vmem>>) semaphore(%arg14 : memref<!tpu.dma_semaphore, #tpu.memory_space<semaphore_mem>>)
      %dma_wait3A_76 = arith.constant 0 : i32
      %dma_wait3A_77 = arith.constant 0 : i32
      %dma_wait3A_78 = tpu.memref_slice %arg8[%dma_wait3A_76, %dma_wait3A_77] : memref<25x80xi32, #tpu.memory_space<vmem>> -> memref<1x80xi32, #tpu.memory_space<vmem>>
      %dma_wait3A_79 = tpu.memref_squeeze %dma_wait3A_78 : memref<1x80xi32, #tpu.memory_space<vmem>> -> memref<80xi32, #tpu.memory_space<vmem>>
      %dma_wait3A_80 = arith.constant 0 : i32
      %dma_wait3A_81 = arith.constant 0 : i32
      %dma_wait3A_82 = tpu.memref_slice %arg2[%dma_wait3A_80, %dma_wait3A_81] : memref<10000x128xf32, #tpu.memory_space<hbm>> -> memref<10000x128xf32, #tpu.memory_space<hbm>>
      tpu.wait_indirect_dma semaphore(%arg16 : memref<!tpu.dma_semaphore, #tpu.memory_space<semaphore_mem>>) src(%dma_wait3A_82 : memref<10000x128xf32, #tpu.memory_space<hbm>>) dst(%arg12 : memref<80x128xf32, #tpu.memory_space<vmem>>)
      %dma_start3A_83 = arith.constant 2 : i32
      %dma_start3A_84 = arith.constant 0 : i32
      %dma_start3A_85 = tpu.memref_slice %arg9[%dma_start3A_83, %dma_start3A_84] : memref<25x80xi32, #tpu.memory_space<vmem>> -> memref<1x80xi32, #tpu.memory_space<vmem>>
      %dma_start3A_86 = tpu.memref_squeeze %dma_start3A_85 : memref<1x80xi32, #tpu.memory_space<vmem>> -> memref<80xi32, #tpu.memory_space<vmem>>
      %dma_start3A_87 = arith.constant 0 : i32
      %dma_start3A_88 = arith.constant 0 : i32
      %dma_start3A_89 = tpu.memref_slice %arg13[%dma_start3A_87, %dma_start3A_88] : memref<10240x128xf32, #tpu.memory_space<vmem_shared>> -> memref<10240x128xf32, #tpu.memory_space<vmem_shared>>
      tpu.enqueue_indirect_dma source(%arg12 : memref<80x128xf32, #tpu.memory_space<vmem>>) target(%dma_start3A_89 : memref<10240x128xf32, #tpu.memory_space<vmem_shared>>) offsets(%dma_start3A_86 : memref<80xi32, #tpu.memory_space<vmem>>) semaphore(%arg19 : memref<!tpu.dma_semaphore, #tpu.memory_space<semaphore_mem>>) {add = true}
      %dma_wait3A_90 = arith.constant 0 : i32
      %dma_wait3A_91 = arith.constant 0 : i32
      %dma_wait3A_92 = tpu.memref_slice %arg9[%dma_wait3A_90, %dma_wait3A_91] : memref<25x80xi32, #tpu.memory_space<vmem>> -> memref<1x80xi32, #tpu.memory_space<vmem>>
      %dma_wait3A_93 = tpu.memref_squeeze %dma_wait3A_92 : memref<1x80xi32, #tpu.memory_space<vmem>> -> memref<80xi32, #tpu.memory_space<vmem>>
      %dma_wait3A_94 = arith.constant 0 : i32
      %dma_wait3A_95 = arith.constant 0 : i32
      %dma_wait3A_96 = tpu.memref_slice %arg13[%dma_wait3A_94, %dma_wait3A_95] : memref<10240x128xf32, #tpu.memory_space<vmem_shared>> -> memref<10240x128xf32, #tpu.memory_space<vmem_shared>>
      tpu.wait_indirect_dma semaphore(%arg18 : memref<!tpu.dma_semaphore, #tpu.memory_space<semaphore_mem>>) src(%arg11 : memref<80x128xf32, #tpu.memory_space<vmem>>) dst(%dma_wait3A_96 : memref<10240x128xf32, #tpu.memory_space<vmem_shared>>)
      %dma_start3A_97 = arith.constant 4 : i32
      %dma_start3A_98 = arith.constant 0 : i32
      %dma_start3A_99 = tpu.memref_slice %arg8[%dma_start3A_97, %dma_start3A_98] : memref<25x80xi32, #tpu.memory_space<vmem>> -> memref<1x80xi32, #tpu.memory_space<vmem>>
      %dma_start3A_100 = tpu.memref_squeeze %dma_start3A_99 : memref<1x80xi32, #tpu.memory_space<vmem>> -> memref<80xi32, #tpu.memory_space<vmem>>
      %dma_start3A_101 = arith.constant 0 : i32
      %dma_start3A_102 = arith.constant 0 : i32
      %dma_start3A_103 = tpu.memref_slice %arg2[%dma_start3A_101, %dma_start3A_102] : memref<10000x128xf32, #tpu.memory_space<hbm>> -> memref<10000x128xf32, #tpu.memory_space<hbm>>
      tpu.enqueue_indirect_dma source(%dma_start3A_103 : memref<10000x128xf32, #tpu.memory_space<hbm>>) target(%arg11 : memref<80x128xf32, #tpu.memory_space<vmem>>) offsets(%dma_start3A_100 : memref<80xi32, #tpu.memory_space<vmem>>) semaphore(%arg15 : memref<!tpu.dma_semaphore, #tpu.memory_space<semaphore_mem>>)
      %scan3A_104 = arith.constant 1 : i32
      %scan3A_105 = arith.constant 6 : i32
      %scan3A_106 = arith.addi %scan3A_104, %scan3A_105 : i32
      %scan3A_107 = arith.constant 1 : i32
      scf.for %scan3A_214 = %scan3A_104 to %scan3A_106 step %scan3A_107  : i32 {
        %mul3A_215 = arith.constant 3 : i32
        %mul3A_216 = arith.muli %mul3A_215, %scan3A_214 : i32
        %dma_wait3A_217 = arith.constant 0 : i32
        %dma_wait3A_218 = arith.constant 0 : i32
        %dma_wait3A_219 = tpu.memref_slice %arg8[%dma_wait3A_217, %dma_wait3A_218] : memref<25x80xi32, #tpu.memory_space<vmem>> -> memref<1x80xi32, #tpu.memory_space<vmem>>
        %dma_wait3A_220 = tpu.memref_squeeze %dma_wait3A_219 : memref<1x80xi32, #tpu.memory_space<vmem>> -> memref<80xi32, #tpu.memory_space<vmem>>
        %dma_wait3A_221 = arith.constant 0 : i32
        %dma_wait3A_222 = arith.constant 0 : i32
        %dma_wait3A_223 = tpu.memref_slice %arg2[%dma_wait3A_221, %dma_wait3A_222] : memref<10000x128xf32, #tpu.memory_space<hbm>> -> memref<10000x128xf32, #tpu.memory_space<hbm>>
        tpu.wait_indirect_dma semaphore(%arg14 : memref<!tpu.dma_semaphore, #tpu.memory_space<semaphore_mem>>) src(%dma_wait3A_223 : memref<10000x128xf32, #tpu.memory_space<hbm>>) dst(%arg10 : memref<80x128xf32, #tpu.memory_space<vmem>>)
        %dma_start3A_224 = arith.constant 0 : i32
        %dma_start3A_225 = tpu.memref_slice %arg9[%mul3A_216, %dma_start3A_224] : memref<25x80xi32, #tpu.memory_space<vmem>> -> memref<1x80xi32, #tpu.memory_space<vmem>>
        %dma_start3A_226 = tpu.memref_squeeze %dma_start3A_225 : memref<1x80xi32, #tpu.memory_space<vmem>> -> memref<80xi32, #tpu.memory_space<vmem>>
        %dma_start3A_227 = arith.constant 0 : i32
        %dma_start3A_228 = arith.constant 0 : i32
        %dma_start3A_229 = tpu.memref_slice %arg13[%dma_start3A_227, %dma_start3A_228] : memref<10240x128xf32, #tpu.memory_space<vmem_shared>> -> memref<10240x128xf32, #tpu.memory_space<vmem_shared>>
        tpu.enqueue_indirect_dma source(%arg10 : memref<80x128xf32, #tpu.memory_space<vmem>>) target(%dma_start3A_229 : memref<10240x128xf32, #tpu.memory_space<vmem_shared>>) offsets(%dma_start3A_226 : memref<80xi32, #tpu.memory_space<vmem>>) semaphore(%arg17 : memref<!tpu.dma_semaphore, #tpu.memory_space<semaphore_mem>>) {add = true}
        %dma_wait3A_230 = arith.constant 0 : i32
        %dma_wait3A_231 = arith.constant 0 : i32
        %dma_wait3A_232 = tpu.memref_slice %arg9[%dma_wait3A_230, %dma_wait3A_231] : memref<25x80xi32, #tpu.memory_space<vmem>> -> memref<1x80xi32, #tpu.memory_space<vmem>>
        %dma_wait3A_233 = tpu.memref_squeeze %dma_wait3A_232 : memref<1x80xi32, #tpu.memory_space<vmem>> -> memref<80xi32, #tpu.memory_space<vmem>>
        %dma_wait3A_234 = arith.constant 0 : i32
        %dma_wait3A_235 = arith.constant 0 : i32
        %dma_wait3A_236 = tpu.memref_slice %arg13[%dma_wait3A_234, %dma_wait3A_235] : memref<10240x128xf32, #tpu.memory_space<vmem_shared>> -> memref<10240x128xf32, #tpu.memory_space<vmem_shared>>
        tpu.wait_indirect_dma semaphore(%arg19 : memref<!tpu.dma_semaphore, #tpu.memory_space<semaphore_mem>>) src(%arg12 : memref<80x128xf32, #tpu.memory_space<vmem>>) dst(%dma_wait3A_236 : memref<10240x128xf32, #tpu.memory_space<vmem_shared>>)
        %add3A_237 = arith.constant 2 : i32
        %add3A_238 = arith.addi %mul3A_216, %add3A_237 : i32
        %dma_start3A_239 = arith.constant 0 : i32
        %dma_start3A_240 = tpu.memref_slice %arg8[%add3A_238, %dma_start3A_239] : memref<25x80xi32, #tpu.memory_space<vmem>> -> memref<1x80xi32, #tpu.memory_space<vmem>>
        %dma_start3A_241 = tpu.memref_squeeze %dma_start3A_240 : memref<1x80xi32, #tpu.memory_space<vmem>> -> memref<80xi32, #tpu.memory_space<vmem>>
        %dma_start3A_242 = arith.constant 0 : i32
        %dma_start3A_243 = arith.constant 0 : i32
        %dma_start3A_244 = tpu.memref_slice %arg2[%dma_start3A_242, %dma_start3A_243] : memref<10000x128xf32, #tpu.memory_space<hbm>> -> memref<10000x128xf32, #tpu.memory_space<hbm>>
        tpu.enqueue_indirect_dma source(%dma_start3A_244 : memref<10000x128xf32, #tpu.memory_space<hbm>>) target(%arg12 : memref<80x128xf32, #tpu.memory_space<vmem>>) offsets(%dma_start3A_241 : memref<80xi32, #tpu.memory_space<vmem>>) semaphore(%arg16 : memref<!tpu.dma_semaphore, #tpu.memory_space<semaphore_mem>>)
        %dma_wait3A_245 = arith.constant 0 : i32
        %dma_wait3A_246 = arith.constant 0 : i32
        %dma_wait3A_247 = tpu.memref_slice %arg8[%dma_wait3A_245, %dma_wait3A_246] : memref<25x80xi32, #tpu.memory_space<vmem>> -> memref<1x80xi32, #tpu.memory_space<vmem>>
        %dma_wait3A_248 = tpu.memref_squeeze %dma_wait3A_247 : memref<1x80xi32, #tpu.memory_space<vmem>> -> memref<80xi32, #tpu.memory_space<vmem>>
        %dma_wait3A_249 = arith.constant 0 : i32
        %dma_wait3A_250 = arith.constant 0 : i32
        %dma_wait3A_251 = tpu.memref_slice %arg2[%dma_wait3A_249, %dma_wait3A_250] : memref<10000x128xf32, #tpu.memory_space<hbm>> -> memref<10000x128xf32, #tpu.memory_space<hbm>>
        tpu.wait_indirect_dma semaphore(%arg15 : memref<!tpu.dma_semaphore, #tpu.memory_space<semaphore_mem>>) src(%dma_wait3A_251 : memref<10000x128xf32, #tpu.memory_space<hbm>>) dst(%arg11 : memref<80x128xf32, #tpu.memory_space<vmem>>)
        %add3A_252 = arith.constant 1 : i32
        %add3A_253 = arith.addi %mul3A_216, %add3A_252 : i32
        %dma_start3A_254 = arith.constant 0 : i32
        %dma_start3A_255 = tpu.memref_slice %arg9[%add3A_253, %dma_start3A_254] : memref<25x80xi32, #tpu.memory_space<vmem>> -> memref<1x80xi32, #tpu.memory_space<vmem>>
        %dma_start3A_256 = tpu.memref_squeeze %dma_start3A_255 : memref<1x80xi32, #tpu.memory_space<vmem>> -> memref<80xi32, #tpu.memory_space<vmem>>
        %dma_start3A_257 = arith.constant 0 : i32
        %dma_start3A_258 = arith.constant 0 : i32
        %dma_start3A_259 = tpu.memref_slice %arg13[%dma_start3A_257, %dma_start3A_258] : memref<10240x128xf32, #tpu.memory_space<vmem_shared>> -> memref<10240x128xf32, #tpu.memory_space<vmem_shared>>
        tpu.enqueue_indirect_dma source(%arg11 : memref<80x128xf32, #tpu.memory_space<vmem>>) target(%dma_start3A_259 : memref<10240x128xf32, #tpu.memory_space<vmem_shared>>) offsets(%dma_start3A_256 : memref<80xi32, #tpu.memory_space<vmem>>) semaphore(%arg18 : memref<!tpu.dma_semaphore, #tpu.memory_space<semaphore_mem>>) {add = true}
        %dma_wait3A_260 = arith.constant 0 : i32
        %dma_wait3A_261 = arith.constant 0 : i32
        %dma_wait3A_262 = tpu.memref_slice %arg9[%dma_wait3A_260, %dma_wait3A_261] : memref<25x80xi32, #tpu.memory_space<vmem>> -> memref<1x80xi32, #tpu.memory_space<vmem>>
        %dma_wait3A_263 = tpu.memref_squeeze %dma_wait3A_262 : memref<1x80xi32, #tpu.memory_space<vmem>> -> memref<80xi32, #tpu.memory_space<vmem>>
        %dma_wait3A_264 = arith.constant 0 : i32
        %dma_wait3A_265 = arith.constant 0 : i32
        %dma_wait3A_266 = tpu.memref_slice %arg13[%dma_wait3A_264, %dma_wait3A_265] : memref<10240x128xf32, #tpu.memory_space<vmem_shared>> -> memref<10240x128xf32, #tpu.memory_space<vmem_shared>>
        tpu.wait_indirect_dma semaphore(%arg17 : memref<!tpu.dma_semaphore, #tpu.memory_space<semaphore_mem>>) src(%arg10 : memref<80x128xf32, #tpu.memory_space<vmem>>) dst(%dma_wait3A_266 : memref<10240x128xf32, #tpu.memory_space<vmem_shared>>)
        %add3A_267 = arith.constant 3 : i32
        %add3A_268 = arith.addi %mul3A_216, %add3A_267 : i32
        %dma_start3A_269 = arith.constant 0 : i32
        %dma_start3A_270 = tpu.memref_slice %arg8[%add3A_268, %dma_start3A_269] : memref<25x80xi32, #tpu.memory_space<vmem>> -> memref<1x80xi32, #tpu.memory_space<vmem>>
        %dma_start3A_271 = tpu.memref_squeeze %dma_start3A_270 : memref<1x80xi32, #tpu.memory_space<vmem>> -> memref<80xi32, #tpu.memory_space<vmem>>
        %dma_start3A_272 = arith.constant 0 : i32
        %dma_start3A_273 = arith.constant 0 : i32
        %dma_start3A_274 = tpu.memref_slice %arg2[%dma_start3A_272, %dma_start3A_273] : memref<10000x128xf32, #tpu.memory_space<hbm>> -> memref<10000x128xf32, #tpu.memory_space<hbm>>
        tpu.enqueue_indirect_dma source(%dma_start3A_274 : memref<10000x128xf32, #tpu.memory_space<hbm>>) target(%arg10 : memref<80x128xf32, #tpu.memory_space<vmem>>) offsets(%dma_start3A_271 : memref<80xi32, #tpu.memory_space<vmem>>) semaphore(%arg14 : memref<!tpu.dma_semaphore, #tpu.memory_space<semaphore_mem>>)
        %dma_wait3A_275 = arith.constant 0 : i32
        %dma_wait3A_276 = arith.constant 0 : i32
        %dma_wait3A_277 = tpu.memref_slice %arg8[%dma_wait3A_275, %dma_wait3A_276] : memref<25x80xi32, #tpu.memory_space<vmem>> -> memref<1x80xi32, #tpu.memory_space<vmem>>
        %dma_wait3A_278 = tpu.memref_squeeze %dma_wait3A_277 : memref<1x80xi32, #tpu.memory_space<vmem>> -> memref<80xi32, #tpu.memory_space<vmem>>
        %dma_wait3A_279 = arith.constant 0 : i32
        %dma_wait3A_280 = arith.constant 0 : i32
        %dma_wait3A_281 = tpu.memref_slice %arg2[%dma_wait3A_279, %dma_wait3A_280] : memref<10000x128xf32, #tpu.memory_space<hbm>> -> memref<10000x128xf32, #tpu.memory_space<hbm>>
        tpu.wait_indirect_dma semaphore(%arg16 : memref<!tpu.dma_semaphore, #tpu.memory_space<semaphore_mem>>) src(%dma_wait3A_281 : memref<10000x128xf32, #tpu.memory_space<hbm>>) dst(%arg12 : memref<80x128xf32, #tpu.memory_space<vmem>>)
        %add3A_282 = arith.constant 2 : i32
        %add3A_283 = arith.addi %mul3A_216, %add3A_282 : i32
        %dma_start3A_284 = arith.constant 0 : i32
        %dma_start3A_285 = tpu.memref_slice %arg9[%add3A_283, %dma_start3A_284] : memref<25x80xi32, #tpu.memory_space<vmem>> -> memref<1x80xi32, #tpu.memory_space<vmem>>
        %dma_start3A_286 = tpu.memref_squeeze %dma_start3A_285 : memref<1x80xi32, #tpu.memory_space<vmem>> -> memref<80xi32, #tpu.memory_space<vmem>>
        %dma_start3A_287 = arith.constant 0 : i32
        %dma_start3A_288 = arith.constant 0 : i32
        %dma_start3A_289 = tpu.memref_slice %arg13[%dma_start3A_287, %dma_start3A_288] : memref<10240x128xf32, #tpu.memory_space<vmem_shared>> -> memref<10240x128xf32, #tpu.memory_space<vmem_shared>>
        tpu.enqueue_indirect_dma source(%arg12 : memref<80x128xf32, #tpu.memory_space<vmem>>) target(%dma_start3A_289 : memref<10240x128xf32, #tpu.memory_space<vmem_shared>>) offsets(%dma_start3A_286 : memref<80xi32, #tpu.memory_space<vmem>>) semaphore(%arg19 : memref<!tpu.dma_semaphore, #tpu.memory_space<semaphore_mem>>) {add = true}
        %dma_wait3A_290 = arith.constant 0 : i32
        %dma_wait3A_291 = arith.constant 0 : i32
        %dma_wait3A_292 = tpu.memref_slice %arg9[%dma_wait3A_290, %dma_wait3A_291] : memref<25x80xi32, #tpu.memory_space<vmem>> -> memref<1x80xi32, #tpu.memory_space<vmem>>
        %dma_wait3A_293 = tpu.memref_squeeze %dma_wait3A_292 : memref<1x80xi32, #tpu.memory_space<vmem>> -> memref<80xi32, #tpu.memory_space<vmem>>
        %dma_wait3A_294 = arith.constant 0 : i32
        %dma_wait3A_295 = arith.constant 0 : i32
        %dma_wait3A_296 = tpu.memref_slice %arg13[%dma_wait3A_294, %dma_wait3A_295] : memref<10240x128xf32, #tpu.memory_space<vmem_shared>> -> memref<10240x128xf32, #tpu.memory_space<vmem_shared>>
        tpu.wait_indirect_dma semaphore(%arg18 : memref<!tpu.dma_semaphore, #tpu.memory_space<semaphore_mem>>) src(%arg11 : memref<80x128xf32, #tpu.memory_space<vmem>>) dst(%dma_wait3A_296 : memref<10240x128xf32, #tpu.memory_space<vmem_shared>>)
        %add3A_297 = arith.constant 4 : i32
        %add3A_298 = arith.addi %mul3A_216, %add3A_297 : i32
        %dma_start3A_299 = arith.constant 0 : i32
        %dma_start3A_300 = tpu.memref_slice %arg8[%add3A_298, %dma_start3A_299] : memref<25x80xi32, #tpu.memory_space<vmem>> -> memref<1x80xi32, #tpu.memory_space<vmem>>
        %dma_start3A_301 = tpu.memref_squeeze %dma_start3A_300 : memref<1x80xi32, #tpu.memory_space<vmem>> -> memref<80xi32, #tpu.memory_space<vmem>>
        %dma_start3A_302 = arith.constant 0 : i32
        %dma_start3A_303 = arith.constant 0 : i32
        %dma_start3A_304 = tpu.memref_slice %arg2[%dma_start3A_302, %dma_start3A_303] : memref<10000x128xf32, #tpu.memory_space<hbm>> -> memref<10000x128xf32, #tpu.memory_space<hbm>>
        tpu.enqueue_indirect_dma source(%dma_start3A_304 : memref<10000x128xf32, #tpu.memory_space<hbm>>) target(%arg11 : memref<80x128xf32, #tpu.memory_space<vmem>>) offsets(%dma_start3A_301 : memref<80xi32, #tpu.memory_space<vmem>>) semaphore(%arg15 : memref<!tpu.dma_semaphore, #tpu.memory_space<semaphore_mem>>)
      }
      %scan3A_108 = arith.constant 6 : i32
      %dma_wait3A_109 = arith.constant 0 : i32
      %dma_wait3A_110 = arith.constant 0 : i32
      %dma_wait3A_111 = tpu.memref_slice %arg8[%dma_wait3A_109, %dma_wait3A_110] : memref<25x80xi32, #tpu.memory_space<vmem>> -> memref<1x80xi32, #tpu.memory_space<vmem>>
      %dma_wait3A_112 = tpu.memref_squeeze %dma_wait3A_111 : memref<1x80xi32, #tpu.memory_space<vmem>> -> memref<80xi32, #tpu.memory_space<vmem>>
      %dma_wait3A_113 = arith.constant 0 : i32
      %dma_wait3A_114 = arith.constant 0 : i32
      %dma_wait3A_115 = tpu.memref_slice %arg2[%dma_wait3A_113, %dma_wait3A_114] : memref<10000x128xf32, #tpu.memory_space<hbm>> -> memref<10000x128xf32, #tpu.memory_space<hbm>>
      tpu.wait_indirect_dma semaphore(%arg14 : memref<!tpu.dma_semaphore, #tpu.memory_space<semaphore_mem>>) src(%dma_wait3A_115 : memref<10000x128xf32, #tpu.memory_space<hbm>>) dst(%arg10 : memref<80x128xf32, #tpu.memory_space<vmem>>)
      %dma_start3A_116 = arith.constant 21 : i32
      %dma_start3A_117 = arith.constant 0 : i32
      %dma_start3A_118 = tpu.memref_slice %arg9[%dma_start3A_116, %dma_start3A_117] : memref<25x80xi32, #tpu.memory_space<vmem>> -> memref<1x80xi32, #tpu.memory_space<vmem>>
      %dma_start3A_119 = tpu.memref_squeeze %dma_start3A_118 : memref<1x80xi32, #tpu.memory_space<vmem>> -> memref<80xi32, #tpu.memory_space<vmem>>
      %dma_start3A_120 = arith.constant 0 : i32
      %dma_start3A_121 = arith.constant 0 : i32
      %dma_start3A_122 = tpu.memref_slice %arg13[%dma_start3A_120, %dma_start3A_121] : memref<10240x128xf32, #tpu.memory_space<vmem_shared>> -> memref<10240x128xf32, #tpu.memory_space<vmem_shared>>
      tpu.enqueue_indirect_dma source(%arg10 : memref<80x128xf32, #tpu.memory_space<vmem>>) target(%dma_start3A_122 : memref<10240x128xf32, #tpu.memory_space<vmem_shared>>) offsets(%dma_start3A_119 : memref<80xi32, #tpu.memory_space<vmem>>) semaphore(%arg17 : memref<!tpu.dma_semaphore, #tpu.memory_space<semaphore_mem>>) {add = true}
      %dma_wait3A_123 = arith.constant 0 : i32
      %dma_wait3A_124 = arith.constant 0 : i32
      %dma_wait3A_125 = tpu.memref_slice %arg9[%dma_wait3A_123, %dma_wait3A_124] : memref<25x80xi32, #tpu.memory_space<vmem>> -> memref<1x80xi32, #tpu.memory_space<vmem>>
      %dma_wait3A_126 = tpu.memref_squeeze %dma_wait3A_125 : memref<1x80xi32, #tpu.memory_space<vmem>> -> memref<80xi32, #tpu.memory_space<vmem>>
      %dma_wait3A_127 = arith.constant 0 : i32
      %dma_wait3A_128 = arith.constant 0 : i32
      %dma_wait3A_129 = tpu.memref_slice %arg13[%dma_wait3A_127, %dma_wait3A_128] : memref<10240x128xf32, #tpu.memory_space<vmem_shared>> -> memref<10240x128xf32, #tpu.memory_space<vmem_shared>>
      tpu.wait_indirect_dma semaphore(%arg19 : memref<!tpu.dma_semaphore, #tpu.memory_space<semaphore_mem>>) src(%arg12 : memref<80x128xf32, #tpu.memory_space<vmem>>) dst(%dma_wait3A_129 : memref<10240x128xf32, #tpu.memory_space<vmem_shared>>)
      %dma_start3A_130 = arith.constant 23 : i32
      %dma_start3A_131 = arith.constant 0 : i32
      %dma_start3A_132 = tpu.memref_slice %arg8[%dma_start3A_130, %dma_start3A_131] : memref<25x80xi32, #tpu.memory_space<vmem>> -> memref<1x80xi32, #tpu.memory_space<vmem>>
      %dma_start3A_133 = tpu.memref_squeeze %dma_start3A_132 : memref<1x80xi32, #tpu.memory_space<vmem>> -> memref<80xi32, #tpu.memory_space<vmem>>
      %dma_start3A_134 = arith.constant 0 : i32
      %dma_start3A_135 = arith.constant 0 : i32
      %dma_start3A_136 = tpu.memref_slice %arg2[%dma_start3A_134, %dma_start3A_135] : memref<10000x128xf32, #tpu.memory_space<hbm>> -> memref<10000x128xf32, #tpu.memory_space<hbm>>
      tpu.enqueue_indirect_dma source(%dma_start3A_136 : memref<10000x128xf32, #tpu.memory_space<hbm>>) target(%arg12 : memref<80x128xf32, #tpu.memory_space<vmem>>) offsets(%dma_start3A_133 : memref<80xi32, #tpu.memory_space<vmem>>) semaphore(%arg16 : memref<!tpu.dma_semaphore, #tpu.memory_space<semaphore_mem>>)
      %dma_wait3A_137 = arith.constant 0 : i32
      %dma_wait3A_138 = arith.constant 0 : i32
      %dma_wait3A_139 = tpu.memref_slice %arg8[%dma_wait3A_137, %dma_wait3A_138] : memref<25x80xi32, #tpu.memory_space<vmem>> -> memref<1x80xi32, #tpu.memory_space<vmem>>
      %dma_wait3A_140 = tpu.memref_squeeze %dma_wait3A_139 : memref<1x80xi32, #tpu.memory_space<vmem>> -> memref<80xi32, #tpu.memory_space<vmem>>
      %dma_wait3A_141 = arith.constant 0 : i32
      %dma_wait3A_142 = arith.constant 0 : i32
      %dma_wait3A_143 = tpu.memref_slice %arg2[%dma_wait3A_141, %dma_wait3A_142] : memref<10000x128xf32, #tpu.memory_space<hbm>> -> memref<10000x128xf32, #tpu.memory_space<hbm>>
      tpu.wait_indirect_dma semaphore(%arg15 : memref<!tpu.dma_semaphore, #tpu.memory_space<semaphore_mem>>) src(%dma_wait3A_143 : memref<10000x128xf32, #tpu.memory_space<hbm>>) dst(%arg11 : memref<80x128xf32, #tpu.memory_space<vmem>>)
      %dma_start3A_144 = arith.constant 22 : i32
      %dma_start3A_145 = arith.constant 0 : i32
      %dma_start3A_146 = tpu.memref_slice %arg9[%dma_start3A_144, %dma_start3A_145] : memref<25x80xi32, #tpu.memory_space<vmem>> -> memref<1x80xi32, #tpu.memory_space<vmem>>
      %dma_start3A_147 = tpu.memref_squeeze %dma_start3A_146 : memref<1x80xi32, #tpu.memory_space<vmem>> -> memref<80xi32, #tpu.memory_space<vmem>>
      %dma_start3A_148 = arith.constant 0 : i32
      %dma_start3A_149 = arith.constant 0 : i32
      %dma_start3A_150 = tpu.memref_slice %arg13[%dma_start3A_148, %dma_start3A_149] : memref<10240x128xf32, #tpu.memory_space<vmem_shared>> -> memref<10240x128xf32, #tpu.memory_space<vmem_shared>>
      tpu.enqueue_indirect_dma source(%arg11 : memref<80x128xf32, #tpu.memory_space<vmem>>) target(%dma_start3A_150 : memref<10240x128xf32, #tpu.memory_space<vmem_shared>>) offsets(%dma_start3A_147 : memref<80xi32, #tpu.memory_space<vmem>>) semaphore(%arg18 : memref<!tpu.dma_semaphore, #tpu.memory_space<semaphore_mem>>) {add = true}
      %dma_wait3A_151 = arith.constant 0 : i32
      %dma_wait3A_152 = arith.constant 0 : i32
      %dma_wait3A_153 = tpu.memref_slice %arg9[%dma_wait3A_151, %dma_wait3A_152] : memref<25x80xi32, #tpu.memory_space<vmem>> -> memref<1x80xi32, #tpu.memory_space<vmem>>
      %dma_wait3A_154 = tpu.memref_squeeze %dma_wait3A_153 : memref<1x80xi32, #tpu.memory_space<vmem>> -> memref<80xi32, #tpu.memory_space<vmem>>
      %dma_wait3A_155 = arith.constant 0 : i32
      %dma_wait3A_156 = arith.constant 0 : i32
      %dma_wait3A_157 = tpu.memref_slice %arg13[%dma_wait3A_155, %dma_wait3A_156] : memref<10240x128xf32, #tpu.memory_space<vmem_shared>> -> memref<10240x128xf32, #tpu.memory_space<vmem_shared>>
      tpu.wait_indirect_dma semaphore(%arg17 : memref<!tpu.dma_semaphore, #tpu.memory_space<semaphore_mem>>) src(%arg10 : memref<80x128xf32, #tpu.memory_space<vmem>>) dst(%dma_wait3A_157 : memref<10240x128xf32, #tpu.memory_space<vmem_shared>>)
      %dma_start3A_158 = arith.constant 24 : i32
      %dma_start3A_159 = arith.constant 0 : i32
      %dma_start3A_160 = tpu.memref_slice %arg8[%dma_start3A_158, %dma_start3A_159] : memref<25x80xi32, #tpu.memory_space<vmem>> -> memref<1x80xi32, #tpu.memory_space<vmem>>
      %dma_start3A_161 = tpu.memref_squeeze %dma_start3A_160 : memref<1x80xi32, #tpu.memory_space<vmem>> -> memref<80xi32, #tpu.memory_space<vmem>>
      %dma_start3A_162 = arith.constant 0 : i32
      %dma_start3A_163 = arith.constant 0 : i32
      %dma_start3A_164 = tpu.memref_slice %arg2[%dma_start3A_162, %dma_start3A_163] : memref<10000x128xf32, #tpu.memory_space<hbm>> -> memref<10000x128xf32, #tpu.memory_space<hbm>>
      tpu.enqueue_indirect_dma source(%dma_start3A_164 : memref<10000x128xf32, #tpu.memory_space<hbm>>) target(%arg10 : memref<80x128xf32, #tpu.memory_space<vmem>>) offsets(%dma_start3A_161 : memref<80xi32, #tpu.memory_space<vmem>>) semaphore(%arg14 : memref<!tpu.dma_semaphore, #tpu.memory_space<semaphore_mem>>)
      %dma_wait3A_165 = arith.constant 0 : i32
      %dma_wait3A_166 = arith.constant 0 : i32
      %dma_wait3A_167 = tpu.memref_slice %arg8[%dma_wait3A_165, %dma_wait3A_166] : memref<25x80xi32, #tpu.memory_space<vmem>> -> memref<1x80xi32, #tpu.memory_space<vmem>>
      %dma_wait3A_168 = tpu.memref_squeeze %dma_wait3A_167 : memref<1x80xi32, #tpu.memory_space<vmem>> -> memref<80xi32, #tpu.memory_space<vmem>>
      %dma_wait3A_169 = arith.constant 0 : i32
      %dma_wait3A_170 = arith.constant 0 : i32
      %dma_wait3A_171 = tpu.memref_slice %arg2[%dma_wait3A_169, %dma_wait3A_170] : memref<10000x128xf32, #tpu.memory_space<hbm>> -> memref<10000x128xf32, #tpu.memory_space<hbm>>
      tpu.wait_indirect_dma semaphore(%arg16 : memref<!tpu.dma_semaphore, #tpu.memory_space<semaphore_mem>>) src(%dma_wait3A_171 : memref<10000x128xf32, #tpu.memory_space<hbm>>) dst(%arg12 : memref<80x128xf32, #tpu.memory_space<vmem>>)
      %dma_start3A_172 = arith.constant 23 : i32
      %dma_start3A_173 = arith.constant 0 : i32
      %dma_start3A_174 = tpu.memref_slice %arg9[%dma_start3A_172, %dma_start3A_173] : memref<25x80xi32, #tpu.memory_space<vmem>> -> memref<1x80xi32, #tpu.memory_space<vmem>>
      %dma_start3A_175 = tpu.memref_squeeze %dma_start3A_174 : memref<1x80xi32, #tpu.memory_space<vmem>> -> memref<80xi32, #tpu.memory_space<vmem>>
      %dma_start3A_176 = arith.constant 0 : i32
      %dma_start3A_177 = arith.constant 0 : i32
      %dma_start3A_178 = tpu.memref_slice %arg13[%dma_start3A_176, %dma_start3A_177] : memref<10240x128xf32, #tpu.memory_space<vmem_shared>> -> memref<10240x128xf32, #tpu.memory_space<vmem_shared>>
      tpu.enqueue_indirect_dma source(%arg12 : memref<80x128xf32, #tpu.memory_space<vmem>>) target(%dma_start3A_178 : memref<10240x128xf32, #tpu.memory_space<vmem_shared>>) offsets(%dma_start3A_175 : memref<80xi32, #tpu.memory_space<vmem>>) semaphore(%arg19 : memref<!tpu.dma_semaphore, #tpu.memory_space<semaphore_mem>>) {add = true}
      %dma_wait3A_179 = arith.constant 0 : i32
      %dma_wait3A_180 = arith.constant 0 : i32
      %dma_wait3A_181 = tpu.memref_slice %arg9[%dma_wait3A_179, %dma_wait3A_180] : memref<25x80xi32, #tpu.memory_space<vmem>> -> memref<1x80xi32, #tpu.memory_space<vmem>>
      %dma_wait3A_182 = tpu.memref_squeeze %dma_wait3A_181 : memref<1x80xi32, #tpu.memory_space<vmem>> -> memref<80xi32, #tpu.memory_space<vmem>>
      %dma_wait3A_183 = arith.constant 0 : i32
      %dma_wait3A_184 = arith.constant 0 : i32
      %dma_wait3A_185 = tpu.memref_slice %arg13[%dma_wait3A_183, %dma_wait3A_184] : memref<10240x128xf32, #tpu.memory_space<vmem_shared>> -> memref<10240x128xf32, #tpu.memory_space<vmem_shared>>
      tpu.wait_indirect_dma semaphore(%arg18 : memref<!tpu.dma_semaphore, #tpu.memory_space<semaphore_mem>>) src(%arg11 : memref<80x128xf32, #tpu.memory_space<vmem>>) dst(%dma_wait3A_185 : memref<10240x128xf32, #tpu.memory_space<vmem_shared>>)
      %dma_wait3A_186 = arith.constant 0 : i32
      %dma_wait3A_187 = arith.constant 0 : i32
      %dma_wait3A_188 = tpu.memref_slice %arg8[%dma_wait3A_186, %dma_wait3A_187] : memref<25x80xi32, #tpu.memory_space<vmem>> -> memref<1x80xi32, #tpu.memory_space<vmem>>
      %dma_wait3A_189 = tpu.memref_squeeze %dma_wait3A_188 : memref<1x80xi32, #tpu.memory_space<vmem>> -> memref<80xi32, #tpu.memory_space<vmem>>
      %dma_wait3A_190 = arith.constant 0 : i32
      %dma_wait3A_191 = arith.constant 0 : i32
      %dma_wait3A_192 = tpu.memref_slice %arg2[%dma_wait3A_190, %dma_wait3A_191] : memref<10000x128xf32, #tpu.memory_space<hbm>> -> memref<10000x128xf32, #tpu.memory_space<hbm>>
      tpu.wait_indirect_dma semaphore(%arg14 : memref<!tpu.dma_semaphore, #tpu.memory_space<semaphore_mem>>) src(%dma_wait3A_192 : memref<10000x128xf32, #tpu.memory_space<hbm>>) dst(%arg10 : memref<80x128xf32, #tpu.memory_space<vmem>>)
      %dma_start3A_193 = arith.constant 24 : i32
      %dma_start3A_194 = arith.constant 0 : i32
      %dma_start3A_195 = tpu.memref_slice %arg9[%dma_start3A_193, %dma_start3A_194] : memref<25x80xi32, #tpu.memory_space<vmem>> -> memref<1x80xi32, #tpu.memory_space<vmem>>
      %dma_start3A_196 = tpu.memref_squeeze %dma_start3A_195 : memref<1x80xi32, #tpu.memory_space<vmem>> -> memref<80xi32, #tpu.memory_space<vmem>>
      %dma_start3A_197 = arith.constant 0 : i32
      %dma_start3A_198 = arith.constant 0 : i32
      %dma_start3A_199 = tpu.memref_slice %arg13[%dma_start3A_197, %dma_start3A_198] : memref<10240x128xf32, #tpu.memory_space<vmem_shared>> -> memref<10240x128xf32, #tpu.memory_space<vmem_shared>>
      tpu.enqueue_indirect_dma source(%arg10 : memref<80x128xf32, #tpu.memory_space<vmem>>) target(%dma_start3A_199 : memref<10240x128xf32, #tpu.memory_space<vmem_shared>>) offsets(%dma_start3A_196 : memref<80xi32, #tpu.memory_space<vmem>>) semaphore(%arg17 : memref<!tpu.dma_semaphore, #tpu.memory_space<semaphore_mem>>) {add = true}
      %dma_wait3A_200 = arith.constant 0 : i32
      %dma_wait3A_201 = arith.constant 0 : i32
      %dma_wait3A_202 = tpu.memref_slice %arg9[%dma_wait3A_200, %dma_wait3A_201] : memref<25x80xi32, #tpu.memory_space<vmem>> -> memref<1x80xi32, #tpu.memory_space<vmem>>
      %dma_wait3A_203 = tpu.memref_squeeze %dma_wait3A_202 : memref<1x80xi32, #tpu.memory_space<vmem>> -> memref<80xi32, #tpu.memory_space<vmem>>
      %dma_wait3A_204 = arith.constant 0 : i32
      %dma_wait3A_205 = arith.constant 0 : i32
      %dma_wait3A_206 = tpu.memref_slice %arg13[%dma_wait3A_204, %dma_wait3A_205] : memref<10240x128xf32, #tpu.memory_space<vmem_shared>> -> memref<10240x128xf32, #tpu.memory_space<vmem_shared>>
      tpu.wait_indirect_dma semaphore(%arg19 : memref<!tpu.dma_semaphore, #tpu.memory_space<semaphore_mem>>) src(%arg12 : memref<80x128xf32, #tpu.memory_space<vmem>>) dst(%dma_wait3A_206 : memref<10240x128xf32, #tpu.memory_space<vmem_shared>>)
      %dma_wait3A_207 = arith.constant 0 : i32
      %dma_wait3A_208 = arith.constant 0 : i32
      %dma_wait3A_209 = tpu.memref_slice %arg9[%dma_wait3A_207, %dma_wait3A_208] : memref<25x80xi32, #tpu.memory_space<vmem>> -> memref<1x80xi32, #tpu.memory_space<vmem>>
      %dma_wait3A_210 = tpu.memref_squeeze %dma_wait3A_209 : memref<1x80xi32, #tpu.memory_space<vmem>> -> memref<80xi32, #tpu.memory_space<vmem>>
      %dma_wait3A_211 = arith.constant 0 : i32
      %dma_wait3A_212 = arith.constant 0 : i32
      %dma_wait3A_213 = tpu.memref_slice %arg13[%dma_wait3A_211, %dma_wait3A_212] : memref<10240x128xf32, #tpu.memory_space<vmem_shared>> -> memref<10240x128xf32, #tpu.memory_space<vmem_shared>>
      tpu.wait_indirect_dma semaphore(%arg17 : memref<!tpu.dma_semaphore, #tpu.memory_space<semaphore_mem>>) src(%arg10 : memref<80x128xf32, #tpu.memory_space<vmem>>) dst(%dma_wait3A_213 : memref<10240x128xf32, #tpu.memory_space<vmem_shared>>)
    }
    %scan3A_8 = arith.constant 5 : i32
    %barrier3A_9 = arith.constant 0 : index
    tpu.barrier barrier_id(%barrier3A_9)
    %mul3A_10 = arith.constant 640 : i32
    %mul3A_11 = arith.muli %arg1, %mul3A_10 : i32
    %mul3A_12 = arith.constant 640 : i32
    %mul3A_13 = arith.muli %arg1, %mul3A_12 : i32
    "tpu.region"() ({
      %run_scoped3A = tpu.sem_alloc : memref<!tpu.dma_semaphore, #tpu.memory_space<semaphore_mem>>
      %dma_start3A = arith.constant 0 : i32
      %dma_start3A_14 = arith.constant 0 : i32
      %dma_start3A_15 = tpu.memref_slice %arg7[%arg0, %dma_start3A, %dma_start3A_14] : memref<2x10240x128xf32, #tpu.memory_space<hbm>> -> memref<1x10240x128xf32, #tpu.memory_space<hbm>>
      %dma_start3A_16 = tpu.memref_squeeze %dma_start3A_15 : memref<1x10240x128xf32, #tpu.memory_space<hbm>> -> memref<10240x128xf32, #tpu.memory_space<hbm>>
      %dma_start3A_17 = arith.constant 0 : i32
      %dma_start3A_18 = tpu.memref_slice %dma_start3A_16[%mul3A_13, %dma_start3A_17] : memref<10240x128xf32, #tpu.memory_space<hbm>> -> memref<640x128xf32, #tpu.memory_space<hbm>>
      %dma_start3A_19 = arith.constant 0 : i32
      %dma_start3A_20 = tpu.memref_slice %arg13[%mul3A_11, %dma_start3A_19] : memref<10240x128xf32, #tpu.memory_space<vmem_shared>> -> memref<640x128xf32, #tpu.memory_space<vmem_shared>>
      tpu.enqueue_dma source(%dma_start3A_20 : memref<640x128xf32, #tpu.memory_space<vmem_shared>>) target(%dma_start3A_18 : memref<640x128xf32, #tpu.memory_space<hbm>>) target_semaphore(%run_scoped3A : memref<!tpu.dma_semaphore, #tpu.memory_space<semaphore_mem>>)
      %dma_wait3A = arith.constant 0 : i32
      %dma_wait3A_21 = arith.constant 0 : i32
      %dma_wait3A_22 = tpu.memref_slice %arg7[%arg0, %dma_wait3A, %dma_wait3A_21] : memref<2x10240x128xf32, #tpu.memory_space<hbm>> -> memref<1x10240x128xf32, #tpu.memory_space<hbm>>
      %dma_wait3A_23 = tpu.memref_squeeze %dma_wait3A_22 : memref<1x10240x128xf32, #tpu.memory_space<hbm>> -> memref<10240x128xf32, #tpu.memory_space<hbm>>
      %dma_wait3A_24 = arith.constant 0 : i32
      %dma_wait3A_25 = tpu.memref_slice %dma_wait3A_23[%mul3A_13, %dma_wait3A_24] : memref<10240x128xf32, #tpu.memory_space<hbm>> -> memref<640x128xf32, #tpu.memory_space<hbm>>
      %dma_wait3A_26 = arith.constant 0 : i32
      %dma_wait3A_27 = tpu.memref_slice %arg13[%mul3A_11, %dma_wait3A_26] : memref<10240x128xf32, #tpu.memory_space<vmem_shared>> -> memref<640x128xf32, #tpu.memory_space<vmem_shared>>
      tpu.wait_dma2 semaphore(%run_scoped3A : memref<!tpu.dma_semaphore, #tpu.memory_space<semaphore_mem>>) src(%dma_wait3A_27 : memref<640x128xf32, #tpu.memory_space<vmem_shared>>) dst(%dma_wait3A_25 : memref<640x128xf32, #tpu.memory_space<hbm>>)
      tpu.yield
    }) : () -> ()
    return
  }
}

module attributes {stable_mosaic.version = 14 : i64} {
  func.func @_embed_body(%arg0: i32, %arg1: memref<1000x128xf32, #tpu.memory_space<vmem>>, %arg2: memref<128x128xf32, #tpu.memory_space<vmem>>, %arg3: memref<1x128xf32, #tpu.memory_space<vmem>>, %arg4: memref<1000x128xf32, #tpu.memory_space<vmem>>) attributes {dimension_semantics = [#tpu.dimension_semantics<arbitrary>], iteration_bounds = array<i64: 10>, scalar_prefetch = 0 : i64, scratch_operands = 0 : i64, tpu.core_type = #tpu.core_type<tc>, window_params = [{transform_indices = @transform_0, window_bounds = array<i64: 1000, 128>}, {pipeline_mode = #tpu.pipeline_mode<synchronous>, transform_indices = @transform_1, window_bounds = array<i64: 128, 128>}, {pipeline_mode = #tpu.pipeline_mode<synchronous>, transform_indices = @transform_2, window_bounds = array<i64: 1, 128>}, {transform_indices = @transform_3, window_bounds = array<i64: 1000, 128>}]} {
    %get3A = arith.constant 0 : index
    %get3A_0 = arith.constant 0 : index
    %get3A_1 = vector.load %arg1[%get3A, %get3A_0] : memref<1000x128xf32, #tpu.memory_space<vmem>>, vector<1000x128xf32>
    %get3A_2 = arith.constant 0 : index
    %get3A_3 = arith.constant 0 : index
    %get3A_4 = vector.load %arg2[%get3A_2, %get3A_3] : memref<128x128xf32, #tpu.memory_space<vmem>>, vector<128x128xf32>
    %dot_general3A = arith.constant dense<0.000000e+00> : vector<1000x128xf32>
    %dot_general3A_5 = tpu.matmul %get3A_1, %get3A_4, %dot_general3A {dimension_numbers = #tpu.dot_dimension_numbers<[1], [0], [0], [1], [0, 0, 1, 1], [], []>, transpose_lhs_hint = false} : vector<1000x128xf32>, vector<128x128xf32>, vector<1000x128xf32> -> vector<1000x128xf32>
    %get3A_6 = arith.constant 0 : index
    %get3A_7 = arith.constant 0 : index
    %get3A_8 = vector.load %arg3[%get3A_6, %get3A_7] : memref<1x128xf32, #tpu.memory_space<vmem>>, vector<1x128xf32>
    %add3A = vector.broadcast %get3A_8 : vector<1x128xf32> to vector<1000x128xf32>
    %add3A_9 = arith.addf %dot_general3A_5, %add3A : vector<1000x128xf32>
    %swap3A = arith.constant 0 : index
    %swap3A_10 = arith.constant 0 : index
    %swap3A_11 = vector.load %arg4[%swap3A, %swap3A_10] : memref<1000x128xf32, #tpu.memory_space<vmem>>, vector<1000x128xf32>
    tpu.vector_store %arg4[%swap3A, %swap3A_10], %add3A_9 {strides = array<i32>} : memref<1000x128xf32, #tpu.memory_space<vmem>>, vector<1000x128xf32>,
    return
  }
  func.func @transform_0(%arg0: i32) -> (i32, i32) {
    %c0_i32 = arith.constant 0 : i32
    %c0_i32_0 = arith.constant 0 : i32
    return %arg0, %c0_i32 : i32, i32
  }
  func.func @transform_1(%arg0: i32) -> (i32, i32) {
    %c0_i32 = arith.constant 0 : i32
    %c0_i32_0 = arith.constant 0 : i32
    %c0_i32_1 = arith.constant 0 : i32
    return %c0_i32, %c0_i32_0 : i32, i32
  }
  func.func @transform_2(%arg0: i32) -> (i32, i32) {
    %c0_i32 = arith.constant 0 : i32
    %c0_i32_0 = arith.constant 0 : i32
    %c0_i32_1 = arith.constant 0 : i32
    return %c0_i32, %c0_i32_0 : i32, i32
  }
  func.func @transform_3(%arg0: i32) -> (i32, i32) {
    %c0_i32 = arith.constant 0 : i32
    %c0_i32_0 = arith.constant 0 : i32
    return %arg0, %c0_i32 : i32, i32
  }
}

module attributes {stable_mosaic.version = 14 : i64} {
  func.func @_layer_body(%arg0: i32, %arg1: memref<2x1000x128xf32, #tpu.memory_space<vmem>>, %arg2: memref<2x1000x1xf32, #tpu.memory_space<vmem>>, %arg3: memref<1000x128xf32, #tpu.memory_space<vmem>>, %arg4: memref<128x128xf32, #tpu.memory_space<vmem>>, %arg5: memref<1x128xf32, #tpu.memory_space<vmem>>, %arg6: memref<1000x128xf32, #tpu.memory_space<vmem>>) attributes {dimension_semantics = [#tpu.dimension_semantics<arbitrary>], iteration_bounds = array<i64: 10>, scalar_prefetch = 0 : i64, scratch_operands = 0 : i64, tpu.core_type = #tpu.core_type<tc>, window_params = [{transform_indices = @transform_0, window_bounds = array<i64: 2, 1000, 128>}, {transform_indices = @transform_1, window_bounds = array<i64: 2, 1000, 1>}, {transform_indices = @transform_2, window_bounds = array<i64: 1000, 128>}, {pipeline_mode = #tpu.pipeline_mode<synchronous>, transform_indices = @transform_3, window_bounds = array<i64: 128, 128>}, {pipeline_mode = #tpu.pipeline_mode<synchronous>, transform_indices = @transform_4, window_bounds = array<i64: 1, 128>}, {transform_indices = @transform_5, window_bounds = array<i64: 1000, 128>}]} {
    %get3A = arith.constant 0 : index
    %get3A_0 = arith.constant 0 : index
    %get3A_1 = arith.constant 0 : index
    %get3A_2 = vector.load %arg2[%get3A, %get3A_0, %get3A_1] : memref<2x1000x1xf32, #tpu.memory_space<vmem>>, vector<1x1000x1xf32>
    %get3A_3 = vector.shape_cast %get3A_2 : vector<1x1000x1xf32> to vector<1000x1xf32>
    %get3A_4 = arith.constant 1 : index
    %get3A_5 = arith.constant 0 : index
    %get3A_6 = arith.constant 0 : index
    %get3A_7 = vector.load %arg2[%get3A_4, %get3A_5, %get3A_6] : memref<2x1000x1xf32, #tpu.memory_space<vmem>>, vector<1x1000x1xf32>
    %get3A_8 = vector.shape_cast %get3A_7 : vector<1x1000x1xf32> to vector<1000x1xf32>
    %add3A = arith.addf %get3A_3, %get3A_8 : vector<1000x1xf32>
    %max3A = arith.constant 1.000000e+00 : f32
    %max3A_9 = vector.broadcast %max3A : f32 to vector<1000x1xf32>
    %max3A_10 = arith.maximumf %add3A, %max3A_9 : vector<1000x1xf32>
    %get3A_11 = arith.constant 0 : index
    %get3A_12 = arith.constant 0 : index
    %get3A_13 = arith.constant 0 : index
    %get3A_14 = vector.load %arg1[%get3A_11, %get3A_12, %get3A_13] : memref<2x1000x128xf32, #tpu.memory_space<vmem>>, vector<1x1000x128xf32>
    %get3A_15 = vector.shape_cast %get3A_14 : vector<1x1000x128xf32> to vector<1000x128xf32>
    %get3A_16 = arith.constant 1 : index
    %get3A_17 = arith.constant 0 : index
    %get3A_18 = arith.constant 0 : index
    %get3A_19 = vector.load %arg1[%get3A_16, %get3A_17, %get3A_18] : memref<2x1000x128xf32, #tpu.memory_space<vmem>>, vector<1x1000x128xf32>
    %get3A_20 = vector.shape_cast %get3A_19 : vector<1x1000x128xf32> to vector<1000x128xf32>
    %add3A_21 = arith.addf %get3A_15, %get3A_20 : vector<1000x128xf32>
    %div3A = vector.broadcast %max3A_10 : vector<1000x1xf32> to vector<1000x128xf32>
    %div3A_22 = arith.divf %add3A_21, %div3A : vector<1000x128xf32>
    %get3A_23 = arith.constant 0 : index
    %get3A_24 = arith.constant 0 : index
    %get3A_25 = vector.load %arg4[%get3A_23, %get3A_24] : memref<128x128xf32, #tpu.memory_space<vmem>>, vector<128x128xf32>
    %dot_general3A = arith.constant dense<0.000000e+00> : vector<1000x128xf32>
    %dot_general3A_26 = tpu.matmul %div3A_22, %get3A_25, %dot_general3A {dimension_numbers = #tpu.dot_dimension_numbers<[1], [0], [0], [1], [0, 0, 1, 1], [], []>, transpose_lhs_hint = false} : vector<1000x128xf32>, vector<128x128xf32>, vector<1000x128xf32> -> vector<1000x128xf32>
    %get3A_27 = arith.constant 0 : index
    %get3A_28 = arith.constant 0 : index
    %get3A_29 = vector.load %arg5[%get3A_27, %get3A_28] : memref<1x128xf32, #tpu.memory_space<vmem>>, vector<1x128xf32>
    %add3A_30 = vector.broadcast %get3A_29 : vector<1x128xf32> to vector<1000x128xf32>
    %add3A_31 = arith.addf %dot_general3A_26, %add3A_30 : vector<1000x128xf32>
    %max3A_32 = arith.constant 0.000000e+00 : f32
    %max3A_33 = vector.broadcast %max3A_32 : f32 to vector<1000x128xf32>
    %max3A_34 = arith.maximumf %add3A_31, %max3A_33 : vector<1000x128xf32>
    %get3A_35 = arith.constant 0 : index
    %get3A_36 = arith.constant 0 : index
    %get3A_37 = vector.load %arg3[%get3A_35, %get3A_36] : memref<1000x128xf32, #tpu.memory_space<vmem>>, vector<1000x128xf32>
    %add3A_38 = arith.addf %max3A_34, %get3A_37 : vector<1000x128xf32>
    %swap3A = arith.constant 0 : index
    %swap3A_39 = arith.constant 0 : index
    %swap3A_40 = vector.load %arg6[%swap3A, %swap3A_39] : memref<1000x128xf32, #tpu.memory_space<vmem>>, vector<1000x128xf32>
    tpu.vector_store %arg6[%swap3A, %swap3A_39], %add3A_38 {strides = array<i32>} : memref<1000x128xf32, #tpu.memory_space<vmem>>, vector<1000x128xf32>,
    return
  }
  func.func @transform_0(%arg0: i32) -> (i32, i32, i32) {
    %c0_i32 = arith.constant 0 : i32
    %c0_i32_0 = arith.constant 0 : i32
    %c0_i32_1 = arith.constant 0 : i32
    return %c0_i32, %arg0, %c0_i32_0 : i32, i32, i32
  }
  func.func @transform_1(%arg0: i32) -> (i32, i32, i32) {
    %c0_i32 = arith.constant 0 : i32
    %c0_i32_0 = arith.constant 0 : i32
    %c0_i32_1 = arith.constant 0 : i32
    return %c0_i32, %arg0, %c0_i32_0 : i32, i32, i32
  }
  func.func @transform_2(%arg0: i32) -> (i32, i32) {
    %c0_i32 = arith.constant 0 : i32
    %c0_i32_0 = arith.constant 0 : i32
    return %arg0, %c0_i32 : i32, i32
  }
  func.func @transform_3(%arg0: i32) -> (i32, i32) {
    %c0_i32 = arith.constant 0 : i32
    %c0_i32_0 = arith.constant 0 : i32
    %c0_i32_1 = arith.constant 0 : i32
    return %c0_i32, %c0_i32_0 : i32, i32
  }
  func.func @transform_4(%arg0: i32) -> (i32, i32) {
    %c0_i32 = arith.constant 0 : i32
    %c0_i32_0 = arith.constant 0 : i32
    %c0_i32_1 = arith.constant 0 : i32
    return %c0_i32, %c0_i32_0 : i32, i32
  }
  func.func @transform_5(%arg0: i32) -> (i32, i32) {
    %c0_i32 = arith.constant 0 : i32
    %c0_i32_0 = arith.constant 0 : i32
    return %arg0, %c0_i32 : i32, i32
  }
}

module attributes {stable_mosaic.version = 14 : i64} {
  func.func @_last_body(%arg0: i32, %arg1: memref<2x1000x128xf32, #tpu.memory_space<vmem>>, %arg2: memref<2x1000x1xf32, #tpu.memory_space<vmem>>, %arg3: memref<1000x128xf32, #tpu.memory_space<vmem>>, %arg4: memref<128x128xf32, #tpu.memory_space<vmem>>, %arg5: memref<1x128xf32, #tpu.memory_space<vmem>>, %arg6: memref<128x40xf32, #tpu.memory_space<vmem>>, %arg7: memref<1x40xf32, #tpu.memory_space<vmem>>, %arg8: memref<1000x40xf32, #tpu.memory_space<vmem>>) attributes {dimension_semantics = [#tpu.dimension_semantics<arbitrary>], iteration_bounds = array<i64: 10>, scalar_prefetch = 0 : i64, scratch_operands = 0 : i64, tpu.core_type = #tpu.core_type<tc>, window_params = [{transform_indices = @transform_0, window_bounds = array<i64: 2, 1000, 128>}, {transform_indices = @transform_1, window_bounds = array<i64: 2, 1000, 1>}, {transform_indices = @transform_2, window_bounds = array<i64: 1000, 128>}, {pipeline_mode = #tpu.pipeline_mode<synchronous>, transform_indices = @transform_3, window_bounds = array<i64: 128, 128>}, {pipeline_mode = #tpu.pipeline_mode<synchronous>, transform_indices = @transform_4, window_bounds = array<i64: 1, 128>}, {pipeline_mode = #tpu.pipeline_mode<synchronous>, transform_indices = @transform_5, window_bounds = array<i64: 128, 40>}, {pipeline_mode = #tpu.pipeline_mode<synchronous>, transform_indices = @transform_6, window_bounds = array<i64: 1, 40>}, {transform_indices = @transform_7, window_bounds = array<i64: 1000, 40>}]} {
    %get3A = arith.constant 0 : index
    %get3A_0 = arith.constant 0 : index
    %get3A_1 = arith.constant 0 : index
    %get3A_2 = vector.load %arg2[%get3A, %get3A_0, %get3A_1] : memref<2x1000x1xf32, #tpu.memory_space<vmem>>, vector<1x1000x1xf32>
    %get3A_3 = vector.shape_cast %get3A_2 : vector<1x1000x1xf32> to vector<1000x1xf32>
    %get3A_4 = arith.constant 1 : index
    %get3A_5 = arith.constant 0 : index
    %get3A_6 = arith.constant 0 : index
    %get3A_7 = vector.load %arg2[%get3A_4, %get3A_5, %get3A_6] : memref<2x1000x1xf32, #tpu.memory_space<vmem>>, vector<1x1000x1xf32>
    %get3A_8 = vector.shape_cast %get3A_7 : vector<1x1000x1xf32> to vector<1000x1xf32>
    %add3A = arith.addf %get3A_3, %get3A_8 : vector<1000x1xf32>
    %max3A = arith.constant 1.000000e+00 : f32
    %max3A_9 = vector.broadcast %max3A : f32 to vector<1000x1xf32>
    %max3A_10 = arith.maximumf %add3A, %max3A_9 : vector<1000x1xf32>
    %get3A_11 = arith.constant 0 : index
    %get3A_12 = arith.constant 0 : index
    %get3A_13 = arith.constant 0 : index
    %get3A_14 = vector.load %arg1[%get3A_11, %get3A_12, %get3A_13] : memref<2x1000x128xf32, #tpu.memory_space<vmem>>, vector<1x1000x128xf32>
    %get3A_15 = vector.shape_cast %get3A_14 : vector<1x1000x128xf32> to vector<1000x128xf32>
    %get3A_16 = arith.constant 1 : index
    %get3A_17 = arith.constant 0 : index
    %get3A_18 = arith.constant 0 : index
    %get3A_19 = vector.load %arg1[%get3A_16, %get3A_17, %get3A_18] : memref<2x1000x128xf32, #tpu.memory_space<vmem>>, vector<1x1000x128xf32>
    %get3A_20 = vector.shape_cast %get3A_19 : vector<1x1000x128xf32> to vector<1000x128xf32>
    %add3A_21 = arith.addf %get3A_15, %get3A_20 : vector<1000x128xf32>
    %div3A = vector.broadcast %max3A_10 : vector<1000x1xf32> to vector<1000x128xf32>
    %div3A_22 = arith.divf %add3A_21, %div3A : vector<1000x128xf32>
    %get3A_23 = arith.constant 0 : index
    %get3A_24 = arith.constant 0 : index
    %get3A_25 = vector.load %arg4[%get3A_23, %get3A_24] : memref<128x128xf32, #tpu.memory_space<vmem>>, vector<128x128xf32>
    %dot_general3A = arith.constant dense<0.000000e+00> : vector<1000x128xf32>
    %dot_general3A_26 = tpu.matmul %div3A_22, %get3A_25, %dot_general3A {dimension_numbers = #tpu.dot_dimension_numbers<[1], [0], [0], [1], [0, 0, 1, 1], [], []>, transpose_lhs_hint = false} : vector<1000x128xf32>, vector<128x128xf32>, vector<1000x128xf32> -> vector<1000x128xf32>
    %get3A_27 = arith.constant 0 : index
    %get3A_28 = arith.constant 0 : index
    %get3A_29 = vector.load %arg5[%get3A_27, %get3A_28] : memref<1x128xf32, #tpu.memory_space<vmem>>, vector<1x128xf32>
    %add3A_30 = vector.broadcast %get3A_29 : vector<1x128xf32> to vector<1000x128xf32>
    %add3A_31 = arith.addf %dot_general3A_26, %add3A_30 : vector<1000x128xf32>
    %max3A_32 = arith.constant 0.000000e+00 : f32
    %max3A_33 = vector.broadcast %max3A_32 : f32 to vector<1000x128xf32>
    %max3A_34 = arith.maximumf %add3A_31, %max3A_33 : vector<1000x128xf32>
    %get3A_35 = arith.constant 0 : index
    %get3A_36 = arith.constant 0 : index
    %get3A_37 = vector.load %arg3[%get3A_35, %get3A_36] : memref<1000x128xf32, #tpu.memory_space<vmem>>, vector<1000x128xf32>
    %add3A_38 = arith.addf %max3A_34, %get3A_37 : vector<1000x128xf32>
    %get3A_39 = arith.constant 0 : index
    %get3A_40 = arith.constant 0 : index
    %get3A_41 = vector.load %arg6[%get3A_39, %get3A_40] : memref<128x40xf32, #tpu.memory_space<vmem>>, vector<128x40xf32>
    %dot_general3A_42 = arith.constant dense<0.000000e+00> : vector<1000x40xf32>
    %dot_general3A_43 = tpu.matmul %add3A_38, %get3A_41, %dot_general3A_42 {dimension_numbers = #tpu.dot_dimension_numbers<[1], [0], [0], [1], [0, 0, 1, 1], [], []>, transpose_lhs_hint = false} : vector<1000x128xf32>, vector<128x40xf32>, vector<1000x40xf32> -> vector<1000x40xf32>
    %get3A_44 = arith.constant 0 : index
    %get3A_45 = arith.constant 0 : index
    %get3A_46 = vector.load %arg7[%get3A_44, %get3A_45] : memref<1x40xf32, #tpu.memory_space<vmem>>, vector<1x40xf32>
    %add3A_47 = vector.broadcast %get3A_46 : vector<1x40xf32> to vector<1000x40xf32>
    %add3A_48 = arith.addf %dot_general3A_43, %add3A_47 : vector<1000x40xf32>
    %reduce_max3A = arith.constant dense<0xFF800000> : vector<1000xf32>
    %reduce_max3A_49 = vector.multi_reduction <maximumf>, %add3A_48, %reduce_max3A [1] : vector<1000x40xf32> to vector<1000xf32>
    %broadcast_in_dim3A = vector.shape_cast %reduce_max3A_49 : vector<1000xf32> to vector<1000x1xf32>
    %sub3A = vector.broadcast %broadcast_in_dim3A : vector<1000x1xf32> to vector<1000x40xf32>
    %sub3A_50 = arith.subf %add3A_48, %sub3A : vector<1000x40xf32>
    %exp3A = math.exp %sub3A_50 : vector<1000x40xf32>
    %reduce_sum3A = arith.constant dense<0.000000e+00> : vector<1000xf32>
    %reduce_sum3A_51 = vector.multi_reduction <add>, %exp3A, %reduce_sum3A [1] : vector<1000x40xf32> to vector<1000xf32>
    %broadcast_in_dim3A_52 = vector.shape_cast %reduce_sum3A_51 : vector<1000xf32> to vector<1000x1xf32>
    %log3A = math.log %broadcast_in_dim3A_52 : vector<1000x1xf32>
    %add3A_53 = arith.addf %log3A, %broadcast_in_dim3A : vector<1000x1xf32>
    %sub3A_54 = vector.broadcast %add3A_53 : vector<1000x1xf32> to vector<1000x40xf32>
    %sub3A_55 = arith.subf %add3A_48, %sub3A_54 : vector<1000x40xf32>
    %swap3A = arith.constant 0 : index
    %swap3A_56 = arith.constant 0 : index
    %swap3A_57 = vector.load %arg8[%swap3A, %swap3A_56] : memref<1000x40xf32, #tpu.memory_space<vmem>>, vector<1000x40xf32>
    tpu.vector_store %arg8[%swap3A, %swap3A_56], %sub3A_55 {strides = array<i32>} : memref<1000x40xf32, #tpu.memory_space<vmem>>, vector<1000x40xf32>,
    return
  }
  func.func @transform_0(%arg0: i32) -> (i32, i32, i32) {
    %c0_i32 = arith.constant 0 : i32
    %c0_i32_0 = arith.constant 0 : i32
    %c0_i32_1 = arith.constant 0 : i32
    return %c0_i32, %arg0, %c0_i32_0 : i32, i32, i32
  }
  func.func @transform_1(%arg0: i32) -> (i32, i32, i32) {
    %c0_i32 = arith.constant 0 : i32
    %c0_i32_0 = arith.constant 0 : i32
    %c0_i32_1 = arith.constant 0 : i32
    return %c0_i32, %arg0, %c0_i32_0 : i32, i32, i32
  }
  func.func @transform_2(%arg0: i32) -> (i32, i32) {
    %c0_i32 = arith.constant 0 : i32
    %c0_i32_0 = arith.constant 0 : i32
    return %arg0, %c0_i32 : i32, i32
  }
  func.func @transform_3(%arg0: i32) -> (i32, i32) {
    %c0_i32 = arith.constant 0 : i32
    %c0_i32_0 = arith.constant 0 : i32
    %c0_i32_1 = arith.constant 0 : i32
    return %c0_i32, %c0_i32_0 : i32, i32
  }
  func.func @transform_4(%arg0: i32) -> (i32, i32) {
    %c0_i32 = arith.constant 0 : i32
    %c0_i32_0 = arith.constant 0 : i32
    %c0_i32_1 = arith.constant 0 : i32
    return %c0_i32, %c0_i32_0 : i32, i32
  }
  func.func @transform_5(%arg0: i32) -> (i32, i32) {
    %c0_i32 = arith.constant 0 : i32
    %c0_i32_0 = arith.constant 0 : i32
    %c0_i32_1 = arith.constant 0 : i32
    return %c0_i32, %c0_i32_0 : i32, i32
  }
  func.func @transform_6(%arg0: i32) -> (i32, i32) {
    %c0_i32 = arith.constant 0 : i32
    %c0_i32_0 = arith.constant 0 : i32
    %c0_i32_1 = arith.constant 0 : i32
    return %c0_i32, %c0_i32_0 : i32, i32
  }
  func.func @transform_7(%arg0: i32) -> (i32, i32) {
    %c0_i32 = arith.constant 0 : i32
    %c0_i32_0 = arith.constant 0 : i32
    return %arg0, %c0_i32 : i32, i32
  }
}

</mosaic_0001>

<sc_bundles>
// kernel: kernel.12.cloned.1.call-start
scs
__scs_entry_jumppad:
0x0: {  	(pc) =	sbr.rel $0x88, $3  }
0x1: {  	(tag) =	ssettag $0x0;
	lr =	simm.s32 $0x1  }
0x2: {  	[smem:$0x3F95] =	sst lr;
	_ =	strace $0xD0000000  }
0x3: {  	_ = 	snop  }
0x4: {  	_ = 	snop  }
0x5: {  	_ = 	snop  }
0x6: {  	_ = 	snop  }
0x7: {  	_ = 	snop  }
__scs_overlays_trampoline_lowered:
0x8: {  	[smem:$0x3FA4] =	sst s0  }
0x9: {  	[smem:$0x3FA5] =	sst s1  }
0xa: {  	[smem:$0x3FA6] =	sst s2  }
0xb: {  	[smem:$0x3FA7] =	sst s3  }
0xc: {  	[smem:$0x3FA8] =	sst s4  }
0xd: {  	[smem:$0x3FA9] =	sst s5  }
0xe: {  	[smem:$0x3FAA] =	sst s6  }
0xf: {  	[smem:$0x3FAB] =	sst s7  }
0x10: {  	[smem:$0x3FAC] =	sst s8  }
0x11: {  	[smem:$0x3FAD] =	sst s9;
	s0 =	simm.s32 @!p0 $0x0  }
0x12: {  	s1 =	sld [smem:$0x3F93];
	s0 =	simm.s32 @p0 $0x1  }
0x13: {  	[smem:$0x3FAE] =	sst s0;
	s0 =	simm.s32 @!p1 $0x0  }
0x14: {  	s2 =	sld [smem:$0x3F92];
	s0 =	simm.s32 @p1 $0x1  }
0x15: {  	[smem:$0x3FAF] =	sst s0;
	s0 =	simm.s32 @!p2 $0x0  }
0x16: {  	s3 =	sld [smem:$0x3FDB];
	s0 =	simm.s32 @p2 $0x1  }
0x17: {  	s4 =	simm.s32 $0x1BF5;
	[smem:$0x3FB1] =	sst s0  }
0x18: {  	s0 =	sld [smem:$0x3F94];
	_ =	swait.ge [sflag:s4], $0x0  }
0x19: {  	s7 =	sld [smem:$0x3F95]  }
0x1a: {  	s8 =	sadd.s32 $0xFFFFE003, lr  }
0x1b: {  	s9 =	sadd.s32 $0xFFFFFEF7, lr;
	s5 =	simm.s32 $0xFFFFFFFF;
	p2 =	slt.u32 s8, $0xFFFFF086  }
0x1c: {  	p1 =	slt.u32 s9, $0xF7A;
	s5 =	simm.s32 @!p2 $0x0  }
0x1d: {  	s5 =	simm.s32 @p1 $0x1;
	p0 =	seq.s32 s7, s2  }
0x1e: {  	s7 =	smul.u32 @!p0 $0xF7A, s2;
	p2 =	seq.s32 @!p0 s5, $0x0  }
0x1f: {  	s9 =	smul.u32 $0xF7A, s1;
	s8 =	simm.s32 @!p0 $0x1BF5;
	p2 =	por !p2, p0  }
0x20: {  	[sflag:s8] =	ssyncset.s32 @!p0 $0xFFFFF086;
	s6 =	sadd.s32 @!p0 s3, s7;
	s7 =	simm.s32 @!p0 $0x108  }
0x21: {  	s3 =	sadd.s32 s3, s9;
	s6 =	sadd.s32 @!p0 $0x88, s6;
	s7 =	simm.s32 @p2 $0x1082  }
0x22: {  	[simem:s7], [sflag:s8] =	dma.local @!p0 [hbm:s6], $0xF7A  }
0x23: {  	s9 =	sor.u32 $0xD0000000, s2;
	s6 =	simm.s32 $0x108;
	_ =	swait.ge @!p0 [sflag:s8], $0x0  }
0x24: {  	s3 =	sadd.s32 $0x88, s3;
	s6 =	simm.s32 @!p1 $0x1082;
	[sflag:s4] =	ssyncset.s32 $0xFFFFF086  }
0x25: {  	[simem:s6], [sflag:s4] =	dma.local [hbm:s3], $0xF7A  }
0x26: {  	[smem:$0x3F95] =	sst s1;
	(tag) =	ssettag s2;
	_ =	strace s9  }
0x27: {  	s1 =	sld [smem:$0x3FA5]  }
0x28: {  	s2 =	sld [smem:$0x3FA6]  }
0x29: {  	s4 =	sld [smem:$0x3FA8]  }
0x2a: {  	p0 =	seq.s32 s5, $0x0;
	s5 =	sld [smem:$0x3FA9]  }
0x2b: {  	s6 =	sld [smem:$0x3FAA]  }
0x2c: {  	s7 =	sld [smem:$0x3FAB]  }
0x2d: {  	s3 =	simm.s32 $0x108;
	s8 =	sld [smem:$0x3FAC]  }
0x2e: {  	s3 =	simm.s32 @!p0 $0x1082;
	s9 =	sld [smem:$0x3FAD]  }
0x2f: {  	lr =	sadd.s32 s0, s3;
	s0 =	sld [smem:$0x3FA4]  }
0x30: {  	s3 =	sld [smem:$0x3FA7]  }
0x31: {  	[smem:$0x3FB0] =	sst s10  }
0x32: {  	s10 =	sld [smem:$0x3FAE];
	_ =	sdelay $0x3  }
0x33: {  	p0 =	seq.s32 s10, $0x1;
	s10 =	sld [smem:$0x3FB0];
	_ =	sdelay $0x3  }
0x34: {  	[smem:$0x3FB0] =	sst s10  }
0x35: {  	s10 =	sld [smem:$0x3FAF];
	_ =	sdelay $0x3  }
0x36: {  	p1 =	seq.s32 s10, $0x1;
	s10 =	sld [smem:$0x3FB0];
	_ =	sdelay $0x3  }
0x37: {  	[smem:$0x3FB0] =	sst s10  }
0x38: {  	s10 =	sld [smem:$0x3FB1]  }
0x39: {  	_ = 	snop;
	(pc) =	sbr.ind lr, $3  }
0x3a: {  	_ = 	snop  }
0x3b: {  	_ = 	snop  }
0x3c: {  	p2 =	seq.s32 s10, $0x1;
	s10 =	sld [smem:$0x3FB0]  }
0x3d: {  	_ =	shalt  }
0x3e: {  	_ =	shalt  }
0x3f: {  	_ =	shalt  }
0x40: {  	_ =	shalt  }
0x41: {  	_ =	shalt  }
0x42: {  	_ =	shalt  }
0x43: {  	_ =	shalt  }
0x44: {  	_ =	shalt  }
0x45: {  	_ =	shalt  }
0x46: {  	_ =	shalt  }
0x47: {  	_ =	shalt  }
0x48: {  	_ =	shalt  }
0x49: {  	_ =	shalt  }
0x4a: {  	_ =	shalt  }
0x4b: {  	_ =	shalt  }
0x4c: {  	_ =	shalt  }
0x4d: {  	_ =	shalt  }
0x4e: {  	_ =	shalt  }
0x4f: {  	_ =	shalt  }
0x50: {  	_ =	shalt  }
0x51: {  	_ =	shalt  }
0x52: {  	_ =	shalt  }
0x53: {  	_ =	shalt  }
0x54: {  	_ =	shalt  }
0x55: {  	_ =	shalt  }
0x56: {  	_ =	shalt  }
0x57: {  	_ =	shalt  }
0x58: {  	_ =	shalt  }
0x59: {  	_ =	shalt  }
0x5a: {  	_ =	shalt  }
0x5b: {  	_ =	shalt  }
0x5c: {  	_ =	shalt  }
0x5d: {  	_ =	shalt  }
0x5e: {  	_ =	shalt  }
0x5f: {  	_ =	shalt  }
0x60: {  	_ =	shalt  }
0x61: {  	_ =	shalt  }
0x62: {  	_ =	shalt  }
0x63: {  	_ =	shalt  }
0x64: {  	_ =	shalt  }
0x65: {  	_ =	shalt  }
0x66: {  	_ =	shalt  }
0x67: {  	_ =	shalt  }
0x68: {  	_ =	shalt  }
0x69: {  	_ =	shalt  }
0x6a: {  	_ =	shalt  }
0x6b: {  	_ =	shalt  }
0x6c: {  	_ =	shalt  }
0x6d: {  	_ =	shalt  }
0x6e: {  	_ =	shalt  }
0x6f: {  	_ =	shalt  }
0x70: {  	_ =	shalt  }
0x71: {  	_ =	shalt  }
0x72: {  	_ =	shalt  }
0x73: {  	_ =	shalt  }
0x74: {  	_ =	shalt  }
0x75: {  	_ =	shalt  }
0x76: {  	_ =	shalt  }
0x77: {  	_ =	shalt  }
0x78: {  	_ =	shalt  }
0x79: {  	_ =	shalt  }
0x7a: {  	_ =	shalt  }
0x7b: {  	_ =	shalt  }
0x7c: {  	_ =	shalt  }
0x7d: {  	_ =	shalt  }
0x7e: {  	_ =	shalt  }
0x7f: {  	_ =	shalt  }
0x80: {  	_ =	shalt  }
0x81: {  	_ =	shalt  }
0x82: {  	_ =	shalt  }
0x83: {  	_ =	shalt  }
0x84: {  	_ =	shalt  }
0x85: {  	_ =	shalt  }
0x86: {  	_ =	shalt  }
0x87: {  	_ =	shalt  }
.Lfunc_end0:
.L_simem_size_0:
called_computation.1_lowered:
.L_overlay_start_0:
0x88: {  	s2 =	sld [smem:$0x3FD9]  }
0x89: {  	s3 =	sld [smem:$0x3FFE];
	_ =	sdelay $0x1  }
0x8a: {  	s1 =	srdreg.scid  }
0x8b: {  	s0 =	sand.u32 $0x1, s1  }
0x8c: {  	s16 =	sshll.u32 s0, $0xA;
	s2 =	sadd.s32 s3, s2  }
0x8d: {  	s2 =	sadd.s32 s2, s16  }
0x8e: {  	[smem:$0x3FBC] =	sst s2  }
0x8f: {  	_ = 	snop  }
0x90: {  	(tm) =	ssettm $0x1  }
0x91: {  	s17 =	sld [smem:$0x3FFB];
	_ =	sdelay $0x3  }
0x92: {  	_ =	strace s17  }
0x93: {  	s2 =	sld [smem:$0x3FFC];
	_ =	sdelay $0x3  }
0x94: {  	_ =	strace s2  }
0x95: {  	s2 =	sld [smem:$0x3FFD];
	_ =	sdelay $0x3  }
0x96: {  	_ =	strace s2  }
0x97: {  	_ =	strace $0x8FFFFFFF  }
0x98: {  	s18 =	sld [smem:$0x3FDB];
	_ =	sdelay $0x1  }
0x99: {  	s19 =	simm.s32 $_scs_section_size  }
0x9a: {  	s4 =	simm.s32 $_size__tile_overlayer_lowered;
	s5 =	simm.s32 $_tile_overlayer_lowered  }
0x9b: {  	s22 =	simm.s32 $0x1BFF;
	s21 =	sshll.u32 s5, $0x1;
	s2 =	sadd.s32 s19, s18  }
0x9c: {  	s6 =	simm.s32 $0x0;
	s20 =	sshll.u32 s4, $0x1;
	s4 =	sadd.s32 s21, s2  }
0x9d: {  	[timem:s6], [sflag:s22] =	dma.local [hbm:s4], s20  }
0x9e: {  	_ =	swait.ge [sflag:s22], s20  }
0x9f: {  	s3 =	ssub.s32 $0x0, s20;
	[sflag:s22] =	ssyncset.done $0x0  }
0xa0: {  	[sflag:s22] =	ssyncadd.s32 s3;
	_ =	sdelay $0x1  }
0xa1: {  	s23 =	simm.s32 $0x1B8B  }
0xa2: {  	_ =	swait.ge [sflag:s23], $0x1  }
0xa3: {  	[sflag:s23] =	ssyncset.done $0x0  }
0xa4: {  	s25 =	simm.s32 $0x1B8E;
	s24 =	sld [smem:$0x3FFE];
	[sflag:s23] =	ssyncadd.s32 $0xFFFFFFFF  }
0xa5: {  	s26 =	simm.s32 $execute0_lowered;
	[smem:$0x3FD2] =	sst s25  }
0xa6: {  	s4 =	sshll.u32 s26, $0x1;
	_ =	strace $0x80000049;
	[dreg:$0x1] =	wrdreg $0xFFFFFFFF  }
0xa7: {  	s28 =	simm.s32 $_size_execute0_lowered;
	s2 =	sadd.s32 s2, s4;
	[dreg:$0x0] =	wrdreg $0x0  }
0xa8: {  	s4 =	sshll.u32 s28, $0x1;
	[dreg:$0x2] =	wrdreg s2  }
0xa9: {  	[dreg:$0x3] =	wrdreg s4  }
0xaa: {  	[dreg:$0x4] =	wrdreg $0xC0  }
0xab: {  	_ =	task [dreg:s6], $0x5FFFF  }
0xac: {  	[dreg:$0x1] =	wrdreg $0xFFFFFFFF  }
0xad: {  	[dreg:$0x0] =	wrdreg $0x60  }
0xae: {  	[dreg:$0x2] =	wrdreg s24  }
0xaf: {  	[dreg:$0x3] =	wrdreg $0x98000  }
0xb0: {  	[dreg:$0x4] =	wrdreg $0x9  }
0xb1: {  	_ =	task.clear_ibuf [dreg:s6], $0x5FFFF;
	_ =	strace $0x90000049  }
0xb2: {  	s29 =	simm.s32 $0x9;
	_ =	strace $0x8000004B  }
0xb3: {  	_ =	swait.ge [sflag:s29], $0x1  }
0xb4: {  	[sflag:s29] =	ssyncadd.s32 $0xFFFFFFFF  }
0xb5: {  	_ =	strace $0x9000004B  }
0xb6: {  	_ =	sfence  }
0xb7: {  	s30 =	sld [smem:$0x0];
	_ =	sdelay $0x2  }
0xb8: {  	s31 =	sshll.u32 s1, $0xD;
	s1 =	sshrl.u32 s1, $0x2  }
0xb9: {  	s3 =	sand.u32 $0x4000, s31;
	s1 =	sadd.s32 s1, s30  }
0xba: {  	s0 =	sor.u32 s3, s0;
	s1 =	sshll.u32 s1, $0x11  }
0xbb: {  	s0 =	sor.u32 s1, s0  }
0xbc: {  	s0 =	sadd.s32 $0x8F2B, s0  }
0xbd: {  	[sflag:s0] =	ssyncadd.remote.s32 $0x1  }
0xbe: {  	_ =	sfence.sel $0xFFFF  }
0xbf: {  	[dreg:$0x0] =	wrdreg $0xFFFFFFFF;
	(pc) =	sbr.abs _section_cstart, $3  }
0xc0: {  	[dreg:$0x1] =	wrdreg $0xFFFFFFFF  }
0xc1: {  	_ =	task.clear_ibuf [dreg:s6], $0x2FFFF;
	_ =	strace $0x9FFFFFFF  }
0xc2: {  	(tm) =	ssettm $0x7FFFFFFF  }
0xc3: {  	_ =	shalt  }
tec
execute0_lowered:
.L_overlay_start_1:
0x0: {  	(tag) =	ssettag $0x1  }
0x1: {  	s5 =	rddreg [dreg:$0x0]  }
0x2: {  	s2 =	rddreg [dreg:$0x1];
	s3 =	simm.s32 $0x0  }
0x3: {  	s7 =	simm.s32 $0x80;
	[smem:$0x7FF] =	sst s3  }
0x4: {  	s8 =	simm.s32 $0x100;
	_ =	strace $0x8000004A;
	[dreg:$0x5] =	wrdreg s7  }
0x5: {  	s9 =	simm.s32 $0x1080;
	[dreg:$0x6] =	wrdreg s8  }
0x6: {  	s11 =	simm.s32 $0x180;
	[dreg:$0x7] =	wrdreg s9  }
0x7: {  	s12 =	simm.s32 $0x1100;
	[dreg:$0x8] =	wrdreg s11  }
0x8: {  	s13 =	simm.s32 $0x200;
	[dreg:$0x9] =	wrdreg s12  }
0x9: {  	s14 =	simm.s32 $0x1180;
	[dreg:$0xa] =	wrdreg s13  }
0xa: {  	s6 =	simm.s32 $0x280;
	[dreg:$0xb] =	wrdreg s14  }
0xb: {  	s15 =	simm.s32 $0x1200;
	[dreg:$0xc] =	wrdreg s6  }
0xc: {  	s16 =	simm.s32 $0x300;
	[dreg:$0xd] =	wrdreg s15  }
0xd: {  	s17 =	simm.s32 $0x1280;
	[dreg:$0xe] =	wrdreg s16  }
0xe: {  	s18 =	simm.s32 $0x380;
	[dreg:$0xf] =	wrdreg s17  }
0xf: {  	s0 =	srdreg.scid;
	s19 =	simm.s32 $0x1300;
	[dreg:$0x10] =	wrdreg s18  }
0x10: {  	s10 =	stileid.u32;
	s21 =	simm.s32 $0x400;
	[dreg:$0x11] =	wrdreg s19  }
0x11: {  	s22 =	simm.s32 $0x1380;
	s23 =	simm.s32 $0x480;
	[dreg:$0x12] =	wrdreg s21  }
0x12: {  	s25 =	simm.s32 $0x1400;
	s26 =	simm.s32 $0x500;
	[dreg:$0x13] =	wrdreg s22  }
0x13: {  	s28 =	simm.s32 $0xB00;
	s29 =	simm.s32 $0x1A80;
	[dreg:$0x14] =	wrdreg s23  }
0x14: {  	s30 =	simm.s32 $0xB80;
	s31 =	simm.s32 $0x1B00;
	[dreg:$0x15] =	wrdreg s25  }
0x15: {  	s1 =	sand.u32 $0x1, s0;
	[dreg:$0x16] =	wrdreg s26;
	s11 =	simm.s32 $0x1500  }
0x16: {  	s0 =	sshll.u32 s1, $0x4;
	s12 =	simm.s32 $0x600;
	[dreg:$0x19] =	wrdreg s11  }
0x17: {  	s7 =	smul.u32 $0x28000, s1;
	s13 =	simm.s32 $0x1580;
	[dreg:$0x1a] =	wrdreg s12  }
0x18: {  	s1 =	ssub.s32 $0x2, s1;
	s14 =	simm.s32 $0x680;
	[dreg:$0x1b] =	wrdreg s13  }
0x19: {  	s9 =	smul.u32 $0x50000, s10;
	s15 =	simm.s32 $0x1600;
	[dreg:$0x1c] =	wrdreg s14  }
0x1a: {  	s16 =	simm.s32 $0x700;
	s17 =	simm.s32 $0x1680;
	[dreg:$0x1d] =	wrdreg s15  }
0x1b: {  	s18 =	simm.s32 $0x780;
	s19 =	simm.s32 $0x1700;
	[dreg:$0x1e] =	wrdreg s16  }
0x1c: {  	s21 =	simm.s32 $0x1780;
	s22 =	simm.s32 $0x880;
	[dreg:$0x1f] =	wrdreg s17  }
0x1d: {  	s23 =	simm.s32 $0x1800;
	s25 =	simm.s32 $0x1880;
	[smem:$0x7F2] =	sst s18  }
0x1e: {  	s26 =	simm.s32 $0x980;
	s0 =	sor.u32 s10, s0;
	[smem:$0x7F3] =	sst s19  }
0x1f: {  	s20 =	sshrl.u32 s1, $0x1;
	s11 =	simm.s32 $0x50;
	[smem:$0x7F5] =	sst s21  }
0x20: {  	s12 =	simm.s32 $0x2000;
	s13 =	simm.s32 $0x4800;
	[smem:$0x7F6] =	sst s22  }
0x21: {  	s14 =	simm.s32 $0x1;
	s15 =	simm.s32 $0x7000;
	[smem:$0x7F7] =	sst s23  }
0x22: {  	s16 =	simm.s32 $0x2;
	s17 =	simm.s32 $0x4;
	[smem:$0x7F9] =	sst s25  }
0x23: {  	s18 =	simm.s32 $0x3;
	s19 =	simm.s32 $0x5;
	[smem:$0x7FA] =	sst s26  }
0x24: {  	s21 =	simm.s32 $0x1900;
	s22 =	simm.s32 $0xA00;
	s23 =	simm.s32 $0x1980  }
0x25: {  	s25 =	simm.s32 $0xA80;
	s26 =	simm.s32 $0x1A00;
	s0 =	smul.u32 $0xA00, s0  }
0x26: {  	s1 =	ssub.s32 s1, s20;
	s24 =	sshrl.u32 s9, $0x2;
	s20 =	simm.s32 $0x800  }
0x27: {  	s1 =	smax.u32 s1, $0x1;
	[smem:$0x7F4] =	sst s20;
	s0 =	sadd.s32 s0, s5  }
0x28: {  	[smem:$0x7F1] =	sst s1;
	s4 =	sadd.s32 $0x4200, s0;
	s0 =	sadd.s32 $0x18200, s0  }
0x29: {  	s9 =	sshll.u32 s10, $0x6;
	[dreg:$0x4] =	wrdreg s0;
	s0 =	smul.u32 $0x2800, s10  }
0x2a: {  	s20 =	simm.s32 $0x6;
	[dreg:$0x3] =	wrdreg s4;
	s10 =	simm.s32 $0x580  }
0x2b: {  	s4 =	sadd.s32 $0x2C200, s5;
	[dreg:$0x18] =	wrdreg s10;
	s8 =	sadd.s32 s0, s5  }
0x2c: {  	s5 =	sadd.s32 s7, s5;
	s7 =	sadd.s32 s24, s2;
	s24 =	simm.s32 $0x900  }
0x2d: {  	s1 =	simm.s32 $0xC00;
	s8 =	sadd.s32 $0x53400, s8;
	[smem:$0x7F8] =	sst s24  }
0x2e: {  	s10 =	simm.s32 $0x1000;
	s7 =	sshrl.u32 s7, $0x3;
	[smem:$0x7F0] =	sst s8  }
0x2f: {  	s5 =	sadd.s32 $0x7BA00, s5;
	s8 =	simm.s32 $0x1480;
	[smem:$0x7FD] =	sst s7  }
0x30: {  	s24 =	simm.s32 $0x0;
	s0 =	sadd.s32 s0, s5;
	[dreg:$0x17] =	wrdreg s8  }
0x31: {  	s5 =	simm.s32 $0x1C00;
	s8 =	sor.u32 $0x1C07, s9;
	[smem:$0x7FB] =	sst s0  }
0x32: {  	s9 =	simm.s32 $0x7;
	s0 =	simm.s32 $0x1B80;
	[smem:$0x7FC] =	sst s8  }
.LBB2_1:
0x33: {  	s6 =	sld [smem:$0x7F0];
	_ =	sdelay $0x1  }
0x34: {  	[smem:$0x7EF] =	sst s24  }
0x35: {  	[spmem:s7], [sflag:s8] =	dma.local [hbm:s6], $0x2800  }
0x36: {  	_ =	swait.ge [sflag:s9], $0x2800  }
0x37: {  	[sflag:s9] =	ssyncset.done $0x0  }
0x38: {  	[sflag:s9] =	ssyncadd.s32 $0xFFFFD800  }
0x39: {  	[bflag:$0x0] =	sbarrier.arrive $0xFFFF  }
0x3a: {  	s8 =	rddreg [dreg:$0x3]  }
0x3b: {  	s6 =	sadd.s32 $0x0, s8  }
0x3c: {  	[tilespmem:s3], [sflag:$0x7] =	stream.linear.gather [hbm4b:s6+s3], $0xC80, $0x38;
	[tilespmem:$0x1D800] =	vst v63  }
0x3d: {  	_ =	swait.ge [sflag:s9], $0xC80  }
0x3e: {  	s24 =	rddreg [dreg:$0x4];
	[sflag:s9] =	ssyncset.done $0x0  }
0x3f: {  	[sflag:s9] =	ssyncadd.s32 $0xFFFFF380;
	s6 =	sadd.s32 $0x0, s24  }
0x40: {  	[tilespmem:s10], [sflag:$0x7] =	stream.linear.gather [hbm4b:s6+s3], $0xC80, $0x38;
	[tilespmem:$0x1D800] =	vst v63  }
0x41: {  	_ =	swait.ge [sflag:s9], $0xC80  }
0x42: {  	[sflag:s9] =	ssyncset.done $0x0  }
0x43: {  	[sflag:s9] =	ssyncadd.s32 $0xFFFFF380  }
0x44: {  	[tilespmem:s12], [sflag:$0x1] =	stream.indirect.gather [hbm4b:s4+s11], $0x80, s3, s11, $0xb8;
	[tilespmem:$0x1D800] =	vst v63  }
0x45: {  	s7 =	rddreg [dreg:$0x5]  }
0x46: {  	[tilespmem:s13], [sflag:$0x2] =	stream.indirect.gather [hbm4b:s4+s11], $0x80, s7, s11, $0xb8;
	[tilespmem:$0x1D800] =	vst v63  }
0x47: {  	_ =	swait.ge [sflag:s14], $0x2800  }
0x48: {  	[sflag:s14] =	ssyncset.done $0x0  }
0x49: {  	[sflag:s14] =	ssyncadd.s32 $0xFFFFD800  }
0x4a: {  	[spmem:s2] =	stream.indirect.scatter.add.f32 [tilespmem:s12], [sflag:$0x4], $0x80, s10, s11, $0xb8;
	[tilespmem:$0x1D800] =	vst v63  }
0x4b: {  	s8 =	rddreg [dreg:$0x6]  }
0x4c: {  	[tilespmem:s15], [sflag:$0x3] =	stream.indirect.gather [hbm4b:s4+s11], $0x80, s8, s11, $0xb8;
	[tilespmem:$0x1D800] =	vst v63  }
0x4d: {  	_ =	swait.ge [sflag:s16], $0x2800  }
0x4e: {  	[sflag:s16] =	ssyncset.done $0x0  }
0x4f: {  	s24 =	rddreg [dreg:$0x7];
	[sflag:s16] =	ssyncadd.s32 $0xFFFFD800  }
0x50: {  	[spmem:s2] =	stream.indirect.scatter.add.f32 [tilespmem:s13], [sflag:$0x5], $0x80, s24, s11, $0xb8;
	[tilespmem:$0x1D800] =	vst v63  }
0x51: {  	_ =	swait.ge [sflag:s17], $0x2800  }
0x52: {  	[sflag:s17] =	ssyncset.done $0x0  }
0x53: {  	s7 =	rddreg [dreg:$0x8];
	[sflag:s17] =	ssyncadd.s32 $0xFFFFD800  }
0x54: {  	[tilespmem:s12], [sflag:$0x1] =	stream.indirect.gather [hbm4b:s4+s11], $0x80, s7, s11, $0xb8;
	[tilespmem:$0x1D800] =	vst v63  }
0x55: {  	_ =	swait.ge [sflag:s18], $0x2800  }
0x56: {  	[sflag:s18] =	ssyncset.done $0x0  }
0x57: {  	s8 =	rddreg [dreg:$0x9];
	[sflag:s18] =	ssyncadd.s32 $0xFFFFD800  }
0x58: {  	[spmem:s2] =	stream.indirect.scatter.add.f32 [tilespmem:s15], [sflag:$0x6], $0x80, s8, s11, $0xb8;
	[tilespmem:$0x1D800] =	vst v63  }
0x59: {  	_ =	swait.ge [sflag:s19], $0x2800  }
0x5a: {  	[sflag:s19] =	ssyncset.done $0x0  }
0x5b: {  	s24 =	rddreg [dreg:$0xa];
	[sflag:s19] =	ssyncadd.s32 $0xFFFFD800  }
0x5c: {  	[tilespmem:s13], [sflag:$0x2] =	stream.indirect.gather [hbm4b:s4+s11], $0x80, s24, s11, $0xb8;
	[tilespmem:$0x1D800] =	vst v63  }
0x5d: {  	_ =	swait.ge [sflag:s14], $0x2800  }
0x5e: {  	[sflag:s14] =	ssyncset.done $0x0  }
0x5f: {  	s7 =	rddreg [dreg:$0xb];
	[sflag:s14] =	ssyncadd.s32 $0xFFFFD800  }
0x60: {  	[spmem:s2] =	stream.indirect.scatter.add.f32 [tilespmem:s12], [sflag:$0x4], $0x80, s7, s11, $0xb8;
	[tilespmem:$0x1D800] =	vst v63  }
0x61: {  	_ =	swait.ge [sflag:s20], $0x2800  }
0x62: {  	[sflag:s20] =	ssyncset.done $0x0  }
0x63: {  	s8 =	rddreg [dreg:$0xc];
	[sflag:s20] =	ssyncadd.s32 $0xFFFFD800  }
0x64: {  	[tilespmem:s15], [sflag:$0x3] =	stream.indirect.gather [hbm4b:s4+s11], $0x80, s8, s11, $0xb8;
	[tilespmem:$0x1D800] =	vst v63  }
0x65: {  	_ =	swait.ge [sflag:s16], $0x2800  }
0x66: {  	[sflag:s16] =	ssyncset.done $0x0  }
0x67: {  	s24 =	rddreg [dreg:$0xd];
	[sflag:s16] =	ssyncadd.s32 $0xFFFFD800  }
0x68: {  	[spmem:s2] =	stream.indirect.scatter.add.f32 [tilespmem:s13], [sflag:$0x5], $0x80, s24, s11, $0xb8;
	[tilespmem:$0x1D800] =	vst v63  }
0x69: {  	_ =	swait.ge [sflag:s17], $0x2800  }
0x6a: {  	[sflag:s17] =	ssyncset.done $0x0  }
0x6b: {  	s7 =	rddreg [dreg:$0xe];
	[sflag:s17] =	ssyncadd.s32 $0xFFFFD800  }
0x6c: {  	[tilespmem:s12], [sflag:$0x1] =	stream.indirect.gather [hbm4b:s4+s11], $0x80, s7, s11, $0xb8;
	[tilespmem:$0x1D800] =	vst v63  }
0x6d: {  	_ =	swait.ge [sflag:s18], $0x2800  }
0x6e: {  	[sflag:s18] =	ssyncset.done $0x0  }
0x6f: {  	s8 =	rddreg [dreg:$0xf];
	[sflag:s18] =	ssyncadd.s32 $0xFFFFD800  }
0x70: {  	[spmem:s2] =	stream.indirect.scatter.add.f32 [tilespmem:s15], [sflag:$0x6], $0x80, s8, s11, $0xb8;
	[tilespmem:$0x1D800] =	vst v63  }
0x71: {  	_ =	swait.ge [sflag:s19], $0x2800  }
0x72: {  	[sflag:s19] =	ssyncset.done $0x0  }
0x73: {  	s24 =	rddreg [dreg:$0x10];
	[sflag:s19] =	ssyncadd.s32 $0xFFFFD800  }
0x74: {  	[tilespmem:s13], [sflag:$0x2] =	stream.indirect.gather [hbm4b:s4+s11], $0x80, s24, s11, $0xb8;
	[tilespmem:$0x1D800] =	vst v63  }
0x75: {  	_ =	swait.ge [sflag:s14], $0x2800  }
0x76: {  	[sflag:s14] =	ssyncset.done $0x0  }
0x77: {  	s7 =	rddreg [dreg:$0x11];
	[sflag:s14] =	ssyncadd.s32 $0xFFFFD800  }
0x78: {  	[spmem:s2] =	stream.indirect.scatter.add.f32 [tilespmem:s12], [sflag:$0x4], $0x80, s7, s11, $0xb8;
	[tilespmem:$0x1D800] =	vst v63  }
0x79: {  	_ =	swait.ge [sflag:s20], $0x2800  }
0x7a: {  	[sflag:s20] =	ssyncset.done $0x0  }
0x7b: {  	s8 =	rddreg [dreg:$0x12];
	[sflag:s20] =	ssyncadd.s32 $0xFFFFD800  }
0x7c: {  	[tilespmem:s15], [sflag:$0x3] =	stream.indirect.gather [hbm4b:s4+s11], $0x80, s8, s11, $0xb8;
	[tilespmem:$0x1D800] =	vst v63  }
0x7d: {  	_ =	swait.ge [sflag:s16], $0x2800  }
0x7e: {  	[sflag:s16] =	ssyncset.done $0x0  }
0x7f: {  	s24 =	rddreg [dreg:$0x13];
	[sflag:s16] =	ssyncadd.s32 $0xFFFFD800  }
0x80: {  	[spmem:s2] =	stream.indirect.scatter.add.f32 [tilespmem:s13], [sflag:$0x5], $0x80, s24, s11, $0xb8;
	[tilespmem:$0x1D800] =	vst v63  }
0x81: {  	_ =	swait.ge [sflag:s17], $0x2800  }
0x82: {  	[sflag:s17] =	ssyncset.done $0x0  }
0x83: {  	s7 =	rddreg [dreg:$0x14];
	[sflag:s17] =	ssyncadd.s32 $0xFFFFD800  }
0x84: {  	[tilespmem:s12], [sflag:$0x1] =	stream.indirect.gather [hbm4b:s4+s11], $0x80, s7, s11, $0xb8;
	[tilespmem:$0x1D800] =	vst v63  }
0x85: {  	_ =	swait.ge [sflag:s18], $0x2800  }
0x86: {  	[sflag:s18] =	ssyncset.done $0x0  }
0x87: {  	s8 =	rddreg [dreg:$0x15];
	[sflag:s18] =	ssyncadd.s32 $0xFFFFD800  }
0x88: {  	[spmem:s2] =	stream.indirect.scatter.add.f32 [tilespmem:s15], [sflag:$0x6], $0x80, s8, s11, $0xb8;
	[tilespmem:$0x1D800] =	vst v63  }
0x89: {  	_ =	swait.ge [sflag:s19], $0x2800  }
0x8a: {  	[sflag:s19] =	ssyncset.done $0x0  }
0x8b: {  	s24 =	rddreg [dreg:$0x16];
	[sflag:s19] =	ssyncadd.s32 $0xFFFFD800  }
0x8c: {  	[tilespmem:s13], [sflag:$0x2] =	stream.indirect.gather [hbm4b:s4+s11], $0x80, s24, s11, $0xb8;
	[tilespmem:$0x1D800] =	vst v63  }
0x8d: {  	_ =	swait.ge [sflag:s14], $0x2800  }
0x8e: {  	[sflag:s14] =	ssyncset.done $0x0  }
0x8f: {  	s7 =	rddreg [dreg:$0x17];
	[sflag:s14] =	ssyncadd.s32 $0xFFFFD800  }
0x90: {  	[spmem:s2] =	stream.indirect.scatter.add.f32 [tilespmem:s12], [sflag:$0x4], $0x80, s7, s11, $0xb8;
	[tilespmem:$0x1D800] =	vst v63  }
0x91: {  	_ =	swait.ge [sflag:s20], $0x2800  }
0x92: {  	[sflag:s20] =	ssyncset.done $0x0  }
0x93: {  	s8 =	rddreg [dreg:$0x18];
	[sflag:s20] =	ssyncadd.s32 $0xFFFFD800  }
0x94: {  	[tilespmem:s15], [sflag:$0x3] =	stream.indirect.gather [hbm4b:s4+s11], $0x80, s8, s11, $0xb8;
	[tilespmem:$0x1D800] =	vst v63  }
0x95: {  	_ =	swait.ge [sflag:s16], $0x2800  }
0x96: {  	[sflag:s16] =	ssyncset.done $0x0  }
0x97: {  	s24 =	rddreg [dreg:$0x19];
	[sflag:s16] =	ssyncadd.s32 $0xFFFFD800  }
0x98: {  	[spmem:s2] =	stream.indirect.scatter.add.f32 [tilespmem:s13], [sflag:$0x5], $0x80, s24, s11, $0xb8;
	[tilespmem:$0x1D800] =	vst v63  }
0x99: {  	_ =	swait.ge [sflag:s17], $0x2800  }
0x9a: {  	[sflag:s17] =	ssyncset.done $0x0  }
0x9b: {  	s7 =	rddreg [dreg:$0x1a];
	[sflag:s17] =	ssyncadd.s32 $0xFFFFD800  }
0x9c: {  	[tilespmem:s12], [sflag:$0x1] =	stream.indirect.gather [hbm4b:s4+s11], $0x80, s7, s11, $0xb8;
	[tilespmem:$0x1D800] =	vst v63  }
0x9d: {  	_ =	swait.ge [sflag:s18], $0x2800  }
0x9e: {  	[sflag:s18] =	ssyncset.done $0x0  }
0x9f: {  	s8 =	rddreg [dreg:$0x1b];
	[sflag:s18] =	ssyncadd.s32 $0xFFFFD800  }
0xa0: {  	[spmem:s2] =	stream.indirect.scatter.add.f32 [tilespmem:s15], [sflag:$0x6], $0x80, s8, s11, $0xb8;
	[tilespmem:$0x1D800] =	vst v63  }
0xa1: {  	_ =	swait.ge [sflag:s19], $0x2800  }
0xa2: {  	[sflag:s19] =	ssyncset.done $0x0  }
0xa3: {  	s24 =	rddreg [dreg:$0x1c];
	[sflag:s19] =	ssyncadd.s32 $0xFFFFD800  }
0xa4: {  	[tilespmem:s13], [sflag:$0x2] =	stream.indirect.gather [hbm4b:s4+s11], $0x80, s24, s11, $0xb8;
	[tilespmem:$0x1D800] =	vst v63  }
0xa5: {  	_ =	swait.ge [sflag:s14], $0x2800  }
0xa6: {  	[sflag:s14] =	ssyncset.done $0x0  }
0xa7: {  	s7 =	rddreg [dreg:$0x1d];
	[sflag:s14] =	ssyncadd.s32 $0xFFFFD800  }
0xa8: {  	[spmem:s2] =	stream.indirect.scatter.add.f32 [tilespmem:s12], [sflag:$0x4], $0x80, s7, s11, $0xb8;
	[tilespmem:$0x1D800] =	vst v63  }
0xa9: {  	_ =	swait.ge [sflag:s20], $0x2800  }
0xaa: {  	[sflag:s20] =	ssyncset.done $0x0  }
0xab: {  	s8 =	rddreg [dreg:$0x1e];
	[sflag:s20] =	ssyncadd.s32 $0xFFFFD800  }
0xac: {  	[tilespmem:s15], [sflag:$0x3] =	stream.indirect.gather [hbm4b:s4+s11], $0x80, s8, s11, $0xb8;
	[tilespmem:$0x1D800] =	vst v63  }
0xad: {  	_ =	swait.ge [sflag:s16], $0x2800  }
0xae: {  	[sflag:s16] =	ssyncset.done $0x0  }
0xaf: {  	s24 =	rddreg [dreg:$0x1f];
	[sflag:s16] =	ssyncadd.s32 $0xFFFFD800  }
0xb0: {  	[spmem:s2] =	stream.indirect.scatter.add.f32 [tilespmem:s13], [sflag:$0x5], $0x80, s24, s11, $0xb8;
	[tilespmem:$0x1D800] =	vst v63  }
0xb1: {  	_ =	swait.ge [sflag:s17], $0x2800  }
0xb2: {  	s7 =	sld [smem:$0x7F2]  }
0xb3: {  	[sflag:s17] =	ssyncset.done $0x0  }
0xb4: {  	[sflag:s17] =	ssyncadd.s32 $0xFFFFD800  }
0xb5: {  	[tilespmem:s12], [sflag:$0x1] =	stream.indirect.gather [hbm4b:s4+s11], $0x80, s7, s11, $0xb8;
	[tilespmem:$0x1D800] =	vst v63  }
0xb6: {  	_ =	swait.ge [sflag:s18], $0x2800  }
0xb7: {  	s8 =	sld [smem:$0x7F3]  }
0xb8: {  	[sflag:s18] =	ssyncset.done $0x0  }
0xb9: {  	[sflag:s18] =	ssyncadd.s32 $0xFFFFD800  }
0xba: {  	[spmem:s2] =	stream.indirect.scatter.add.f32 [tilespmem:s15], [sflag:$0x6], $0x80, s8, s11, $0xb8;
	[tilespmem:$0x1D800] =	vst v63  }
0xbb: {  	_ =	swait.ge [sflag:s19], $0x2800  }
0xbc: {  	s24 =	sld [smem:$0x7F4]  }
0xbd: {  	[sflag:s19] =	ssyncset.done $0x0  }
0xbe: {  	[sflag:s19] =	ssyncadd.s32 $0xFFFFD800  }
0xbf: {  	[tilespmem:s13], [sflag:$0x2] =	stream.indirect.gather [hbm4b:s4+s11], $0x80, s24, s11, $0xb8;
	[tilespmem:$0x1D800] =	vst v63  }
0xc0: {  	_ =	swait.ge [sflag:s14], $0x2800  }
0xc1: {  	s7 =	sld [smem:$0x7F5]  }
0xc2: {  	[sflag:s14] =	ssyncset.done $0x0  }
0xc3: {  	[sflag:s14] =	ssyncadd.s32 $0xFFFFD800  }
0xc4: {  	[spmem:s2] =	stream.indirect.scatter.add.f32 [tilespmem:s12], [sflag:$0x4], $0x80, s7, s11, $0xb8;
	[tilespmem:$0x1D800] =	vst v63  }
0xc5: {  	_ =	swait.ge [sflag:s20], $0x2800  }
0xc6: {  	s8 =	sld [smem:$0x7F6]  }
0xc7: {  	[sflag:s20] =	ssyncset.done $0x0  }
0xc8: {  	[sflag:s20] =	ssyncadd.s32 $0xFFFFD800  }
0xc9: {  	[tilespmem:s15], [sflag:$0x3] =	stream.indirect.gather [hbm4b:s4+s11], $0x80, s8, s11, $0xb8;
	[tilespmem:$0x1D800] =	vst v63  }
0xca: {  	_ =	swait.ge [sflag:s16], $0x2800  }
0xcb: {  	s24 =	sld [smem:$0x7F7]  }
0xcc: {  	[sflag:s16] =	ssyncset.done $0x0  }
0xcd: {  	[sflag:s16] =	ssyncadd.s32 $0xFFFFD800  }
0xce: {  	[spmem:s2] =	stream.indirect.scatter.add.f32 [tilespmem:s13], [sflag:$0x5], $0x80, s24, s11, $0xb8;
	[tilespmem:$0x1D800] =	vst v63  }
0xcf: {  	_ =	swait.ge [sflag:s17], $0x2800  }
0xd0: {  	s7 =	sld [smem:$0x7F8]  }
0xd1: {  	[sflag:s17] =	ssyncset.done $0x0  }
0xd2: {  	[sflag:s17] =	ssyncadd.s32 $0xFFFFD800  }
0xd3: {  	[tilespmem:s12], [sflag:$0x1] =	stream.indirect.gather [hbm4b:s4+s11], $0x80, s7, s11, $0xb8;
	[tilespmem:$0x1D800] =	vst v63  }
0xd4: {  	_ =	swait.ge [sflag:s18], $0x2800  }
0xd5: {  	s8 =	sld [smem:$0x7F9]  }
0xd6: {  	[sflag:s18] =	ssyncset.done $0x0  }
0xd7: {  	[sflag:s18] =	ssyncadd.s32 $0xFFFFD800  }
0xd8: {  	[spmem:s2] =	stream.indirect.scatter.add.f32 [tilespmem:s15], [sflag:$0x6], $0x80, s8, s11, $0xb8;
	[tilespmem:$0x1D800] =	vst v63  }
0xd9: {  	_ =	swait.ge [sflag:s19], $0x2800  }
0xda: {  	s24 =	sld [smem:$0x7FA]  }
0xdb: {  	[sflag:s19] =	ssyncset.done $0x0  }
0xdc: {  	[sflag:s19] =	ssyncadd.s32 $0xFFFFD800  }
0xdd: {  	[tilespmem:s13], [sflag:$0x2] =	stream.indirect.gather [hbm4b:s4+s11], $0x80, s24, s11, $0xb8;
	[tilespmem:$0x1D800] =	vst v63  }
0xde: {  	_ =	swait.ge [sflag:s14], $0x2800  }
0xdf: {  	[sflag:s14] =	ssyncset.done $0x0  }
0xe0: {  	[sflag:s14] =	ssyncadd.s32 $0xFFFFD800  }
0xe1: {  	[spmem:s2] =	stream.indirect.scatter.add.f32 [tilespmem:s12], [sflag:$0x4], $0x80, s21, s11, $0xb8;
	[tilespmem:$0x1D800] =	vst v63  }
0xe2: {  	_ =	swait.ge [sflag:s20], $0x2800  }
0xe3: {  	[sflag:s20] =	ssyncset.done $0x0  }
0xe4: {  	[sflag:s20] =	ssyncadd.s32 $0xFFFFD800  }
0xe5: {  	[tilespmem:s15], [sflag:$0x3] =	stream.indirect.gather [hbm4b:s4+s11], $0x80, s22, s11, $0xb8;
	[tilespmem:$0x1D800] =	vst v63  }
0xe6: {  	_ =	swait.ge [sflag:s16], $0x2800  }
0xe7: {  	[sflag:s16] =	ssyncset.done $0x0  }
0xe8: {  	[sflag:s16] =	ssyncadd.s32 $0xFFFFD800  }
0xe9: {  	[spmem:s2] =	stream.indirect.scatter.add.f32 [tilespmem:s13], [sflag:$0x5], $0x80, s23, s11, $0xb8;
	[tilespmem:$0x1D800] =	vst v63  }
0xea: {  	_ =	swait.ge [sflag:s17], $0x2800  }
0xeb: {  	[sflag:s17] =	ssyncset.done $0x0  }
0xec: {  	[sflag:s17] =	ssyncadd.s32 $0xFFFFD800  }
0xed: {  	[tilespmem:s12], [sflag:$0x1] =	stream.indirect.gather [hbm4b:s4+s11], $0x80, s25, s11, $0xb8;
	[tilespmem:$0x1D800] =	vst v63  }
0xee: {  	_ =	swait.ge [sflag:s18], $0x2800  }
0xef: {  	[sflag:s18] =	ssyncset.done $0x0  }
0xf0: {  	[sflag:s18] =	ssyncadd.s32 $0xFFFFD800  }
0xf1: {  	[spmem:s2] =	stream.indirect.scatter.add.f32 [tilespmem:s15], [sflag:$0x6], $0x80, s26, s11, $0xb8;
	[tilespmem:$0x1D800] =	vst v63  }
0xf2: {  	_ =	swait.ge [sflag:s19], $0x2800  }
0xf3: {  	[sflag:s19] =	ssyncset.done $0x0  }
0xf4: {  	[sflag:s19] =	ssyncadd.s32 $0xFFFFD800  }
0xf5: {  	[tilespmem:s13], [sflag:$0x2] =	stream.indirect.gather [hbm4b:s4+s11], $0x80, s28, s11, $0xb8;
	[tilespmem:$0x1D800] =	vst v63  }
0xf6: {  	_ =	swait.ge [sflag:s14], $0x2800  }
0xf7: {  	[sflag:s14] =	ssyncset.done $0x0  }
0xf8: {  	[sflag:s14] =	ssyncadd.s32 $0xFFFFD800  }
0xf9: {  	[spmem:s2] =	stream.indirect.scatter.add.f32 [tilespmem:s12], [sflag:$0x4], $0x80, s29, s11, $0xb8;
	[tilespmem:$0x1D800] =	vst v63  }
0xfa: {  	_ =	swait.ge [sflag:s20], $0x2800  }
0xfb: {  	[sflag:s20] =	ssyncset.done $0x0  }
0xfc: {  	[sflag:s20] =	ssyncadd.s32 $0xFFFFD800  }
0xfd: {  	[tilespmem:s15], [sflag:$0x3] =	stream.indirect.gather [hbm4b:s4+s11], $0x80, s30, s11, $0xb8;
	[tilespmem:$0x1D800] =	vst v63  }
0xfe: {  	_ =	swait.ge [sflag:s16], $0x2800  }
0xff: {  	[sflag:s16] =	ssyncset.done $0x0  }
0x100: {  	[sflag:s16] =	ssyncadd.s32 $0xFFFFD800  }
0x101: {  	[spmem:s2] =	stream.indirect.scatter.add.f32 [tilespmem:s13], [sflag:$0x5], $0x80, s31, s11, $0xb8;
	[tilespmem:$0x1D800] =	vst v63  }
0x102: {  	_ =	swait.ge [sflag:s17], $0x2800  }
0x103: {  	[sflag:s17] =	ssyncset.done $0x0  }
0x104: {  	[sflag:s17] =	ssyncadd.s32 $0xFFFFD800  }
0x105: {  	[tilespmem:s12], [sflag:$0x1] =	stream.indirect.gather [hbm4b:s4+s11], $0x80, s1, s11, $0xb8;
	[tilespmem:$0x1D800] =	vst v63  }
0x106: {  	_ =	swait.ge [sflag:s18], $0x2800  }
0x107: {  	[sflag:s18] =	ssyncset.done $0x0  }
0x108: {  	[sflag:s18] =	ssyncadd.s32 $0xFFFFD800  }
0x109: {  	[spmem:s2] =	stream.indirect.scatter.add.f32 [tilespmem:s15], [sflag:$0x6], $0x80, s0, s11, $0xb8;
	[tilespmem:$0x1D800] =	vst v63  }
0x10a: {  	_ =	swait.ge [sflag:s19], $0x2800  }
0x10b: {  	[sflag:s19] =	ssyncset.done $0x0  }
0x10c: {  	[sflag:s19] =	ssyncadd.s32 $0xFFFFD800  }
0x10d: {  	_ =	swait.ge [sflag:s14], $0x2800  }
0x10e: {  	[sflag:s14] =	ssyncset.done $0x0  }
0x10f: {  	[sflag:s14] =	ssyncadd.s32 $0xFFFFD800  }
0x110: {  	[spmem:s2] =	stream.indirect.scatter.add.f32 [tilespmem:s12], [sflag:$0x4], $0x80, s5, s11, $0xb8;
	[tilespmem:$0x1D800] =	vst v63  }
0x111: {  	_ =	swait.ge [sflag:s20], $0x2800  }
0x112: {  	[sflag:s20] =	ssyncset.done $0x0  }
0x113: {  	[sflag:s20] =	ssyncadd.s32 $0xFFFFD800  }
0x114: {  	s6 =	simm.s32 $0x400;
	_ =	swait.ge [sflag:s17], $0x2800  }
0x115: {  	s24 =	simm.s32 $0x200;
	s8 =	rddreg [dreg:$0x3];
	[sflag:s17] =	ssyncset.done $0x0  }
.LBB2_2:
0x116: {  	[sflag:s17] =	ssyncadd.s32 $0xFFFFD800;
	s8 =	sadd.s32 s24, s8  }
0x117: {  	[tilespmem:s3], [sflag:$0x7] =	stream.linear.gather [hbm4b:s8+s3], $0xC80, $0x38;
	[tilespmem:$0x1D800] =	vst v63  }
0x118: {  	_ =	swait.ge [sflag:s9], $0xC80  }
0x119: {  	s8 =	rddreg [dreg:$0x4];
	[sflag:s9] =	ssyncset.done $0x0  }
0x11a: {  	[sflag:s9] =	ssyncadd.s32 $0xFFFFF380;
	s8 =	sadd.s32 s24, s8  }
0x11b: {  	[tilespmem:s10], [sflag:$0x7] =	stream.linear.gather [hbm4b:s8+s3], $0xC80, $0x38;
	[tilespmem:$0x1D800] =	vst v63  }
0x11c: {  	_ =	swait.ge [sflag:s9], $0xC80  }
0x11d: {  	[sflag:s9] =	ssyncset.done $0x0  }
0x11e: {  	[sflag:s9] =	ssyncadd.s32 $0xFFFFF380  }
0x11f: {  	[tilespmem:s12], [sflag:$0x1] =	stream.indirect.gather [hbm4b:s4+s11], $0x80, s3, s11, $0xb8;
	[tilespmem:$0x1D800] =	vst v63  }
0x120: {  	s8 =	rddreg [dreg:$0x5]  }
0x121: {  	[tilespmem:s13], [sflag:$0x2] =	stream.indirect.gather [hbm4b:s4+s11], $0x80, s8, s11, $0xb8;
	[tilespmem:$0x1D800] =	vst v63  }
0x122: {  	_ =	swait.ge [sflag:s14], $0x2800  }
0x123: {  	[sflag:s14] =	ssyncset.done $0x0  }
0x124: {  	[sflag:s14] =	ssyncadd.s32 $0xFFFFD800  }
0x125: {  	[spmem:s2] =	stream.indirect.scatter.add.f32 [tilespmem:s12], [sflag:$0x4], $0x80, s10, s11, $0xb8;
	[tilespmem:$0x1D800] =	vst v63  }
0x126: {  	s8 =	rddreg [dreg:$0x6]  }
0x127: {  	[tilespmem:s15], [sflag:$0x3] =	stream.indirect.gather [hbm4b:s4+s11], $0x80, s8, s11, $0xb8;
	[tilespmem:$0x1D800] =	vst v63  }
0x128: {  	_ =	swait.ge [sflag:s16], $0x2800  }
0x129: {  	[sflag:s16] =	ssyncset.done $0x0  }
0x12a: {  	s8 =	rddreg [dreg:$0x7];
	[sflag:s16] =	ssyncadd.s32 $0xFFFFD800  }
0x12b: {  	[spmem:s2] =	stream.indirect.scatter.add.f32 [tilespmem:s13], [sflag:$0x5], $0x80, s8, s11, $0xb8;
	[tilespmem:$0x1D800] =	vst v63  }
0x12c: {  	_ =	swait.ge [sflag:s17], $0x2800  }
0x12d: {  	[sflag:s17] =	ssyncset.done $0x0  }
0x12e: {  	s8 =	rddreg [dreg:$0x8];
	[sflag:s17] =	ssyncadd.s32 $0xFFFFD800  }
0x12f: {  	[tilespmem:s12], [sflag:$0x1] =	stream.indirect.gather [hbm4b:s4+s11], $0x80, s8, s11, $0xb8;
	[tilespmem:$0x1D800] =	vst v63  }
0x130: {  	_ =	swait.ge [sflag:s18], $0x2800  }
0x131: {  	[sflag:s18] =	ssyncset.done $0x0  }
0x132: {  	s8 =	rddreg [dreg:$0x9];
	[sflag:s18] =	ssyncadd.s32 $0xFFFFD800  }
0x133: {  	[spmem:s2] =	stream.indirect.scatter.add.f32 [tilespmem:s15], [sflag:$0x6], $0x80, s8, s11, $0xb8;
	[tilespmem:$0x1D800] =	vst v63  }
0x134: {  	_ =	swait.ge [sflag:s19], $0x2800  }
0x135: {  	[sflag:s19] =	ssyncset.done $0x0  }
0x136: {  	s8 =	rddreg [dreg:$0xa];
	[sflag:s19] =	ssyncadd.s32 $0xFFFFD800  }
0x137: {  	[tilespmem:s13], [sflag:$0x2] =	stream.indirect.gather [hbm4b:s4+s11], $0x80, s8, s11, $0xb8;
	[tilespmem:$0x1D800] =	vst v63  }
0x138: {  	_ =	swait.ge [sflag:s14], $0x2800  }
0x139: {  	[sflag:s14] =	ssyncset.done $0x0  }
0x13a: {  	s8 =	rddreg [dreg:$0xb];
	[sflag:s14] =	ssyncadd.s32 $0xFFFFD800  }
0x13b: {  	[spmem:s2] =	stream.indirect.scatter.add.f32 [tilespmem:s12], [sflag:$0x4], $0x80, s8, s11, $0xb8;
	[tilespmem:$0x1D800] =	vst v63  }
0x13c: {  	_ =	swait.ge [sflag:s20], $0x2800  }
0x13d: {  	[sflag:s20] =	ssyncset.done $0x0  }
0x13e: {  	s8 =	rddreg [dreg:$0xc];
	[sflag:s20] =	ssyncadd.s32 $0xFFFFD800  }
0x13f: {  	[tilespmem:s15], [sflag:$0x3] =	stream.indirect.gather [hbm4b:s4+s11], $0x80, s8, s11, $0xb8;
	[tilespmem:$0x1D800] =	vst v63  }
0x140: {  	_ =	swait.ge [sflag:s16], $0x2800  }
0x141: {  	[sflag:s16] =	ssyncset.done $0x0  }
0x142: {  	s8 =	rddreg [dreg:$0xd];
	[sflag:s16] =	ssyncadd.s32 $0xFFFFD800  }
0x143: {  	[spmem:s2] =	stream.indirect.scatter.add.f32 [tilespmem:s13], [sflag:$0x5], $0x80, s8, s11, $0xb8;
	[tilespmem:$0x1D800] =	vst v63  }
0x144: {  	_ =	swait.ge [sflag:s17], $0x2800  }
0x145: {  	[sflag:s17] =	ssyncset.done $0x0  }
0x146: {  	s8 =	rddreg [dreg:$0xe];
	[sflag:s17] =	ssyncadd.s32 $0xFFFFD800  }
0x147: {  	[tilespmem:s12], [sflag:$0x1] =	stream.indirect.gather [hbm4b:s4+s11], $0x80, s8, s11, $0xb8;
	[tilespmem:$0x1D800] =	vst v63  }
0x148: {  	_ =	swait.ge [sflag:s18], $0x2800  }
0x149: {  	[sflag:s18] =	ssyncset.done $0x0  }
0x14a: {  	s8 =	rddreg [dreg:$0xf];
	[sflag:s18] =	ssyncadd.s32 $0xFFFFD800  }
0x14b: {  	[spmem:s2] =	stream.indirect.scatter.add.f32 [tilespmem:s15], [sflag:$0x6], $0x80, s8, s11, $0xb8;
	[tilespmem:$0x1D800] =	vst v63  }
0x14c: {  	_ =	swait.ge [sflag:s19], $0x2800  }
0x14d: {  	[sflag:s19] =	ssyncset.done $0x0  }
0x14e: {  	s8 =	rddreg [dreg:$0x10];
	[sflag:s19] =	ssyncadd.s32 $0xFFFFD800  }
0x14f: {  	[tilespmem:s13], [sflag:$0x2] =	stream.indirect.gather [hbm4b:s4+s11], $0x80, s8, s11, $0xb8;
	[tilespmem:$0x1D800] =	vst v63  }
0x150: {  	_ =	swait.ge [sflag:s14], $0x2800  }
0x151: {  	[sflag:s14] =	ssyncset.done $0x0  }
0x152: {  	s8 =	rddreg [dreg:$0x11];
	[sflag:s14] =	ssyncadd.s32 $0xFFFFD800  }
0x153: {  	[spmem:s2] =	stream.indirect.scatter.add.f32 [tilespmem:s12], [sflag:$0x4], $0x80, s8, s11, $0xb8;
	[tilespmem:$0x1D800] =	vst v63  }
0x154: {  	_ =	swait.ge [sflag:s20], $0x2800  }
0x155: {  	[sflag:s20] =	ssyncset.done $0x0  }
0x156: {  	s8 =	rddreg [dreg:$0x12];
	[sflag:s20] =	ssyncadd.s32 $0xFFFFD800  }
0x157: {  	[tilespmem:s15], [sflag:$0x3] =	stream.indirect.gather [hbm4b:s4+s11], $0x80, s8, s11, $0xb8;
	[tilespmem:$0x1D800] =	vst v63  }
0x158: {  	_ =	swait.ge [sflag:s16], $0x2800  }
0x159: {  	[sflag:s16] =	ssyncset.done $0x0  }
0x15a: {  	s8 =	rddreg [dreg:$0x13];
	[sflag:s16] =	ssyncadd.s32 $0xFFFFD800  }
0x15b: {  	[spmem:s2] =	stream.indirect.scatter.add.f32 [tilespmem:s13], [sflag:$0x5], $0x80, s8, s11, $0xb8;
	[tilespmem:$0x1D800] =	vst v63  }
0x15c: {  	_ =	swait.ge [sflag:s17], $0x2800  }
0x15d: {  	[sflag:s17] =	ssyncset.done $0x0  }
0x15e: {  	s8 =	rddreg [dreg:$0x14];
	[sflag:s17] =	ssyncadd.s32 $0xFFFFD800  }
0x15f: {  	[tilespmem:s12], [sflag:$0x1] =	stream.indirect.gather [hbm4b:s4+s11], $0x80, s8, s11, $0xb8;
	[tilespmem:$0x1D800] =	vst v63  }
0x160: {  	_ =	swait.ge [sflag:s18], $0x2800  }
0x161: {  	[sflag:s18] =	ssyncset.done $0x0  }
0x162: {  	s8 =	rddreg [dreg:$0x15];
	[sflag:s18] =	ssyncadd.s32 $0xFFFFD800  }
0x163: {  	[spmem:s2] =	stream.indirect.scatter.add.f32 [tilespmem:s15], [sflag:$0x6], $0x80, s8, s11, $0xb8;
	[tilespmem:$0x1D800] =	vst v63  }
0x164: {  	_ =	swait.ge [sflag:s19], $0x2800  }
0x165: {  	[sflag:s19] =	ssyncset.done $0x0  }
0x166: {  	s8 =	rddreg [dreg:$0x16];
	[sflag:s19] =	ssyncadd.s32 $0xFFFFD800  }
0x167: {  	[tilespmem:s13], [sflag:$0x2] =	stream.indirect.gather [hbm4b:s4+s11], $0x80, s8, s11, $0xb8;
	[tilespmem:$0x1D800] =	vst v63  }
0x168: {  	_ =	swait.ge [sflag:s14], $0x2800  }
0x169: {  	[sflag:s14] =	ssyncset.done $0x0  }
0x16a: {  	s8 =	rddreg [dreg:$0x17];
	[sflag:s14] =	ssyncadd.s32 $0xFFFFD800  }
0x16b: {  	[spmem:s2] =	stream.indirect.scatter.add.f32 [tilespmem:s12], [sflag:$0x4], $0x80, s8, s11, $0xb8;
	[tilespmem:$0x1D800] =	vst v63  }
0x16c: {  	_ =	swait.ge [sflag:s20], $0x2800  }
0x16d: {  	[sflag:s20] =	ssyncset.done $0x0  }
0x16e: {  	s8 =	rddreg [dreg:$0x18];
	[sflag:s20] =	ssyncadd.s32 $0xFFFFD800  }
0x16f: {  	[tilespmem:s15], [sflag:$0x3] =	stream.indirect.gather [hbm4b:s4+s11], $0x80, s8, s11, $0xb8;
	[tilespmem:$0x1D800] =	vst v63  }
0x170: {  	_ =	swait.ge [sflag:s16], $0x2800  }
0x171: {  	[sflag:s16] =	ssyncset.done $0x0  }
0x172: {  	s8 =	rddreg [dreg:$0x19];
	[sflag:s16] =	ssyncadd.s32 $0xFFFFD800  }
0x173: {  	[spmem:s2] =	stream.indirect.scatter.add.f32 [tilespmem:s13], [sflag:$0x5], $0x80, s8, s11, $0xb8;
	[tilespmem:$0x1D800] =	vst v63  }
0x174: {  	_ =	swait.ge [sflag:s17], $0x2800  }
0x175: {  	[sflag:s17] =	ssyncset.done $0x0  }
0x176: {  	s8 =	rddreg [dreg:$0x1a];
	[sflag:s17] =	ssyncadd.s32 $0xFFFFD800  }
0x177: {  	[tilespmem:s12], [sflag:$0x1] =	stream.indirect.gather [hbm4b:s4+s11], $0x80, s8, s11, $0xb8;
	[tilespmem:$0x1D800] =	vst v63  }
0x178: {  	_ =	swait.ge [sflag:s18], $0x2800  }
0x179: {  	[sflag:s18] =	ssyncset.done $0x0  }
0x17a: {  	s8 =	rddreg [dreg:$0x1b];
	[sflag:s18] =	ssyncadd.s32 $0xFFFFD800  }
0x17b: {  	[spmem:s2] =	stream.indirect.scatter.add.f32 [tilespmem:s15], [sflag:$0x6], $0x80, s8, s11, $0xb8;
	[tilespmem:$0x1D800] =	vst v63  }
0x17c: {  	_ =	swait.ge [sflag:s19], $0x2800  }
0x17d: {  	[sflag:s19] =	ssyncset.done $0x0  }
0x17e: {  	s8 =	rddreg [dreg:$0x1c];
	[sflag:s19] =	ssyncadd.s32 $0xFFFFD800  }
0x17f: {  	[tilespmem:s13], [sflag:$0x2] =	stream.indirect.gather [hbm4b:s4+s11], $0x80, s8, s11, $0xb8;
	[tilespmem:$0x1D800] =	vst v63  }
0x180: {  	_ =	swait.ge [sflag:s14], $0x2800  }
0x181: {  	[sflag:s14] =	ssyncset.done $0x0  }
0x182: {  	s8 =	rddreg [dreg:$0x1d];
	[sflag:s14] =	ssyncadd.s32 $0xFFFFD800  }
0x183: {  	[spmem:s2] =	stream.indirect.scatter.add.f32 [tilespmem:s12], [sflag:$0x4], $0x80, s8, s11, $0xb8;
	[tilespmem:$0x1D800] =	vst v63  }
0x184: {  	_ =	swait.ge [sflag:s20], $0x2800  }
0x185: {  	[sflag:s20] =	ssyncset.done $0x0  }
0x186: {  	s8 =	rddreg [dreg:$0x1e];
	[sflag:s20] =	ssyncadd.s32 $0xFFFFD800  }
0x187: {  	[tilespmem:s15], [sflag:$0x3] =	stream.indirect.gather [hbm4b:s4+s11], $0x80, s8, s11, $0xb8;
	[tilespmem:$0x1D800] =	vst v63  }
0x188: {  	_ =	swait.ge [sflag:s16], $0x2800  }
0x189: {  	[sflag:s16] =	ssyncset.done $0x0  }
0x18a: {  	s8 =	rddreg [dreg:$0x1f];
	[sflag:s16] =	ssyncadd.s32 $0xFFFFD800  }
0x18b: {  	[spmem:s2] =	stream.indirect.scatter.add.f32 [tilespmem:s13], [sflag:$0x5], $0x80, s8, s11, $0xb8;
	[tilespmem:$0x1D800] =	vst v63  }
0x18c: {  	_ =	swait.ge [sflag:s17], $0x2800  }
0x18d: {  	s8 =	sld [smem:$0x7F2]  }
0x18e: {  	[sflag:s17] =	ssyncset.done $0x0  }
0x18f: {  	[sflag:s17] =	ssyncadd.s32 $0xFFFFD800  }
0x190: {  	[tilespmem:s12], [sflag:$0x1] =	stream.indirect.gather [hbm4b:s4+s11], $0x80, s8, s11, $0xb8;
	[tilespmem:$0x1D800] =	vst v63  }
0x191: {  	_ =	swait.ge [sflag:s18], $0x2800  }
0x192: {  	s8 =	sld [smem:$0x7F3]  }
0x193: {  	[sflag:s18] =	ssyncset.done $0x0  }
0x194: {  	[sflag:s18] =	ssyncadd.s32 $0xFFFFD800  }
0x195: {  	[spmem:s2] =	stream.indirect.scatter.add.f32 [tilespmem:s15], [sflag:$0x6], $0x80, s8, s11, $0xb8;
	[tilespmem:$0x1D800] =	vst v63  }
0x196: {  	_ =	swait.ge [sflag:s19], $0x2800  }
0x197: {  	s8 =	sld [smem:$0x7F4]  }
0x198: {  	[sflag:s19] =	ssyncset.done $0x0  }
0x199: {  	[sflag:s19] =	ssyncadd.s32 $0xFFFFD800  }
0x19a: {  	[tilespmem:s13], [sflag:$0x2] =	stream.indirect.gather [hbm4b:s4+s11], $0x80, s8, s11, $0xb8;
	[tilespmem:$0x1D800] =	vst v63  }
0x19b: {  	_ =	swait.ge [sflag:s14], $0x2800  }
0x19c: {  	s8 =	sld [smem:$0x7F5]  }
0x19d: {  	[sflag:s14] =	ssyncset.done $0x0  }
0x19e: {  	[sflag:s14] =	ssyncadd.s32 $0xFFFFD800  }
0x19f: {  	[spmem:s2] =	stream.indirect.scatter.add.f32 [tilespmem:s12], [sflag:$0x4], $0x80, s8, s11, $0xb8;
	[tilespmem:$0x1D800] =	vst v63  }
0x1a0: {  	_ =	swait.ge [sflag:s20], $0x2800  }
0x1a1: {  	s8 =	sld [smem:$0x7F6]  }
0x1a2: {  	[sflag:s20] =	ssyncset.done $0x0  }
0x1a3: {  	[sflag:s20] =	ssyncadd.s32 $0xFFFFD800  }
0x1a4: {  	[tilespmem:s15], [sflag:$0x3] =	stream.indirect.gather [hbm4b:s4+s11], $0x80, s8, s11, $0xb8;
	[tilespmem:$0x1D800] =	vst v63  }
0x1a5: {  	_ =	swait.ge [sflag:s16], $0x2800  }
0x1a6: {  	s8 =	sld [smem:$0x7F7]  }
0x1a7: {  	[sflag:s16] =	ssyncset.done $0x0  }
0x1a8: {  	[sflag:s16] =	ssyncadd.s32 $0xFFFFD800  }
0x1a9: {  	[spmem:s2] =	stream.indirect.scatter.add.f32 [tilespmem:s13], [sflag:$0x5], $0x80, s8, s11, $0xb8;
	[tilespmem:$0x1D800] =	vst v63  }
0x1aa: {  	_ =	swait.ge [sflag:s17], $0x2800  }
0x1ab: {  	s8 =	sld [smem:$0x7F8]  }
0x1ac: {  	[sflag:s17] =	ssyncset.done $0x0  }
0x1ad: {  	[sflag:s17] =	ssyncadd.s32 $0xFFFFD800  }
0x1ae: {  	[tilespmem:s12], [sflag:$0x1] =	stream.indirect.gather [hbm4b:s4+s11], $0x80, s8, s11, $0xb8;
	[tilespmem:$0x1D800] =	vst v63  }
0x1af: {  	_ =	swait.ge [sflag:s18], $0x2800  }
0x1b0: {  	s8 =	sld [smem:$0x7F9]  }
0x1b1: {  	[sflag:s18] =	ssyncset.done $0x0  }
0x1b2: {  	[sflag:s18] =	ssyncadd.s32 $0xFFFFD800  }
0x1b3: {  	[spmem:s2] =	stream.indirect.scatter.add.f32 [tilespmem:s15], [sflag:$0x6], $0x80, s8, s11, $0xb8;
	[tilespmem:$0x1D800] =	vst v63  }
0x1b4: {  	_ =	swait.ge [sflag:s19], $0x2800  }
0x1b5: {  	s8 =	sld [smem:$0x7FA]  }
0x1b6: {  	[sflag:s19] =	ssyncset.done $0x0  }
0x1b7: {  	[sflag:s19] =	ssyncadd.s32 $0xFFFFD800  }
0x1b8: {  	[tilespmem:s13], [sflag:$0x2] =	stream.indirect.gather [hbm4b:s4+s11], $0x80, s8, s11, $0xb8;
	[tilespmem:$0x1D800] =	vst v63  }
0x1b9: {  	_ =	swait.ge [sflag:s14], $0x2800  }
0x1ba: {  	[sflag:s14] =	ssyncset.done $0x0  }
0x1bb: {  	[sflag:s14] =	ssyncadd.s32 $0xFFFFD800  }
0x1bc: {  	[spmem:s2] =	stream.indirect.scatter.add.f32 [tilespmem:s12], [sflag:$0x4], $0x80, s21, s11, $0xb8;
	[tilespmem:$0x1D800] =	vst v63  }
0x1bd: {  	_ =	swait.ge [sflag:s20], $0x2800  }
0x1be: {  	[sflag:s20] =	ssyncset.done $0x0  }
0x1bf: {  	[sflag:s20] =	ssyncadd.s32 $0xFFFFD800  }
0x1c0: {  	[tilespmem:s15], [sflag:$0x3] =	stream.indirect.gather [hbm4b:s4+s11], $0x80, s22, s11, $0xb8;
	[tilespmem:$0x1D800] =	vst v63  }
0x1c1: {  	_ =	swait.ge [sflag:s16], $0x2800  }
0x1c2: {  	[sflag:s16] =	ssyncset.done $0x0  }
0x1c3: {  	[sflag:s16] =	ssyncadd.s32 $0xFFFFD800  }
0x1c4: {  	[spmem:s2] =	stream.indirect.scatter.add.f32 [tilespmem:s13], [sflag:$0x5], $0x80, s23, s11, $0xb8;
	[tilespmem:$0x1D800] =	vst v63  }
0x1c5: {  	_ =	swait.ge [sflag:s17], $0x2800  }
0x1c6: {  	[sflag:s17] =	ssyncset.done $0x0  }
0x1c7: {  	[sflag:s17] =	ssyncadd.s32 $0xFFFFD800  }
0x1c8: {  	[tilespmem:s12], [sflag:$0x1] =	stream.indirect.gather [hbm4b:s4+s11], $0x80, s25, s11, $0xb8;
	[tilespmem:$0x1D800] =	vst v63  }
0x1c9: {  	_ =	swait.ge [sflag:s18], $0x2800  }
0x1ca: {  	[sflag:s18] =	ssyncset.done $0x0  }
0x1cb: {  	[sflag:s18] =	ssyncadd.s32 $0xFFFFD800  }
0x1cc: {  	[spmem:s2] =	stream.indirect.scatter.add.f32 [tilespmem:s15], [sflag:$0x6], $0x80, s26, s11, $0xb8;
	[tilespmem:$0x1D800] =	vst v63  }
0x1cd: {  	_ =	swait.ge [sflag:s19], $0x2800  }
0x1ce: {  	[sflag:s19] =	ssyncset.done $0x0  }
0x1cf: {  	[sflag:s19] =	ssyncadd.s32 $0xFFFFD800  }
0x1d0: {  	[tilespmem:s13], [sflag:$0x2] =	stream.indirect.gather [hbm4b:s4+s11], $0x80, s28, s11, $0xb8;
	[tilespmem:$0x1D800] =	vst v63  }
0x1d1: {  	_ =	swait.ge [sflag:s14], $0x2800  }
0x1d2: {  	[sflag:s14] =	ssyncset.done $0x0  }
0x1d3: {  	[sflag:s14] =	ssyncadd.s32 $0xFFFFD800  }
0x1d4: {  	[spmem:s2] =	stream.indirect.scatter.add.f32 [tilespmem:s12], [sflag:$0x4], $0x80, s29, s11, $0xb8;
	[tilespmem:$0x1D800] =	vst v63  }
0x1d5: {  	_ =	swait.ge [sflag:s20], $0x2800  }
0x1d6: {  	[sflag:s20] =	ssyncset.done $0x0  }
0x1d7: {  	[sflag:s20] =	ssyncadd.s32 $0xFFFFD800  }
0x1d8: {  	[tilespmem:s15], [sflag:$0x3] =	stream.indirect.gather [hbm4b:s4+s11], $0x80, s30, s11, $0xb8;
	[tilespmem:$0x1D800] =	vst v63  }
0x1d9: {  	_ =	swait.ge [sflag:s16], $0x2800  }
0x1da: {  	[sflag:s16] =	ssyncset.done $0x0  }
0x1db: {  	[sflag:s16] =	ssyncadd.s32 $0xFFFFD800  }
0x1dc: {  	[spmem:s2] =	stream.indirect.scatter.add.f32 [tilespmem:s13], [sflag:$0x5], $0x80, s31, s11, $0xb8;
	[tilespmem:$0x1D800] =	vst v63  }
0x1dd: {  	_ =	swait.ge [sflag:s17], $0x2800  }
0x1de: {  	[sflag:s17] =	ssyncset.done $0x0  }
0x1df: {  	[sflag:s17] =	ssyncadd.s32 $0xFFFFD800  }
0x1e0: {  	[tilespmem:s12], [sflag:$0x1] =	stream.indirect.gather [hbm4b:s4+s11], $0x80, s1, s11, $0xb8;
	[tilespmem:$0x1D800] =	vst v63  }
0x1e1: {  	_ =	swait.ge [sflag:s18], $0x2800  }
0x1e2: {  	[sflag:s18] =	ssyncset.done $0x0  }
0x1e3: {  	[sflag:s18] =	ssyncadd.s32 $0xFFFFD800  }
0x1e4: {  	[spmem:s2] =	stream.indirect.scatter.add.f32 [tilespmem:s15], [sflag:$0x6], $0x80, s0, s11, $0xb8;
	[tilespmem:$0x1D800] =	vst v63  }
0x1e5: {  	_ =	swait.ge [sflag:s19], $0x2800  }
0x1e6: {  	[sflag:s19] =	ssyncset.done $0x0  }
0x1e7: {  	[sflag:s19] =	ssyncadd.s32 $0xFFFFD800  }
0x1e8: {  	_ =	swait.ge [sflag:s14], $0x2800  }
0x1e9: {  	[sflag:s14] =	ssyncset.done $0x0  }
0x1ea: {  	p0 =	sne.s32 s6, $0x800;
	[sflag:s14] =	ssyncadd.s32 $0xFFFFD800  }
0x1eb: {  	[spmem:s2] =	stream.indirect.scatter.add.f32 [tilespmem:s12], [sflag:$0x4], $0x80, s5, s11, $0xb8;
	[tilespmem:$0x1D800] =	vst v63  }
.Ltmp0:
0x1ec: {  	_ =	swait.ge [sflag:s20], $0x2800;
	(pc) =	sbr.rel @p0 .LBB2_2-.Ltmp0, $4  }
0x1ed: {  	[sflag:s20] =	ssyncset.done $0x0  }
0x1ee: {  	[sflag:s20] =	ssyncadd.s32 $0xFFFFD800  }
0x1ef: {  	s7 =	smov.u32 s6;
	s6 =	sadd.s32 $0x200, s6;
	_ =	swait.ge [sflag:s17], $0x2800  }
0x1f0: {  	s24 =	smov.u32 s7;
	s8 =	rddreg [dreg:$0x3];
	[sflag:s17] =	ssyncset.done $0x0  }
0x1f1: {  	[sflag:s17] =	ssyncadd.s32 $0xFFFFD800;
	s6 =	sadd.s32 s24, s8  }
0x1f2: {  	[tilespmem:s3], [sflag:$0x7] =	stream.linear.gather [hbm4b:s6+s3], $0xC80, $0x38;
	[tilespmem:$0x1D800] =	vst v63  }
0x1f3: {  	_ =	swait.ge [sflag:s9], $0xC80  }
0x1f4: {  	s8 =	rddreg [dreg:$0x4];
	[sflag:s9] =	ssyncset.done $0x0  }
0x1f5: {  	s6 =	sadd.s32 s24, s8;
	[sflag:s9] =	ssyncadd.s32 $0xFFFFF380  }
0x1f6: {  	[tilespmem:s10], [sflag:$0x7] =	stream.linear.gather [hbm4b:s6+s3], $0xC80, $0x38;
	[tilespmem:$0x1D800] =	vst v63  }
0x1f7: {  	_ =	swait.ge [sflag:s9], $0xC80  }
0x1f8: {  	[sflag:s9] =	ssyncset.done $0x0  }
0x1f9: {  	[sflag:s9] =	ssyncadd.s32 $0xFFFFF380  }
0x1fa: {  	[tilespmem:s12], [sflag:$0x1] =	stream.indirect.gather [hbm4b:s4+s11], $0x80, s3, s11, $0xb8;
	[tilespmem:$0x1D800] =	vst v63  }
0x1fb: {  	s24 =	rddreg [dreg:$0x5]  }
0x1fc: {  	[tilespmem:s13], [sflag:$0x2] =	stream.indirect.gather [hbm4b:s4+s11], $0x80, s24, s11, $0xb8;
	[tilespmem:$0x1D800] =	vst v63  }
0x1fd: {  	_ =	swait.ge [sflag:s14], $0x2800  }
0x1fe: {  	[sflag:s14] =	ssyncset.done $0x0  }
0x1ff: {  	[sflag:s14] =	ssyncadd.s32 $0xFFFFD800  }
0x200: {  	[spmem:s2] =	stream.indirect.scatter.add.f32 [tilespmem:s12], [sflag:$0x4], $0x80, s10, s11, $0xb8;
	[tilespmem:$0x1D800] =	vst v63  }
0x201: {  	s7 =	rddreg [dreg:$0x6]  }
0x202: {  	[tilespmem:s15], [sflag:$0x3] =	stream.indirect.gather [hbm4b:s4+s11], $0x80, s7, s11, $0xb8;
	[tilespmem:$0x1D800] =	vst v63  }
0x203: {  	_ =	swait.ge [sflag:s16], $0x2800  }
0x204: {  	[sflag:s16] =	ssyncset.done $0x0  }
0x205: {  	s8 =	rddreg [dreg:$0x7];
	[sflag:s16] =	ssyncadd.s32 $0xFFFFD800  }
0x206: {  	[spmem:s2] =	stream.indirect.scatter.add.f32 [tilespmem:s13], [sflag:$0x5], $0x80, s8, s11, $0xb8;
	[tilespmem:$0x1D800] =	vst v63  }
0x207: {  	_ =	swait.ge [sflag:s17], $0x2800  }
0x208: {  	[sflag:s17] =	ssyncset.done $0x0  }
0x209: {  	s24 =	rddreg [dreg:$0x8];
	[sflag:s17] =	ssyncadd.s32 $0xFFFFD800  }
0x20a: {  	[tilespmem:s12], [sflag:$0x1] =	stream.indirect.gather [hbm4b:s4+s11], $0x80, s24, s11, $0xb8;
	[tilespmem:$0x1D800] =	vst v63  }
0x20b: {  	_ =	swait.ge [sflag:s18], $0x2800  }
0x20c: {  	[sflag:s18] =	ssyncset.done $0x0  }
0x20d: {  	s7 =	rddreg [dreg:$0x9];
	[sflag:s18] =	ssyncadd.s32 $0xFFFFD800  }
0x20e: {  	[spmem:s2] =	stream.indirect.scatter.add.f32 [tilespmem:s15], [sflag:$0x6], $0x80, s7, s11, $0xb8;
	[tilespmem:$0x1D800] =	vst v63  }
0x20f: {  	_ =	swait.ge [sflag:s19], $0x2800  }
0x210: {  	[sflag:s19] =	ssyncset.done $0x0  }
0x211: {  	s8 =	rddreg [dreg:$0xa];
	[sflag:s19] =	ssyncadd.s32 $0xFFFFD800  }
0x212: {  	[tilespmem:s13], [sflag:$0x2] =	stream.indirect.gather [hbm4b:s4+s11], $0x80, s8, s11, $0xb8;
	[tilespmem:$0x1D800] =	vst v63  }
0x213: {  	_ =	swait.ge [sflag:s14], $0x2800  }
0x214: {  	[sflag:s14] =	ssyncset.done $0x0  }
0x215: {  	s24 =	rddreg [dreg:$0xb];
	[sflag:s14] =	ssyncadd.s32 $0xFFFFD800  }
0x216: {  	[spmem:s2] =	stream.indirect.scatter.add.f32 [tilespmem:s12], [sflag:$0x4], $0x80, s24, s11, $0xb8;
	[tilespmem:$0x1D800] =	vst v63  }
0x217: {  	_ =	swait.ge [sflag:s20], $0x2800  }
0x218: {  	[sflag:s20] =	ssyncset.done $0x0  }
0x219: {  	s7 =	rddreg [dreg:$0xc];
	[sflag:s20] =	ssyncadd.s32 $0xFFFFD800  }
0x21a: {  	[tilespmem:s15], [sflag:$0x3] =	stream.indirect.gather [hbm4b:s4+s11], $0x80, s7, s11, $0xb8;
	[tilespmem:$0x1D800] =	vst v63  }
0x21b: {  	_ =	swait.ge [sflag:s16], $0x2800  }
0x21c: {  	[sflag:s16] =	ssyncset.done $0x0  }
0x21d: {  	s8 =	rddreg [dreg:$0xd];
	[sflag:s16] =	ssyncadd.s32 $0xFFFFD800  }
0x21e: {  	[spmem:s2] =	stream.indirect.scatter.add.f32 [tilespmem:s13], [sflag:$0x5], $0x80, s8, s11, $0xb8;
	[tilespmem:$0x1D800] =	vst v63  }
0x21f: {  	_ =	swait.ge [sflag:s17], $0x2800  }
0x220: {  	[sflag:s17] =	ssyncset.done $0x0  }
0x221: {  	s24 =	rddreg [dreg:$0xe];
	[sflag:s17] =	ssyncadd.s32 $0xFFFFD800  }
0x222: {  	[tilespmem:s12], [sflag:$0x1] =	stream.indirect.gather [hbm4b:s4+s11], $0x80, s24, s11, $0xb8;
	[tilespmem:$0x1D800] =	vst v63  }
0x223: {  	_ =	swait.ge [sflag:s18], $0x2800  }
0x224: {  	[sflag:s18] =	ssyncset.done $0x0  }
0x225: {  	s7 =	rddreg [dreg:$0xf];
	[sflag:s18] =	ssyncadd.s32 $0xFFFFD800  }
0x226: {  	[spmem:s2] =	stream.indirect.scatter.add.f32 [tilespmem:s15], [sflag:$0x6], $0x80, s7, s11, $0xb8;
	[tilespmem:$0x1D800] =	vst v63  }
0x227: {  	_ =	swait.ge [sflag:s19], $0x2800  }
0x228: {  	[sflag:s19] =	ssyncset.done $0x0  }
0x229: {  	s8 =	rddreg [dreg:$0x10];
	[sflag:s19] =	ssyncadd.s32 $0xFFFFD800  }
0x22a: {  	[tilespmem:s13], [sflag:$0x2] =	stream.indirect.gather [hbm4b:s4+s11], $0x80, s8, s11, $0xb8;
	[tilespmem:$0x1D800] =	vst v63  }
0x22b: {  	_ =	swait.ge [sflag:s14], $0x2800  }
0x22c: {  	[sflag:s14] =	ssyncset.done $0x0  }
0x22d: {  	s24 =	rddreg [dreg:$0x11];
	[sflag:s14] =	ssyncadd.s32 $0xFFFFD800  }
0x22e: {  	[spmem:s2] =	stream.indirect.scatter.add.f32 [tilespmem:s12], [sflag:$0x4], $0x80, s24, s11, $0xb8;
	[tilespmem:$0x1D800] =	vst v63  }
0x22f: {  	_ =	swait.ge [sflag:s20], $0x2800  }
0x230: {  	[sflag:s20] =	ssyncset.done $0x0  }
0x231: {  	s7 =	rddreg [dreg:$0x12];
	[sflag:s20] =	ssyncadd.s32 $0xFFFFD800  }
0x232: {  	[tilespmem:s15], [sflag:$0x3] =	stream.indirect.gather [hbm4b:s4+s11], $0x80, s7, s11, $0xb8;
	[tilespmem:$0x1D800] =	vst v63  }
0x233: {  	_ =	swait.ge [sflag:s16], $0x2800  }
0x234: {  	[sflag:s16] =	ssyncset.done $0x0  }
0x235: {  	s8 =	rddreg [dreg:$0x13];
	[sflag:s16] =	ssyncadd.s32 $0xFFFFD800  }
0x236: {  	[spmem:s2] =	stream.indirect.scatter.add.f32 [tilespmem:s13], [sflag:$0x5], $0x80, s8, s11, $0xb8;
	[tilespmem:$0x1D800] =	vst v63  }
0x237: {  	_ =	swait.ge [sflag:s17], $0x2800  }
0x238: {  	[sflag:s17] =	ssyncset.done $0x0  }
0x239: {  	s24 =	rddreg [dreg:$0x14];
	[sflag:s17] =	ssyncadd.s32 $0xFFFFD800  }
0x23a: {  	[tilespmem:s12], [sflag:$0x1] =	stream.indirect.gather [hbm4b:s4+s11], $0x80, s24, s11, $0xb8;
	[tilespmem:$0x1D800] =	vst v63  }
0x23b: {  	_ =	swait.ge [sflag:s18], $0x2800  }
0x23c: {  	[sflag:s18] =	ssyncset.done $0x0  }
0x23d: {  	s7 =	rddreg [dreg:$0x15];
	[sflag:s18] =	ssyncadd.s32 $0xFFFFD800  }
0x23e: {  	[spmem:s2] =	stream.indirect.scatter.add.f32 [tilespmem:s15], [sflag:$0x6], $0x80, s7, s11, $0xb8;
	[tilespmem:$0x1D800] =	vst v63  }
0x23f: {  	_ =	swait.ge [sflag:s19], $0x2800  }
0x240: {  	[sflag:s19] =	ssyncset.done $0x0  }
0x241: {  	s8 =	rddreg [dreg:$0x16];
	[sflag:s19] =	ssyncadd.s32 $0xFFFFD800  }
0x242: {  	[tilespmem:s13], [sflag:$0x2] =	stream.indirect.gather [hbm4b:s4+s11], $0x80, s8, s11, $0xb8;
	[tilespmem:$0x1D800] =	vst v63  }
0x243: {  	_ =	swait.ge [sflag:s14], $0x2800  }
0x244: {  	[sflag:s14] =	ssyncset.done $0x0  }
0x245: {  	s24 =	rddreg [dreg:$0x17];
	[sflag:s14] =	ssyncadd.s32 $0xFFFFD800  }
0x246: {  	[spmem:s2] =	stream.indirect.scatter.add.f32 [tilespmem:s12], [sflag:$0x4], $0x80, s24, s11, $0xb8;
	[tilespmem:$0x1D800] =	vst v63  }
0x247: {  	_ =	swait.ge [sflag:s20], $0x2800  }
0x248: {  	[sflag:s20] =	ssyncset.done $0x0  }
0x249: {  	s7 =	rddreg [dreg:$0x18];
	[sflag:s20] =	ssyncadd.s32 $0xFFFFD800  }
0x24a: {  	[tilespmem:s15], [sflag:$0x3] =	stream.indirect.gather [hbm4b:s4+s11], $0x80, s7, s11, $0xb8;
	[tilespmem:$0x1D800] =	vst v63  }
0x24b: {  	_ =	swait.ge [sflag:s16], $0x2800  }
0x24c: {  	[sflag:s16] =	ssyncset.done $0x0  }
0x24d: {  	s8 =	rddreg [dreg:$0x19];
	[sflag:s16] =	ssyncadd.s32 $0xFFFFD800  }
0x24e: {  	[spmem:s2] =	stream.indirect.scatter.add.f32 [tilespmem:s13], [sflag:$0x5], $0x80, s8, s11, $0xb8;
	[tilespmem:$0x1D800] =	vst v63  }
0x24f: {  	_ =	swait.ge [sflag:s17], $0x2800  }
0x250: {  	[sflag:s17] =	ssyncset.done $0x0  }
0x251: {  	s24 =	rddreg [dreg:$0x1a];
	[sflag:s17] =	ssyncadd.s32 $0xFFFFD800  }
0x252: {  	[tilespmem:s12], [sflag:$0x1] =	stream.indirect.gather [hbm4b:s4+s11], $0x80, s24, s11, $0xb8;
	[tilespmem:$0x1D800] =	vst v63  }
0x253: {  	_ =	swait.ge [sflag:s18], $0x2800  }
0x254: {  	[sflag:s18] =	ssyncset.done $0x0  }
0x255: {  	s7 =	rddreg [dreg:$0x1b];
	[sflag:s18] =	ssyncadd.s32 $0xFFFFD800  }
0x256: {  	[spmem:s2] =	stream.indirect.scatter.add.f32 [tilespmem:s15], [sflag:$0x6], $0x80, s7, s11, $0xb8;
	[tilespmem:$0x1D800] =	vst v63  }
0x257: {  	_ =	swait.ge [sflag:s19], $0x2800  }
0x258: {  	[sflag:s19] =	ssyncset.done $0x0  }
0x259: {  	s8 =	rddreg [dreg:$0x1c];
	[sflag:s19] =	ssyncadd.s32 $0xFFFFD800  }
0x25a: {  	[tilespmem:s13], [sflag:$0x2] =	stream.indirect.gather [hbm4b:s4+s11], $0x80, s8, s11, $0xb8;
	[tilespmem:$0x1D800] =	vst v63  }
0x25b: {  	_ =	swait.ge [sflag:s14], $0x2800  }
0x25c: {  	[sflag:s14] =	ssyncset.done $0x0  }
0x25d: {  	s24 =	rddreg [dreg:$0x1d];
	[sflag:s14] =	ssyncadd.s32 $0xFFFFD800  }
0x25e: {  	[spmem:s2] =	stream.indirect.scatter.add.f32 [tilespmem:s12], [sflag:$0x4], $0x80, s24, s11, $0xb8;
	[tilespmem:$0x1D800] =	vst v63  }
0x25f: {  	_ =	swait.ge [sflag:s20], $0x2800  }
0x260: {  	[sflag:s20] =	ssyncset.done $0x0  }
0x261: {  	s7 =	rddreg [dreg:$0x1e];
	[sflag:s20] =	ssyncadd.s32 $0xFFFFD800  }
0x262: {  	[tilespmem:s15], [sflag:$0x3] =	stream.indirect.gather [hbm4b:s4+s11], $0x80, s7, s11, $0xb8;
	[tilespmem:$0x1D800] =	vst v63  }
0x263: {  	_ =	swait.ge [sflag:s16], $0x2800  }
0x264: {  	[sflag:s16] =	ssyncset.done $0x0  }
0x265: {  	s8 =	rddreg [dreg:$0x1f];
	[sflag:s16] =	ssyncadd.s32 $0xFFFFD800  }
0x266: {  	[spmem:s2] =	stream.indirect.scatter.add.f32 [tilespmem:s13], [sflag:$0x5], $0x80, s8, s11, $0xb8;
	[tilespmem:$0x1D800] =	vst v63  }
0x267: {  	_ =	swait.ge [sflag:s17], $0x2800  }
0x268: {  	s24 =	sld [smem:$0x7F2]  }
0x269: {  	[sflag:s17] =	ssyncset.done $0x0  }
0x26a: {  	[sflag:s17] =	ssyncadd.s32 $0xFFFFD800  }
0x26b: {  	[tilespmem:s12], [sflag:$0x1] =	stream.indirect.gather [hbm4b:s4+s11], $0x80, s24, s11, $0xb8;
	[tilespmem:$0x1D800] =	vst v63  }
0x26c: {  	_ =	swait.ge [sflag:s18], $0x2800  }
0x26d: {  	s7 =	sld [smem:$0x7F3]  }
0x26e: {  	[sflag:s18] =	ssyncset.done $0x0  }
0x26f: {  	[sflag:s18] =	ssyncadd.s32 $0xFFFFD800  }
0x270: {  	[spmem:s2] =	stream.indirect.scatter.add.f32 [tilespmem:s15], [sflag:$0x6], $0x80, s7, s11, $0xb8;
	[tilespmem:$0x1D800] =	vst v63  }
0x271: {  	_ =	swait.ge [sflag:s19], $0x2800  }
0x272: {  	s8 =	sld [smem:$0x7F4]  }
0x273: {  	[sflag:s19] =	ssyncset.done $0x0  }
0x274: {  	[sflag:s19] =	ssyncadd.s32 $0xFFFFD800  }
0x275: {  	[tilespmem:s13], [sflag:$0x2] =	stream.indirect.gather [hbm4b:s4+s11], $0x80, s8, s11, $0xb8;
	[tilespmem:$0x1D800] =	vst v63  }
0x276: {  	_ =	swait.ge [sflag:s14], $0x2800  }
0x277: {  	s24 =	sld [smem:$0x7F5]  }
0x278: {  	[sflag:s14] =	ssyncset.done $0x0  }
0x279: {  	[sflag:s14] =	ssyncadd.s32 $0xFFFFD800  }
0x27a: {  	[spmem:s2] =	stream.indirect.scatter.add.f32 [tilespmem:s12], [sflag:$0x4], $0x80, s24, s11, $0xb8;
	[tilespmem:$0x1D800] =	vst v63  }
0x27b: {  	_ =	swait.ge [sflag:s20], $0x2800  }
0x27c: {  	s7 =	sld [smem:$0x7F6]  }
0x27d: {  	[sflag:s20] =	ssyncset.done $0x0  }
0x27e: {  	[sflag:s20] =	ssyncadd.s32 $0xFFFFD800  }
0x27f: {  	[tilespmem:s15], [sflag:$0x3] =	stream.indirect.gather [hbm4b:s4+s11], $0x80, s7, s11, $0xb8;
	[tilespmem:$0x1D800] =	vst v63  }
0x280: {  	_ =	swait.ge [sflag:s16], $0x2800  }
0x281: {  	s8 =	sld [smem:$0x7F7]  }
0x282: {  	[sflag:s16] =	ssyncset.done $0x0  }
0x283: {  	[sflag:s16] =	ssyncadd.s32 $0xFFFFD800  }
0x284: {  	[spmem:s2] =	stream.indirect.scatter.add.f32 [tilespmem:s13], [sflag:$0x5], $0x80, s8, s11, $0xb8;
	[tilespmem:$0x1D800] =	vst v63  }
0x285: {  	_ =	swait.ge [sflag:s17], $0x2800  }
0x286: {  	s24 =	sld [smem:$0x7F8]  }
0x287: {  	[sflag:s17] =	ssyncset.done $0x0  }
0x288: {  	[sflag:s17] =	ssyncadd.s32 $0xFFFFD800  }
0x289: {  	[tilespmem:s12], [sflag:$0x1] =	stream.indirect.gather [hbm4b:s4+s11], $0x80, s24, s11, $0xb8;
	[tilespmem:$0x1D800] =	vst v63  }
0x28a: {  	_ =	swait.ge [sflag:s18], $0x2800  }
0x28b: {  	s7 =	sld [smem:$0x7F9]  }
0x28c: {  	[sflag:s18] =	ssyncset.done $0x0  }
0x28d: {  	[sflag:s18] =	ssyncadd.s32 $0xFFFFD800  }
0x28e: {  	[spmem:s2] =	stream.indirect.scatter.add.f32 [tilespmem:s15], [sflag:$0x6], $0x80, s7, s11, $0xb8;
	[tilespmem:$0x1D800] =	vst v63  }
0x28f: {  	_ =	swait.ge [sflag:s19], $0x2800  }
0x290: {  	s8 =	sld [smem:$0x7FA]  }
0x291: {  	[sflag:s19] =	ssyncset.done $0x0  }
0x292: {  	[sflag:s19] =	ssyncadd.s32 $0xFFFFD800  }
0x293: {  	[tilespmem:s13], [sflag:$0x2] =	stream.indirect.gather [hbm4b:s4+s11], $0x80, s8, s11, $0xb8;
	[tilespmem:$0x1D800] =	vst v63  }
0x294: {  	_ =	swait.ge [sflag:s14], $0x2800  }
0x295: {  	[sflag:s14] =	ssyncset.done $0x0  }
0x296: {  	[sflag:s14] =	ssyncadd.s32 $0xFFFFD800  }
0x297: {  	[spmem:s2] =	stream.indirect.scatter.add.f32 [tilespmem:s12], [sflag:$0x4], $0x80, s21, s11, $0xb8;
	[tilespmem:$0x1D800] =	vst v63  }
0x298: {  	_ =	swait.ge [sflag:s20], $0x2800  }
0x299: {  	[sflag:s20] =	ssyncset.done $0x0  }
0x29a: {  	[sflag:s20] =	ssyncadd.s32 $0xFFFFD800  }
0x29b: {  	[tilespmem:s15], [sflag:$0x3] =	stream.indirect.gather [hbm4b:s4+s11], $0x80, s22, s11, $0xb8;
	[tilespmem:$0x1D800] =	vst v63  }
0x29c: {  	_ =	swait.ge [sflag:s16], $0x2800  }
0x29d: {  	[sflag:s16] =	ssyncset.done $0x0  }
0x29e: {  	[sflag:s16] =	ssyncadd.s32 $0xFFFFD800  }
0x29f: {  	[spmem:s2] =	stream.indirect.scatter.add.f32 [tilespmem:s13], [sflag:$0x5], $0x80, s23, s11, $0xb8;
	[tilespmem:$0x1D800] =	vst v63  }
0x2a0: {  	_ =	swait.ge [sflag:s17], $0x2800  }
0x2a1: {  	[sflag:s17] =	ssyncset.done $0x0  }
0x2a2: {  	[sflag:s17] =	ssyncadd.s32 $0xFFFFD800  }
0x2a3: {  	[tilespmem:s12], [sflag:$0x1] =	stream.indirect.gather [hbm4b:s4+s11], $0x80, s25, s11, $0xb8;
	[tilespmem:$0x1D800] =	vst v63  }
0x2a4: {  	_ =	swait.ge [sflag:s18], $0x2800  }
0x2a5: {  	[sflag:s18] =	ssyncset.done $0x0  }
0x2a6: {  	[sflag:s18] =	ssyncadd.s32 $0xFFFFD800  }
0x2a7: {  	[spmem:s2] =	stream.indirect.scatter.add.f32 [tilespmem:s15], [sflag:$0x6], $0x80, s26, s11, $0xb8;
	[tilespmem:$0x1D800] =	vst v63  }
0x2a8: {  	_ =	swait.ge [sflag:s19], $0x2800  }
0x2a9: {  	[sflag:s19] =	ssyncset.done $0x0  }
0x2aa: {  	[sflag:s19] =	ssyncadd.s32 $0xFFFFD800  }
0x2ab: {  	[tilespmem:s13], [sflag:$0x2] =	stream.indirect.gather [hbm4b:s4+s11], $0x80, s28, s11, $0xb8;
	[tilespmem:$0x1D800] =	vst v63  }
0x2ac: {  	_ =	swait.ge [sflag:s14], $0x2800  }
0x2ad: {  	[sflag:s14] =	ssyncset.done $0x0  }
0x2ae: {  	[sflag:s14] =	ssyncadd.s32 $0xFFFFD800  }
0x2af: {  	[spmem:s2] =	stream.indirect.scatter.add.f32 [tilespmem:s12], [sflag:$0x4], $0x80, s29, s11, $0xb8;
	[tilespmem:$0x1D800] =	vst v63  }
0x2b0: {  	_ =	swait.ge [sflag:s20], $0x2800  }
0x2b1: {  	[sflag:s20] =	ssyncset.done $0x0  }
0x2b2: {  	[sflag:s20] =	ssyncadd.s32 $0xFFFFD800  }
0x2b3: {  	[tilespmem:s15], [sflag:$0x3] =	stream.indirect.gather [hbm4b:s4+s11], $0x80, s30, s11, $0xb8;
	[tilespmem:$0x1D800] =	vst v63  }
0x2b4: {  	_ =	swait.ge [sflag:s16], $0x2800  }
0x2b5: {  	[sflag:s16] =	ssyncset.done $0x0  }
0x2b6: {  	[sflag:s16] =	ssyncadd.s32 $0xFFFFD800  }
0x2b7: {  	[spmem:s2] =	stream.indirect.scatter.add.f32 [tilespmem:s13], [sflag:$0x5], $0x80, s31, s11, $0xb8;
	[tilespmem:$0x1D800] =	vst v63  }
0x2b8: {  	_ =	swait.ge [sflag:s17], $0x2800  }
0x2b9: {  	[sflag:s17] =	ssyncset.done $0x0  }
0x2ba: {  	[sflag:s17] =	ssyncadd.s32 $0xFFFFD800  }
0x2bb: {  	[tilespmem:s12], [sflag:$0x1] =	stream.indirect.gather [hbm4b:s4+s11], $0x80, s1, s11, $0xb8;
	[tilespmem:$0x1D800] =	vst v63  }
0x2bc: {  	_ =	swait.ge [sflag:s18], $0x2800  }
0x2bd: {  	[sflag:s18] =	ssyncset.done $0x0  }
0x2be: {  	[sflag:s18] =	ssyncadd.s32 $0xFFFFD800  }
0x2bf: {  	[spmem:s2] =	stream.indirect.scatter.add.f32 [tilespmem:s15], [sflag:$0x6], $0x80, s0, s11, $0xb8;
	[tilespmem:$0x1D800] =	vst v63  }
0x2c0: {  	_ =	swait.ge [sflag:s19], $0x2800  }
0x2c1: {  	[sflag:s19] =	ssyncset.done $0x0  }
0x2c2: {  	[sflag:s19] =	ssyncadd.s32 $0xFFFFD800  }
0x2c3: {  	_ =	swait.ge [sflag:s14], $0x2800  }
0x2c4: {  	[sflag:s14] =	ssyncset.done $0x0  }
0x2c5: {  	[sflag:s14] =	ssyncadd.s32 $0xFFFFD800  }
0x2c6: {  	[spmem:s2] =	stream.indirect.scatter.add.f32 [tilespmem:s12], [sflag:$0x4], $0x80, s5, s11, $0xb8;
	[tilespmem:$0x1D800] =	vst v63  }
0x2c7: {  	_ =	swait.ge [sflag:s20], $0x2800  }
0x2c8: {  	[sflag:s20] =	ssyncset.done $0x0  }
0x2c9: {  	[sflag:s20] =	ssyncadd.s32 $0xFFFFD800  }
0x2ca: {  	_ =	swait.ge [sflag:s17], $0x2800  }
0x2cb: {  	[sflag:s17] =	ssyncset.done $0x0  }
0x2cc: {  	[sflag:s17] =	ssyncadd.s32 $0xFFFFD800  }
0x2cd: {  	[bflag:$0x0] =	sbarrier.arrive $0xFFFF  }
0x2ce: {  	s8 =	sld [smem:$0x7FC]  }
0x2cf: {  	s7 =	sld [smem:$0x7FD]  }
0x2d0: {  	s24 =	sld [smem:$0x7FB];
	_ =	sdelay $0x2  }
0x2d1: {  	[hbm:s24], [sflag:s8] =	dma.local [spmem:s7], $0x2800  }
0x2d2: {  	_ =	swait.ge [sflag:s9], $0x2800  }
0x2d3: {  	s6 =	sld [smem:$0x7EF];
	_ =	sdelay $0x2  }
0x2d4: {  	s24 =	sadd.s32 $0x1, s6;
	s6 =	sld [smem:$0x7F1];
	_ =	sdelay $0x2  }
0x2d5: {  	p0 =	sne.s32 s24, s6  }
.Ltmp1:
0x2d6: {  	_ = 	snop;
	(pc) =	sbr.rel @p0 .LBB2_1-.Ltmp1, $3  }
0x2d7: {  	_ =	sdelay $0x1  }
0x2d8: {  	[sflag:s9] =	ssyncset.done $0x0  }
0x2d9: {  	[sflag:s9] =	ssyncadd.s32 $0xFFFFD800  }
0x2da: {  	_ =	sfence.sel $0x180000  }
0x2db: {  	[bflag:$0x0] =	sbarrier.arrive $0xFFFF  }
0x2dc: {  	_ =	strace $0x9000004A  }
0x2dd: {  	s0 =	stileid.u32;
	[bflag:$0x2] =	sbarrier.arrive $0xFFFF  }
0x2de: {  	p0 =	sne.s32 s0, $0x0;
	s0 =	rddreg [dreg:$0x2]  }
0x2df: {  	s0 =	sadd.s32 @!p0 $0x100000, s0  }
0x2e0: {  	[sflag:s0] =	ssyncadd.tile.s32 @!p0 $0x1;
	_ =	shalt  }
.Lfunc_end2:
_tile_overlayer_lowered:
.L_overlay_start_2:
0x2e1: {  	(tag) =	ssettag $0x2  }
0x2e2: {  	s0 =	rddreg [dreg:$0x0];
	s2 =	stileid.u32  }
0x2e3: {  	s1 =	rddreg [dreg:$0x1];
	p0 =	sne.s32 s2, $0x0  }
0x2e4: {  	s3 =	rddreg [dreg:$0x2];
	[bflag:$0x3] =	sbarrier.arrive $0xFFFF;
	s2 =	simm.s32 @!p0 $0x1C07  }
0x2e5: {  	[timem:s3], [sflag:s2] =	dma.local @!p0 [hbm:s0], s1  }
0x2e6: {  	s0 =	simm.s32 @!p0 $0x7  }
0x2e7: {  	_ =	swait.ge @!p0 [sflag:s0], s1  }
0x2e8: {  	s1 =	ssub.s32 @!p0 $0x0, s1;
	[sflag:s0] =	ssyncset.done @!p0 $0x0  }
0x2e9: {  	[sflag:s0] =	ssyncadd.s32 @!p0 s1  }
0x2ea: {  	[bflag:$0x3] =	sbarrier.arrive $0xFFFF  }
0x2eb: {  	_ =	shalt  }

// kernel: kernel.15.cloned.1.call-start
scs
__scs_entry_jumppad:
0x0: {  	(pc) =	sbr.rel $0x88, $3  }
0x1: {  	(tag) =	ssettag $0x0;
	lr =	simm.s32 $0x1  }
0x2: {  	[smem:$0x3F95] =	sst lr;
	_ =	strace $0xD0000000  }
0x3: {  	_ = 	snop  }
0x4: {  	_ = 	snop  }
0x5: {  	_ = 	snop  }
0x6: {  	_ = 	snop  }
0x7: {  	_ = 	snop  }
__scs_overlays_trampoline_lowered:
0x8: {  	[smem:$0x3FA4] =	sst s0  }
0x9: {  	[smem:$0x3FA5] =	sst s1  }
0xa: {  	[smem:$0x3FA6] =	sst s2  }
0xb: {  	[smem:$0x3FA7] =	sst s3  }
0xc: {  	[smem:$0x3FA8] =	sst s4  }
0xd: {  	[smem:$0x3FA9] =	sst s5  }
0xe: {  	[smem:$0x3FAA] =	sst s6  }
0xf: {  	[smem:$0x3FAB] =	sst s7  }
0x10: {  	[smem:$0x3FAC] =	sst s8  }
0x11: {  	[smem:$0x3FAD] =	sst s9;
	s0 =	simm.s32 @!p0 $0x0  }
0x12: {  	s1 =	sld [smem:$0x3F93];
	s0 =	simm.s32 @p0 $0x1  }
0x13: {  	[smem:$0x3FAE] =	sst s0;
	s0 =	simm.s32 @!p1 $0x0  }
0x14: {  	s2 =	sld [smem:$0x3F92];
	s0 =	simm.s32 @p1 $0x1  }
0x15: {  	[smem:$0x3FAF] =	sst s0;
	s0 =	simm.s32 @!p2 $0x0  }
0x16: {  	s3 =	sld [smem:$0x3FDB];
	s0 =	simm.s32 @p2 $0x1  }
0x17: {  	s4 =	simm.s32 $0x1BF5;
	[smem:$0x3FB1] =	sst s0  }
0x18: {  	s0 =	sld [smem:$0x3F94];
	_ =	swait.ge [sflag:s4], $0x0  }
0x19: {  	s7 =	sld [smem:$0x3F95]  }
0x1a: {  	s8 =	sadd.s32 $0xFFFFE003, lr  }
0x1b: {  	s9 =	sadd.s32 $0xFFFFFEF7, lr;
	s5 =	simm.s32 $0xFFFFFFFF;
	p2 =	slt.u32 s8, $0xFFFFF086  }
0x1c: {  	p1 =	slt.u32 s9, $0xF7A;
	s5 =	simm.s32 @!p2 $0x0  }
0x1d: {  	s5 =	simm.s32 @p1 $0x1;
	p0 =	seq.s32 s7, s2  }
0x1e: {  	s7 =	smul.u32 @!p0 $0xF7A, s2;
	p2 =	seq.s32 @!p0 s5, $0x0  }
0x1f: {  	s9 =	smul.u32 $0xF7A, s1;
	s8 =	simm.s32 @!p0 $0x1BF5;
	p2 =	por !p2, p0  }
0x20: {  	[sflag:s8] =	ssyncset.s32 @!p0 $0xFFFFF086;
	s6 =	sadd.s32 @!p0 s3, s7;
	s7 =	simm.s32 @!p0 $0x108  }
0x21: {  	s3 =	sadd.s32 s3, s9;
	s6 =	sadd.s32 @!p0 $0x88, s6;
	s7 =	simm.s32 @p2 $0x1082  }
0x22: {  	[simem:s7], [sflag:s8] =	dma.local @!p0 [hbm:s6], $0xF7A  }
0x23: {  	s9 =	sor.u32 $0xD0000000, s2;
	s6 =	simm.s32 $0x108;
	_ =	swait.ge @!p0 [sflag:s8], $0x0  }
0x24: {  	s3 =	sadd.s32 $0x88, s3;
	s6 =	simm.s32 @!p1 $0x1082;
	[sflag:s4] =	ssyncset.s32 $0xFFFFF086  }
0x25: {  	[simem:s6], [sflag:s4] =	dma.local [hbm:s3], $0xF7A  }
0x26: {  	[smem:$0x3F95] =	sst s1;
	(tag) =	ssettag s2;
	_ =	strace s9  }
0x27: {  	s1 =	sld [smem:$0x3FA5]  }
0x28: {  	s2 =	sld [smem:$0x3FA6]  }
0x29: {  	s4 =	sld [smem:$0x3FA8]  }
0x2a: {  	p0 =	seq.s32 s5, $0x0;
	s5 =	sld [smem:$0x3FA9]  }
0x2b: {  	s6 =	sld [smem:$0x3FAA]  }
0x2c: {  	s7 =	sld [smem:$0x3FAB]  }
0x2d: {  	s3 =	simm.s32 $0x108;
	s8 =	sld [smem:$0x3FAC]  }
0x2e: {  	s3 =	simm.s32 @!p0 $0x1082;
	s9 =	sld [smem:$0x3FAD]  }
0x2f: {  	lr =	sadd.s32 s0, s3;
	s0 =	sld [smem:$0x3FA4]  }
0x30: {  	s3 =	sld [smem:$0x3FA7]  }
0x31: {  	[smem:$0x3FB0] =	sst s10  }
0x32: {  	s10 =	sld [smem:$0x3FAE];
	_ =	sdelay $0x3  }
0x33: {  	p0 =	seq.s32 s10, $0x1;
	s10 =	sld [smem:$0x3FB0];
	_ =	sdelay $0x3  }
0x34: {  	[smem:$0x3FB0] =	sst s10  }
0x35: {  	s10 =	sld [smem:$0x3FAF];
	_ =	sdelay $0x3  }
0x36: {  	p1 =	seq.s32 s10, $0x1;
	s10 =	sld [smem:$0x3FB0];
	_ =	sdelay $0x3  }
0x37: {  	[smem:$0x3FB0] =	sst s10  }
0x38: {  	s10 =	sld [smem:$0x3FB1]  }
0x39: {  	_ = 	snop;
	(pc) =	sbr.ind lr, $3  }
0x3a: {  	_ = 	snop  }
0x3b: {  	_ = 	snop  }
0x3c: {  	p2 =	seq.s32 s10, $0x1;
	s10 =	sld [smem:$0x3FB0]  }
0x3d: {  	_ =	shalt  }
0x3e: {  	_ =	shalt  }
0x3f: {  	_ =	shalt  }
0x40: {  	_ =	shalt  }
0x41: {  	_ =	shalt  }
0x42: {  	_ =	shalt  }
0x43: {  	_ =	shalt  }
0x44: {  	_ =	shalt  }
0x45: {  	_ =	shalt  }
0x46: {  	_ =	shalt  }
0x47: {  	_ =	shalt  }
0x48: {  	_ =	shalt  }
0x49: {  	_ =	shalt  }
0x4a: {  	_ =	shalt  }
0x4b: {  	_ =	shalt  }
0x4c: {  	_ =	shalt  }
0x4d: {  	_ =	shalt  }
0x4e: {  	_ =	shalt  }
0x4f: {  	_ =	shalt  }
0x50: {  	_ =	shalt  }
0x51: {  	_ =	shalt  }
0x52: {  	_ =	shalt  }
0x53: {  	_ =	shalt  }
0x54: {  	_ =	shalt  }
0x55: {  	_ =	shalt  }
0x56: {  	_ =	shalt  }
0x57: {  	_ =	shalt  }
0x58: {  	_ =	shalt  }
0x59: {  	_ =	shalt  }
0x5a: {  	_ =	shalt  }
0x5b: {  	_ =	shalt  }
0x5c: {  	_ =	shalt  }
0x5d: {  	_ =	shalt  }
0x5e: {  	_ =	shalt  }
0x5f: {  	_ =	shalt  }
0x60: {  	_ =	shalt  }
0x61: {  	_ =	shalt  }
0x62: {  	_ =	shalt  }
0x63: {  	_ =	shalt  }
0x64: {  	_ =	shalt  }
0x65: {  	_ =	shalt  }
0x66: {  	_ =	shalt  }
0x67: {  	_ =	shalt  }
0x68: {  	_ =	shalt  }
0x69: {  	_ =	shalt  }
0x6a: {  	_ =	shalt  }
0x6b: {  	_ =	shalt  }
0x6c: {  	_ =	shalt  }
0x6d: {  	_ =	shalt  }
0x6e: {  	_ =	shalt  }
0x6f: {  	_ =	shalt  }
0x70: {  	_ =	shalt  }
0x71: {  	_ =	shalt  }
0x72: {  	_ =	shalt  }
0x73: {  	_ =	shalt  }
0x74: {  	_ =	shalt  }
0x75: {  	_ =	shalt  }
0x76: {  	_ =	shalt  }
0x77: {  	_ =	shalt  }
0x78: {  	_ =	shalt  }
0x79: {  	_ =	shalt  }
0x7a: {  	_ =	shalt  }
0x7b: {  	_ =	shalt  }
0x7c: {  	_ =	shalt  }
0x7d: {  	_ =	shalt  }
0x7e: {  	_ =	shalt  }
0x7f: {  	_ =	shalt  }
0x80: {  	_ =	shalt  }
0x81: {  	_ =	shalt  }
0x82: {  	_ =	shalt  }
0x83: {  	_ =	shalt  }
0x84: {  	_ =	shalt  }
0x85: {  	_ =	shalt  }
0x86: {  	_ =	shalt  }
0x87: {  	_ =	shalt  }
.Lfunc_end0:
.L_simem_size_0:
called_computation.2_lowered:
.L_overlay_start_0:
0x88: {  	s2 =	sld [smem:$0x3FD9]  }
0x89: {  	s3 =	sld [smem:$0x3FFE];
	_ =	sdelay $0x1  }
0x8a: {  	s1 =	srdreg.scid  }
0x8b: {  	s0 =	sand.u32 $0x1, s1  }
0x8c: {  	s16 =	sshll.u32 s0, $0xA;
	s2 =	sadd.s32 s3, s2  }
0x8d: {  	s2 =	sadd.s32 s2, s16  }
0x8e: {  	[smem:$0x3FBC] =	sst s2  }
0x8f: {  	_ = 	snop  }
0x90: {  	(tm) =	ssettm $0x1  }
0x91: {  	s17 =	sld [smem:$0x3FFB];
	_ =	sdelay $0x3  }
0x92: {  	_ =	strace s17  }
0x93: {  	s2 =	sld [smem:$0x3FFC];
	_ =	sdelay $0x3  }
0x94: {  	_ =	strace s2  }
0x95: {  	s2 =	sld [smem:$0x3FFD];
	_ =	sdelay $0x3  }
0x96: {  	_ =	strace s2  }
0x97: {  	_ =	strace $0x8FFFFFFF  }
0x98: {  	s18 =	sld [smem:$0x3FDB];
	_ =	sdelay $0x1  }
0x99: {  	s19 =	simm.s32 $_scs_section_size  }
0x9a: {  	s4 =	simm.s32 $_size__tile_overlayer_lowered;
	s5 =	simm.s32 $_tile_overlayer_lowered  }
0x9b: {  	s22 =	simm.s32 $0x1BFF;
	s21 =	sshll.u32 s5, $0x1;
	s2 =	sadd.s32 s19, s18  }
0x9c: {  	s6 =	simm.s32 $0x0;
	s20 =	sshll.u32 s4, $0x1;
	s4 =	sadd.s32 s21, s2  }
0x9d: {  	[timem:s6], [sflag:s22] =	dma.local [hbm:s4], s20  }
0x9e: {  	_ =	swait.ge [sflag:s22], s20  }
0x9f: {  	s3 =	ssub.s32 $0x0, s20;
	[sflag:s22] =	ssyncset.done $0x0  }
0xa0: {  	[sflag:s22] =	ssyncadd.s32 s3;
	_ =	sdelay $0x1  }
0xa1: {  	s23 =	simm.s32 $0x1B8B  }
0xa2: {  	_ =	swait.ge [sflag:s23], $0x1  }
0xa3: {  	[sflag:s23] =	ssyncset.done $0x0  }
0xa4: {  	s25 =	simm.s32 $0x1B8E;
	s24 =	sld [smem:$0x3FFE];
	[sflag:s23] =	ssyncadd.s32 $0xFFFFFFFF  }
0xa5: {  	s26 =	simm.s32 $execute0_lowered;
	[smem:$0x3FD2] =	sst s25  }
0xa6: {  	s4 =	sshll.u32 s26, $0x1;
	_ =	strace $0x8000004C;
	[dreg:$0x1] =	wrdreg $0xFFFFFFFF  }
0xa7: {  	s28 =	simm.s32 $_size_execute0_lowered;
	s2 =	sadd.s32 s2, s4;
	[dreg:$0x0] =	wrdreg $0x0  }
0xa8: {  	s4 =	sshll.u32 s28, $0x1;
	[dreg:$0x2] =	wrdreg s2  }
0xa9: {  	[dreg:$0x3] =	wrdreg s4  }
0xaa: {  	[dreg:$0x4] =	wrdreg $0xC0  }
0xab: {  	_ =	task [dreg:s6], $0x5FFFF  }
0xac: {  	[dreg:$0x1] =	wrdreg $0xFFFFFFFF  }
0xad: {  	[dreg:$0x0] =	wrdreg $0x60  }
0xae: {  	[dreg:$0x2] =	wrdreg s24  }
0xaf: {  	[dreg:$0x3] =	wrdreg $0x98000  }
0xb0: {  	[dreg:$0x4] =	wrdreg $0x9  }
0xb1: {  	_ =	task.clear_ibuf [dreg:s6], $0x5FFFF;
	_ =	strace $0x9000004C  }
0xb2: {  	s29 =	simm.s32 $0x9;
	_ =	strace $0x8000004E  }
0xb3: {  	_ =	swait.ge [sflag:s29], $0x1  }
0xb4: {  	[sflag:s29] =	ssyncadd.s32 $0xFFFFFFFF  }
0xb5: {  	_ =	strace $0x9000004E  }
0xb6: {  	_ =	sfence  }
0xb7: {  	s30 =	sld [smem:$0x0];
	_ =	sdelay $0x2  }
0xb8: {  	s31 =	sshll.u32 s1, $0xD;
	s1 =	sshrl.u32 s1, $0x2  }
0xb9: {  	s3 =	sand.u32 $0x4000, s31;
	s1 =	sadd.s32 s1, s30  }
0xba: {  	s0 =	sor.u32 s3, s0;
	s1 =	sshll.u32 s1, $0x11  }
0xbb: {  	s0 =	sor.u32 s1, s0  }
0xbc: {  	s0 =	sadd.s32 $0x8F2B, s0  }
0xbd: {  	[sflag:s0] =	ssyncadd.remote.s32 $0x1  }
0xbe: {  	_ =	sfence.sel $0xFFFF  }
0xbf: {  	[dreg:$0x0] =	wrdreg $0xFFFFFFFF;
	(pc) =	sbr.abs _section_cstart, $3  }
0xc0: {  	[dreg:$0x1] =	wrdreg $0xFFFFFFFF  }
0xc1: {  	_ =	task.clear_ibuf [dreg:s6], $0x2FFFF;
	_ =	strace $0x9FFFFFFF  }
0xc2: {  	(tm) =	ssettm $0x7FFFFFFF  }
0xc3: {  	_ =	shalt  }
tec
execute0_lowered:
.L_overlay_start_1:
0x0: {  	(tag) =	ssettag $0x1  }
0x1: {  	s5 =	rddreg [dreg:$0x0]  }
0x2: {  	s2 =	rddreg [dreg:$0x1];
	s3 =	simm.s32 $0x0  }
0x3: {  	s7 =	simm.s32 $0x80;
	[smem:$0x7FF] =	sst s3  }
0x4: {  	s8 =	simm.s32 $0x100;
	_ =	strace $0x8000004D;
	[dreg:$0x5] =	wrdreg s7  }
0x5: {  	s9 =	simm.s32 $0x1080;
	[dreg:$0x6] =	wrdreg s8  }
0x6: {  	s11 =	simm.s32 $0x180;
	[dreg:$0x7] =	wrdreg s9  }
0x7: {  	s12 =	simm.s32 $0x1100;
	[dreg:$0x8] =	wrdreg s11  }
0x8: {  	s13 =	simm.s32 $0x200;
	[dreg:$0x9] =	wrdreg s12  }
0x9: {  	s14 =	simm.s32 $0x1180;
	[dreg:$0xa] =	wrdreg s13  }
0xa: {  	s6 =	simm.s32 $0x280;
	[dreg:$0xb] =	wrdreg s14  }
0xb: {  	s15 =	simm.s32 $0x1200;
	[dreg:$0xc] =	wrdreg s6  }
0xc: {  	s16 =	simm.s32 $0x300;
	[dreg:$0xd] =	wrdreg s15  }
0xd: {  	s17 =	simm.s32 $0x1280;
	[dreg:$0xe] =	wrdreg s16  }
0xe: {  	s18 =	simm.s32 $0x380;
	[dreg:$0xf] =	wrdreg s17  }
0xf: {  	s0 =	srdreg.scid;
	s19 =	simm.s32 $0x1300;
	[dreg:$0x10] =	wrdreg s18  }
0x10: {  	s10 =	stileid.u32;
	s21 =	simm.s32 $0x400;
	[dreg:$0x11] =	wrdreg s19  }
0x11: {  	s22 =	simm.s32 $0x1380;
	s23 =	simm.s32 $0x480;
	[dreg:$0x12] =	wrdreg s21  }
0x12: {  	s25 =	simm.s32 $0x1400;
	s26 =	simm.s32 $0x500;
	[dreg:$0x13] =	wrdreg s22  }
0x13: {  	s28 =	simm.s32 $0xB00;
	s29 =	simm.s32 $0x1A80;
	[dreg:$0x14] =	wrdreg s23  }
0x14: {  	s30 =	simm.s32 $0xB80;
	s31 =	simm.s32 $0x1B00;
	[dreg:$0x15] =	wrdreg s25  }
0x15: {  	s1 =	sand.u32 $0x1, s0;
	[dreg:$0x16] =	wrdreg s26;
	s11 =	simm.s32 $0x1500  }
0x16: {  	s0 =	sshll.u32 s1, $0x4;
	s12 =	simm.s32 $0x600;
	[dreg:$0x19] =	wrdreg s11  }
0x17: {  	s7 =	smul.u32 $0x28000, s1;
	s13 =	simm.s32 $0x1580;
	[dreg:$0x1a] =	wrdreg s12  }
0x18: {  	s1 =	ssub.s32 $0x2, s1;
	s14 =	simm.s32 $0x680;
	[dreg:$0x1b] =	wrdreg s13  }
0x19: {  	s9 =	smul.u32 $0x50000, s10;
	s15 =	simm.s32 $0x1600;
	[dreg:$0x1c] =	wrdreg s14  }
0x1a: {  	s16 =	simm.s32 $0x700;
	s17 =	simm.s32 $0x1680;
	[dreg:$0x1d] =	wrdreg s15  }
0x1b: {  	s18 =	simm.s32 $0x780;
	s19 =	simm.s32 $0x1700;
	[dreg:$0x1e] =	wrdreg s16  }
0x1c: {  	s21 =	simm.s32 $0x1780;
	s22 =	simm.s32 $0x880;
	[dreg:$0x1f] =	wrdreg s17  }
0x1d: {  	s23 =	simm.s32 $0x1800;
	s25 =	simm.s32 $0x1880;
	[smem:$0x7F2] =	sst s18  }
0x1e: {  	s26 =	simm.s32 $0x980;
	s0 =	sor.u32 s10, s0;
	[smem:$0x7F3] =	sst s19  }
0x1f: {  	s20 =	sshrl.u32 s1, $0x1;
	s11 =	simm.s32 $0x50;
	[smem:$0x7F5] =	sst s21  }
0x20: {  	s12 =	simm.s32 $0x2000;
	s13 =	simm.s32 $0x4800;
	[smem:$0x7F6] =	sst s22  }
0x21: {  	s14 =	simm.s32 $0x1;
	s15 =	simm.s32 $0x7000;
	[smem:$0x7F7] =	sst s23  }
0x22: {  	s16 =	simm.s32 $0x2;
	s17 =	simm.s32 $0x4;
	[smem:$0x7F9] =	sst s25  }
0x23: {  	s18 =	simm.s32 $0x3;
	s19 =	simm.s32 $0x5;
	[smem:$0x7FA] =	sst s26  }
0x24: {  	s21 =	simm.s32 $0x1900;
	s22 =	simm.s32 $0xA00;
	s23 =	simm.s32 $0x1980  }
0x25: {  	s25 =	simm.s32 $0xA80;
	s26 =	simm.s32 $0x1A00;
	s0 =	smul.u32 $0xA00, s0  }
0x26: {  	s1 =	ssub.s32 s1, s20;
	s24 =	sshrl.u32 s9, $0x2;
	s20 =	simm.s32 $0x800  }
0x27: {  	s1 =	smax.u32 s1, $0x1;
	[smem:$0x7F4] =	sst s20;
	s0 =	sadd.s32 s0, s5  }
0x28: {  	[smem:$0x7F1] =	sst s1;
	s4 =	sadd.s32 $0x4200, s0;
	s0 =	sadd.s32 $0x18200, s0  }
0x29: {  	s9 =	sshll.u32 s10, $0x6;
	[dreg:$0x4] =	wrdreg s0;
	s0 =	smul.u32 $0x2800, s10  }
0x2a: {  	s20 =	simm.s32 $0x6;
	[dreg:$0x3] =	wrdreg s4;
	s10 =	simm.s32 $0x580  }
0x2b: {  	s4 =	sadd.s32 $0x2C200, s5;
	[dreg:$0x18] =	wrdreg s10;
	s8 =	sadd.s32 s0, s5  }
0x2c: {  	s5 =	sadd.s32 s7, s5;
	s7 =	sadd.s32 s24, s2;
	s24 =	simm.s32 $0x900  }
0x2d: {  	s1 =	simm.s32 $0xC00;
	s8 =	sadd.s32 $0x53400, s8;
	[smem:$0x7F8] =	sst s24  }
0x2e: {  	s10 =	simm.s32 $0x1000;
	s7 =	sshrl.u32 s7, $0x3;
	[smem:$0x7F0] =	sst s8  }
0x2f: {  	s5 =	sadd.s32 $0x7BA00, s5;
	s8 =	simm.s32 $0x1480;
	[smem:$0x7FD] =	sst s7  }
0x30: {  	s24 =	simm.s32 $0x0;
	s0 =	sadd.s32 s0, s5;
	[dreg:$0x17] =	wrdreg s8  }
0x31: {  	s5 =	simm.s32 $0x1C00;
	s8 =	sor.u32 $0x1C07, s9;
	[smem:$0x7FB] =	sst s0  }
0x32: {  	s9 =	simm.s32 $0x7;
	s0 =	simm.s32 $0x1B80;
	[smem:$0x7FC] =	sst s8  }
.LBB2_1:
0x33: {  	s6 =	sld [smem:$0x7F0];
	_ =	sdelay $0x1  }
0x34: {  	[smem:$0x7EF] =	sst s24  }
0x35: {  	[spmem:s7], [sflag:s8] =	dma.local [hbm:s6], $0x2800  }
0x36: {  	_ =	swait.ge [sflag:s9], $0x2800  }
0x37: {  	[sflag:s9] =	ssyncset.done $0x0  }
0x38: {  	[sflag:s9] =	ssyncadd.s32 $0xFFFFD800  }
0x39: {  	[bflag:$0x0] =	sbarrier.arrive $0xFFFF  }
0x3a: {  	s8 =	rddreg [dreg:$0x3]  }
0x3b: {  	s6 =	sadd.s32 $0x0, s8  }
0x3c: {  	[tilespmem:s3], [sflag:$0x7] =	stream.linear.gather [hbm4b:s6+s3], $0xC80, $0x38;
	[tilespmem:$0x1D800] =	vst v63  }
0x3d: {  	_ =	swait.ge [sflag:s9], $0xC80  }
0x3e: {  	s24 =	rddreg [dreg:$0x4];
	[sflag:s9] =	ssyncset.done $0x0  }
0x3f: {  	[sflag:s9] =	ssyncadd.s32 $0xFFFFF380;
	s6 =	sadd.s32 $0x0, s24  }
0x40: {  	[tilespmem:s10], [sflag:$0x7] =	stream.linear.gather [hbm4b:s6+s3], $0xC80, $0x38;
	[tilespmem:$0x1D800] =	vst v63  }
0x41: {  	_ =	swait.ge [sflag:s9], $0xC80  }
0x42: {  	[sflag:s9] =	ssyncset.done $0x0  }
0x43: {  	[sflag:s9] =	ssyncadd.s32 $0xFFFFF380  }
0x44: {  	[tilespmem:s12], [sflag:$0x1] =	stream.indirect.gather [hbm4b:s4+s11], $0x80, s3, s11, $0xb8;
	[tilespmem:$0x1D800] =	vst v63  }
0x45: {  	s7 =	rddreg [dreg:$0x5]  }
0x46: {  	[tilespmem:s13], [sflag:$0x2] =	stream.indirect.gather [hbm4b:s4+s11], $0x80, s7, s11, $0xb8;
	[tilespmem:$0x1D800] =	vst v63  }
0x47: {  	_ =	swait.ge [sflag:s14], $0x2800  }
0x48: {  	[sflag:s14] =	ssyncset.done $0x0  }
0x49: {  	[sflag:s14] =	ssyncadd.s32 $0xFFFFD800  }
0x4a: {  	[spmem:s2] =	stream.indirect.scatter.add.f32 [tilespmem:s12], [sflag:$0x4], $0x80, s10, s11, $0xb8;
	[tilespmem:$0x1D800] =	vst v63  }
0x4b: {  	s8 =	rddreg [dreg:$0x6]  }
0x4c: {  	[tilespmem:s15], [sflag:$0x3] =	stream.indirect.gather [hbm4b:s4+s11], $0x80, s8, s11, $0xb8;
	[tilespmem:$0x1D800] =	vst v63  }
0x4d: {  	_ =	swait.ge [sflag:s16], $0x2800  }
0x4e: {  	[sflag:s16] =	ssyncset.done $0x0  }
0x4f: {  	s24 =	rddreg [dreg:$0x7];
	[sflag:s16] =	ssyncadd.s32 $0xFFFFD800  }
0x50: {  	[spmem:s2] =	stream.indirect.scatter.add.f32 [tilespmem:s13], [sflag:$0x5], $0x80, s24, s11, $0xb8;
	[tilespmem:$0x1D800] =	vst v63  }
0x51: {  	_ =	swait.ge [sflag:s17], $0x2800  }
0x52: {  	[sflag:s17] =	ssyncset.done $0x0  }
0x53: {  	s7 =	rddreg [dreg:$0x8];
	[sflag:s17] =	ssyncadd.s32 $0xFFFFD800  }
0x54: {  	[tilespmem:s12], [sflag:$0x1] =	stream.indirect.gather [hbm4b:s4+s11], $0x80, s7, s11, $0xb8;
	[tilespmem:$0x1D800] =	vst v63  }
0x55: {  	_ =	swait.ge [sflag:s18], $0x2800  }
0x56: {  	[sflag:s18] =	ssyncset.done $0x0  }
0x57: {  	s8 =	rddreg [dreg:$0x9];
	[sflag:s18] =	ssyncadd.s32 $0xFFFFD800  }
0x58: {  	[spmem:s2] =	stream.indirect.scatter.add.f32 [tilespmem:s15], [sflag:$0x6], $0x80, s8, s11, $0xb8;
	[tilespmem:$0x1D800] =	vst v63  }
0x59: {  	_ =	swait.ge [sflag:s19], $0x2800  }
0x5a: {  	[sflag:s19] =	ssyncset.done $0x0  }
0x5b: {  	s24 =	rddreg [dreg:$0xa];
	[sflag:s19] =	ssyncadd.s32 $0xFFFFD800  }
0x5c: {  	[tilespmem:s13], [sflag:$0x2] =	stream.indirect.gather [hbm4b:s4+s11], $0x80, s24, s11, $0xb8;
	[tilespmem:$0x1D800] =	vst v63  }
0x5d: {  	_ =	swait.ge [sflag:s14], $0x2800  }
0x5e: {  	[sflag:s14] =	ssyncset.done $0x0  }
0x5f: {  	s7 =	rddreg [dreg:$0xb];
	[sflag:s14] =	ssyncadd.s32 $0xFFFFD800  }
0x60: {  	[spmem:s2] =	stream.indirect.scatter.add.f32 [tilespmem:s12], [sflag:$0x4], $0x80, s7, s11, $0xb8;
	[tilespmem:$0x1D800] =	vst v63  }
0x61: {  	_ =	swait.ge [sflag:s20], $0x2800  }
0x62: {  	[sflag:s20] =	ssyncset.done $0x0  }
0x63: {  	s8 =	rddreg [dreg:$0xc];
	[sflag:s20] =	ssyncadd.s32 $0xFFFFD800  }
0x64: {  	[tilespmem:s15], [sflag:$0x3] =	stream.indirect.gather [hbm4b:s4+s11], $0x80, s8, s11, $0xb8;
	[tilespmem:$0x1D800] =	vst v63  }
0x65: {  	_ =	swait.ge [sflag:s16], $0x2800  }
0x66: {  	[sflag:s16] =	ssyncset.done $0x0  }
0x67: {  	s24 =	rddreg [dreg:$0xd];
	[sflag:s16] =	ssyncadd.s32 $0xFFFFD800  }
0x68: {  	[spmem:s2] =	stream.indirect.scatter.add.f32 [tilespmem:s13], [sflag:$0x5], $0x80, s24, s11, $0xb8;
	[tilespmem:$0x1D800] =	vst v63  }
0x69: {  	_ =	swait.ge [sflag:s17], $0x2800  }
0x6a: {  	[sflag:s17] =	ssyncset.done $0x0  }
0x6b: {  	s7 =	rddreg [dreg:$0xe];
	[sflag:s17] =	ssyncadd.s32 $0xFFFFD800  }
0x6c: {  	[tilespmem:s12], [sflag:$0x1] =	stream.indirect.gather [hbm4b:s4+s11], $0x80, s7, s11, $0xb8;
	[tilespmem:$0x1D800] =	vst v63  }
0x6d: {  	_ =	swait.ge [sflag:s18], $0x2800  }
0x6e: {  	[sflag:s18] =	ssyncset.done $0x0  }
0x6f: {  	s8 =	rddreg [dreg:$0xf];
	[sflag:s18] =	ssyncadd.s32 $0xFFFFD800  }
0x70: {  	[spmem:s2] =	stream.indirect.scatter.add.f32 [tilespmem:s15], [sflag:$0x6], $0x80, s8, s11, $0xb8;
	[tilespmem:$0x1D800] =	vst v63  }
0x71: {  	_ =	swait.ge [sflag:s19], $0x2800  }
0x72: {  	[sflag:s19] =	ssyncset.done $0x0  }
0x73: {  	s24 =	rddreg [dreg:$0x10];
	[sflag:s19] =	ssyncadd.s32 $0xFFFFD800  }
0x74: {  	[tilespmem:s13], [sflag:$0x2] =	stream.indirect.gather [hbm4b:s4+s11], $0x80, s24, s11, $0xb8;
	[tilespmem:$0x1D800] =	vst v63  }
0x75: {  	_ =	swait.ge [sflag:s14], $0x2800  }
0x76: {  	[sflag:s14] =	ssyncset.done $0x0  }
0x77: {  	s7 =	rddreg [dreg:$0x11];
	[sflag:s14] =	ssyncadd.s32 $0xFFFFD800  }
0x78: {  	[spmem:s2] =	stream.indirect.scatter.add.f32 [tilespmem:s12], [sflag:$0x4], $0x80, s7, s11, $0xb8;
	[tilespmem:$0x1D800] =	vst v63  }
0x79: {  	_ =	swait.ge [sflag:s20], $0x2800  }
0x7a: {  	[sflag:s20] =	ssyncset.done $0x0  }
0x7b: {  	s8 =	rddreg [dreg:$0x12];
	[sflag:s20] =	ssyncadd.s32 $0xFFFFD800  }
0x7c: {  	[tilespmem:s15], [sflag:$0x3] =	stream.indirect.gather [hbm4b:s4+s11], $0x80, s8, s11, $0xb8;
	[tilespmem:$0x1D800] =	vst v63  }
0x7d: {  	_ =	swait.ge [sflag:s16], $0x2800  }
0x7e: {  	[sflag:s16] =	ssyncset.done $0x0  }
0x7f: {  	s24 =	rddreg [dreg:$0x13];
	[sflag:s16] =	ssyncadd.s32 $0xFFFFD800  }
0x80: {  	[spmem:s2] =	stream.indirect.scatter.add.f32 [tilespmem:s13], [sflag:$0x5], $0x80, s24, s11, $0xb8;
	[tilespmem:$0x1D800] =	vst v63  }
0x81: {  	_ =	swait.ge [sflag:s17], $0x2800  }
0x82: {  	[sflag:s17] =	ssyncset.done $0x0  }
0x83: {  	s7 =	rddreg [dreg:$0x14];
	[sflag:s17] =	ssyncadd.s32 $0xFFFFD800  }
0x84: {  	[tilespmem:s12], [sflag:$0x1] =	stream.indirect.gather [hbm4b:s4+s11], $0x80, s7, s11, $0xb8;
	[tilespmem:$0x1D800] =	vst v63  }
0x85: {  	_ =	swait.ge [sflag:s18], $0x2800  }
0x86: {  	[sflag:s18] =	ssyncset.done $0x0  }
0x87: {  	s8 =	rddreg [dreg:$0x15];
	[sflag:s18] =	ssyncadd.s32 $0xFFFFD800  }
0x88: {  	[spmem:s2] =	stream.indirect.scatter.add.f32 [tilespmem:s15], [sflag:$0x6], $0x80, s8, s11, $0xb8;
	[tilespmem:$0x1D800] =	vst v63  }
0x89: {  	_ =	swait.ge [sflag:s19], $0x2800  }
0x8a: {  	[sflag:s19] =	ssyncset.done $0x0  }
0x8b: {  	s24 =	rddreg [dreg:$0x16];
	[sflag:s19] =	ssyncadd.s32 $0xFFFFD800  }
0x8c: {  	[tilespmem:s13], [sflag:$0x2] =	stream.indirect.gather [hbm4b:s4+s11], $0x80, s24, s11, $0xb8;
	[tilespmem:$0x1D800] =	vst v63  }
0x8d: {  	_ =	swait.ge [sflag:s14], $0x2800  }
0x8e: {  	[sflag:s14] =	ssyncset.done $0x0  }
0x8f: {  	s7 =	rddreg [dreg:$0x17];
	[sflag:s14] =	ssyncadd.s32 $0xFFFFD800  }
0x90: {  	[spmem:s2] =	stream.indirect.scatter.add.f32 [tilespmem:s12], [sflag:$0x4], $0x80, s7, s11, $0xb8;
	[tilespmem:$0x1D800] =	vst v63  }
0x91: {  	_ =	swait.ge [sflag:s20], $0x2800  }
0x92: {  	[sflag:s20] =	ssyncset.done $0x0  }
0x93: {  	s8 =	rddreg [dreg:$0x18];
	[sflag:s20] =	ssyncadd.s32 $0xFFFFD800  }
0x94: {  	[tilespmem:s15], [sflag:$0x3] =	stream.indirect.gather [hbm4b:s4+s11], $0x80, s8, s11, $0xb8;
	[tilespmem:$0x1D800] =	vst v63  }
0x95: {  	_ =	swait.ge [sflag:s16], $0x2800  }
0x96: {  	[sflag:s16] =	ssyncset.done $0x0  }
0x97: {  	s24 =	rddreg [dreg:$0x19];
	[sflag:s16] =	ssyncadd.s32 $0xFFFFD800  }
0x98: {  	[spmem:s2] =	stream.indirect.scatter.add.f32 [tilespmem:s13], [sflag:$0x5], $0x80, s24, s11, $0xb8;
	[tilespmem:$0x1D800] =	vst v63  }
0x99: {  	_ =	swait.ge [sflag:s17], $0x2800  }
0x9a: {  	[sflag:s17] =	ssyncset.done $0x0  }
0x9b: {  	s7 =	rddreg [dreg:$0x1a];
	[sflag:s17] =	ssyncadd.s32 $0xFFFFD800  }
0x9c: {  	[tilespmem:s12], [sflag:$0x1] =	stream.indirect.gather [hbm4b:s4+s11], $0x80, s7, s11, $0xb8;
	[tilespmem:$0x1D800] =	vst v63  }
0x9d: {  	_ =	swait.ge [sflag:s18], $0x2800  }
0x9e: {  	[sflag:s18] =	ssyncset.done $0x0  }
0x9f: {  	s8 =	rddreg [dreg:$0x1b];
	[sflag:s18] =	ssyncadd.s32 $0xFFFFD800  }
0xa0: {  	[spmem:s2] =	stream.indirect.scatter.add.f32 [tilespmem:s15], [sflag:$0x6], $0x80, s8, s11, $0xb8;
	[tilespmem:$0x1D800] =	vst v63  }
0xa1: {  	_ =	swait.ge [sflag:s19], $0x2800  }
0xa2: {  	[sflag:s19] =	ssyncset.done $0x0  }
0xa3: {  	s24 =	rddreg [dreg:$0x1c];
	[sflag:s19] =	ssyncadd.s32 $0xFFFFD800  }
0xa4: {  	[tilespmem:s13], [sflag:$0x2] =	stream.indirect.gather [hbm4b:s4+s11], $0x80, s24, s11, $0xb8;
	[tilespmem:$0x1D800] =	vst v63  }
0xa5: {  	_ =	swait.ge [sflag:s14], $0x2800  }
0xa6: {  	[sflag:s14] =	ssyncset.done $0x0  }
0xa7: {  	s7 =	rddreg [dreg:$0x1d];
	[sflag:s14] =	ssyncadd.s32 $0xFFFFD800  }
0xa8: {  	[spmem:s2] =	stream.indirect.scatter.add.f32 [tilespmem:s12], [sflag:$0x4], $0x80, s7, s11, $0xb8;
	[tilespmem:$0x1D800] =	vst v63  }
0xa9: {  	_ =	swait.ge [sflag:s20], $0x2800  }
0xaa: {  	[sflag:s20] =	ssyncset.done $0x0  }
0xab: {  	s8 =	rddreg [dreg:$0x1e];
	[sflag:s20] =	ssyncadd.s32 $0xFFFFD800  }
0xac: {  	[tilespmem:s15], [sflag:$0x3] =	stream.indirect.gather [hbm4b:s4+s11], $0x80, s8, s11, $0xb8;
	[tilespmem:$0x1D800] =	vst v63  }
0xad: {  	_ =	swait.ge [sflag:s16], $0x2800  }
0xae: {  	[sflag:s16] =	ssyncset.done $0x0  }
0xaf: {  	s24 =	rddreg [dreg:$0x1f];
	[sflag:s16] =	ssyncadd.s32 $0xFFFFD800  }
0xb0: {  	[spmem:s2] =	stream.indirect.scatter.add.f32 [tilespmem:s13], [sflag:$0x5], $0x80, s24, s11, $0xb8;
	[tilespmem:$0x1D800] =	vst v63  }
0xb1: {  	_ =	swait.ge [sflag:s17], $0x2800  }
0xb2: {  	s7 =	sld [smem:$0x7F2]  }
0xb3: {  	[sflag:s17] =	ssyncset.done $0x0  }
0xb4: {  	[sflag:s17] =	ssyncadd.s32 $0xFFFFD800  }
0xb5: {  	[tilespmem:s12], [sflag:$0x1] =	stream.indirect.gather [hbm4b:s4+s11], $0x80, s7, s11, $0xb8;
	[tilespmem:$0x1D800] =	vst v63  }
0xb6: {  	_ =	swait.ge [sflag:s18], $0x2800  }
0xb7: {  	s8 =	sld [smem:$0x7F3]  }
0xb8: {  	[sflag:s18] =	ssyncset.done $0x0  }
0xb9: {  	[sflag:s18] =	ssyncadd.s32 $0xFFFFD800  }
0xba: {  	[spmem:s2] =	stream.indirect.scatter.add.f32 [tilespmem:s15], [sflag:$0x6], $0x80, s8, s11, $0xb8;
	[tilespmem:$0x1D800] =	vst v63  }
0xbb: {  	_ =	swait.ge [sflag:s19], $0x2800  }
0xbc: {  	s24 =	sld [smem:$0x7F4]  }
0xbd: {  	[sflag:s19] =	ssyncset.done $0x0  }
0xbe: {  	[sflag:s19] =	ssyncadd.s32 $0xFFFFD800  }
0xbf: {  	[tilespmem:s13], [sflag:$0x2] =	stream.indirect.gather [hbm4b:s4+s11], $0x80, s24, s11, $0xb8;
	[tilespmem:$0x1D800] =	vst v63  }
0xc0: {  	_ =	swait.ge [sflag:s14], $0x2800  }
0xc1: {  	s7 =	sld [smem:$0x7F5]  }
0xc2: {  	[sflag:s14] =	ssyncset.done $0x0  }
0xc3: {  	[sflag:s14] =	ssyncadd.s32 $0xFFFFD800  }
0xc4: {  	[spmem:s2] =	stream.indirect.scatter.add.f32 [tilespmem:s12], [sflag:$0x4], $0x80, s7, s11, $0xb8;
	[tilespmem:$0x1D800] =	vst v63  }
0xc5: {  	_ =	swait.ge [sflag:s20], $0x2800  }
0xc6: {  	s8 =	sld [smem:$0x7F6]  }
0xc7: {  	[sflag:s20] =	ssyncset.done $0x0  }
0xc8: {  	[sflag:s20] =	ssyncadd.s32 $0xFFFFD800  }
0xc9: {  	[tilespmem:s15], [sflag:$0x3] =	stream.indirect.gather [hbm4b:s4+s11], $0x80, s8, s11, $0xb8;
	[tilespmem:$0x1D800] =	vst v63  }
0xca: {  	_ =	swait.ge [sflag:s16], $0x2800  }
0xcb: {  	s24 =	sld [smem:$0x7F7]  }
0xcc: {  	[sflag:s16] =	ssyncset.done $0x0  }
0xcd: {  	[sflag:s16] =	ssyncadd.s32 $0xFFFFD800  }
0xce: {  	[spmem:s2] =	stream.indirect.scatter.add.f32 [tilespmem:s13], [sflag:$0x5], $0x80, s24, s11, $0xb8;
	[tilespmem:$0x1D800] =	vst v63  }
0xcf: {  	_ =	swait.ge [sflag:s17], $0x2800  }
0xd0: {  	s7 =	sld [smem:$0x7F8]  }
0xd1: {  	[sflag:s17] =	ssyncset.done $0x0  }
0xd2: {  	[sflag:s17] =	ssyncadd.s32 $0xFFFFD800  }
0xd3: {  	[tilespmem:s12], [sflag:$0x1] =	stream.indirect.gather [hbm4b:s4+s11], $0x80, s7, s11, $0xb8;
	[tilespmem:$0x1D800] =	vst v63  }
0xd4: {  	_ =	swait.ge [sflag:s18], $0x2800  }
0xd5: {  	s8 =	sld [smem:$0x7F9]  }
0xd6: {  	[sflag:s18] =	ssyncset.done $0x0  }
0xd7: {  	[sflag:s18] =	ssyncadd.s32 $0xFFFFD800  }
0xd8: {  	[spmem:s2] =	stream.indirect.scatter.add.f32 [tilespmem:s15], [sflag:$0x6], $0x80, s8, s11, $0xb8;
	[tilespmem:$0x1D800] =	vst v63  }
0xd9: {  	_ =	swait.ge [sflag:s19], $0x2800  }
0xda: {  	s24 =	sld [smem:$0x7FA]  }
0xdb: {  	[sflag:s19] =	ssyncset.done $0x0  }
0xdc: {  	[sflag:s19] =	ssyncadd.s32 $0xFFFFD800  }
0xdd: {  	[tilespmem:s13], [sflag:$0x2] =	stream.indirect.gather [hbm4b:s4+s11], $0x80, s24, s11, $0xb8;
	[tilespmem:$0x1D800] =	vst v63  }
0xde: {  	_ =	swait.ge [sflag:s14], $0x2800  }
0xdf: {  	[sflag:s14] =	ssyncset.done $0x0  }
0xe0: {  	[sflag:s14] =	ssyncadd.s32 $0xFFFFD800  }
0xe1: {  	[spmem:s2] =	stream.indirect.scatter.add.f32 [tilespmem:s12], [sflag:$0x4], $0x80, s21, s11, $0xb8;
	[tilespmem:$0x1D800] =	vst v63  }
0xe2: {  	_ =	swait.ge [sflag:s20], $0x2800  }
0xe3: {  	[sflag:s20] =	ssyncset.done $0x0  }
0xe4: {  	[sflag:s20] =	ssyncadd.s32 $0xFFFFD800  }
0xe5: {  	[tilespmem:s15], [sflag:$0x3] =	stream.indirect.gather [hbm4b:s4+s11], $0x80, s22, s11, $0xb8;
	[tilespmem:$0x1D800] =	vst v63  }
0xe6: {  	_ =	swait.ge [sflag:s16], $0x2800  }
0xe7: {  	[sflag:s16] =	ssyncset.done $0x0  }
0xe8: {  	[sflag:s16] =	ssyncadd.s32 $0xFFFFD800  }
0xe9: {  	[spmem:s2] =	stream.indirect.scatter.add.f32 [tilespmem:s13], [sflag:$0x5], $0x80, s23, s11, $0xb8;
	[tilespmem:$0x1D800] =	vst v63  }
0xea: {  	_ =	swait.ge [sflag:s17], $0x2800  }
0xeb: {  	[sflag:s17] =	ssyncset.done $0x0  }
0xec: {  	[sflag:s17] =	ssyncadd.s32 $0xFFFFD800  }
0xed: {  	[tilespmem:s12], [sflag:$0x1] =	stream.indirect.gather [hbm4b:s4+s11], $0x80, s25, s11, $0xb8;
	[tilespmem:$0x1D800] =	vst v63  }
0xee: {  	_ =	swait.ge [sflag:s18], $0x2800  }
0xef: {  	[sflag:s18] =	ssyncset.done $0x0  }
0xf0: {  	[sflag:s18] =	ssyncadd.s32 $0xFFFFD800  }
0xf1: {  	[spmem:s2] =	stream.indirect.scatter.add.f32 [tilespmem:s15], [sflag:$0x6], $0x80, s26, s11, $0xb8;
	[tilespmem:$0x1D800] =	vst v63  }
0xf2: {  	_ =	swait.ge [sflag:s19], $0x2800  }
0xf3: {  	[sflag:s19] =	ssyncset.done $0x0  }
0xf4: {  	[sflag:s19] =	ssyncadd.s32 $0xFFFFD800  }
0xf5: {  	[tilespmem:s13], [sflag:$0x2] =	stream.indirect.gather [hbm4b:s4+s11], $0x80, s28, s11, $0xb8;
	[tilespmem:$0x1D800] =	vst v63  }
0xf6: {  	_ =	swait.ge [sflag:s14], $0x2800  }
0xf7: {  	[sflag:s14] =	ssyncset.done $0x0  }
0xf8: {  	[sflag:s14] =	ssyncadd.s32 $0xFFFFD800  }
0xf9: {  	[spmem:s2] =	stream.indirect.scatter.add.f32 [tilespmem:s12], [sflag:$0x4], $0x80, s29, s11, $0xb8;
	[tilespmem:$0x1D800] =	vst v63  }
0xfa: {  	_ =	swait.ge [sflag:s20], $0x2800  }
0xfb: {  	[sflag:s20] =	ssyncset.done $0x0  }
0xfc: {  	[sflag:s20] =	ssyncadd.s32 $0xFFFFD800  }
0xfd: {  	[tilespmem:s15], [sflag:$0x3] =	stream.indirect.gather [hbm4b:s4+s11], $0x80, s30, s11, $0xb8;
	[tilespmem:$0x1D800] =	vst v63  }
0xfe: {  	_ =	swait.ge [sflag:s16], $0x2800  }
0xff: {  	[sflag:s16] =	ssyncset.done $0x0  }
0x100: {  	[sflag:s16] =	ssyncadd.s32 $0xFFFFD800  }
0x101: {  	[spmem:s2] =	stream.indirect.scatter.add.f32 [tilespmem:s13], [sflag:$0x5], $0x80, s31, s11, $0xb8;
	[tilespmem:$0x1D800] =	vst v63  }
0x102: {  	_ =	swait.ge [sflag:s17], $0x2800  }
0x103: {  	[sflag:s17] =	ssyncset.done $0x0  }
0x104: {  	[sflag:s17] =	ssyncadd.s32 $0xFFFFD800  }
0x105: {  	[tilespmem:s12], [sflag:$0x1] =	stream.indirect.gather [hbm4b:s4+s11], $0x80, s1, s11, $0xb8;
	[tilespmem:$0x1D800] =	vst v63  }
0x106: {  	_ =	swait.ge [sflag:s18], $0x2800  }
0x107: {  	[sflag:s18] =	ssyncset.done $0x0  }
0x108: {  	[sflag:s18] =	ssyncadd.s32 $0xFFFFD800  }
0x109: {  	[spmem:s2] =	stream.indirect.scatter.add.f32 [tilespmem:s15], [sflag:$0x6], $0x80, s0, s11, $0xb8;
	[tilespmem:$0x1D800] =	vst v63  }
0x10a: {  	_ =	swait.ge [sflag:s19], $0x2800  }
0x10b: {  	[sflag:s19] =	ssyncset.done $0x0  }
0x10c: {  	[sflag:s19] =	ssyncadd.s32 $0xFFFFD800  }
0x10d: {  	_ =	swait.ge [sflag:s14], $0x2800  }
0x10e: {  	[sflag:s14] =	ssyncset.done $0x0  }
0x10f: {  	[sflag:s14] =	ssyncadd.s32 $0xFFFFD800  }
0x110: {  	[spmem:s2] =	stream.indirect.scatter.add.f32 [tilespmem:s12], [sflag:$0x4], $0x80, s5, s11, $0xb8;
	[tilespmem:$0x1D800] =	vst v63  }
0x111: {  	_ =	swait.ge [sflag:s20], $0x2800  }
0x112: {  	[sflag:s20] =	ssyncset.done $0x0  }
0x113: {  	[sflag:s20] =	ssyncadd.s32 $0xFFFFD800  }
0x114: {  	s6 =	simm.s32 $0x400;
	_ =	swait.ge [sflag:s17], $0x2800  }
0x115: {  	s24 =	simm.s32 $0x200;
	s8 =	rddreg [dreg:$0x3];
	[sflag:s17] =	ssyncset.done $0x0  }
.LBB2_2:
0x116: {  	[sflag:s17] =	ssyncadd.s32 $0xFFFFD800;
	s8 =	sadd.s32 s24, s8  }
0x117: {  	[tilespmem:s3], [sflag:$0x7] =	stream.linear.gather [hbm4b:s8+s3], $0xC80, $0x38;
	[tilespmem:$0x1D800] =	vst v63  }
0x118: {  	_ =	swait.ge [sflag:s9], $0xC80  }
0x119: {  	s8 =	rddreg [dreg:$0x4];
	[sflag:s9] =	ssyncset.done $0x0  }
0x11a: {  	[sflag:s9] =	ssyncadd.s32 $0xFFFFF380;
	s8 =	sadd.s32 s24, s8  }
0x11b: {  	[tilespmem:s10], [sflag:$0x7] =	stream.linear.gather [hbm4b:s8+s3], $0xC80, $0x38;
	[tilespmem:$0x1D800] =	vst v63  }
0x11c: {  	_ =	swait.ge [sflag:s9], $0xC80  }
0x11d: {  	[sflag:s9] =	ssyncset.done $0x0  }
0x11e: {  	[sflag:s9] =	ssyncadd.s32 $0xFFFFF380  }
0x11f: {  	[tilespmem:s12], [sflag:$0x1] =	stream.indirect.gather [hbm4b:s4+s11], $0x80, s3, s11, $0xb8;
	[tilespmem:$0x1D800] =	vst v63  }
0x120: {  	s8 =	rddreg [dreg:$0x5]  }
0x121: {  	[tilespmem:s13], [sflag:$0x2] =	stream.indirect.gather [hbm4b:s4+s11], $0x80, s8, s11, $0xb8;
	[tilespmem:$0x1D800] =	vst v63  }
0x122: {  	_ =	swait.ge [sflag:s14], $0x2800  }
0x123: {  	[sflag:s14] =	ssyncset.done $0x0  }
0x124: {  	[sflag:s14] =	ssyncadd.s32 $0xFFFFD800  }
0x125: {  	[spmem:s2] =	stream.indirect.scatter.add.f32 [tilespmem:s12], [sflag:$0x4], $0x80, s10, s11, $0xb8;
	[tilespmem:$0x1D800] =	vst v63  }
0x126: {  	s8 =	rddreg [dreg:$0x6]  }
0x127: {  	[tilespmem:s15], [sflag:$0x3] =	stream.indirect.gather [hbm4b:s4+s11], $0x80, s8, s11, $0xb8;
	[tilespmem:$0x1D800] =	vst v63  }
0x128: {  	_ =	swait.ge [sflag:s16], $0x2800  }
0x129: {  	[sflag:s16] =	ssyncset.done $0x0  }
0x12a: {  	s8 =	rddreg [dreg:$0x7];
	[sflag:s16] =	ssyncadd.s32 $0xFFFFD800  }
0x12b: {  	[spmem:s2] =	stream.indirect.scatter.add.f32 [tilespmem:s13], [sflag:$0x5], $0x80, s8, s11, $0xb8;
	[tilespmem:$0x1D800] =	vst v63  }
0x12c: {  	_ =	swait.ge [sflag:s17], $0x2800  }
0x12d: {  	[sflag:s17] =	ssyncset.done $0x0  }
0x12e: {  	s8 =	rddreg [dreg:$0x8];
	[sflag:s17] =	ssyncadd.s32 $0xFFFFD800  }
0x12f: {  	[tilespmem:s12], [sflag:$0x1] =	stream.indirect.gather [hbm4b:s4+s11], $0x80, s8, s11, $0xb8;
	[tilespmem:$0x1D800] =	vst v63  }
0x130: {  	_ =	swait.ge [sflag:s18], $0x2800  }
0x131: {  	[sflag:s18] =	ssyncset.done $0x0  }
0x132: {  	s8 =	rddreg [dreg:$0x9];
	[sflag:s18] =	ssyncadd.s32 $0xFFFFD800  }
0x133: {  	[spmem:s2] =	stream.indirect.scatter.add.f32 [tilespmem:s15], [sflag:$0x6], $0x80, s8, s11, $0xb8;
	[tilespmem:$0x1D800] =	vst v63  }
0x134: {  	_ =	swait.ge [sflag:s19], $0x2800  }
0x135: {  	[sflag:s19] =	ssyncset.done $0x0  }
0x136: {  	s8 =	rddreg [dreg:$0xa];
	[sflag:s19] =	ssyncadd.s32 $0xFFFFD800  }
0x137: {  	[tilespmem:s13], [sflag:$0x2] =	stream.indirect.gather [hbm4b:s4+s11], $0x80, s8, s11, $0xb8;
	[tilespmem:$0x1D800] =	vst v63  }
0x138: {  	_ =	swait.ge [sflag:s14], $0x2800  }
0x139: {  	[sflag:s14] =	ssyncset.done $0x0  }
0x13a: {  	s8 =	rddreg [dreg:$0xb];
	[sflag:s14] =	ssyncadd.s32 $0xFFFFD800  }
0x13b: {  	[spmem:s2] =	stream.indirect.scatter.add.f32 [tilespmem:s12], [sflag:$0x4], $0x80, s8, s11, $0xb8;
	[tilespmem:$0x1D800] =	vst v63  }
0x13c: {  	_ =	swait.ge [sflag:s20], $0x2800  }
0x13d: {  	[sflag:s20] =	ssyncset.done $0x0  }
0x13e: {  	s8 =	rddreg [dreg:$0xc];
	[sflag:s20] =	ssyncadd.s32 $0xFFFFD800  }
0x13f: {  	[tilespmem:s15], [sflag:$0x3] =	stream.indirect.gather [hbm4b:s4+s11], $0x80, s8, s11, $0xb8;
	[tilespmem:$0x1D800] =	vst v63  }
0x140: {  	_ =	swait.ge [sflag:s16], $0x2800  }
0x141: {  	[sflag:s16] =	ssyncset.done $0x0  }
0x142: {  	s8 =	rddreg [dreg:$0xd];
	[sflag:s16] =	ssyncadd.s32 $0xFFFFD800  }
0x143: {  	[spmem:s2] =	stream.indirect.scatter.add.f32 [tilespmem:s13], [sflag:$0x5], $0x80, s8, s11, $0xb8;
	[tilespmem:$0x1D800] =	vst v63  }
0x144: {  	_ =	swait.ge [sflag:s17], $0x2800  }
0x145: {  	[sflag:s17] =	ssyncset.done $0x0  }
0x146: {  	s8 =	rddreg [dreg:$0xe];
	[sflag:s17] =	ssyncadd.s32 $0xFFFFD800  }
0x147: {  	[tilespmem:s12], [sflag:$0x1] =	stream.indirect.gather [hbm4b:s4+s11], $0x80, s8, s11, $0xb8;
	[tilespmem:$0x1D800] =	vst v63  }
0x148: {  	_ =	swait.ge [sflag:s18], $0x2800  }
0x149: {  	[sflag:s18] =	ssyncset.done $0x0  }
0x14a: {  	s8 =	rddreg [dreg:$0xf];
	[sflag:s18] =	ssyncadd.s32 $0xFFFFD800  }
0x14b: {  	[spmem:s2] =	stream.indirect.scatter.add.f32 [tilespmem:s15], [sflag:$0x6], $0x80, s8, s11, $0xb8;
	[tilespmem:$0x1D800] =	vst v63  }
0x14c: {  	_ =	swait.ge [sflag:s19], $0x2800  }
0x14d: {  	[sflag:s19] =	ssyncset.done $0x0  }
0x14e: {  	s8 =	rddreg [dreg:$0x10];
	[sflag:s19] =	ssyncadd.s32 $0xFFFFD800  }
0x14f: {  	[tilespmem:s13], [sflag:$0x2] =	stream.indirect.gather [hbm4b:s4+s11], $0x80, s8, s11, $0xb8;
	[tilespmem:$0x1D800] =	vst v63  }
0x150: {  	_ =	swait.ge [sflag:s14], $0x2800  }
0x151: {  	[sflag:s14] =	ssyncset.done $0x0  }
0x152: {  	s8 =	rddreg [dreg:$0x11];
	[sflag:s14] =	ssyncadd.s32 $0xFFFFD800  }
0x153: {  	[spmem:s2] =	stream.indirect.scatter.add.f32 [tilespmem:s12], [sflag:$0x4], $0x80, s8, s11, $0xb8;
	[tilespmem:$0x1D800] =	vst v63  }
0x154: {  	_ =	swait.ge [sflag:s20], $0x2800  }
0x155: {  	[sflag:s20] =	ssyncset.done $0x0  }
0x156: {  	s8 =	rddreg [dreg:$0x12];
	[sflag:s20] =	ssyncadd.s32 $0xFFFFD800  }
0x157: {  	[tilespmem:s15], [sflag:$0x3] =	stream.indirect.gather [hbm4b:s4+s11], $0x80, s8, s11, $0xb8;
	[tilespmem:$0x1D800] =	vst v63  }
0x158: {  	_ =	swait.ge [sflag:s16], $0x2800  }
0x159: {  	[sflag:s16] =	ssyncset.done $0x0  }
0x15a: {  	s8 =	rddreg [dreg:$0x13];
	[sflag:s16] =	ssyncadd.s32 $0xFFFFD800  }
0x15b: {  	[spmem:s2] =	stream.indirect.scatter.add.f32 [tilespmem:s13], [sflag:$0x5], $0x80, s8, s11, $0xb8;
	[tilespmem:$0x1D800] =	vst v63  }
0x15c: {  	_ =	swait.ge [sflag:s17], $0x2800  }
0x15d: {  	[sflag:s17] =	ssyncset.done $0x0  }
0x15e: {  	s8 =	rddreg [dreg:$0x14];
	[sflag:s17] =	ssyncadd.s32 $0xFFFFD800  }
0x15f: {  	[tilespmem:s12], [sflag:$0x1] =	stream.indirect.gather [hbm4b:s4+s11], $0x80, s8, s11, $0xb8;
	[tilespmem:$0x1D800] =	vst v63  }
0x160: {  	_ =	swait.ge [sflag:s18], $0x2800  }
0x161: {  	[sflag:s18] =	ssyncset.done $0x0  }
0x162: {  	s8 =	rddreg [dreg:$0x15];
	[sflag:s18] =	ssyncadd.s32 $0xFFFFD800  }
0x163: {  	[spmem:s2] =	stream.indirect.scatter.add.f32 [tilespmem:s15], [sflag:$0x6], $0x80, s8, s11, $0xb8;
	[tilespmem:$0x1D800] =	vst v63  }
0x164: {  	_ =	swait.ge [sflag:s19], $0x2800  }
0x165: {  	[sflag:s19] =	ssyncset.done $0x0  }
0x166: {  	s8 =	rddreg [dreg:$0x16];
	[sflag:s19] =	ssyncadd.s32 $0xFFFFD800  }
0x167: {  	[tilespmem:s13], [sflag:$0x2] =	stream.indirect.gather [hbm4b:s4+s11], $0x80, s8, s11, $0xb8;
	[tilespmem:$0x1D800] =	vst v63  }
0x168: {  	_ =	swait.ge [sflag:s14], $0x2800  }
0x169: {  	[sflag:s14] =	ssyncset.done $0x0  }
0x16a: {  	s8 =	rddreg [dreg:$0x17];
	[sflag:s14] =	ssyncadd.s32 $0xFFFFD800  }
0x16b: {  	[spmem:s2] =	stream.indirect.scatter.add.f32 [tilespmem:s12], [sflag:$0x4], $0x80, s8, s11, $0xb8;
	[tilespmem:$0x1D800] =	vst v63  }
0x16c: {  	_ =	swait.ge [sflag:s20], $0x2800  }
0x16d: {  	[sflag:s20] =	ssyncset.done $0x0  }
0x16e: {  	s8 =	rddreg [dreg:$0x18];
	[sflag:s20] =	ssyncadd.s32 $0xFFFFD800  }
0x16f: {  	[tilespmem:s15], [sflag:$0x3] =	stream.indirect.gather [hbm4b:s4+s11], $0x80, s8, s11, $0xb8;
	[tilespmem:$0x1D800] =	vst v63  }
0x170: {  	_ =	swait.ge [sflag:s16], $0x2800  }
0x171: {  	[sflag:s16] =	ssyncset.done $0x0  }
0x172: {  	s8 =	rddreg [dreg:$0x19];
	[sflag:s16] =	ssyncadd.s32 $0xFFFFD800  }
0x173: {  	[spmem:s2] =	stream.indirect.scatter.add.f32 [tilespmem:s13], [sflag:$0x5], $0x80, s8, s11, $0xb8;
	[tilespmem:$0x1D800] =	vst v63  }
0x174: {  	_ =	swait.ge [sflag:s17], $0x2800  }
0x175: {  	[sflag:s17] =	ssyncset.done $0x0  }
0x176: {  	s8 =	rddreg [dreg:$0x1a];
	[sflag:s17] =	ssyncadd.s32 $0xFFFFD800  }
0x177: {  	[tilespmem:s12], [sflag:$0x1] =	stream.indirect.gather [hbm4b:s4+s11], $0x80, s8, s11, $0xb8;
	[tilespmem:$0x1D800] =	vst v63  }
0x178: {  	_ =	swait.ge [sflag:s18], $0x2800  }
0x179: {  	[sflag:s18] =	ssyncset.done $0x0  }
0x17a: {  	s8 =	rddreg [dreg:$0x1b];
	[sflag:s18] =	ssyncadd.s32 $0xFFFFD800  }
0x17b: {  	[spmem:s2] =	stream.indirect.scatter.add.f32 [tilespmem:s15], [sflag:$0x6], $0x80, s8, s11, $0xb8;
	[tilespmem:$0x1D800] =	vst v63  }
0x17c: {  	_ =	swait.ge [sflag:s19], $0x2800  }
0x17d: {  	[sflag:s19] =	ssyncset.done $0x0  }
0x17e: {  	s8 =	rddreg [dreg:$0x1c];
	[sflag:s19] =	ssyncadd.s32 $0xFFFFD800  }
0x17f: {  	[tilespmem:s13], [sflag:$0x2] =	stream.indirect.gather [hbm4b:s4+s11], $0x80, s8, s11, $0xb8;
	[tilespmem:$0x1D800] =	vst v63  }
0x180: {  	_ =	swait.ge [sflag:s14], $0x2800  }
0x181: {  	[sflag:s14] =	ssyncset.done $0x0  }
0x182: {  	s8 =	rddreg [dreg:$0x1d];
	[sflag:s14] =	ssyncadd.s32 $0xFFFFD800  }
0x183: {  	[spmem:s2] =	stream.indirect.scatter.add.f32 [tilespmem:s12], [sflag:$0x4], $0x80, s8, s11, $0xb8;
	[tilespmem:$0x1D800] =	vst v63  }
0x184: {  	_ =	swait.ge [sflag:s20], $0x2800  }
0x185: {  	[sflag:s20] =	ssyncset.done $0x0  }
0x186: {  	s8 =	rddreg [dreg:$0x1e];
	[sflag:s20] =	ssyncadd.s32 $0xFFFFD800  }
0x187: {  	[tilespmem:s15], [sflag:$0x3] =	stream.indirect.gather [hbm4b:s4+s11], $0x80, s8, s11, $0xb8;
	[tilespmem:$0x1D800] =	vst v63  }
0x188: {  	_ =	swait.ge [sflag:s16], $0x2800  }
0x189: {  	[sflag:s16] =	ssyncset.done $0x0  }
0x18a: {  	s8 =	rddreg [dreg:$0x1f];
	[sflag:s16] =	ssyncadd.s32 $0xFFFFD800  }
0x18b: {  	[spmem:s2] =	stream.indirect.scatter.add.f32 [tilespmem:s13], [sflag:$0x5], $0x80, s8, s11, $0xb8;
	[tilespmem:$0x1D800] =	vst v63  }
0x18c: {  	_ =	swait.ge [sflag:s17], $0x2800  }
0x18d: {  	s8 =	sld [smem:$0x7F2]  }
0x18e: {  	[sflag:s17] =	ssyncset.done $0x0  }
0x18f: {  	[sflag:s17] =	ssyncadd.s32 $0xFFFFD800  }
0x190: {  	[tilespmem:s12], [sflag:$0x1] =	stream.indirect.gather [hbm4b:s4+s11], $0x80, s8, s11, $0xb8;
	[tilespmem:$0x1D800] =	vst v63  }
0x191: {  	_ =	swait.ge [sflag:s18], $0x2800  }
0x192: {  	s8 =	sld [smem:$0x7F3]  }
0x193: {  	[sflag:s18] =	ssyncset.done $0x0  }
0x194: {  	[sflag:s18] =	ssyncadd.s32 $0xFFFFD800  }
0x195: {  	[spmem:s2] =	stream.indirect.scatter.add.f32 [tilespmem:s15], [sflag:$0x6], $0x80, s8, s11, $0xb8;
	[tilespmem:$0x1D800] =	vst v63  }
0x196: {  	_ =	swait.ge [sflag:s19], $0x2800  }
0x197: {  	s8 =	sld [smem:$0x7F4]  }
0x198: {  	[sflag:s19] =	ssyncset.done $0x0  }
0x199: {  	[sflag:s19] =	ssyncadd.s32 $0xFFFFD800  }
0x19a: {  	[tilespmem:s13], [sflag:$0x2] =	stream.indirect.gather [hbm4b:s4+s11], $0x80, s8, s11, $0xb8;
	[tilespmem:$0x1D800] =	vst v63  }
0x19b: {  	_ =	swait.ge [sflag:s14], $0x2800  }
0x19c: {  	s8 =	sld [smem:$0x7F5]  }
0x19d: {  	[sflag:s14] =	ssyncset.done $0x0  }
0x19e: {  	[sflag:s14] =	ssyncadd.s32 $0xFFFFD800  }
0x19f: {  	[spmem:s2] =	stream.indirect.scatter.add.f32 [tilespmem:s12], [sflag:$0x4], $0x80, s8, s11, $0xb8;
	[tilespmem:$0x1D800] =	vst v63  }
0x1a0: {  	_ =	swait.ge [sflag:s20], $0x2800  }
0x1a1: {  	s8 =	sld [smem:$0x7F6]  }
0x1a2: {  	[sflag:s20] =	ssyncset.done $0x0  }
0x1a3: {  	[sflag:s20] =	ssyncadd.s32 $0xFFFFD800  }
0x1a4: {  	[tilespmem:s15], [sflag:$0x3] =	stream.indirect.gather [hbm4b:s4+s11], $0x80, s8, s11, $0xb8;
	[tilespmem:$0x1D800] =	vst v63  }
0x1a5: {  	_ =	swait.ge [sflag:s16], $0x2800  }
0x1a6: {  	s8 =	sld [smem:$0x7F7]  }
0x1a7: {  	[sflag:s16] =	ssyncset.done $0x0  }
0x1a8: {  	[sflag:s16] =	ssyncadd.s32 $0xFFFFD800  }
0x1a9: {  	[spmem:s2] =	stream.indirect.scatter.add.f32 [tilespmem:s13], [sflag:$0x5], $0x80, s8, s11, $0xb8;
	[tilespmem:$0x1D800] =	vst v63  }
0x1aa: {  	_ =	swait.ge [sflag:s17], $0x2800  }
0x1ab: {  	s8 =	sld [smem:$0x7F8]  }
0x1ac: {  	[sflag:s17] =	ssyncset.done $0x0  }
0x1ad: {  	[sflag:s17] =	ssyncadd.s32 $0xFFFFD800  }
0x1ae: {  	[tilespmem:s12], [sflag:$0x1] =	stream.indirect.gather [hbm4b:s4+s11], $0x80, s8, s11, $0xb8;
	[tilespmem:$0x1D800] =	vst v63  }
0x1af: {  	_ =	swait.ge [sflag:s18], $0x2800  }
0x1b0: {  	s8 =	sld [smem:$0x7F9]  }
0x1b1: {  	[sflag:s18] =	ssyncset.done $0x0  }
0x1b2: {  	[sflag:s18] =	ssyncadd.s32 $0xFFFFD800  }
0x1b3: {  	[spmem:s2] =	stream.indirect.scatter.add.f32 [tilespmem:s15], [sflag:$0x6], $0x80, s8, s11, $0xb8;
	[tilespmem:$0x1D800] =	vst v63  }
0x1b4: {  	_ =	swait.ge [sflag:s19], $0x2800  }
0x1b5: {  	s8 =	sld [smem:$0x7FA]  }
0x1b6: {  	[sflag:s19] =	ssyncset.done $0x0  }
0x1b7: {  	[sflag:s19] =	ssyncadd.s32 $0xFFFFD800  }
0x1b8: {  	[tilespmem:s13], [sflag:$0x2] =	stream.indirect.gather [hbm4b:s4+s11], $0x80, s8, s11, $0xb8;
	[tilespmem:$0x1D800] =	vst v63  }
0x1b9: {  	_ =	swait.ge [sflag:s14], $0x2800  }
0x1ba: {  	[sflag:s14] =	ssyncset.done $0x0  }
0x1bb: {  	[sflag:s14] =	ssyncadd.s32 $0xFFFFD800  }
0x1bc: {  	[spmem:s2] =	stream.indirect.scatter.add.f32 [tilespmem:s12], [sflag:$0x4], $0x80, s21, s11, $0xb8;
	[tilespmem:$0x1D800] =	vst v63  }
0x1bd: {  	_ =	swait.ge [sflag:s20], $0x2800  }
0x1be: {  	[sflag:s20] =	ssyncset.done $0x0  }
0x1bf: {  	[sflag:s20] =	ssyncadd.s32 $0xFFFFD800  }
0x1c0: {  	[tilespmem:s15], [sflag:$0x3] =	stream.indirect.gather [hbm4b:s4+s11], $0x80, s22, s11, $0xb8;
	[tilespmem:$0x1D800] =	vst v63  }
0x1c1: {  	_ =	swait.ge [sflag:s16], $0x2800  }
0x1c2: {  	[sflag:s16] =	ssyncset.done $0x0  }
0x1c3: {  	[sflag:s16] =	ssyncadd.s32 $0xFFFFD800  }
0x1c4: {  	[spmem:s2] =	stream.indirect.scatter.add.f32 [tilespmem:s13], [sflag:$0x5], $0x80, s23, s11, $0xb8;
	[tilespmem:$0x1D800] =	vst v63  }
0x1c5: {  	_ =	swait.ge [sflag:s17], $0x2800  }
0x1c6: {  	[sflag:s17] =	ssyncset.done $0x0  }
0x1c7: {  	[sflag:s17] =	ssyncadd.s32 $0xFFFFD800  }
0x1c8: {  	[tilespmem:s12], [sflag:$0x1] =	stream.indirect.gather [hbm4b:s4+s11], $0x80, s25, s11, $0xb8;
	[tilespmem:$0x1D800] =	vst v63  }
0x1c9: {  	_ =	swait.ge [sflag:s18], $0x2800  }
0x1ca: {  	[sflag:s18] =	ssyncset.done $0x0  }
0x1cb: {  	[sflag:s18] =	ssyncadd.s32 $0xFFFFD800  }
0x1cc: {  	[spmem:s2] =	stream.indirect.scatter.add.f32 [tilespmem:s15], [sflag:$0x6], $0x80, s26, s11, $0xb8;
	[tilespmem:$0x1D800] =	vst v63  }
0x1cd: {  	_ =	swait.ge [sflag:s19], $0x2800  }
0x1ce: {  	[sflag:s19] =	ssyncset.done $0x0  }
0x1cf: {  	[sflag:s19] =	ssyncadd.s32 $0xFFFFD800  }
0x1d0: {  	[tilespmem:s13], [sflag:$0x2] =	stream.indirect.gather [hbm4b:s4+s11], $0x80, s28, s11, $0xb8;
	[tilespmem:$0x1D800] =	vst v63  }
0x1d1: {  	_ =	swait.ge [sflag:s14], $0x2800  }
0x1d2: {  	[sflag:s14] =	ssyncset.done $0x0  }
0x1d3: {  	[sflag:s14] =	ssyncadd.s32 $0xFFFFD800  }
0x1d4: {  	[spmem:s2] =	stream.indirect.scatter.add.f32 [tilespmem:s12], [sflag:$0x4], $0x80, s29, s11, $0xb8;
	[tilespmem:$0x1D800] =	vst v63  }
0x1d5: {  	_ =	swait.ge [sflag:s20], $0x2800  }
0x1d6: {  	[sflag:s20] =	ssyncset.done $0x0  }
0x1d7: {  	[sflag:s20] =	ssyncadd.s32 $0xFFFFD800  }
0x1d8: {  	[tilespmem:s15], [sflag:$0x3] =	stream.indirect.gather [hbm4b:s4+s11], $0x80, s30, s11, $0xb8;
	[tilespmem:$0x1D800] =	vst v63  }
0x1d9: {  	_ =	swait.ge [sflag:s16], $0x2800  }
0x1da: {  	[sflag:s16] =	ssyncset.done $0x0  }
0x1db: {  	[sflag:s16] =	ssyncadd.s32 $0xFFFFD800  }
0x1dc: {  	[spmem:s2] =	stream.indirect.scatter.add.f32 [tilespmem:s13], [sflag:$0x5], $0x80, s31, s11, $0xb8;
	[tilespmem:$0x1D800] =	vst v63  }
0x1dd: {  	_ =	swait.ge [sflag:s17], $0x2800  }
0x1de: {  	[sflag:s17] =	ssyncset.done $0x0  }
0x1df: {  	[sflag:s17] =	ssyncadd.s32 $0xFFFFD800  }
0x1e0: {  	[tilespmem:s12], [sflag:$0x1] =	stream.indirect.gather [hbm4b:s4+s11], $0x80, s1, s11, $0xb8;
	[tilespmem:$0x1D800] =	vst v63  }
0x1e1: {  	_ =	swait.ge [sflag:s18], $0x2800  }
0x1e2: {  	[sflag:s18] =	ssyncset.done $0x0  }
0x1e3: {  	[sflag:s18] =	ssyncadd.s32 $0xFFFFD800  }
0x1e4: {  	[spmem:s2] =	stream.indirect.scatter.add.f32 [tilespmem:s15], [sflag:$0x6], $0x80, s0, s11, $0xb8;
	[tilespmem:$0x1D800] =	vst v63  }
0x1e5: {  	_ =	swait.ge [sflag:s19], $0x2800  }
0x1e6: {  	[sflag:s19] =	ssyncset.done $0x0  }
0x1e7: {  	[sflag:s19] =	ssyncadd.s32 $0xFFFFD800  }
0x1e8: {  	_ =	swait.ge [sflag:s14], $0x2800  }
0x1e9: {  	[sflag:s14] =	ssyncset.done $0x0  }
0x1ea: {  	p0 =	sne.s32 s6, $0x800;
	[sflag:s14] =	ssyncadd.s32 $0xFFFFD800  }
0x1eb: {  	[spmem:s2] =	stream.indirect.scatter.add.f32 [tilespmem:s12], [sflag:$0x4], $0x80, s5, s11, $0xb8;
	[tilespmem:$0x1D800] =	vst v63  }
.Ltmp0:
0x1ec: {  	_ =	swait.ge [sflag:s20], $0x2800;
	(pc) =	sbr.rel @p0 .LBB2_2-.Ltmp0, $4  }
0x1ed: {  	[sflag:s20] =	ssyncset.done $0x0  }
0x1ee: {  	[sflag:s20] =	ssyncadd.s32 $0xFFFFD800  }
0x1ef: {  	s7 =	smov.u32 s6;
	s6 =	sadd.s32 $0x200, s6;
	_ =	swait.ge [sflag:s17], $0x2800  }
0x1f0: {  	s24 =	smov.u32 s7;
	s8 =	rddreg [dreg:$0x3];
	[sflag:s17] =	ssyncset.done $0x0  }
0x1f1: {  	[sflag:s17] =	ssyncadd.s32 $0xFFFFD800;
	s6 =	sadd.s32 s24, s8  }
0x1f2: {  	[tilespmem:s3], [sflag:$0x7] =	stream.linear.gather [hbm4b:s6+s3], $0xC80, $0x38;
	[tilespmem:$0x1D800] =	vst v63  }
0x1f3: {  	_ =	swait.ge [sflag:s9], $0xC80  }
0x1f4: {  	s8 =	rddreg [dreg:$0x4];
	[sflag:s9] =	ssyncset.done $0x0  }
0x1f5: {  	s6 =	sadd.s32 s24, s8;
	[sflag:s9] =	ssyncadd.s32 $0xFFFFF380  }
0x1f6: {  	[tilespmem:s10], [sflag:$0x7] =	stream.linear.gather [hbm4b:s6+s3], $0xC80, $0x38;
	[tilespmem:$0x1D800] =	vst v63  }
0x1f7: {  	_ =	swait.ge [sflag:s9], $0xC80  }
0x1f8: {  	[sflag:s9] =	ssyncset.done $0x0  }
0x1f9: {  	[sflag:s9] =	ssyncadd.s32 $0xFFFFF380  }
0x1fa: {  	[tilespmem:s12], [sflag:$0x1] =	stream.indirect.gather [hbm4b:s4+s11], $0x80, s3, s11, $0xb8;
	[tilespmem:$0x1D800] =	vst v63  }
0x1fb: {  	s24 =	rddreg [dreg:$0x5]  }
0x1fc: {  	[tilespmem:s13], [sflag:$0x2] =	stream.indirect.gather [hbm4b:s4+s11], $0x80, s24, s11, $0xb8;
	[tilespmem:$0x1D800] =	vst v63  }
0x1fd: {  	_ =	swait.ge [sflag:s14], $0x2800  }
0x1fe: {  	[sflag:s14] =	ssyncset.done $0x0  }
0x1ff: {  	[sflag:s14] =	ssyncadd.s32 $0xFFFFD800  }
0x200: {  	[spmem:s2] =	stream.indirect.scatter.add.f32 [tilespmem:s12], [sflag:$0x4], $0x80, s10, s11, $0xb8;
	[tilespmem:$0x1D800] =	vst v63  }
0x201: {  	s7 =	rddreg [dreg:$0x6]  }
0x202: {  	[tilespmem:s15], [sflag:$0x3] =	stream.indirect.gather [hbm4b:s4+s11], $0x80, s7, s11, $0xb8;
	[tilespmem:$0x1D800] =	vst v63  }
0x203: {  	_ =	swait.ge [sflag:s16], $0x2800  }
0x204: {  	[sflag:s16] =	ssyncset.done $0x0  }
0x205: {  	s8 =	rddreg [dreg:$0x7];
	[sflag:s16] =	ssyncadd.s32 $0xFFFFD800  }
0x206: {  	[spmem:s2] =	stream.indirect.scatter.add.f32 [tilespmem:s13], [sflag:$0x5], $0x80, s8, s11, $0xb8;
	[tilespmem:$0x1D800] =	vst v63  }
0x207: {  	_ =	swait.ge [sflag:s17], $0x2800  }
0x208: {  	[sflag:s17] =	ssyncset.done $0x0  }
0x209: {  	s24 =	rddreg [dreg:$0x8];
	[sflag:s17] =	ssyncadd.s32 $0xFFFFD800  }
0x20a: {  	[tilespmem:s12], [sflag:$0x1] =	stream.indirect.gather [hbm4b:s4+s11], $0x80, s24, s11, $0xb8;
	[tilespmem:$0x1D800] =	vst v63  }
0x20b: {  	_ =	swait.ge [sflag:s18], $0x2800  }
0x20c: {  	[sflag:s18] =	ssyncset.done $0x0  }
0x20d: {  	s7 =	rddreg [dreg:$0x9];
	[sflag:s18] =	ssyncadd.s32 $0xFFFFD800  }
0x20e: {  	[spmem:s2] =	stream.indirect.scatter.add.f32 [tilespmem:s15], [sflag:$0x6], $0x80, s7, s11, $0xb8;
	[tilespmem:$0x1D800] =	vst v63  }
0x20f: {  	_ =	swait.ge [sflag:s19], $0x2800  }
0x210: {  	[sflag:s19] =	ssyncset.done $0x0  }
0x211: {  	s8 =	rddreg [dreg:$0xa];
	[sflag:s19] =	ssyncadd.s32 $0xFFFFD800  }
0x212: {  	[tilespmem:s13], [sflag:$0x2] =	stream.indirect.gather [hbm4b:s4+s11], $0x80, s8, s11, $0xb8;
	[tilespmem:$0x1D800] =	vst v63  }
0x213: {  	_ =	swait.ge [sflag:s14], $0x2800  }
0x214: {  	[sflag:s14] =	ssyncset.done $0x0  }
0x215: {  	s24 =	rddreg [dreg:$0xb];
	[sflag:s14] =	ssyncadd.s32 $0xFFFFD800  }
0x216: {  	[spmem:s2] =	stream.indirect.scatter.add.f32 [tilespmem:s12], [sflag:$0x4], $0x80, s24, s11, $0xb8;
	[tilespmem:$0x1D800] =	vst v63  }
0x217: {  	_ =	swait.ge [sflag:s20], $0x2800  }
0x218: {  	[sflag:s20] =	ssyncset.done $0x0  }
0x219: {  	s7 =	rddreg [dreg:$0xc];
	[sflag:s20] =	ssyncadd.s32 $0xFFFFD800  }
0x21a: {  	[tilespmem:s15], [sflag:$0x3] =	stream.indirect.gather [hbm4b:s4+s11], $0x80, s7, s11, $0xb8;
	[tilespmem:$0x1D800] =	vst v63  }
0x21b: {  	_ =	swait.ge [sflag:s16], $0x2800  }
0x21c: {  	[sflag:s16] =	ssyncset.done $0x0  }
0x21d: {  	s8 =	rddreg [dreg:$0xd];
	[sflag:s16] =	ssyncadd.s32 $0xFFFFD800  }
0x21e: {  	[spmem:s2] =	stream.indirect.scatter.add.f32 [tilespmem:s13], [sflag:$0x5], $0x80, s8, s11, $0xb8;
	[tilespmem:$0x1D800] =	vst v63  }
0x21f: {  	_ =	swait.ge [sflag:s17], $0x2800  }
0x220: {  	[sflag:s17] =	ssyncset.done $0x0  }
0x221: {  	s24 =	rddreg [dreg:$0xe];
	[sflag:s17] =	ssyncadd.s32 $0xFFFFD800  }
0x222: {  	[tilespmem:s12], [sflag:$0x1] =	stream.indirect.gather [hbm4b:s4+s11], $0x80, s24, s11, $0xb8;
	[tilespmem:$0x1D800] =	vst v63  }
0x223: {  	_ =	swait.ge [sflag:s18], $0x2800  }
0x224: {  	[sflag:s18] =	ssyncset.done $0x0  }
0x225: {  	s7 =	rddreg [dreg:$0xf];
	[sflag:s18] =	ssyncadd.s32 $0xFFFFD800  }
0x226: {  	[spmem:s2] =	stream.indirect.scatter.add.f32 [tilespmem:s15], [sflag:$0x6], $0x80, s7, s11, $0xb8;
	[tilespmem:$0x1D800] =	vst v63  }
0x227: {  	_ =	swait.ge [sflag:s19], $0x2800  }
0x228: {  	[sflag:s19] =	ssyncset.done $0x0  }
0x229: {  	s8 =	rddreg [dreg:$0x10];
	[sflag:s19] =	ssyncadd.s32 $0xFFFFD800  }
0x22a: {  	[tilespmem:s13], [sflag:$0x2] =	stream.indirect.gather [hbm4b:s4+s11], $0x80, s8, s11, $0xb8;
	[tilespmem:$0x1D800] =	vst v63  }
0x22b: {  	_ =	swait.ge [sflag:s14], $0x2800  }
0x22c: {  	[sflag:s14] =	ssyncset.done $0x0  }
0x22d: {  	s24 =	rddreg [dreg:$0x11];
	[sflag:s14] =	ssyncadd.s32 $0xFFFFD800  }
0x22e: {  	[spmem:s2] =	stream.indirect.scatter.add.f32 [tilespmem:s12], [sflag:$0x4], $0x80, s24, s11, $0xb8;
	[tilespmem:$0x1D800] =	vst v63  }
0x22f: {  	_ =	swait.ge [sflag:s20], $0x2800  }
0x230: {  	[sflag:s20] =	ssyncset.done $0x0  }
0x231: {  	s7 =	rddreg [dreg:$0x12];
	[sflag:s20] =	ssyncadd.s32 $0xFFFFD800  }
0x232: {  	[tilespmem:s15], [sflag:$0x3] =	stream.indirect.gather [hbm4b:s4+s11], $0x80, s7, s11, $0xb8;
	[tilespmem:$0x1D800] =	vst v63  }
0x233: {  	_ =	swait.ge [sflag:s16], $0x2800  }
0x234: {  	[sflag:s16] =	ssyncset.done $0x0  }
0x235: {  	s8 =	rddreg [dreg:$0x13];
	[sflag:s16] =	ssyncadd.s32 $0xFFFFD800  }
0x236: {  	[spmem:s2] =	stream.indirect.scatter.add.f32 [tilespmem:s13], [sflag:$0x5], $0x80, s8, s11, $0xb8;
	[tilespmem:$0x1D800] =	vst v63  }
0x237: {  	_ =	swait.ge [sflag:s17], $0x2800  }
0x238: {  	[sflag:s17] =	ssyncset.done $0x0  }
0x239: {  	s24 =	rddreg [dreg:$0x14];
	[sflag:s17] =	ssyncadd.s32 $0xFFFFD800  }
0x23a: {  	[tilespmem:s12], [sflag:$0x1] =	stream.indirect.gather [hbm4b:s4+s11], $0x80, s24, s11, $0xb8;
	[tilespmem:$0x1D800] =	vst v63  }
0x23b: {  	_ =	swait.ge [sflag:s18], $0x2800  }
0x23c: {  	[sflag:s18] =	ssyncset.done $0x0  }
0x23d: {  	s7 =	rddreg [dreg:$0x15];
	[sflag:s18] =	ssyncadd.s32 $0xFFFFD800  }
0x23e: {  	[spmem:s2] =	stream.indirect.scatter.add.f32 [tilespmem:s15], [sflag:$0x6], $0x80, s7, s11, $0xb8;
	[tilespmem:$0x1D800] =	vst v63  }
0x23f: {  	_ =	swait.ge [sflag:s19], $0x2800  }
0x240: {  	[sflag:s19] =	ssyncset.done $0x0  }
0x241: {  	s8 =	rddreg [dreg:$0x16];
	[sflag:s19] =	ssyncadd.s32 $0xFFFFD800  }
0x242: {  	[tilespmem:s13], [sflag:$0x2] =	stream.indirect.gather [hbm4b:s4+s11], $0x80, s8, s11, $0xb8;
	[tilespmem:$0x1D800] =	vst v63  }
0x243: {  	_ =	swait.ge [sflag:s14], $0x2800  }
0x244: {  	[sflag:s14] =	ssyncset.done $0x0  }
0x245: {  	s24 =	rddreg [dreg:$0x17];
	[sflag:s14] =	ssyncadd.s32 $0xFFFFD800  }
0x246: {  	[spmem:s2] =	stream.indirect.scatter.add.f32 [tilespmem:s12], [sflag:$0x4], $0x80, s24, s11, $0xb8;
	[tilespmem:$0x1D800] =	vst v63  }
0x247: {  	_ =	swait.ge [sflag:s20], $0x2800  }
0x248: {  	[sflag:s20] =	ssyncset.done $0x0  }
0x249: {  	s7 =	rddreg [dreg:$0x18];
	[sflag:s20] =	ssyncadd.s32 $0xFFFFD800  }
0x24a: {  	[tilespmem:s15], [sflag:$0x3] =	stream.indirect.gather [hbm4b:s4+s11], $0x80, s7, s11, $0xb8;
	[tilespmem:$0x1D800] =	vst v63  }
0x24b: {  	_ =	swait.ge [sflag:s16], $0x2800  }
0x24c: {  	[sflag:s16] =	ssyncset.done $0x0  }
0x24d: {  	s8 =	rddreg [dreg:$0x19];
	[sflag:s16] =	ssyncadd.s32 $0xFFFFD800  }
0x24e: {  	[spmem:s2] =	stream.indirect.scatter.add.f32 [tilespmem:s13], [sflag:$0x5], $0x80, s8, s11, $0xb8;
	[tilespmem:$0x1D800] =	vst v63  }
0x24f: {  	_ =	swait.ge [sflag:s17], $0x2800  }
0x250: {  	[sflag:s17] =	ssyncset.done $0x0  }
0x251: {  	s24 =	rddreg [dreg:$0x1a];
	[sflag:s17] =	ssyncadd.s32 $0xFFFFD800  }
0x252: {  	[tilespmem:s12], [sflag:$0x1] =	stream.indirect.gather [hbm4b:s4+s11], $0x80, s24, s11, $0xb8;
	[tilespmem:$0x1D800] =	vst v63  }
0x253: {  	_ =	swait.ge [sflag:s18], $0x2800  }
0x254: {  	[sflag:s18] =	ssyncset.done $0x0  }
0x255: {  	s7 =	rddreg [dreg:$0x1b];
	[sflag:s18] =	ssyncadd.s32 $0xFFFFD800  }
0x256: {  	[spmem:s2] =	stream.indirect.scatter.add.f32 [tilespmem:s15], [sflag:$0x6], $0x80, s7, s11, $0xb8;
	[tilespmem:$0x1D800] =	vst v63  }
0x257: {  	_ =	swait.ge [sflag:s19], $0x2800  }
0x258: {  	[sflag:s19] =	ssyncset.done $0x0  }
0x259: {  	s8 =	rddreg [dreg:$0x1c];
	[sflag:s19] =	ssyncadd.s32 $0xFFFFD800  }
0x25a: {  	[tilespmem:s13], [sflag:$0x2] =	stream.indirect.gather [hbm4b:s4+s11], $0x80, s8, s11, $0xb8;
	[tilespmem:$0x1D800] =	vst v63  }
0x25b: {  	_ =	swait.ge [sflag:s14], $0x2800  }
0x25c: {  	[sflag:s14] =	ssyncset.done $0x0  }
0x25d: {  	s24 =	rddreg [dreg:$0x1d];
	[sflag:s14] =	ssyncadd.s32 $0xFFFFD800  }
0x25e: {  	[spmem:s2] =	stream.indirect.scatter.add.f32 [tilespmem:s12], [sflag:$0x4], $0x80, s24, s11, $0xb8;
	[tilespmem:$0x1D800] =	vst v63  }
0x25f: {  	_ =	swait.ge [sflag:s20], $0x2800  }
0x260: {  	[sflag:s20] =	ssyncset.done $0x0  }
0x261: {  	s7 =	rddreg [dreg:$0x1e];
	[sflag:s20] =	ssyncadd.s32 $0xFFFFD800  }
0x262: {  	[tilespmem:s15], [sflag:$0x3] =	stream.indirect.gather [hbm4b:s4+s11], $0x80, s7, s11, $0xb8;
	[tilespmem:$0x1D800] =	vst v63  }
0x263: {  	_ =	swait.ge [sflag:s16], $0x2800  }
0x264: {  	[sflag:s16] =	ssyncset.done $0x0  }
0x265: {  	s8 =	rddreg [dreg:$0x1f];
	[sflag:s16] =	ssyncadd.s32 $0xFFFFD800  }
0x266: {  	[spmem:s2] =	stream.indirect.scatter.add.f32 [tilespmem:s13], [sflag:$0x5], $0x80, s8, s11, $0xb8;
	[tilespmem:$0x1D800] =	vst v63  }
0x267: {  	_ =	swait.ge [sflag:s17], $0x2800  }
0x268: {  	s24 =	sld [smem:$0x7F2]  }
0x269: {  	[sflag:s17] =	ssyncset.done $0x0  }
0x26a: {  	[sflag:s17] =	ssyncadd.s32 $0xFFFFD800  }
0x26b: {  	[tilespmem:s12], [sflag:$0x1] =	stream.indirect.gather [hbm4b:s4+s11], $0x80, s24, s11, $0xb8;
	[tilespmem:$0x1D800] =	vst v63  }
0x26c: {  	_ =	swait.ge [sflag:s18], $0x2800  }
0x26d: {  	s7 =	sld [smem:$0x7F3]  }
0x26e: {  	[sflag:s18] =	ssyncset.done $0x0  }
0x26f: {  	[sflag:s18] =	ssyncadd.s32 $0xFFFFD800  }
0x270: {  	[spmem:s2] =	stream.indirect.scatter.add.f32 [tilespmem:s15], [sflag:$0x6], $0x80, s7, s11, $0xb8;
	[tilespmem:$0x1D800] =	vst v63  }
0x271: {  	_ =	swait.ge [sflag:s19], $0x2800  }
0x272: {  	s8 =	sld [smem:$0x7F4]  }
0x273: {  	[sflag:s19] =	ssyncset.done $0x0  }
0x274: {  	[sflag:s19] =	ssyncadd.s32 $0xFFFFD800  }
0x275: {  	[tilespmem:s13], [sflag:$0x2] =	stream.indirect.gather [hbm4b:s4+s11], $0x80, s8, s11, $0xb8;
	[tilespmem:$0x1D800] =	vst v63  }
0x276: {  	_ =	swait.ge [sflag:s14], $0x2800  }
0x277: {  	s24 =	sld [smem:$0x7F5]  }
0x278: {  	[sflag:s14] =	ssyncset.done $0x0  }
0x279: {  	[sflag:s14] =	ssyncadd.s32 $0xFFFFD800  }
0x27a: {  	[spmem:s2] =	stream.indirect.scatter.add.f32 [tilespmem:s12], [sflag:$0x4], $0x80, s24, s11, $0xb8;
	[tilespmem:$0x1D800] =	vst v63  }
0x27b: {  	_ =	swait.ge [sflag:s20], $0x2800  }
0x27c: {  	s7 =	sld [smem:$0x7F6]  }
0x27d: {  	[sflag:s20] =	ssyncset.done $0x0  }
0x27e: {  	[sflag:s20] =	ssyncadd.s32 $0xFFFFD800  }
0x27f: {  	[tilespmem:s15], [sflag:$0x3] =	stream.indirect.gather [hbm4b:s4+s11], $0x80, s7, s11, $0xb8;
	[tilespmem:$0x1D800] =	vst v63  }
0x280: {  	_ =	swait.ge [sflag:s16], $0x2800  }
0x281: {  	s8 =	sld [smem:$0x7F7]  }
0x282: {  	[sflag:s16] =	ssyncset.done $0x0  }
0x283: {  	[sflag:s16] =	ssyncadd.s32 $0xFFFFD800  }
0x284: {  	[spmem:s2] =	stream.indirect.scatter.add.f32 [tilespmem:s13], [sflag:$0x5], $0x80, s8, s11, $0xb8;
	[tilespmem:$0x1D800] =	vst v63  }
0x285: {  	_ =	swait.ge [sflag:s17], $0x2800  }
0x286: {  	s24 =	sld [smem:$0x7F8]  }
0x287: {  	[sflag:s17] =	ssyncset.done $0x0  }
0x288: {  	[sflag:s17] =	ssyncadd.s32 $0xFFFFD800  }
0x289: {  	[tilespmem:s12], [sflag:$0x1] =	stream.indirect.gather [hbm4b:s4+s11], $0x80, s24, s11, $0xb8;
	[tilespmem:$0x1D800] =	vst v63  }
0x28a: {  	_ =	swait.ge [sflag:s18], $0x2800  }
0x28b: {  	s7 =	sld [smem:$0x7F9]  }
0x28c: {  	[sflag:s18] =	ssyncset.done $0x0  }
0x28d: {  	[sflag:s18] =	ssyncadd.s32 $0xFFFFD800  }
0x28e: {  	[spmem:s2] =	stream.indirect.scatter.add.f32 [tilespmem:s15], [sflag:$0x6], $0x80, s7, s11, $0xb8;
	[tilespmem:$0x1D800] =	vst v63  }
0x28f: {  	_ =	swait.ge [sflag:s19], $0x2800  }
0x290: {  	s8 =	sld [smem:$0x7FA]  }
0x291: {  	[sflag:s19] =	ssyncset.done $0x0  }
0x292: {  	[sflag:s19] =	ssyncadd.s32 $0xFFFFD800  }
0x293: {  	[tilespmem:s13], [sflag:$0x2] =	stream.indirect.gather [hbm4b:s4+s11], $0x80, s8, s11, $0xb8;
	[tilespmem:$0x1D800] =	vst v63  }
0x294: {  	_ =	swait.ge [sflag:s14], $0x2800  }
0x295: {  	[sflag:s14] =	ssyncset.done $0x0  }
0x296: {  	[sflag:s14] =	ssyncadd.s32 $0xFFFFD800  }
0x297: {  	[spmem:s2] =	stream.indirect.scatter.add.f32 [tilespmem:s12], [sflag:$0x4], $0x80, s21, s11, $0xb8;
	[tilespmem:$0x1D800] =	vst v63  }
0x298: {  	_ =	swait.ge [sflag:s20], $0x2800  }
0x299: {  	[sflag:s20] =	ssyncset.done $0x0  }
0x29a: {  	[sflag:s20] =	ssyncadd.s32 $0xFFFFD800  }
0x29b: {  	[tilespmem:s15], [sflag:$0x3] =	stream.indirect.gather [hbm4b:s4+s11], $0x80, s22, s11, $0xb8;
	[tilespmem:$0x1D800] =	vst v63  }
0x29c: {  	_ =	swait.ge [sflag:s16], $0x2800  }
0x29d: {  	[sflag:s16] =	ssyncset.done $0x0  }
0x29e: {  	[sflag:s16] =	ssyncadd.s32 $0xFFFFD800  }
0x29f: {  	[spmem:s2] =	stream.indirect.scatter.add.f32 [tilespmem:s13], [sflag:$0x5], $0x80, s23, s11, $0xb8;
	[tilespmem:$0x1D800] =	vst v63  }
0x2a0: {  	_ =	swait.ge [sflag:s17], $0x2800  }
0x2a1: {  	[sflag:s17] =	ssyncset.done $0x0  }
0x2a2: {  	[sflag:s17] =	ssyncadd.s32 $0xFFFFD800  }
0x2a3: {  	[tilespmem:s12], [sflag:$0x1] =	stream.indirect.gather [hbm4b:s4+s11], $0x80, s25, s11, $0xb8;
	[tilespmem:$0x1D800] =	vst v63  }
0x2a4: {  	_ =	swait.ge [sflag:s18], $0x2800  }
0x2a5: {  	[sflag:s18] =	ssyncset.done $0x0  }
0x2a6: {  	[sflag:s18] =	ssyncadd.s32 $0xFFFFD800  }
0x2a7: {  	[spmem:s2] =	stream.indirect.scatter.add.f32 [tilespmem:s15], [sflag:$0x6], $0x80, s26, s11, $0xb8;
	[tilespmem:$0x1D800] =	vst v63  }
0x2a8: {  	_ =	swait.ge [sflag:s19], $0x2800  }
0x2a9: {  	[sflag:s19] =	ssyncset.done $0x0  }
0x2aa: {  	[sflag:s19] =	ssyncadd.s32 $0xFFFFD800  }
0x2ab: {  	[tilespmem:s13], [sflag:$0x2] =	stream.indirect.gather [hbm4b:s4+s11], $0x80, s28, s11, $0xb8;
	[tilespmem:$0x1D800] =	vst v63  }
0x2ac: {  	_ =	swait.ge [sflag:s14], $0x2800  }
0x2ad: {  	[sflag:s14] =	ssyncset.done $0x0  }
0x2ae: {  	[sflag:s14] =	ssyncadd.s32 $0xFFFFD800  }
0x2af: {  	[spmem:s2] =	stream.indirect.scatter.add.f32 [tilespmem:s12], [sflag:$0x4], $0x80, s29, s11, $0xb8;
	[tilespmem:$0x1D800] =	vst v63  }
0x2b0: {  	_ =	swait.ge [sflag:s20], $0x2800  }
0x2b1: {  	[sflag:s20] =	ssyncset.done $0x0  }
0x2b2: {  	[sflag:s20] =	ssyncadd.s32 $0xFFFFD800  }
0x2b3: {  	[tilespmem:s15], [sflag:$0x3] =	stream.indirect.gather [hbm4b:s4+s11], $0x80, s30, s11, $0xb8;
	[tilespmem:$0x1D800] =	vst v63  }
0x2b4: {  	_ =	swait.ge [sflag:s16], $0x2800  }
0x2b5: {  	[sflag:s16] =	ssyncset.done $0x0  }
0x2b6: {  	[sflag:s16] =	ssyncadd.s32 $0xFFFFD800  }
0x2b7: {  	[spmem:s2] =	stream.indirect.scatter.add.f32 [tilespmem:s13], [sflag:$0x5], $0x80, s31, s11, $0xb8;
	[tilespmem:$0x1D800] =	vst v63  }
0x2b8: {  	_ =	swait.ge [sflag:s17], $0x2800  }
0x2b9: {  	[sflag:s17] =	ssyncset.done $0x0  }
0x2ba: {  	[sflag:s17] =	ssyncadd.s32 $0xFFFFD800  }
0x2bb: {  	[tilespmem:s12], [sflag:$0x1] =	stream.indirect.gather [hbm4b:s4+s11], $0x80, s1, s11, $0xb8;
	[tilespmem:$0x1D800] =	vst v63  }
0x2bc: {  	_ =	swait.ge [sflag:s18], $0x2800  }
0x2bd: {  	[sflag:s18] =	ssyncset.done $0x0  }
0x2be: {  	[sflag:s18] =	ssyncadd.s32 $0xFFFFD800  }
0x2bf: {  	[spmem:s2] =	stream.indirect.scatter.add.f32 [tilespmem:s15], [sflag:$0x6], $0x80, s0, s11, $0xb8;
	[tilespmem:$0x1D800] =	vst v63  }
0x2c0: {  	_ =	swait.ge [sflag:s19], $0x2800  }
0x2c1: {  	[sflag:s19] =	ssyncset.done $0x0  }
0x2c2: {  	[sflag:s19] =	ssyncadd.s32 $0xFFFFD800  }
0x2c3: {  	_ =	swait.ge [sflag:s14], $0x2800  }
0x2c4: {  	[sflag:s14] =	ssyncset.done $0x0  }
0x2c5: {  	[sflag:s14] =	ssyncadd.s32 $0xFFFFD800  }
0x2c6: {  	[spmem:s2] =	stream.indirect.scatter.add.f32 [tilespmem:s12], [sflag:$0x4], $0x80, s5, s11, $0xb8;
	[tilespmem:$0x1D800] =	vst v63  }
0x2c7: {  	_ =	swait.ge [sflag:s20], $0x2800  }
0x2c8: {  	[sflag:s20] =	ssyncset.done $0x0  }
0x2c9: {  	[sflag:s20] =	ssyncadd.s32 $0xFFFFD800  }
0x2ca: {  	_ =	swait.ge [sflag:s17], $0x2800  }
0x2cb: {  	[sflag:s17] =	ssyncset.done $0x0  }
0x2cc: {  	[sflag:s17] =	ssyncadd.s32 $0xFFFFD800  }
0x2cd: {  	[bflag:$0x0] =	sbarrier.arrive $0xFFFF  }
0x2ce: {  	s8 =	sld [smem:$0x7FC]  }
0x2cf: {  	s7 =	sld [smem:$0x7FD]  }
0x2d0: {  	s24 =	sld [smem:$0x7FB];
	_ =	sdelay $0x2  }
0x2d1: {  	[hbm:s24], [sflag:s8] =	dma.local [spmem:s7], $0x2800  }
0x2d2: {  	_ =	swait.ge [sflag:s9], $0x2800  }
0x2d3: {  	s6 =	sld [smem:$0x7EF];
	_ =	sdelay $0x2  }
0x2d4: {  	s24 =	sadd.s32 $0x1, s6;
	s6 =	sld [smem:$0x7F1];
	_ =	sdelay $0x2  }
0x2d5: {  	p0 =	sne.s32 s24, s6  }
.Ltmp1:
0x2d6: {  	_ = 	snop;
	(pc) =	sbr.rel @p0 .LBB2_1-.Ltmp1, $3  }
0x2d7: {  	_ =	sdelay $0x1  }
0x2d8: {  	[sflag:s9] =	ssyncset.done $0x0  }
0x2d9: {  	[sflag:s9] =	ssyncadd.s32 $0xFFFFD800  }
0x2da: {  	_ =	sfence.sel $0x180000  }
0x2db: {  	[bflag:$0x0] =	sbarrier.arrive $0xFFFF  }
0x2dc: {  	_ =	strace $0x9000004D  }
0x2dd: {  	s0 =	stileid.u32;
	[bflag:$0x2] =	sbarrier.arrive $0xFFFF  }
0x2de: {  	p0 =	sne.s32 s0, $0x0;
	s0 =	rddreg [dreg:$0x2]  }
0x2df: {  	s0 =	sadd.s32 @!p0 $0x100000, s0  }
0x2e0: {  	[sflag:s0] =	ssyncadd.tile.s32 @!p0 $0x1;
	_ =	shalt  }
.Lfunc_end2:
_tile_overlayer_lowered:
.L_overlay_start_2:
0x2e1: {  	(tag) =	ssettag $0x2  }
0x2e2: {  	s0 =	rddreg [dreg:$0x0];
	s2 =	stileid.u32  }
0x2e3: {  	s1 =	rddreg [dreg:$0x1];
	p0 =	sne.s32 s2, $0x0  }
0x2e4: {  	s3 =	rddreg [dreg:$0x2];
	[bflag:$0x3] =	sbarrier.arrive $0xFFFF;
	s2 =	simm.s32 @!p0 $0x1C07  }
0x2e5: {  	[timem:s3], [sflag:s2] =	dma.local @!p0 [hbm:s0], s1  }
0x2e6: {  	s0 =	simm.s32 @!p0 $0x7  }
0x2e7: {  	_ =	swait.ge @!p0 [sflag:s0], s1  }
0x2e8: {  	s1 =	ssub.s32 @!p0 $0x0, s1;
	[sflag:s0] =	ssyncset.done @!p0 $0x0  }
0x2e9: {  	[sflag:s0] =	ssyncadd.s32 @!p0 s1  }
0x2ea: {  	[bflag:$0x3] =	sbarrier.arrive $0xFFFF  }
0x2eb: {  	_ =	shalt  }

// kernel: kernel.9.cloned.1.call-start
scs
__scs_entry_jumppad:
0x0: {  	(pc) =	sbr.rel $0x88, $3  }
0x1: {  	(tag) =	ssettag $0x0;
	lr =	simm.s32 $0x1  }
0x2: {  	[smem:$0x3F95] =	sst lr;
	_ =	strace $0xD0000000  }
0x3: {  	_ = 	snop  }
0x4: {  	_ = 	snop  }
0x5: {  	_ = 	snop  }
0x6: {  	_ = 	snop  }
0x7: {  	_ = 	snop  }
__scs_overlays_trampoline_lowered:
0x8: {  	[smem:$0x3FA4] =	sst s0  }
0x9: {  	[smem:$0x3FA5] =	sst s1  }
0xa: {  	[smem:$0x3FA6] =	sst s2  }
0xb: {  	[smem:$0x3FA7] =	sst s3  }
0xc: {  	[smem:$0x3FA8] =	sst s4  }
0xd: {  	[smem:$0x3FA9] =	sst s5  }
0xe: {  	[smem:$0x3FAA] =	sst s6  }
0xf: {  	[smem:$0x3FAB] =	sst s7  }
0x10: {  	[smem:$0x3FAC] =	sst s8  }
0x11: {  	[smem:$0x3FAD] =	sst s9;
	s0 =	simm.s32 @!p0 $0x0  }
0x12: {  	s1 =	sld [smem:$0x3F93];
	s0 =	simm.s32 @p0 $0x1  }
0x13: {  	[smem:$0x3FAE] =	sst s0;
	s0 =	simm.s32 @!p1 $0x0  }
0x14: {  	s2 =	sld [smem:$0x3F92];
	s0 =	simm.s32 @p1 $0x1  }
0x15: {  	[smem:$0x3FAF] =	sst s0;
	s0 =	simm.s32 @!p2 $0x0  }
0x16: {  	s3 =	sld [smem:$0x3FDB];
	s0 =	simm.s32 @p2 $0x1  }
0x17: {  	s4 =	simm.s32 $0x1BF5;
	[smem:$0x3FB1] =	sst s0  }
0x18: {  	s0 =	sld [smem:$0x3F94];
	_ =	swait.ge [sflag:s4], $0x0  }
0x19: {  	s7 =	sld [smem:$0x3F95]  }
0x1a: {  	s8 =	sadd.s32 $0xFFFFE003, lr  }
0x1b: {  	s9 =	sadd.s32 $0xFFFFFEF7, lr;
	s5 =	simm.s32 $0xFFFFFFFF;
	p2 =	slt.u32 s8, $0xFFFFF086  }
0x1c: {  	p1 =	slt.u32 s9, $0xF7A;
	s5 =	simm.s32 @!p2 $0x0  }
0x1d: {  	s5 =	simm.s32 @p1 $0x1;
	p0 =	seq.s32 s7, s2  }
0x1e: {  	s7 =	smul.u32 @!p0 $0xF7A, s2;
	p2 =	seq.s32 @!p0 s5, $0x0  }
0x1f: {  	s9 =	smul.u32 $0xF7A, s1;
	s8 =	simm.s32 @!p0 $0x1BF5;
	p2 =	por !p2, p0  }
0x20: {  	[sflag:s8] =	ssyncset.s32 @!p0 $0xFFFFF086;
	s6 =	sadd.s32 @!p0 s3, s7;
	s7 =	simm.s32 @!p0 $0x108  }
0x21: {  	s3 =	sadd.s32 s3, s9;
	s6 =	sadd.s32 @!p0 $0x88, s6;
	s7 =	simm.s32 @p2 $0x1082  }
0x22: {  	[simem:s7], [sflag:s8] =	dma.local @!p0 [hbm:s6], $0xF7A  }
0x23: {  	s9 =	sor.u32 $0xD0000000, s2;
	s6 =	simm.s32 $0x108;
	_ =	swait.ge @!p0 [sflag:s8], $0x0  }
0x24: {  	s3 =	sadd.s32 $0x88, s3;
	s6 =	simm.s32 @!p1 $0x1082;
	[sflag:s4] =	ssyncset.s32 $0xFFFFF086  }
0x25: {  	[simem:s6], [sflag:s4] =	dma.local [hbm:s3], $0xF7A  }
0x26: {  	[smem:$0x3F95] =	sst s1;
	(tag) =	ssettag s2;
	_ =	strace s9  }
0x27: {  	s1 =	sld [smem:$0x3FA5]  }
0x28: {  	s2 =	sld [smem:$0x3FA6]  }
0x29: {  	s4 =	sld [smem:$0x3FA8]  }
0x2a: {  	p0 =	seq.s32 s5, $0x0;
	s5 =	sld [smem:$0x3FA9]  }
0x2b: {  	s6 =	sld [smem:$0x3FAA]  }
0x2c: {  	s7 =	sld [smem:$0x3FAB]  }
0x2d: {  	s3 =	simm.s32 $0x108;
	s8 =	sld [smem:$0x3FAC]  }
0x2e: {  	s3 =	simm.s32 @!p0 $0x1082;
	s9 =	sld [smem:$0x3FAD]  }
0x2f: {  	lr =	sadd.s32 s0, s3;
	s0 =	sld [smem:$0x3FA4]  }
0x30: {  	s3 =	sld [smem:$0x3FA7]  }
0x31: {  	[smem:$0x3FB0] =	sst s10  }
0x32: {  	s10 =	sld [smem:$0x3FAE];
	_ =	sdelay $0x3  }
0x33: {  	p0 =	seq.s32 s10, $0x1;
	s10 =	sld [smem:$0x3FB0];
	_ =	sdelay $0x3  }
0x34: {  	[smem:$0x3FB0] =	sst s10  }
0x35: {  	s10 =	sld [smem:$0x3FAF];
	_ =	sdelay $0x3  }
0x36: {  	p1 =	seq.s32 s10, $0x1;
	s10 =	sld [smem:$0x3FB0];
	_ =	sdelay $0x3  }
0x37: {  	[smem:$0x3FB0] =	sst s10  }
0x38: {  	s10 =	sld [smem:$0x3FB1]  }
0x39: {  	_ = 	snop;
	(pc) =	sbr.ind lr, $3  }
0x3a: {  	_ = 	snop  }
0x3b: {  	_ = 	snop  }
0x3c: {  	p2 =	seq.s32 s10, $0x1;
	s10 =	sld [smem:$0x3FB0]  }
0x3d: {  	_ =	shalt  }
0x3e: {  	_ =	shalt  }
0x3f: {  	_ =	shalt  }
0x40: {  	_ =	shalt  }
0x41: {  	_ =	shalt  }
0x42: {  	_ =	shalt  }
0x43: {  	_ =	shalt  }
0x44: {  	_ =	shalt  }
0x45: {  	_ =	shalt  }
0x46: {  	_ =	shalt  }
0x47: {  	_ =	shalt  }
0x48: {  	_ =	shalt  }
0x49: {  	_ =	shalt  }
0x4a: {  	_ =	shalt  }
0x4b: {  	_ =	shalt  }
0x4c: {  	_ =	shalt  }
0x4d: {  	_ =	shalt  }
0x4e: {  	_ =	shalt  }
0x4f: {  	_ =	shalt  }
0x50: {  	_ =	shalt  }
0x51: {  	_ =	shalt  }
0x52: {  	_ =	shalt  }
0x53: {  	_ =	shalt  }
0x54: {  	_ =	shalt  }
0x55: {  	_ =	shalt  }
0x56: {  	_ =	shalt  }
0x57: {  	_ =	shalt  }
0x58: {  	_ =	shalt  }
0x59: {  	_ =	shalt  }
0x5a: {  	_ =	shalt  }
0x5b: {  	_ =	shalt  }
0x5c: {  	_ =	shalt  }
0x5d: {  	_ =	shalt  }
0x5e: {  	_ =	shalt  }
0x5f: {  	_ =	shalt  }
0x60: {  	_ =	shalt  }
0x61: {  	_ =	shalt  }
0x62: {  	_ =	shalt  }
0x63: {  	_ =	shalt  }
0x64: {  	_ =	shalt  }
0x65: {  	_ =	shalt  }
0x66: {  	_ =	shalt  }
0x67: {  	_ =	shalt  }
0x68: {  	_ =	shalt  }
0x69: {  	_ =	shalt  }
0x6a: {  	_ =	shalt  }
0x6b: {  	_ =	shalt  }
0x6c: {  	_ =	shalt  }
0x6d: {  	_ =	shalt  }
0x6e: {  	_ =	shalt  }
0x6f: {  	_ =	shalt  }
0x70: {  	_ =	shalt  }
0x71: {  	_ =	shalt  }
0x72: {  	_ =	shalt  }
0x73: {  	_ =	shalt  }
0x74: {  	_ =	shalt  }
0x75: {  	_ =	shalt  }
0x76: {  	_ =	shalt  }
0x77: {  	_ =	shalt  }
0x78: {  	_ =	shalt  }
0x79: {  	_ =	shalt  }
0x7a: {  	_ =	shalt  }
0x7b: {  	_ =	shalt  }
0x7c: {  	_ =	shalt  }
0x7d: {  	_ =	shalt  }
0x7e: {  	_ =	shalt  }
0x7f: {  	_ =	shalt  }
0x80: {  	_ =	shalt  }
0x81: {  	_ =	shalt  }
0x82: {  	_ =	shalt  }
0x83: {  	_ =	shalt  }
0x84: {  	_ =	shalt  }
0x85: {  	_ =	shalt  }
0x86: {  	_ =	shalt  }
0x87: {  	_ =	shalt  }
.Lfunc_end0:
.L_simem_size_0:
called_computation_lowered:
.L_overlay_start_0:
0x88: {  	s2 =	sld [smem:$0x3FD9]  }
0x89: {  	s3 =	sld [smem:$0x3FFE];
	_ =	sdelay $0x1  }
0x8a: {  	s1 =	srdreg.scid  }
0x8b: {  	s0 =	sand.u32 $0x1, s1  }
0x8c: {  	s17 =	sshll.u32 s0, $0xA;
	s2 =	sadd.s32 s3, s2  }
0x8d: {  	s2 =	sadd.s32 s2, s17  }
0x8e: {  	[smem:$0x3FBC] =	sst s2  }
0x8f: {  	_ = 	snop  }
0x90: {  	s2 =	sld [smem:$0x3FD0];
	(tm) =	ssettm $0x1  }
0x91: {  	s18 =	sld [smem:$0x3FFB];
	_ =	sdelay $0x3  }
0x92: {  	_ =	strace s18  }
0x93: {  	s3 =	sld [smem:$0x3FFC];
	_ =	sdelay $0x3  }
0x94: {  	_ =	strace s3  }
0x95: {  	s3 =	sld [smem:$0x3FFD];
	_ =	sdelay $0x3  }
0x96: {  	_ =	strace s3  }
0x97: {  	_ =	strace $0x8FFFFFFF  }
0x98: {  	s19 =	sld [smem:$0x3FDB];
	_ =	sdelay $0x1  }
0x99: {  	s4 =	simm.s32 $_scs_section_size  }
0x9a: {  	s5 =	simm.s32 $_size__tile_overlayer_lowered;
	s6 =	simm.s32 $_tile_overlayer_lowered  }
0x9b: {  	s22 =	simm.s32 $0x1BFF;
	s21 =	sshll.u32 s6, $0x1;
	s3 =	sadd.s32 s4, s19  }
0x9c: {  	s7 =	simm.s32 $0x0;
	s20 =	sshll.u32 s5, $0x1;
	s5 =	sadd.s32 s21, s3  }
0x9d: {  	[timem:s7], [sflag:s22] =	dma.local [hbm:s5], s20  }
0x9e: {  	_ =	swait.ge [sflag:s22], s20  }
0x9f: {  	s4 =	ssub.s32 $0x0, s20;
	[sflag:s22] =	ssyncset.done $0x0  }
0xa0: {  	[sflag:s22] =	ssyncadd.s32 s4;
	_ =	sdelay $0x1  }
0xa1: {  	s23 =	simm.s32 $0x1B8B  }
0xa2: {  	_ =	swait.ge [sflag:s23], $0x1  }
0xa3: {  	[sflag:s23] =	ssyncset.done $0x0  }
0xa4: {  	s25 =	simm.s32 $0x1B8E;
	s24 =	sld [smem:$0x3FFE];
	[sflag:s23] =	ssyncadd.s32 $0xFFFFFFFF  }
0xa5: {  	s26 =	simm.s32 $execute0_lowered;
	[smem:$0x3FD2] =	sst s25  }
0xa6: {  	s5 =	sshll.u32 s26, $0x1;
	_ =	strace $0x80000046;
	[dreg:$0x1] =	wrdreg $0xFFFFFFFF  }
0xa7: {  	s28 =	simm.s32 $_size_execute0_lowered;
	s3 =	sadd.s32 s3, s5;
	[dreg:$0x0] =	wrdreg $0x0  }
0xa8: {  	s5 =	sshll.u32 s28, $0x1;
	[dreg:$0x2] =	wrdreg s3  }
0xa9: {  	[dreg:$0x3] =	wrdreg s5  }
0xaa: {  	[dreg:$0x4] =	wrdreg $0xC0  }
0xab: {  	_ =	task [dreg:s7], $0x5FFFF  }
0xac: {  	[dreg:$0x1] =	wrdreg $0xFFFFFFFF  }
0xad: {  	[dreg:$0x0] =	wrdreg $0x60  }
0xae: {  	[dreg:$0x2] =	wrdreg s24  }
0xaf: {  	[dreg:$0x3] =	wrdreg s2  }
0xb0: {  	[dreg:$0x4] =	wrdreg $0x98800  }
0xb1: {  	[dreg:$0x5] =	wrdreg $0x1D8800  }
0xb2: {  	[dreg:$0x6] =	wrdreg $0x9  }
0xb3: {  	_ =	task.clear_ibuf [dreg:s7], $0x7FFFF;
	_ =	strace $0x90000046  }
0xb4: {  	s29 =	simm.s32 $0x9;
	_ =	strace $0x80000048  }
0xb5: {  	_ =	swait.ge [sflag:s29], $0x1  }
0xb6: {  	[sflag:s29] =	ssyncadd.s32 $0xFFFFFFFF  }
0xb7: {  	_ =	strace $0x90000048  }
0xb8: {  	_ =	sfence  }
0xb9: {  	s30 =	sld [smem:$0x0];
	_ =	sdelay $0x2  }
0xba: {  	s31 =	sshll.u32 s1, $0xD;
	s1 =	sshrl.u32 s1, $0x2  }
0xbb: {  	s3 =	sand.u32 $0x4000, s31;
	s1 =	sadd.s32 s1, s30  }
0xbc: {  	s0 =	sor.u32 s3, s0;
	s1 =	sshll.u32 s1, $0x11  }
0xbd: {  	s0 =	sor.u32 s1, s0  }
0xbe: {  	s0 =	sadd.s32 $0x8F2B, s0  }
0xbf: {  	[sflag:s0] =	ssyncadd.remote.s32 $0x1  }
0xc0: {  	_ =	sfence.sel $0xFFFF  }
0xc1: {  	[dreg:$0x0] =	wrdreg $0xFFFFFFFF;
	(pc) =	sbr.abs _section_cstart, $3  }
0xc2: {  	[dreg:$0x1] =	wrdreg $0xFFFFFFFF  }
0xc3: {  	_ =	task.clear_ibuf [dreg:s7], $0x2FFFF;
	_ =	strace $0x9FFFFFFF  }
0xc4: {  	(tm) =	ssettm $0x7FFFFFFF  }
0xc5: {  	_ =	shalt  }
tec
execute0_lowered:
.L_overlay_start_1:
0x0: {  	(tag) =	ssettag $0x1  }
0x1: {  	s0 =	rddreg [dreg:$0x0]  }
0x2: {  	s4 =	rddreg [dreg:$0x1]  }
0x3: {  	s1 =	srdreg.scid;
	s2 =	rddreg [dreg:$0x2]  }
0x4: {  	s15 =	stileid.u32;
	s3 =	rddreg [dreg:$0x3]  }
0x5: {  	s18 =	simm.s32 $0x0;
	s16 =	simm.s32 $0x50;
	s17 =	simm.s32 $0x2000  }
0x6: {  	s19 =	simm.s32 $0x4800;
	s20 =	simm.s32 $0x1;
	s8 =	smul.u32 $0x2800, s15  }
0x7: {  	s28 =	simm.s32 $0x1080;
	s29 =	simm.s32 $0x4;
	s9 =	smul.u32 $0x280, s15  }
0x8: {  	s31 =	simm.s32 $0x3;
	s1 =	sand.u32 $0x1, s1;
	s13 =	smul.u32 $0x50000, s15  }
0x9: {  	[smem:$0x7FF] =	sst s18;
	s23 =	sshll.u32 s15, $0x6;
	s25 =	smul.u32 $0xA0, s15  }
0xa: {  	s6 =	sshll.u32 s1, $0x4;
	_ =	strace $0x80000047;
	s11 =	smul.u32 $0x28000, s1  }
0xb: {  	s1 =	ssub.s32 $0x2, s1;
	s23 =	sor.u32 $0x1C07, s23;
	s5 =	sor.u32 s15, s6  }
0xc: {  	s10 =	sadd.s32 s8, s0;
	s12 =	sshrl.u32 s9, $0x3;
	s21 =	sshrl.u32 s1, $0x1  }
0xd: {  	s22 =	sshrl.u32 s13, $0x2;
	s14 =	sadd.s32 s9, s3;
	s4 =	sadd.s32 s4, s6  }
0xe: {  	s13 =	simm.s32 $0x7;
	s15 =	simm.s32 $0x1000;
	[dreg:$0x7] =	wrdreg s23  }
0xf: {  	s7 =	smul.u32 $0xA00, s5;
	s5 =	sadd.s32 $0x2C200, s0;
	s12 =	sadd.s32 s12, s0  }
0x10: {  	s1 =	ssub.s32 s1, s21;
	s10 =	sadd.s32 $0x53400, s10;
	s6 =	sshrl.u32 s14, $0x3  }
0x11: {  	s21 =	simm.s32 $0x9800;
	s26 =	sadd.s32 s25, s4;
	s25 =	simm.s32 $0x7000  }
0x12: {  	s14 =	simm.s32 $0x1B80;
	[dreg:$0x6] =	wrdreg s10;
	s24 =	sadd.s32 $0x7B400, s12  }
0x13: {  	s1 =	smax.u32 s1, $0x1;
	[dreg:$0xd] =	wrdreg s26;
	s26 =	simm.s32 $0x2  }
0x14: {  	s12 =	simm.s32 $0xC00;
	[dreg:$0xb] =	wrdreg s6;
	s7 =	sadd.s32 s7, s0  }
0x15: {  	s0 =	sadd.s32 s11, s0;
	s11 =	sadd.s32 s22, s2;
	[dreg:$0x8] =	wrdreg s24  }
0x16: {  	[dreg:$0x9] =	wrdreg s1;
	s1 =	simm.s32 $0x1100;
	s22 =	simm.s32 $0xB80  }
0x17: {  	s24 =	simm.s32 $0x1B00;
	s9 =	sadd.s32 $0x4200, s7;
	s10 =	sadd.s32 $0x18200, s7  }
0x18: {  	s0 =	sadd.s32 $0x7BA00, s0;
	s30 =	sshrl.u32 s11, $0x3;
	s11 =	simm.s32 $0x1A80  }
0x19: {  	s7 =	simm.s32 $0x1C00;
	s0 =	sadd.s32 s8, s0;
	[dreg:$0xa] =	wrdreg s30  }
0x1a: {  	v0 =	vimm.f32 $1.000000000e+00;
	s8 =	simm.s32 $0x6;
	[dreg:$0xc] =	wrdreg s0;
	s0 =	simm.s32 $0x5  }
.LBB2_1:
0x1b: {  	[dreg:$0x5] =	wrdreg s18  }
0x1c: {  	s4 =	rddreg [dreg:$0x6]  }
0x1d: {  	[spmem:s30], [sflag:s23] =	dma.local [hbm:s4], $0x2800  }
0x1e: {  	_ =	swait.ge [sflag:s13], $0x2800  }
0x1f: {  	[sflag:s13] =	ssyncset.done $0x0  }
0x20: {  	s30 =	rddreg [dreg:$0x8];
	[sflag:s13] =	ssyncadd.s32 $0xFFFFD800  }
0x21: {  	[spmem:s6], [sflag:s23] =	dma.local [hbm:s30], $0x50  }
0x22: {  	_ =	swait.ge [sflag:s13], $0x50  }
0x23: {  	[sflag:s13] =	ssyncset.done $0x0  }
0x24: {  	[sflag:s13] =	ssyncadd.s32 $0xFFFFFFB0  }
0x25: {  	[tilespmem:$0x9800] =	vst v0  }
0x26: {  	[tilespmem:$0x9810] =	vst v0  }
0x27: {  	[tilespmem:$0x9820] =	vst v0  }
0x28: {  	[tilespmem:$0x9830] =	vst v0  }
0x29: {  	[tilespmem:$0x9840] =	vst v0  }
0x2a: {  	s4 =	simm.s32 $0x0;
	s6 =	simm.s32 $0x80;
	[bflag:$0x0] =	sbarrier.arrive $0xFFFF  }
.LBB2_2:
0x2b: {  	s18 =	sshll.u32 s4, $0x9  }
0x2c: {  	s30 =	simm.s32 $0x0;
	s23 =	sadd.s32 s18, s9  }
0x2d: {  	[tilespmem:s30], [sflag:$0x7] =	stream.linear.gather [hbm4b:s23+s30], $0xC80, $0x38;
	[tilespmem:$0x1DB00] =	vst v63  }
0x2e: {  	_ =	swait.ge [sflag:s13], $0xC80  }
0x2f: {  	[sflag:s13] =	ssyncset.done $0x0  }
0x30: {  	s18 =	sadd.s32 s18, s10;
	[sflag:s13] =	ssyncadd.s32 $0xFFFFF380  }
0x31: {  	[tilespmem:s15], [sflag:$0x7] =	stream.linear.gather [hbm4b:s18+s30], $0xC80, $0x38;
	[tilespmem:$0x1DB00] =	vst v63  }
0x32: {  	_ =	swait.ge [sflag:s13], $0xC80  }
0x33: {  	[sflag:s13] =	ssyncset.done $0x0  }
0x34: {  	[sflag:s13] =	ssyncadd.s32 $0xFFFFF380  }
0x35: {  	[tilespmem:s17], [sflag:$0x1] =	stream.indirect.gather [hbm4b:s5+s16], $0x80, s30, s16, $0xb8;
	[tilespmem:$0x1DB00] =	vst v63  }
0x36: {  	_ = 	snop  }
0x37: {  	[tilespmem:s19], [sflag:$0x2] =	stream.indirect.gather [hbm4b:s5+s16], $0x80, s6, s16, $0xb8;
	[tilespmem:$0x1DB00] =	vst v63  }
0x38: {  	_ =	swait.ge [sflag:s20], $0x2800  }
0x39: {  	[sflag:s20] =	ssyncset.done $0x0  }
0x3a: {  	[sflag:s20] =	ssyncadd.s32 $0xFFFFD800  }
0x3b: {  	[spmem:s2] =	stream.indirect.scatter.add.f32 [tilespmem:s17], [sflag:$0x4], $0x80, s15, s16, $0xb8;
	[tilespmem:$0x1DB00] =	vst v63  }
0x3c: {  	_ = 	snop  }
0x3d: {  	[spmem:s3] =	stream.indirect.scatter.add.f32 [tilespmem:s21], [sflag:$0x4], $0x1, s15, s16, $0xb8;
	[tilespmem:$0x1DB00] =	vst v63  }
0x3e: {  	s23 =	simm.s32 $0x100  }
0x3f: {  	[tilespmem:s25], [sflag:$0x3] =	stream.indirect.gather [hbm4b:s5+s16], $0x80, s23, s16, $0xb8;
	[tilespmem:$0x1DB00] =	vst v63  }
0x40: {  	_ =	swait.ge [sflag:s26], $0x2800  }
0x41: {  	[sflag:s26] =	ssyncset.done $0x0  }
0x42: {  	[sflag:s26] =	ssyncadd.s32 $0xFFFFD800  }
0x43: {  	[spmem:s2] =	stream.indirect.scatter.add.f32 [tilespmem:s19], [sflag:$0x5], $0x80, s28, s16, $0xb8;
	[tilespmem:$0x1DB00] =	vst v63  }
0x44: {  	_ = 	snop  }
0x45: {  	[spmem:s3] =	stream.indirect.scatter.add.f32 [tilespmem:s21], [sflag:$0x5], $0x1, s28, s16, $0xb8;
	[tilespmem:$0x1DB00] =	vst v63  }
0x46: {  	_ =	swait.ge [sflag:s29], $0x2800  }
0x47: {  	[sflag:s29] =	ssyncset.done $0x0  }
0x48: {  	[sflag:s29] =	ssyncadd.s32 $0xFFFFD800  }
0x49: {  	_ =	swait.ge [sflag:s29], $0x50  }
0x4a: {  	[sflag:s29] =	ssyncset.done $0x0  }
0x4b: {  	s30 =	simm.s32 $0x180;
	[sflag:s29] =	ssyncadd.s32 $0xFFFFFFB0  }
0x4c: {  	[tilespmem:s17], [sflag:$0x1] =	stream.indirect.gather [hbm4b:s5+s16], $0x80, s30, s16, $0xb8;
	[tilespmem:$0x1DB00] =	vst v63  }
0x4d: {  	_ =	swait.ge [sflag:s31], $0x2800  }
0x4e: {  	[sflag:s31] =	ssyncset.done $0x0  }
0x4f: {  	[sflag:s31] =	ssyncadd.s32 $0xFFFFD800  }
0x50: {  	[spmem:s2] =	stream.indirect.scatter.add.f32 [tilespmem:s25], [sflag:$0x6], $0x80, s1, s16, $0xb8;
	[tilespmem:$0x1DB00] =	vst v63  }
0x51: {  	_ = 	snop  }
0x52: {  	[spmem:s3] =	stream.indirect.scatter.add.f32 [tilespmem:s21], [sflag:$0x6], $0x1, s1, s16, $0xb8;
	[tilespmem:$0x1DB00] =	vst v63  }
0x53: {  	_ =	swait.ge [sflag:s0], $0x2800  }
0x54: {  	[sflag:s0] =	ssyncset.done $0x0  }
0x55: {  	[sflag:s0] =	ssyncadd.s32 $0xFFFFD800  }
0x56: {  	_ =	swait.ge [sflag:s0], $0x50  }
0x57: {  	[sflag:s0] =	ssyncset.done $0x0  }
0x58: {  	s23 =	simm.s32 $0x200;
	[sflag:s0] =	ssyncadd.s32 $0xFFFFFFB0  }
0x59: {  	[tilespmem:s19], [sflag:$0x2] =	stream.indirect.gather [hbm4b:s5+s16], $0x80, s23, s16, $0xb8;
	[tilespmem:$0x1DB00] =	vst v63  }
0x5a: {  	_ =	swait.ge [sflag:s20], $0x2800  }
0x5b: {  	[sflag:s20] =	ssyncset.done $0x0  }
0x5c: {  	s30 =	simm.s32 $0x1180;
	[sflag:s20] =	ssyncadd.s32 $0xFFFFD800  }
0x5d: {  	[spmem:s2] =	stream.indirect.scatter.add.f32 [tilespmem:s17], [sflag:$0x4], $0x80, s30, s16, $0xb8;
	[tilespmem:$0x1DB00] =	vst v63  }
0x5e: {  	_ = 	snop  }
0x5f: {  	[spmem:s3] =	stream.indirect.scatter.add.f32 [tilespmem:s21], [sflag:$0x4], $0x1, s30, s16, $0xb8;
	[tilespmem:$0x1DB00] =	vst v63  }
0x60: {  	_ =	swait.ge [sflag:s8], $0x2800  }
0x61: {  	[sflag:s8] =	ssyncset.done $0x0  }
0x62: {  	[sflag:s8] =	ssyncadd.s32 $0xFFFFD800  }
0x63: {  	_ =	swait.ge [sflag:s8], $0x50  }
0x64: {  	[sflag:s8] =	ssyncset.done $0x0  }
0x65: {  	s23 =	simm.s32 $0x280;
	[sflag:s8] =	ssyncadd.s32 $0xFFFFFFB0  }
0x66: {  	[tilespmem:s25], [sflag:$0x3] =	stream.indirect.gather [hbm4b:s5+s16], $0x80, s23, s16, $0xb8;
	[tilespmem:$0x1DB00] =	vst v63  }
0x67: {  	_ =	swait.ge [sflag:s26], $0x2800  }
0x68: {  	[sflag:s26] =	ssyncset.done $0x0  }
0x69: {  	s30 =	simm.s32 $0x1200;
	[sflag:s26] =	ssyncadd.s32 $0xFFFFD800  }
0x6a: {  	[spmem:s2] =	stream.indirect.scatter.add.f32 [tilespmem:s19], [sflag:$0x5], $0x80, s30, s16, $0xb8;
	[tilespmem:$0x1DB00] =	vst v63  }
0x6b: {  	_ = 	snop  }
0x6c: {  	[spmem:s3] =	stream.indirect.scatter.add.f32 [tilespmem:s21], [sflag:$0x5], $0x1, s30, s16, $0xb8;
	[tilespmem:$0x1DB00] =	vst v63  }
0x6d: {  	_ =	swait.ge [sflag:s29], $0x2800  }
0x6e: {  	[sflag:s29] =	ssyncset.done $0x0  }
0x6f: {  	[sflag:s29] =	ssyncadd.s32 $0xFFFFD800  }
0x70: {  	_ =	swait.ge [sflag:s29], $0x50  }
0x71: {  	[sflag:s29] =	ssyncset.done $0x0  }
0x72: {  	s23 =	simm.s32 $0x300;
	[sflag:s29] =	ssyncadd.s32 $0xFFFFFFB0  }
0x73: {  	[tilespmem:s17], [sflag:$0x1] =	stream.indirect.gather [hbm4b:s5+s16], $0x80, s23, s16, $0xb8;
	[tilespmem:$0x1DB00] =	vst v63  }
0x74: {  	_ =	swait.ge [sflag:s31], $0x2800  }
0x75: {  	[sflag:s31] =	ssyncset.done $0x0  }
0x76: {  	s30 =	simm.s32 $0x1280;
	[sflag:s31] =	ssyncadd.s32 $0xFFFFD800  }
0x77: {  	[spmem:s2] =	stream.indirect.scatter.add.f32 [tilespmem:s25], [sflag:$0x6], $0x80, s30, s16, $0xb8;
	[tilespmem:$0x1DB00] =	vst v63  }
0x78: {  	_ = 	snop  }
0x79: {  	[spmem:s3] =	stream.indirect.scatter.add.f32 [tilespmem:s21], [sflag:$0x6], $0x1, s30, s16, $0xb8;
	[tilespmem:$0x1DB00] =	vst v63  }
0x7a: {  	_ =	swait.ge [sflag:s0], $0x2800  }
0x7b: {  	[sflag:s0] =	ssyncset.done $0x0  }
0x7c: {  	[sflag:s0] =	ssyncadd.s32 $0xFFFFD800  }
0x7d: {  	_ =	swait.ge [sflag:s0], $0x50  }
0x7e: {  	[sflag:s0] =	ssyncset.done $0x0  }
0x7f: {  	s18 =	simm.s32 $0x600;
	s23 =	simm.s32 $0x380;
	[sflag:s0] =	ssyncadd.s32 $0xFFFFFFB0  }
.LBB2_3:
0x80: {  	[tilespmem:s19], [sflag:$0x2] =	stream.indirect.gather [hbm4b:s5+s16], $0x80, s23, s16, $0xb8;
	[tilespmem:$0x1DB00] =	vst v63  }
0x81: {  	s23 =	smov.u32 s18  }
0x82: {  	p0 =	sne.s32 s18, $0x1E00;
	s18 =	sadd.s32 $0x600, s18;
	_ =	swait.ge [sflag:s20], $0x2800  }
0x83: {  	s23 =	sshra.s32 s23, $0x2;
	[sflag:s20] =	ssyncset.done $0x0  }
0x84: {  	s30 =	sadd.s32 $0x1180, s23;
	[sflag:s20] =	ssyncadd.s32 $0xFFFFD800  }
0x85: {  	[spmem:s2] =	stream.indirect.scatter.add.f32 [tilespmem:s17], [sflag:$0x4], $0x80, s30, s16, $0xb8;
	[tilespmem:$0x1DB00] =	vst v63  }
0x86: {  	_ = 	snop  }
0x87: {  	[spmem:s3] =	stream.indirect.scatter.add.f32 [tilespmem:s21], [sflag:$0x4], $0x1, s30, s16, $0xb8;
	[tilespmem:$0x1DB00] =	vst v63  }
0x88: {  	_ =	swait.ge [sflag:s8], $0x2800  }
0x89: {  	[sflag:s8] =	ssyncset.done $0x0  }
0x8a: {  	[sflag:s8] =	ssyncadd.s32 $0xFFFFD800  }
0x8b: {  	_ =	swait.ge [sflag:s8], $0x50  }
0x8c: {  	[sflag:s8] =	ssyncset.done $0x0  }
0x8d: {  	s30 =	sadd.s32 $0x280, s23;
	[sflag:s8] =	ssyncadd.s32 $0xFFFFFFB0  }
0x8e: {  	[tilespmem:s25], [sflag:$0x3] =	stream.indirect.gather [hbm4b:s5+s16], $0x80, s30, s16, $0xb8;
	[tilespmem:$0x1DB00] =	vst v63  }
0x8f: {  	_ =	swait.ge [sflag:s26], $0x2800  }
0x90: {  	[sflag:s26] =	ssyncset.done $0x0  }
0x91: {  	s30 =	sadd.s32 $0x1200, s23;
	[sflag:s26] =	ssyncadd.s32 $0xFFFFD800  }
0x92: {  	[spmem:s2] =	stream.indirect.scatter.add.f32 [tilespmem:s19], [sflag:$0x5], $0x80, s30, s16, $0xb8;
	[tilespmem:$0x1DB00] =	vst v63  }
0x93: {  	_ = 	snop  }
0x94: {  	[spmem:s3] =	stream.indirect.scatter.add.f32 [tilespmem:s21], [sflag:$0x5], $0x1, s30, s16, $0xb8;
	[tilespmem:$0x1DB00] =	vst v63  }
0x95: {  	_ =	swait.ge [sflag:s29], $0x2800  }
0x96: {  	[sflag:s29] =	ssyncset.done $0x0  }
0x97: {  	[sflag:s29] =	ssyncadd.s32 $0xFFFFD800  }
0x98: {  	_ =	swait.ge [sflag:s29], $0x50  }
0x99: {  	[sflag:s29] =	ssyncset.done $0x0  }
0x9a: {  	s30 =	sadd.s32 $0x300, s23;
	[sflag:s29] =	ssyncadd.s32 $0xFFFFFFB0  }
0x9b: {  	[tilespmem:s17], [sflag:$0x1] =	stream.indirect.gather [hbm4b:s5+s16], $0x80, s30, s16, $0xb8;
	[tilespmem:$0x1DB00] =	vst v63  }
0x9c: {  	_ =	swait.ge [sflag:s31], $0x2800  }
0x9d: {  	[sflag:s31] =	ssyncset.done $0x0  }
0x9e: {  	s30 =	sadd.s32 $0x1280, s23;
	[sflag:s31] =	ssyncadd.s32 $0xFFFFD800  }
0x9f: {  	[spmem:s2] =	stream.indirect.scatter.add.f32 [tilespmem:s25], [sflag:$0x6], $0x80, s30, s16, $0xb8;
	[tilespmem:$0x1DB00] =	vst v63  }
0xa0: {  	_ = 	snop  }
0xa1: {  	[spmem:s3] =	stream.indirect.scatter.add.f32 [tilespmem:s21], [sflag:$0x6], $0x1, s30, s16, $0xb8;
	[tilespmem:$0x1DB00] =	vst v63  }
0xa2: {  	_ =	swait.ge [sflag:s0], $0x2800  }
.Ltmp0:
0xa3: {  	[sflag:s0] =	ssyncset.done $0x0;
	(pc) =	sbr.rel @p0 .LBB2_3-.Ltmp0, $4  }
0xa4: {  	[sflag:s0] =	ssyncadd.s32 $0xFFFFD800  }
0xa5: {  	_ =	swait.ge [sflag:s0], $0x50  }
0xa6: {  	[sflag:s0] =	ssyncset.done $0x0  }
0xa7: {  	s23 =	sadd.s32 $0x380, s23;
	[sflag:s0] =	ssyncadd.s32 $0xFFFFFFB0  }
0xa8: {  	[tilespmem:s19], [sflag:$0x2] =	stream.indirect.gather [hbm4b:s5+s16], $0x80, s23, s16, $0xb8;
	[tilespmem:$0x1DB00] =	vst v63  }
0xa9: {  	_ =	swait.ge [sflag:s20], $0x2800  }
0xaa: {  	[sflag:s20] =	ssyncset.done $0x0  }
0xab: {  	[sflag:s20] =	ssyncadd.s32 $0xFFFFD800  }
0xac: {  	[spmem:s2] =	stream.indirect.scatter.add.f32 [tilespmem:s17], [sflag:$0x4], $0x80, s11, s16, $0xb8;
	[tilespmem:$0x1DB00] =	vst v63  }
0xad: {  	_ = 	snop  }
0xae: {  	[spmem:s3] =	stream.indirect.scatter.add.f32 [tilespmem:s21], [sflag:$0x4], $0x1, s11, s16, $0xb8;
	[tilespmem:$0x1DB00] =	vst v63  }
0xaf: {  	_ =	swait.ge [sflag:s8], $0x2800  }
0xb0: {  	[sflag:s8] =	ssyncset.done $0x0  }
0xb1: {  	[sflag:s8] =	ssyncadd.s32 $0xFFFFD800  }
0xb2: {  	_ =	swait.ge [sflag:s8], $0x50  }
0xb3: {  	[sflag:s8] =	ssyncset.done $0x0  }
0xb4: {  	[sflag:s8] =	ssyncadd.s32 $0xFFFFFFB0  }
0xb5: {  	[tilespmem:s25], [sflag:$0x3] =	stream.indirect.gather [hbm4b:s5+s16], $0x80, s22, s16, $0xb8;
	[tilespmem:$0x1DB00] =	vst v63  }
0xb6: {  	_ =	swait.ge [sflag:s26], $0x2800  }
0xb7: {  	[sflag:s26] =	ssyncset.done $0x0  }
0xb8: {  	[sflag:s26] =	ssyncadd.s32 $0xFFFFD800  }
0xb9: {  	[spmem:s2] =	stream.indirect.scatter.add.f32 [tilespmem:s19], [sflag:$0x5], $0x80, s24, s16, $0xb8;
	[tilespmem:$0x1DB00] =	vst v63  }
0xba: {  	_ = 	snop  }
0xbb: {  	[spmem:s3] =	stream.indirect.scatter.add.f32 [tilespmem:s21], [sflag:$0x5], $0x1, s24, s16, $0xb8;
	[tilespmem:$0x1DB00] =	vst v63  }
0xbc: {  	_ =	swait.ge [sflag:s29], $0x2800  }
0xbd: {  	[sflag:s29] =	ssyncset.done $0x0  }
0xbe: {  	[sflag:s29] =	ssyncadd.s32 $0xFFFFD800  }
0xbf: {  	_ =	swait.ge [sflag:s29], $0x50  }
0xc0: {  	[sflag:s29] =	ssyncset.done $0x0  }
0xc1: {  	[sflag:s29] =	ssyncadd.s32 $0xFFFFFFB0  }
0xc2: {  	[tilespmem:s17], [sflag:$0x1] =	stream.indirect.gather [hbm4b:s5+s16], $0x80, s12, s16, $0xb8;
	[tilespmem:$0x1DB00] =	vst v63  }
0xc3: {  	_ =	swait.ge [sflag:s31], $0x2800  }
0xc4: {  	[sflag:s31] =	ssyncset.done $0x0  }
0xc5: {  	[sflag:s31] =	ssyncadd.s32 $0xFFFFD800  }
0xc6: {  	[spmem:s2] =	stream.indirect.scatter.add.f32 [tilespmem:s25], [sflag:$0x6], $0x80, s14, s16, $0xb8;
	[tilespmem:$0x1DB00] =	vst v63  }
0xc7: {  	_ = 	snop  }
0xc8: {  	[spmem:s3] =	stream.indirect.scatter.add.f32 [tilespmem:s21], [sflag:$0x6], $0x1, s14, s16, $0xb8;
	[tilespmem:$0x1DB00] =	vst v63  }
0xc9: {  	_ =	swait.ge [sflag:s0], $0x2800  }
0xca: {  	[sflag:s0] =	ssyncset.done $0x0  }
0xcb: {  	[sflag:s0] =	ssyncadd.s32 $0xFFFFD800  }
0xcc: {  	_ =	swait.ge [sflag:s0], $0x50  }
0xcd: {  	[sflag:s0] =	ssyncset.done $0x0  }
0xce: {  	[sflag:s0] =	ssyncadd.s32 $0xFFFFFFB0  }
0xcf: {  	_ =	swait.ge [sflag:s20], $0x2800  }
0xd0: {  	[sflag:s20] =	ssyncset.done $0x0  }
0xd1: {  	[sflag:s20] =	ssyncadd.s32 $0xFFFFD800  }
0xd2: {  	[spmem:s2] =	stream.indirect.scatter.add.f32 [tilespmem:s17], [sflag:$0x4], $0x80, s7, s16, $0xb8;
	[tilespmem:$0x1DB00] =	vst v63  }
0xd3: {  	_ = 	snop  }
0xd4: {  	[spmem:s3] =	stream.indirect.scatter.add.f32 [tilespmem:s21], [sflag:$0x4], $0x1, s7, s16, $0xb8;
	[tilespmem:$0x1DB00] =	vst v63  }
0xd5: {  	_ =	swait.ge [sflag:s8], $0x2800  }
0xd6: {  	[sflag:s8] =	ssyncset.done $0x0  }
0xd7: {  	[sflag:s8] =	ssyncadd.s32 $0xFFFFD800  }
0xd8: {  	_ =	swait.ge [sflag:s8], $0x50  }
0xd9: {  	[sflag:s8] =	ssyncset.done $0x0  }
0xda: {  	s4 =	sadd.s32 $0x1, s4;
	[sflag:s8] =	ssyncadd.s32 $0xFFFFFFB0  }
0xdb: {  	p0 =	sne.s32 s4, $0x5;
	_ =	swait.ge [sflag:s29], $0x2800  }
.Ltmp1:
0xdc: {  	[sflag:s29] =	ssyncset.done $0x0;
	(pc) =	sbr.rel @p0 .LBB2_2-.Ltmp1, $4  }
0xdd: {  	[sflag:s29] =	ssyncadd.s32 $0xFFFFD800  }
0xde: {  	_ =	swait.ge [sflag:s29], $0x50  }
0xdf: {  	[sflag:s29] =	ssyncset.done $0x0  }
0xe0: {  	[sflag:s29] =	ssyncadd.s32 $0xFFFFFFB0  }
0xe1: {  	[bflag:$0x0] =	sbarrier.arrive $0xFFFF  }
0xe2: {  	s23 =	rddreg [dreg:$0x7]  }
0xe3: {  	s30 =	rddreg [dreg:$0xa]  }
0xe4: {  	s4 =	rddreg [dreg:$0xc]  }
0xe5: {  	[hbm:s4], [sflag:s23] =	dma.local [spmem:s30], $0x2800  }
0xe6: {  	_ =	swait.ge [sflag:s13], $0x2800  }
0xe7: {  	s18 =	simm.s32 $0x20;
	[sflag:s13] =	ssyncset.done $0x0;
	s6 =	rddreg [dreg:$0xb]  }
0xe8: {  	s22 =	simm.s32 $0x10;
	s4 =	rddreg [dreg:$0xd];
	[sflag:s13] =	ssyncadd.s32 $0xFFFFD800  }
0xe9: {  	[hbm:s4@s18], [sflag:s23] =	dma.strided [spmem:s6@s22], $0x50, s20, $0x10   }
0xea: {  	_ =	swait.ge [sflag:s13], $0x50  }
0xeb: {  	s4 =	rddreg [dreg:$0x5]  }
0xec: {  	s18 =	sadd.s32 $0x1, s4;
	s4 =	rddreg [dreg:$0x9]  }
0xed: {  	p0 =	sne.s32 s18, s4  }
.Ltmp2:
0xee: {  	_ = 	snop;
	(pc) =	sbr.rel @p0 .LBB2_1-.Ltmp2, $3  }
0xef: {  	_ =	sdelay $0x1  }
0xf0: {  	[sflag:s13] =	ssyncset.done $0x0  }
0xf1: {  	s22 =	simm.s32 $0xB80;
	[sflag:s13] =	ssyncadd.s32 $0xFFFFFFB0  }
0xf2: {  	_ =	sfence.sel $0x180000  }
0xf3: {  	[bflag:$0x0] =	sbarrier.arrive $0xFFFF  }
0xf4: {  	_ =	strace $0x90000047  }
0xf5: {  	s0 =	stileid.u32;
	[bflag:$0x2] =	sbarrier.arrive $0xFFFF  }
0xf6: {  	p0 =	sne.s32 s0, $0x0;
	s0 =	rddreg [dreg:$0x4]  }
0xf7: {  	s0 =	sadd.s32 @!p0 $0x100000, s0  }
0xf8: {  	[sflag:s0] =	ssyncadd.tile.s32 @!p0 $0x1;
	_ =	shalt  }
.Lfunc_end2:
_tile_overlayer_lowered:
.L_overlay_start_2:
0xf9: {  	(tag) =	ssettag $0x2  }
0xfa: {  	s0 =	rddreg [dreg:$0x0];
	s2 =	stileid.u32  }
0xfb: {  	s1 =	rddreg [dreg:$0x1];
	p0 =	sne.s32 s2, $0x0  }
0xfc: {  	s3 =	rddreg [dreg:$0x2];
	[bflag:$0x3] =	sbarrier.arrive $0xFFFF;
	s2 =	simm.s32 @!p0 $0x1C07  }
0xfd: {  	[timem:s3], [sflag:s2] =	dma.local @!p0 [hbm:s0], s1  }
0xfe: {  	s0 =	simm.s32 @!p0 $0x7  }
0xff: {  	_ =	swait.ge @!p0 [sflag:s0], s1  }
0x100: {  	s1 =	ssub.s32 @!p0 $0x0, s1;
	[sflag:s0] =	ssyncset.done @!p0 $0x0  }
0x101: {  	[sflag:s0] =	ssyncadd.s32 @!p0 s1  }
0x102: {  	[bflag:$0x3] =	sbarrier.arrive $0xFFFF  }
0x103: {  	_ =	shalt  }

</sc_bundles>
